<compile_context>
chip_gen: v7x
topology: tpu7x:2x2x1
jax: 0.10.2.dev20260603
libtpu: 0.0.44.dev20260713+nightly
codegen_flags: <defaults>
</compile_context>

<pallas_src>
import functools

import jax
import jax.numpy as jnp
from jax import lax
from jax.experimental import pallas as pl
from jax.experimental.pallas import tpu as pltpu
from jax.experimental.pallas import tpu_sc as plsc

N = 10000
D = 128
E = 320000
LAT = 64
NC = 2
NS = 16
NW = NC * NS
EPW = E // NW
K = 80
CH = EPW // K
GR = 5
CHG = CH // GR
NP = 10240
RPT = NP // NS
DP = 10240
DW = 16
DS = DP // NS

_mesh = plsc.VectorSubcoreMesh(core_axis_name="c", subcore_axis_name="s")


def _deg_body(dst_hbm, out_hbm, dst_v, zbuf_v, ones_v, acc_sh):
    c = lax.axis_index("c")
    s = lax.axis_index("s")
    wid = s * NC + c
    zero16 = jnp.zeros((DW,), jnp.float32)
    one16 = jnp.ones((DW,), jnp.float32)
    for r in range(K):
        zbuf_v[r] = zero16
        ones_v[r] = one16
    for i in range(DS // K):
        pltpu.sync_copy(zbuf_v, acc_sh.at[pl.ds(s * DS + i * K, K)])
    pltpu.sync_copy(dst_hbm.at[wid], dst_v)
    plsc.subcore_barrier()

    @pl.loop(0, CH)
    def _(j):
        pltpu.sync_copy(ones_v, acc_sh.at[dst_v.at[j]], add=True)

    plsc.subcore_barrier()
    pltpu.sync_copy(acc_sh.at[pl.ds(s * DS, DS)], out_hbm.at[c, pl.ds(s * DS, DS)])


_deg_call = functools.partial(
    pl.kernel,
    out_type=jax.ShapeDtypeStruct((NC, DP, DW), jnp.float32),
    mesh=_mesh,
    scratch_types=[
        pltpu.VMEM((CH, K), jnp.int32),
        pltpu.VMEM((K, DW), jnp.float32),
        pltpu.VMEM((K, DW), jnp.float32),
        pltpu.VMEM_SHARED((DP, DW), jnp.float32),
    ],
)(_deg_body)


def _rows_body(hp_hbm, src_hbm, dst_hbm, out_hbm, srcA_v, dstA_v, srcB_v, dstB_v,
               rows0_v, rows1_v, acc_sh, sem0, sem1, semi):
    c = lax.axis_index("c")
    s = lax.axis_index("s")
    wid = s * NC + c
    @pl.when(s < NS - 1)
    def _init_full():
        pltpu.sync_copy(hp_hbm.at[pl.ds(s * RPT, RPT)], acc_sh.at[pl.ds(s * RPT, RPT)])

    @pl.when(s == NS - 1)
    def _init_tail():
        pltpu.sync_copy(hp_hbm.at[pl.ds((NS - 1) * RPT, N - (NS - 1) * RPT)],
                        acc_sh.at[pl.ds((NS - 1) * RPT, N - (NS - 1) * RPT)])
    plsc.subcore_barrier()

    idx_bufs = [(srcA_v, dstA_v), (srcB_v, dstB_v)]
    pltpu.async_copy(src_hbm.at[wid, 0], srcA_v, semi)
    pltpu.async_copy(dst_hbm.at[wid, 0], dstA_v, semi)
    for g in range(GR):
        src_v, dst_v = idx_bufs[g % 2]
        pltpu.make_async_copy(src_hbm.at[wid, g], src_v, semi).wait()
        pltpu.make_async_copy(dst_hbm.at[wid, g], dst_v, semi).wait()
        if g + 1 < GR:
            nsrc_v, ndst_v = idx_bufs[(g + 1) % 2]
            pltpu.async_copy(src_hbm.at[wid, g + 1], nsrc_v, semi)
            pltpu.async_copy(dst_hbm.at[wid, g + 1], ndst_v, semi)
        pltpu.async_copy(hp_hbm.at[src_v.at[0]], rows0_v, sem0)

        @pl.loop(0, CHG, step=2)
        def _(j):
            @pl.when(j + 1 < CHG)
            def _g1():
                pltpu.async_copy(hp_hbm.at[src_v.at[j + 1]], rows1_v, sem1)

            pltpu.make_async_copy(hp_hbm.at[src_v.at[j]], rows0_v, sem0).wait()
            pltpu.sync_copy(rows0_v, acc_sh.at[dst_v.at[j]], add=True)

            @pl.when(j + 2 < CHG)
            def _g0():
                pltpu.async_copy(hp_hbm.at[src_v.at[j + 2]], rows0_v, sem0)

            @pl.when(j + 1 < CHG)
            def _s1():
                pltpu.make_async_copy(hp_hbm.at[src_v.at[j + 1]], rows1_v, sem1).wait()
                pltpu.sync_copy(rows1_v, acc_sh.at[dst_v.at[j + 1]], add=True)

    plsc.subcore_barrier()
    pltpu.sync_copy(acc_sh.at[pl.ds(s * RPT, RPT)], out_hbm.at[c, pl.ds(s * RPT, RPT)])


_rows_call = functools.partial(
    pl.kernel,
    out_type=jax.ShapeDtypeStruct((NC, NP, D), jnp.float32),
    mesh=_mesh,
    scratch_types=[
        pltpu.VMEM((CHG, K), jnp.int32),
        pltpu.VMEM((CHG, K), jnp.int32),
        pltpu.VMEM((CHG, K), jnp.int32),
        pltpu.VMEM((CHG, K), jnp.int32),
        pltpu.VMEM((K, D), jnp.float32),
        pltpu.VMEM((K, D), jnp.float32),
        pltpu.VMEM_SHARED((NP, D), jnp.float32),
        pltpu.SemaphoreType.DMA,
        pltpu.SemaphoreType.DMA,
        pltpu.SemaphoreType.DMA,
    ],
)(_rows_body)


BLK = 2000
GRID = N // BLK


def _tcz_body(x_ref, w1_ref, z_ref):
    z_ref[...] = jnp.dot(x_ref[...], w1_ref[...], preferred_element_type=jnp.float32)


def _tcz(x, W1):
    return pl.pallas_call(
        _tcz_body,
        grid=(GRID,),
        in_specs=[
            pl.BlockSpec((BLK, D), lambda i: (i, 0)),
            pl.BlockSpec((D, D), lambda i: (0, 0)),
        ],
        out_specs=pl.BlockSpec((BLK, D), lambda i: (i, 0)),
        out_shape=jax.ShapeDtypeStruct((N, D), jnp.float32),
    )(x, W1)


def _tc1_body(z_ref, w1_ref, degp_ref, hp_ref, dinv_ref):
    deg = degp_ref[0, :, 0:1] + degp_ref[1, :, 0:1] + 1.0
    dinv = lax.rsqrt(deg)
    z = jnp.dot(z_ref[...], w1_ref[...], preferred_element_type=jnp.float32)
    hp_ref[...] = z * dinv
    dinv_ref[...] = dinv


def _tc1(x, W1, degp):
    return pl.pallas_call(
        _tc1_body,
        grid=(GRID,),
        in_specs=[
            pl.BlockSpec((BLK, D), lambda i: (i, 0)),
            pl.BlockSpec((D, D), lambda i: (0, 0)),
            pl.BlockSpec((NC, BLK, DW), lambda i: (0, i, 0)),
        ],
        out_specs=[
            pl.BlockSpec((BLK, D), lambda i: (i, 0)),
            pl.BlockSpec((BLK, 1), lambda i: (i, 0)),
        ],
        out_shape=[
            jax.ShapeDtypeStruct((N, D), jnp.float32),
            jax.ShapeDtypeStruct((N, 1), jnp.float32),
        ],
    )(x, W1, degp)


def _tc2_body(s_ref, hp1_ref, dinv_ref, b1_ref, w2_ref, hp2_ref):
    dinv = dinv_ref[...]
    agg = (s_ref[0] + s_ref[1] - hp1_ref[...]) * dinv + b1_ref[...]
    h1 = jnp.maximum(agg, 0.0)
    z2 = jnp.dot(h1, w2_ref[...], preferred_element_type=jnp.float32)
    hp2_ref[...] = z2 * dinv


def _tc2(S1, hp1, dinv, b1, W2):
    return pl.pallas_call(
        _tc2_body,
        grid=(GRID,),
        in_specs=[
            pl.BlockSpec((NC, BLK, D), lambda i: (0, i, 0)),
            pl.BlockSpec((BLK, D), lambda i: (i, 0)),
            pl.BlockSpec((BLK, 1), lambda i: (i, 0)),
            pl.BlockSpec((1, D), lambda i: (0, 0)),
            pl.BlockSpec((D, D), lambda i: (0, 0)),
        ],
        out_specs=pl.BlockSpec((BLK, D), lambda i: (i, 0)),
        out_shape=jax.ShapeDtypeStruct((N, D), jnp.float32),
    )(S1, hp1, dinv, b1, W2)


def _tc3_body(s_ref, hp2_ref, dinv_ref, b2_ref, wmu_ref, bmu_ref, wlv_ref,
              blv_ref, mu_ref, lv_ref, gacc):
    i = pl.program_id(0)

    @pl.when(i == 0)
    def _init():
        gacc[...] = jnp.zeros_like(gacc)

    dinv = dinv_ref[...]
    agg = (s_ref[0] + s_ref[1] - hp2_ref[...]) * dinv + b2_ref[...]
    h2 = jnp.maximum(agg, 0.0)
    gacc[...] += jnp.sum(h2, axis=0, keepdims=True)

    @pl.when(i == pl.num_programs(0) - 1)
    def _fin():
        g = gacc[...] * (1.0 / N)
        mu_ref[...] = jnp.dot(g, wmu_ref[...], preferred_element_type=jnp.float32) + bmu_ref[...]
        lv_ref[...] = jnp.dot(g, wlv_ref[...], preferred_element_type=jnp.float32) + blv_ref[...]


def _tc3(S2, hp2, dinv, b2, Wmu, bmu, Wlv, blv):
    return pl.pallas_call(
        _tc3_body,
        grid=(GRID,),
        in_specs=[
            pl.BlockSpec((NC, BLK, D), lambda i: (0, i, 0)),
            pl.BlockSpec((BLK, D), lambda i: (i, 0)),
            pl.BlockSpec((BLK, 1), lambda i: (i, 0)),
            pl.BlockSpec((1, D), lambda i: (0, 0)),
            pl.BlockSpec((D, LAT), lambda i: (0, 0)),
            pl.BlockSpec((1, LAT), lambda i: (0, 0)),
            pl.BlockSpec((D, LAT), lambda i: (0, 0)),
            pl.BlockSpec((1, LAT), lambda i: (0, 0)),
        ],
        out_specs=[
            pl.BlockSpec((1, LAT), lambda i: (0, 0)),
            pl.BlockSpec((1, LAT), lambda i: (0, 0)),
        ],
        out_shape=[
            jax.ShapeDtypeStruct((1, LAT), jnp.float32),
            jax.ShapeDtypeStruct((1, LAT), jnp.float32),
        ],
        scratch_shapes=[pltpu.VMEM((1, D), jnp.float32)],
    )(S2, hp2, dinv, b2, Wmu, bmu, Wlv, blv)


def kernel(x, edge_index, W1, b1, W2, b2, Wmu, bmu, Wlv, blv):
    ei = edge_index.astype(jnp.int32)
    src3 = ei[0].reshape(NW, CH, K)
    dst3 = ei[1].reshape(NW, CH, K)
    src4 = ei[0].reshape(NW, GR, CHG, K)
    dst4 = ei[1].reshape(NW, GR, CHG, K)

    degp = _deg_call(dst3)[:, :N]
    hp1, dinv = _tc1(x, W1, degp)
    S1 = _rows_call(hp1, src4, dst4)
    hp2 = _tc2(S1, hp1, dinv, b1.reshape(1, D), W2)
    S2 = _rows_call(hp2, src4, dst4)
    mu, lv = _tc3(S2, hp2, dinv, b2.reshape(1, D), Wmu,
                  bmu.reshape(1, LAT), Wlv, blv.reshape(1, LAT))
    return mu.reshape(LAT), lv.reshape(LAT)

# --- scband reference (transcript-rebuilt; emitter-appended) ---
"""Pipeline reference for scband-graph-encoder-67826123538492 (READ-ONLY COPY).

The authoritative reference and input builder live on the scoring server;
editing this copy changes nothing except your own understanding.
"""

import jax, jax.numpy as jnp
import numpy as np

N_NODES = 10000
N_EDGES = 320000
IN_CH = 128
HID = 128
LAT = 64


def gcn_conv(x, edge_index, W, b):
    num_nodes = x.shape[0]
    h = x @ W
    src = edge_index[0]
    dst = edge_index[1]
    # add self-loops (torch_geometric GCNConv default)
    loop = jnp.arange(num_nodes, dtype=src.dtype)
    src = jnp.concatenate([src, loop])
    dst = jnp.concatenate([dst, loop])
    # symmetric normalization D^{-1/2} (A+I) D^{-1/2}
    deg = jnp.zeros((num_nodes,), dtype=h.dtype).at[dst].add(1.0)
    dinv = jnp.where(deg > 0, jax.lax.rsqrt(deg), 0.0)
    norm = dinv[src] * dinv[dst]
    msg = h[src] * norm[:, None]
    out = jnp.zeros((num_nodes, h.shape[1]), dtype=h.dtype).at[dst].add(msg)
    return out + b


def setup_inputs(seed: int = 0) -> dict:
    key = jax.random.key(seed)
    ks = jax.random.split(key, 10)
    x = jax.random.normal(ks[0], (N_NODES, IN_CH), dtype=jnp.float32)
    edge_index = jax.random.randint(ks[1], (2, N_EDGES), 0, N_NODES, dtype=jnp.int64 if jax.config.jax_enable_x64 else jnp.int32)
    s1 = 1.0 / np.sqrt(IN_CH)
    s2 = 1.0 / np.sqrt(HID)
    W1 = jax.random.uniform(ks[2], (IN_CH, HID), jnp.float32, -s1, s1)
    b1 = jnp.zeros((HID,), jnp.float32)
    W2 = jax.random.uniform(ks[3], (HID, HID), jnp.float32, -s2, s2)
    b2 = jnp.zeros((HID,), jnp.float32)
    Wmu = jax.random.uniform(ks[4], (HID, LAT), jnp.float32, -s2, s2)
    bmu = jax.random.uniform(ks[5], (LAT,), jnp.float32, -s2, s2)
    Wlv = jax.random.uniform(ks[6], (HID, LAT), jnp.float32, -s2, s2)
    blv = jax.random.uniform(ks[7], (LAT,), jnp.float32, -s2, s2)
    return {"x": x, "edge_index": edge_index, "W1": W1, "b1": b1, "W2": W2, "b2": b2, "Wmu": Wmu, "bmu": bmu, "Wlv": Wlv, "blv": blv}


def reference(x, edge_index, W1, b1, W2, b2, Wmu, bmu, Wlv, blv):
    h = jax.nn.relu(gcn_conv(x, edge_index, W1, b1))
    h = jax.nn.relu(gcn_conv(h, edge_index, W2, b2))
    g = h.mean(axis=0)
    mu = g @ Wmu + bmu
    logvar = g @ Wlv + blv
    return (mu, logvar)

if __name__ == "__main__":
    import jax
    _d = setup_inputs()
    print(jax.jit(kernel)(*tuple(_d.values())))

</pallas_src>

<mosaic_0001>
#map = affine_map<(d0, d1) -> (0, 0)>
#map1 = affine_map<(d0, d1) -> (0, 0, 0, 0)>
#map2 = affine_map<(d0, d1) -> (0, 0, 0)>
module attributes {stable_mosaic.version = 14 : i64} {
  func.func @_rows_body(%arg0: i32, %arg1: i32, %arg2: memref<10000x128xf32, #tpu.memory_space<hbm>>, %arg3: memref<32x5x25x80xi32, #tpu.memory_space<hbm>>, %arg4: memref<32x5x25x80xi32, #tpu.memory_space<hbm>>, %arg5: memref<2x10240x128xf32, #tpu.memory_space<hbm>>, %arg6: memref<25x80xi32, #tpu.memory_space<vmem>>, %arg7: memref<25x80xi32, #tpu.memory_space<vmem>>, %arg8: memref<25x80xi32, #tpu.memory_space<vmem>>, %arg9: memref<25x80xi32, #tpu.memory_space<vmem>>, %arg10: memref<80x128xf32, #tpu.memory_space<vmem>>, %arg11: memref<80x128xf32, #tpu.memory_space<vmem>>, %arg12: memref<10240x128xf32, #tpu.memory_space<vmem_shared>>, %arg13: memref<!tpu.dma_semaphore, #tpu.memory_space<semaphore_mem>>, %arg14: memref<!tpu.dma_semaphore, #tpu.memory_space<semaphore_mem>>, %arg15: memref<!tpu.dma_semaphore, #tpu.memory_space<semaphore_mem>>) attributes {dimension_semantics = [#tpu.dimension_semantics<core_parallel>, #tpu.dimension_semantics<subcore_parallel>], iteration_bounds = array<i64: 2, 16>, scalar_prefetch = 0 : i64, scratch_operands = 10 : i64, tpu.core_type = #tpu.core_type<sc_vector_subcore>, window_params = [{transform_indices = #map}, {transform_indices = #map1}, {transform_indices = #map1}, {transform_indices = #map2}]} {
    %mul3A = arith.constant 2 : i32
    %mul3A_0 = arith.muli %arg1, %mul3A : i32
    %add3A = arith.addi %mul3A_0, %arg0 : i32
    %lt3A = arith.constant 15 : i32
    %lt3A_1 = arith.cmpi slt, %arg1, %lt3A : i32
    %convert_element_type3A = arith.extui %lt3A_1 : i1 to i32
    %cond3A = arith.constant 0 : i32
    %cond3A_2 = arith.cmpi ne, %convert_element_type3A, %cond3A : i32
    scf.if %cond3A_2 {
      %mul3A_249 = arith.constant 640 : i32
      %mul3A_250 = arith.muli %arg1, %mul3A_249 : i32
      %mul3A_251 = arith.constant 640 : i32
      %mul3A_252 = arith.muli %arg1, %mul3A_251 : i32
      "tpu.region"() ({
        %run_scoped3A = tpu.sem_alloc : memref<!tpu.dma_semaphore, #tpu.memory_space<semaphore_mem>>
        %dma_start3A_253 = arith.constant 0 : i32
        %dma_start3A_254 = tpu.memref_slice %arg12[%mul3A_252, %dma_start3A_253] : memref<10240x128xf32, #tpu.memory_space<vmem_shared>> -> memref<640x128xf32, #tpu.memory_space<vmem_shared>>
        %dma_start3A_255 = arith.constant 0 : i32
        %dma_start3A_256 = tpu.memref_slice %arg2[%mul3A_250, %dma_start3A_255] : memref<10000x128xf32, #tpu.memory_space<hbm>> -> memref<640x128xf32, #tpu.memory_space<hbm>>
        tpu.enqueue_dma source(%dma_start3A_256 : memref<640x128xf32, #tpu.memory_space<hbm>>) target(%dma_start3A_254 : memref<640x128xf32, #tpu.memory_space<vmem_shared>>) target_semaphore(%run_scoped3A : memref<!tpu.dma_semaphore, #tpu.memory_space<semaphore_mem>>)
        %dma_wait3A_257 = arith.constant 0 : i32
        %dma_wait3A_258 = tpu.memref_slice %arg12[%mul3A_252, %dma_wait3A_257] : memref<10240x128xf32, #tpu.memory_space<vmem_shared>> -> memref<640x128xf32, #tpu.memory_space<vmem_shared>>
        %dma_wait3A_259 = arith.constant 0 : i32
        %dma_wait3A_260 = tpu.memref_slice %arg2[%mul3A_250, %dma_wait3A_259] : memref<10000x128xf32, #tpu.memory_space<hbm>> -> memref<640x128xf32, #tpu.memory_space<hbm>>
        tpu.wait_dma2 semaphore(%run_scoped3A : memref<!tpu.dma_semaphore, #tpu.memory_space<semaphore_mem>>) src(%dma_wait3A_260 : memref<640x128xf32, #tpu.memory_space<hbm>>) dst(%dma_wait3A_258 : memref<640x128xf32, #tpu.memory_space<vmem_shared>>)
        tpu.yield
      }) : () -> ()
    } else {
    }
    %eq3A = arith.constant 15 : i32
    %eq3A_3 = arith.cmpi eq, %arg1, %eq3A : i32
    %convert_element_type3A_4 = arith.extui %eq3A_3 : i1 to i32
    %cond3A_5 = arith.constant 0 : i32
    %cond3A_6 = arith.cmpi ne, %convert_element_type3A_4, %cond3A_5 : i32
    scf.if %cond3A_6 {
      "tpu.region"() ({
        %run_scoped3A = tpu.sem_alloc : memref<!tpu.dma_semaphore, #tpu.memory_space<semaphore_mem>>
        %dma_start3A_249 = arith.constant 9600 : i32
        %dma_start3A_250 = arith.constant 0 : i32
        %dma_start3A_251 = tpu.memref_slice %arg12[%dma_start3A_249, %dma_start3A_250] : memref<10240x128xf32, #tpu.memory_space<vmem_shared>> -> memref<400x128xf32, #tpu.memory_space<vmem_shared>>
        %dma_start3A_252 = arith.constant 9600 : i32
        %dma_start3A_253 = arith.constant 0 : i32
        %dma_start3A_254 = tpu.memref_slice %arg2[%dma_start3A_252, %dma_start3A_253] : memref<10000x128xf32, #tpu.memory_space<hbm>> -> memref<400x128xf32, #tpu.memory_space<hbm>>
        tpu.enqueue_dma source(%dma_start3A_254 : memref<400x128xf32, #tpu.memory_space<hbm>>) target(%dma_start3A_251 : memref<400x128xf32, #tpu.memory_space<vmem_shared>>) target_semaphore(%run_scoped3A : memref<!tpu.dma_semaphore, #tpu.memory_space<semaphore_mem>>)
        %dma_wait3A_255 = arith.constant 9600 : i32
        %dma_wait3A_256 = arith.constant 0 : i32
        %dma_wait3A_257 = tpu.memref_slice %arg12[%dma_wait3A_255, %dma_wait3A_256] : memref<10240x128xf32, #tpu.memory_space<vmem_shared>> -> memref<400x128xf32, #tpu.memory_space<vmem_shared>>
        %dma_wait3A_258 = arith.constant 9600 : i32
        %dma_wait3A_259 = arith.constant 0 : i32
        %dma_wait3A_260 = tpu.memref_slice %arg2[%dma_wait3A_258, %dma_wait3A_259] : memref<10000x128xf32, #tpu.memory_space<hbm>> -> memref<400x128xf32, #tpu.memory_space<hbm>>
        tpu.wait_dma2 semaphore(%run_scoped3A : memref<!tpu.dma_semaphore, #tpu.memory_space<semaphore_mem>>) src(%dma_wait3A_260 : memref<400x128xf32, #tpu.memory_space<hbm>>) dst(%dma_wait3A_257 : memref<400x128xf32, #tpu.memory_space<vmem_shared>>)
        tpu.yield
      }) : () -> ()
    } else {
    }
    %barrier3A = arith.constant 0 : index
    tpu.barrier barrier_id(%barrier3A)
    %dma_start3A = arith.constant 0 : i32
    %dma_start3A_7 = arith.constant 0 : i32
    %dma_start3A_8 = arith.constant 0 : i32
    %dma_start3A_9 = tpu.memref_slice %arg3[%add3A, %dma_start3A, %dma_start3A_7, %dma_start3A_8] : memref<32x5x25x80xi32, #tpu.memory_space<hbm>> -> memref<1x1x25x80xi32, #tpu.memory_space<hbm>>
    %dma_start3A_10 = tpu.memref_squeeze %dma_start3A_9 : memref<1x1x25x80xi32, #tpu.memory_space<hbm>> -> memref<25x80xi32, #tpu.memory_space<hbm>>
    %dma_start3A_11 = arith.constant 0 : i32
    %dma_start3A_12 = arith.constant 0 : i32
    %dma_start3A_13 = tpu.memref_slice %arg3[%add3A, %dma_start3A, %dma_start3A_11, %dma_start3A_12] : memref<32x5x25x80xi32, #tpu.memory_space<hbm>> -> memref<1x1x25x80xi32, #tpu.memory_space<hbm>>
    %dma_start3A_14 = tpu.memref_squeeze %dma_start3A_13 : memref<1x1x25x80xi32, #tpu.memory_space<hbm>> -> memref<25x80xi32, #tpu.memory_space<hbm>>
    tpu.enqueue_dma source(%dma_start3A_14 : memref<25x80xi32, #tpu.memory_space<hbm>>) target(%arg6 : memref<25x80xi32, #tpu.memory_space<vmem>>) target_semaphore(%arg15 : memref<!tpu.dma_semaphore, #tpu.memory_space<semaphore_mem>>)
    %dma_start3A_15 = arith.constant 0 : i32
    %dma_start3A_16 = arith.constant 0 : i32
    %dma_start3A_17 = arith.constant 0 : i32
    %dma_start3A_18 = tpu.memref_slice %arg4[%add3A, %dma_start3A_15, %dma_start3A_16, %dma_start3A_17] : memref<32x5x25x80xi32, #tpu.memory_space<hbm>> -> memref<1x1x25x80xi32, #tpu.memory_space<hbm>>
    %dma_start3A_19 = tpu.memref_squeeze %dma_start3A_18 : memref<1x1x25x80xi32, #tpu.memory_space<hbm>> -> memref<25x80xi32, #tpu.memory_space<hbm>>
    %dma_start3A_20 = arith.constant 0 : i32
    %dma_start3A_21 = arith.constant 0 : i32
    %dma_start3A_22 = tpu.memref_slice %arg4[%add3A, %dma_start3A_15, %dma_start3A_20, %dma_start3A_21] : memref<32x5x25x80xi32, #tpu.memory_space<hbm>> -> memref<1x1x25x80xi32, #tpu.memory_space<hbm>>
    %dma_start3A_23 = tpu.memref_squeeze %dma_start3A_22 : memref<1x1x25x80xi32, #tpu.memory_space<hbm>> -> memref<25x80xi32, #tpu.memory_space<hbm>>
    tpu.enqueue_dma source(%dma_start3A_23 : memref<25x80xi32, #tpu.memory_space<hbm>>) target(%arg7 : memref<25x80xi32, #tpu.memory_space<vmem>>) target_semaphore(%arg15 : memref<!tpu.dma_semaphore, #tpu.memory_space<semaphore_mem>>)
    %dma_wait3A = arith.constant 0 : i32
    %dma_wait3A_24 = arith.constant 0 : i32
    %dma_wait3A_25 = arith.constant 0 : i32
    %dma_wait3A_26 = tpu.memref_slice %arg3[%add3A, %dma_wait3A, %dma_wait3A_24, %dma_wait3A_25] : memref<32x5x25x80xi32, #tpu.memory_space<hbm>> -> memref<1x1x25x80xi32, #tpu.memory_space<hbm>>
    %dma_wait3A_27 = tpu.memref_squeeze %dma_wait3A_26 : memref<1x1x25x80xi32, #tpu.memory_space<hbm>> -> memref<25x80xi32, #tpu.memory_space<hbm>>
    %dma_wait3A_28 = arith.constant 0 : i32
    %dma_wait3A_29 = arith.constant 0 : i32
    %dma_wait3A_30 = tpu.memref_slice %arg3[%add3A, %dma_wait3A, %dma_wait3A_28, %dma_wait3A_29] : memref<32x5x25x80xi32, #tpu.memory_space<hbm>> -> memref<1x1x25x80xi32, #tpu.memory_space<hbm>>
    %dma_wait3A_31 = tpu.memref_squeeze %dma_wait3A_30 : memref<1x1x25x80xi32, #tpu.memory_space<hbm>> -> memref<25x80xi32, #tpu.memory_space<hbm>>
    tpu.wait_dma2 semaphore(%arg15 : memref<!tpu.dma_semaphore, #tpu.memory_space<semaphore_mem>>) src(%dma_wait3A_31 : memref<25x80xi32, #tpu.memory_space<hbm>>) dst(%arg6 : memref<25x80xi32, #tpu.memory_space<vmem>>)
    %dma_wait3A_32 = arith.constant 0 : i32
    %dma_wait3A_33 = arith.constant 0 : i32
    %dma_wait3A_34 = arith.constant 0 : i32
    %dma_wait3A_35 = tpu.memref_slice %arg4[%add3A, %dma_wait3A_32, %dma_wait3A_33, %dma_wait3A_34] : memref<32x5x25x80xi32, #tpu.memory_space<hbm>> -> memref<1x1x25x80xi32, #tpu.memory_space<hbm>>
    %dma_wait3A_36 = tpu.memref_squeeze %dma_wait3A_35 : memref<1x1x25x80xi32, #tpu.memory_space<hbm>> -> memref<25x80xi32, #tpu.memory_space<hbm>>
    %dma_wait3A_37 = arith.constant 0 : i32
    %dma_wait3A_38 = arith.constant 0 : i32
    %dma_wait3A_39 = tpu.memref_slice %arg4[%add3A, %dma_wait3A_32, %dma_wait3A_37, %dma_wait3A_38] : memref<32x5x25x80xi32, #tpu.memory_space<hbm>> -> memref<1x1x25x80xi32, #tpu.memory_space<hbm>>
    %dma_wait3A_40 = tpu.memref_squeeze %dma_wait3A_39 : memref<1x1x25x80xi32, #tpu.memory_space<hbm>> -> memref<25x80xi32, #tpu.memory_space<hbm>>
    tpu.wait_dma2 semaphore(%arg15 : memref<!tpu.dma_semaphore, #tpu.memory_space<semaphore_mem>>) src(%dma_wait3A_40 : memref<25x80xi32, #tpu.memory_space<hbm>>) dst(%arg7 : memref<25x80xi32, #tpu.memory_space<vmem>>)
    %dma_start3A_41 = arith.constant 1 : i32
    %dma_start3A_42 = arith.constant 0 : i32
    %dma_start3A_43 = arith.constant 0 : i32
    %dma_start3A_44 = tpu.memref_slice %arg3[%add3A, %dma_start3A_41, %dma_start3A_42, %dma_start3A_43] : memref<32x5x25x80xi32, #tpu.memory_space<hbm>> -> memref<1x1x25x80xi32, #tpu.memory_space<hbm>>
    %dma_start3A_45 = tpu.memref_squeeze %dma_start3A_44 : memref<1x1x25x80xi32, #tpu.memory_space<hbm>> -> memref<25x80xi32, #tpu.memory_space<hbm>>
    %dma_start3A_46 = arith.constant 0 : i32
    %dma_start3A_47 = arith.constant 0 : i32
    %dma_start3A_48 = tpu.memref_slice %arg3[%add3A, %dma_start3A_41, %dma_start3A_46, %dma_start3A_47] : memref<32x5x25x80xi32, #tpu.memory_space<hbm>> -> memref<1x1x25x80xi32, #tpu.memory_space<hbm>>
    %dma_start3A_49 = tpu.memref_squeeze %dma_start3A_48 : memref<1x1x25x80xi32, #tpu.memory_space<hbm>> -> memref<25x80xi32, #tpu.memory_space<hbm>>
    tpu.enqueue_dma source(%dma_start3A_49 : memref<25x80xi32, #tpu.memory_space<hbm>>) target(%arg8 : memref<25x80xi32, #tpu.memory_space<vmem>>) target_semaphore(%arg15 : memref<!tpu.dma_semaphore, #tpu.memory_space<semaphore_mem>>)
    %dma_start3A_50 = arith.constant 1 : i32
    %dma_start3A_51 = arith.constant 0 : i32
    %dma_start3A_52 = arith.constant 0 : i32
    %dma_start3A_53 = tpu.memref_slice %arg4[%add3A, %dma_start3A_50, %dma_start3A_51, %dma_start3A_52] : memref<32x5x25x80xi32, #tpu.memory_space<hbm>> -> memref<1x1x25x80xi32, #tpu.memory_space<hbm>>
    %dma_start3A_54 = tpu.memref_squeeze %dma_start3A_53 : memref<1x1x25x80xi32, #tpu.memory_space<hbm>> -> memref<25x80xi32, #tpu.memory_space<hbm>>
    %dma_start3A_55 = arith.constant 0 : i32
    %dma_start3A_56 = arith.constant 0 : i32
    %dma_start3A_57 = tpu.memref_slice %arg4[%add3A, %dma_start3A_50, %dma_start3A_55, %dma_start3A_56] : memref<32x5x25x80xi32, #tpu.memory_space<hbm>> -> memref<1x1x25x80xi32, #tpu.memory_space<hbm>>
    %dma_start3A_58 = tpu.memref_squeeze %dma_start3A_57 : memref<1x1x25x80xi32, #tpu.memory_space<hbm>> -> memref<25x80xi32, #tpu.memory_space<hbm>>
    tpu.enqueue_dma source(%dma_start3A_58 : memref<25x80xi32, #tpu.memory_space<hbm>>) target(%arg9 : memref<25x80xi32, #tpu.memory_space<vmem>>) target_semaphore(%arg15 : memref<!tpu.dma_semaphore, #tpu.memory_space<semaphore_mem>>)
    %dma_start3A_59 = arith.constant 0 : i32
    %dma_start3A_60 = arith.constant 0 : i32
    %dma_start3A_61 = tpu.memref_slice %arg6[%dma_start3A_59, %dma_start3A_60] : memref<25x80xi32, #tpu.memory_space<vmem>> -> memref<1x80xi32, #tpu.memory_space<vmem>>
    %dma_start3A_62 = tpu.memref_squeeze %dma_start3A_61 : memref<1x80xi32, #tpu.memory_space<vmem>> -> memref<80xi32, #tpu.memory_space<vmem>>
    %dma_start3A_63 = arith.constant 0 : i32
    %dma_start3A_64 = arith.constant 0 : i32
    %dma_start3A_65 = tpu.memref_slice %arg2[%dma_start3A_63, %dma_start3A_64] : memref<10000x128xf32, #tpu.memory_space<hbm>> -> memref<10000x128xf32, #tpu.memory_space<hbm>>
    tpu.enqueue_indirect_dma source(%dma_start3A_65 : memref<10000x128xf32, #tpu.memory_space<hbm>>) target(%arg10 : memref<80x128xf32, #tpu.memory_space<vmem>>) offsets(%dma_start3A_62 : memref<80xi32, #tpu.memory_space<vmem>>) semaphore(%arg13 : memref<!tpu.dma_semaphore, #tpu.memory_space<semaphore_mem>>)
    %scan3A = arith.constant 0 : i32
    %scan3A_66 = arith.constant 13 : i32
    %scan3A_67 = arith.addi %scan3A, %scan3A_66 : i32
    %scan3A_68 = arith.constant 1 : i32
    scf.for %scan3A_249 = %scan3A to %scan3A_67 step %scan3A_68  : i32 {
      %mul3A_250 = arith.constant 2 : i32
      %mul3A_251 = arith.muli %scan3A_249, %mul3A_250 : i32
      %add3A_252 = arith.constant 0 : i32
      %add3A_253 = arith.addi %add3A_252, %mul3A_251 : i32
      %add3A_254 = arith.constant 1 : i32
      %add3A_255 = arith.addi %add3A_253, %add3A_254 : i32
      %lt3A_256 = arith.constant 25 : i32
      %lt3A_257 = arith.cmpi slt, %add3A_255, %lt3A_256 : i32
      %convert_element_type3A_258 = arith.extui %lt3A_257 : i1 to i32
      %cond3A_259 = arith.constant 0 : i32
      %cond3A_260 = arith.cmpi ne, %convert_element_type3A_258, %cond3A_259 : i32
      scf.if %cond3A_260 {
        %add3A_281 = arith.constant 1 : i32
        %add3A_282 = arith.addi %add3A_253, %add3A_281 : i32
        %dma_start3A_283 = arith.constant 0 : i32
        %dma_start3A_284 = tpu.memref_slice %arg6[%add3A_282, %dma_start3A_283] : memref<25x80xi32, #tpu.memory_space<vmem>> -> memref<1x80xi32, #tpu.memory_space<vmem>>
        %dma_start3A_285 = tpu.memref_squeeze %dma_start3A_284 : memref<1x80xi32, #tpu.memory_space<vmem>> -> memref<80xi32, #tpu.memory_space<vmem>>
        %dma_start3A_286 = arith.constant 0 : i32
        %dma_start3A_287 = arith.constant 0 : i32
        %dma_start3A_288 = tpu.memref_slice %arg2[%dma_start3A_286, %dma_start3A_287] : memref<10000x128xf32, #tpu.memory_space<hbm>> -> memref<10000x128xf32, #tpu.memory_space<hbm>>
        tpu.enqueue_indirect_dma source(%dma_start3A_288 : memref<10000x128xf32, #tpu.memory_space<hbm>>) target(%arg11 : memref<80x128xf32, #tpu.memory_space<vmem>>) offsets(%dma_start3A_285 : memref<80xi32, #tpu.memory_space<vmem>>) semaphore(%arg14 : memref<!tpu.dma_semaphore, #tpu.memory_space<semaphore_mem>>)
      } else {
      }
      %dma_wait3A_261 = arith.constant 0 : i32
      %dma_wait3A_262 = tpu.memref_slice %arg6[%add3A_253, %dma_wait3A_261] : memref<25x80xi32, #tpu.memory_space<vmem>> -> memref<1x80xi32, #tpu.memory_space<vmem>>
      %dma_wait3A_263 = tpu.memref_squeeze %dma_wait3A_262 : memref<1x80xi32, #tpu.memory_space<vmem>> -> memref<80xi32, #tpu.memory_space<vmem>>
      %dma_wait3A_264 = arith.constant 0 : i32
      %dma_wait3A_265 = arith.constant 0 : i32
      %dma_wait3A_266 = tpu.memref_slice %arg2[%dma_wait3A_264, %dma_wait3A_265] : memref<10000x128xf32, #tpu.memory_space<hbm>> -> memref<10000x128xf32, #tpu.memory_space<hbm>>
      tpu.wait_indirect_dma semaphore(%arg13 : memref<!tpu.dma_semaphore, #tpu.memory_space<semaphore_mem>>) src(%dma_wait3A_266 : memref<10000x128xf32, #tpu.memory_space<hbm>>) dst(%arg10 : memref<80x128xf32, #tpu.memory_space<vmem>>)
      "tpu.region"() ({
        %run_scoped3A = tpu.sem_alloc : memref<!tpu.dma_semaphore, #tpu.memory_space<semaphore_mem>>
        %dma_start3A_281 = arith.constant 0 : i32
        %dma_start3A_282 = tpu.memref_slice %arg7[%add3A_253, %dma_start3A_281] : memref<25x80xi32, #tpu.memory_space<vmem>> -> memref<1x80xi32, #tpu.memory_space<vmem>>
        %dma_start3A_283 = tpu.memref_squeeze %dma_start3A_282 : memref<1x80xi32, #tpu.memory_space<vmem>> -> memref<80xi32, #tpu.memory_space<vmem>>
        %dma_start3A_284 = arith.constant 0 : i32
        %dma_start3A_285 = arith.constant 0 : i32
        %dma_start3A_286 = tpu.memref_slice %arg12[%dma_start3A_284, %dma_start3A_285] : memref<10240x128xf32, #tpu.memory_space<vmem_shared>> -> memref<10240x128xf32, #tpu.memory_space<vmem_shared>>
        tpu.enqueue_indirect_dma source(%arg10 : memref<80x128xf32, #tpu.memory_space<vmem>>) target(%dma_start3A_286 : memref<10240x128xf32, #tpu.memory_space<vmem_shared>>) offsets(%dma_start3A_283 : memref<80xi32, #tpu.memory_space<vmem>>) semaphore(%run_scoped3A : memref<!tpu.dma_semaphore, #tpu.memory_space<semaphore_mem>>) {add = true}
        %dma_wait3A_287 = arith.constant 0 : i32
        %dma_wait3A_288 = tpu.memref_slice %arg7[%add3A_253, %dma_wait3A_287] : memref<25x80xi32, #tpu.memory_space<vmem>> -> memref<1x80xi32, #tpu.memory_space<vmem>>
        %dma_wait3A_289 = tpu.memref_squeeze %dma_wait3A_288 : memref<1x80xi32, #tpu.memory_space<vmem>> -> memref<80xi32, #tpu.memory_space<vmem>>
        %dma_wait3A_290 = arith.constant 0 : i32
        %dma_wait3A_291 = arith.constant 0 : i32
        %dma_wait3A_292 = tpu.memref_slice %arg12[%dma_wait3A_290, %dma_wait3A_291] : memref<10240x128xf32, #tpu.memory_space<vmem_shared>> -> memref<10240x128xf32, #tpu.memory_space<vmem_shared>>
        tpu.wait_indirect_dma semaphore(%run_scoped3A : memref<!tpu.dma_semaphore, #tpu.memory_space<semaphore_mem>>) src(%arg10 : memref<80x128xf32, #tpu.memory_space<vmem>>) dst(%dma_wait3A_292 : memref<10240x128xf32, #tpu.memory_space<vmem_shared>>)
        tpu.yield
      }) : () -> ()
      %add3A_267 = arith.constant 2 : i32
      %add3A_268 = arith.addi %add3A_253, %add3A_267 : i32
      %lt3A_269 = arith.constant 25 : i32
      %lt3A_270 = arith.cmpi slt, %add3A_268, %lt3A_269 : i32
      %convert_element_type3A_271 = arith.extui %lt3A_270 : i1 to i32
      %cond3A_272 = arith.constant 0 : i32
      %cond3A_273 = arith.cmpi ne, %convert_element_type3A_271, %cond3A_272 : i32
      scf.if %cond3A_273 {
        %add3A_281 = arith.constant 2 : i32
        %add3A_282 = arith.addi %add3A_253, %add3A_281 : i32
        %dma_start3A_283 = arith.constant 0 : i32
        %dma_start3A_284 = tpu.memref_slice %arg6[%add3A_282, %dma_start3A_283] : memref<25x80xi32, #tpu.memory_space<vmem>> -> memref<1x80xi32, #tpu.memory_space<vmem>>
        %dma_start3A_285 = tpu.memref_squeeze %dma_start3A_284 : memref<1x80xi32, #tpu.memory_space<vmem>> -> memref<80xi32, #tpu.memory_space<vmem>>
        %dma_start3A_286 = arith.constant 0 : i32
        %dma_start3A_287 = arith.constant 0 : i32
        %dma_start3A_288 = tpu.memref_slice %arg2[%dma_start3A_286, %dma_start3A_287] : memref<10000x128xf32, #tpu.memory_space<hbm>> -> memref<10000x128xf32, #tpu.memory_space<hbm>>
        tpu.enqueue_indirect_dma source(%dma_start3A_288 : memref<10000x128xf32, #tpu.memory_space<hbm>>) target(%arg10 : memref<80x128xf32, #tpu.memory_space<vmem>>) offsets(%dma_start3A_285 : memref<80xi32, #tpu.memory_space<vmem>>) semaphore(%arg13 : memref<!tpu.dma_semaphore, #tpu.memory_space<semaphore_mem>>)
      } else {
      }
      %add3A_274 = arith.constant 1 : i32
      %add3A_275 = arith.addi %add3A_253, %add3A_274 : i32
      %lt3A_276 = arith.constant 25 : i32
      %lt3A_277 = arith.cmpi slt, %add3A_275, %lt3A_276 : i32
      %convert_element_type3A_278 = arith.extui %lt3A_277 : i1 to i32
      %cond3A_279 = arith.constant 0 : i32
      %cond3A_280 = arith.cmpi ne, %convert_element_type3A_278, %cond3A_279 : i32
      scf.if %cond3A_280 {
        %add3A_281 = arith.constant 1 : i32
        %add3A_282 = arith.addi %add3A_253, %add3A_281 : i32
        %dma_wait3A_283 = arith.constant 0 : i32
        %dma_wait3A_284 = tpu.memref_slice %arg6[%add3A_282, %dma_wait3A_283] : memref<25x80xi32, #tpu.memory_space<vmem>> -> memref<1x80xi32, #tpu.memory_space<vmem>>
        %dma_wait3A_285 = tpu.memref_squeeze %dma_wait3A_284 : memref<1x80xi32, #tpu.memory_space<vmem>> -> memref<80xi32, #tpu.memory_space<vmem>>
        %dma_wait3A_286 = arith.constant 0 : i32
        %dma_wait3A_287 = arith.constant 0 : i32
        %dma_wait3A_288 = tpu.memref_slice %arg2[%dma_wait3A_286, %dma_wait3A_287] : memref<10000x128xf32, #tpu.memory_space<hbm>> -> memref<10000x128xf32, #tpu.memory_space<hbm>>
        tpu.wait_indirect_dma semaphore(%arg14 : memref<!tpu.dma_semaphore, #tpu.memory_space<semaphore_mem>>) src(%dma_wait3A_288 : memref<10000x128xf32, #tpu.memory_space<hbm>>) dst(%arg11 : memref<80x128xf32, #tpu.memory_space<vmem>>)
        %add3A_289 = arith.constant 1 : i32
        %add3A_290 = arith.addi %add3A_253, %add3A_289 : i32
        "tpu.region"() ({
          %run_scoped3A = tpu.sem_alloc : memref<!tpu.dma_semaphore, #tpu.memory_space<semaphore_mem>>
          %dma_start3A_291 = arith.constant 0 : i32
          %dma_start3A_292 = tpu.memref_slice %arg7[%add3A_290, %dma_start3A_291] : memref<25x80xi32, #tpu.memory_space<vmem>> -> memref<1x80xi32, #tpu.memory_space<vmem>>
          %dma_start3A_293 = tpu.memref_squeeze %dma_start3A_292 : memref<1x80xi32, #tpu.memory_space<vmem>> -> memref<80xi32, #tpu.memory_space<vmem>>
          %dma_start3A_294 = arith.constant 0 : i32
          %dma_start3A_295 = arith.constant 0 : i32
          %dma_start3A_296 = tpu.memref_slice %arg12[%dma_start3A_294, %dma_start3A_295] : memref<10240x128xf32, #tpu.memory_space<vmem_shared>> -> memref<10240x128xf32, #tpu.memory_space<vmem_shared>>
          tpu.enqueue_indirect_dma source(%arg11 : memref<80x128xf32, #tpu.memory_space<vmem>>) target(%dma_start3A_296 : memref<10240x128xf32, #tpu.memory_space<vmem_shared>>) offsets(%dma_start3A_293 : memref<80xi32, #tpu.memory_space<vmem>>) semaphore(%run_scoped3A : memref<!tpu.dma_semaphore, #tpu.memory_space<semaphore_mem>>) {add = true}
          %dma_wait3A_297 = arith.constant 0 : i32
          %dma_wait3A_298 = tpu.memref_slice %arg7[%add3A_290, %dma_wait3A_297] : memref<25x80xi32, #tpu.memory_space<vmem>> -> memref<1x80xi32, #tpu.memory_space<vmem>>
          %dma_wait3A_299 = tpu.memref_squeeze %dma_wait3A_298 : memref<1x80xi32, #tpu.memory_space<vmem>> -> memref<80xi32, #tpu.memory_space<vmem>>
          %dma_wait3A_300 = arith.constant 0 : i32
          %dma_wait3A_301 = arith.constant 0 : i32
          %dma_wait3A_302 = tpu.memref_slice %arg12[%dma_wait3A_300, %dma_wait3A_301] : memref<10240x128xf32, #tpu.memory_space<vmem_shared>> -> memref<10240x128xf32, #tpu.memory_space<vmem_shared>>
          tpu.wait_indirect_dma semaphore(%run_scoped3A : memref<!tpu.dma_semaphore, #tpu.memory_space<semaphore_mem>>) src(%arg11 : memref<80x128xf32, #tpu.memory_space<vmem>>) dst(%dma_wait3A_302 : memref<10240x128xf32, #tpu.memory_space<vmem_shared>>)
          tpu.yield
        }) : () -> ()
      } else {
      }
    }
    %scan3A_69 = arith.constant 13 : i32
    %dma_wait3A_70 = arith.constant 1 : i32
    %dma_wait3A_71 = arith.constant 0 : i32
    %dma_wait3A_72 = arith.constant 0 : i32
    %dma_wait3A_73 = tpu.memref_slice %arg3[%add3A, %dma_wait3A_70, %dma_wait3A_71, %dma_wait3A_72] : memref<32x5x25x80xi32, #tpu.memory_space<hbm>> -> memref<1x1x25x80xi32, #tpu.memory_space<hbm>>
    %dma_wait3A_74 = tpu.memref_squeeze %dma_wait3A_73 : memref<1x1x25x80xi32, #tpu.memory_space<hbm>> -> memref<25x80xi32, #tpu.memory_space<hbm>>
    %dma_wait3A_75 = arith.constant 0 : i32
    %dma_wait3A_76 = arith.constant 0 : i32
    %dma_wait3A_77 = tpu.memref_slice %arg3[%add3A, %dma_wait3A_70, %dma_wait3A_75, %dma_wait3A_76] : memref<32x5x25x80xi32, #tpu.memory_space<hbm>> -> memref<1x1x25x80xi32, #tpu.memory_space<hbm>>
    %dma_wait3A_78 = tpu.memref_squeeze %dma_wait3A_77 : memref<1x1x25x80xi32, #tpu.memory_space<hbm>> -> memref<25x80xi32, #tpu.memory_space<hbm>>
    tpu.wait_dma2 semaphore(%arg15 : memref<!tpu.dma_semaphore, #tpu.memory_space<semaphore_mem>>) src(%dma_wait3A_78 : memref<25x80xi32, #tpu.memory_space<hbm>>) dst(%arg8 : memref<25x80xi32, #tpu.memory_space<vmem>>)
    %dma_wait3A_79 = arith.constant 1 : i32
    %dma_wait3A_80 = arith.constant 0 : i32
    %dma_wait3A_81 = arith.constant 0 : i32
    %dma_wait3A_82 = tpu.memref_slice %arg4[%add3A, %dma_wait3A_79, %dma_wait3A_80, %dma_wait3A_81] : memref<32x5x25x80xi32, #tpu.memory_space<hbm>> -> memref<1x1x25x80xi32, #tpu.memory_space<hbm>>
    %dma_wait3A_83 = tpu.memref_squeeze %dma_wait3A_82 : memref<1x1x25x80xi32, #tpu.memory_space<hbm>> -> memref<25x80xi32, #tpu.memory_space<hbm>>
    %dma_wait3A_84 = arith.constant 0 : i32
    %dma_wait3A_85 = arith.constant 0 : i32
    %dma_wait3A_86 = tpu.memref_slice %arg4[%add3A, %dma_wait3A_79, %dma_wait3A_84, %dma_wait3A_85] : memref<32x5x25x80xi32, #tpu.memory_space<hbm>> -> memref<1x1x25x80xi32, #tpu.memory_space<hbm>>
    %dma_wait3A_87 = tpu.memref_squeeze %dma_wait3A_86 : memref<1x1x25x80xi32, #tpu.memory_space<hbm>> -> memref<25x80xi32, #tpu.memory_space<hbm>>
    tpu.wait_dma2 semaphore(%arg15 : memref<!tpu.dma_semaphore, #tpu.memory_space<semaphore_mem>>) src(%dma_wait3A_87 : memref<25x80xi32, #tpu.memory_space<hbm>>) dst(%arg9 : memref<25x80xi32, #tpu.memory_space<vmem>>)
    %dma_start3A_88 = arith.constant 2 : i32
    %dma_start3A_89 = arith.constant 0 : i32
    %dma_start3A_90 = arith.constant 0 : i32
    %dma_start3A_91 = tpu.memref_slice %arg3[%add3A, %dma_start3A_88, %dma_start3A_89, %dma_start3A_90] : memref<32x5x25x80xi32, #tpu.memory_space<hbm>> -> memref<1x1x25x80xi32, #tpu.memory_space<hbm>>
    %dma_start3A_92 = tpu.memref_squeeze %dma_start3A_91 : memref<1x1x25x80xi32, #tpu.memory_space<hbm>> -> memref<25x80xi32, #tpu.memory_space<hbm>>
    %dma_start3A_93 = arith.constant 0 : i32
    %dma_start3A_94 = arith.constant 0 : i32
    %dma_start3A_95 = tpu.memref_slice %arg3[%add3A, %dma_start3A_88, %dma_start3A_93, %dma_start3A_94] : memref<32x5x25x80xi32, #tpu.memory_space<hbm>> -> memref<1x1x25x80xi32, #tpu.memory_space<hbm>>
    %dma_start3A_96 = tpu.memref_squeeze %dma_start3A_95 : memref<1x1x25x80xi32, #tpu.memory_space<hbm>> -> memref<25x80xi32, #tpu.memory_space<hbm>>
    tpu.enqueue_dma source(%dma_start3A_96 : memref<25x80xi32, #tpu.memory_space<hbm>>) target(%arg6 : memref<25x80xi32, #tpu.memory_space<vmem>>) target_semaphore(%arg15 : memref<!tpu.dma_semaphore, #tpu.memory_space<semaphore_mem>>)
    %dma_start3A_97 = arith.constant 2 : i32
    %dma_start3A_98 = arith.constant 0 : i32
    %dma_start3A_99 = arith.constant 0 : i32
    %dma_start3A_100 = tpu.memref_slice %arg4[%add3A, %dma_start3A_97, %dma_start3A_98, %dma_start3A_99] : memref<32x5x25x80xi32, #tpu.memory_space<hbm>> -> memref<1x1x25x80xi32, #tpu.memory_space<hbm>>
    %dma_start3A_101 = tpu.memref_squeeze %dma_start3A_100 : memref<1x1x25x80xi32, #tpu.memory_space<hbm>> -> memref<25x80xi32, #tpu.memory_space<hbm>>
    %dma_start3A_102 = arith.constant 0 : i32
    %dma_start3A_103 = arith.constant 0 : i32
    %dma_start3A_104 = tpu.memref_slice %arg4[%add3A, %dma_start3A_97, %dma_start3A_102, %dma_start3A_103] : memref<32x5x25x80xi32, #tpu.memory_space<hbm>> -> memref<1x1x25x80xi32, #tpu.memory_space<hbm>>
    %dma_start3A_105 = tpu.memref_squeeze %dma_start3A_104 : memref<1x1x25x80xi32, #tpu.memory_space<hbm>> -> memref<25x80xi32, #tpu.memory_space<hbm>>
    tpu.enqueue_dma source(%dma_start3A_105 : memref<25x80xi32, #tpu.memory_space<hbm>>) target(%arg7 : memref<25x80xi32, #tpu.memory_space<vmem>>) target_semaphore(%arg15 : memref<!tpu.dma_semaphore, #tpu.memory_space<semaphore_mem>>)
    %dma_start3A_106 = arith.constant 0 : i32
    %dma_start3A_107 = arith.constant 0 : i32
    %dma_start3A_108 = tpu.memref_slice %arg8[%dma_start3A_106, %dma_start3A_107] : memref<25x80xi32, #tpu.memory_space<vmem>> -> memref<1x80xi32, #tpu.memory_space<vmem>>
    %dma_start3A_109 = tpu.memref_squeeze %dma_start3A_108 : memref<1x80xi32, #tpu.memory_space<vmem>> -> memref<80xi32, #tpu.memory_space<vmem>>
    %dma_start3A_110 = arith.constant 0 : i32
    %dma_start3A_111 = arith.constant 0 : i32
    %dma_start3A_112 = tpu.memref_slice %arg2[%dma_start3A_110, %dma_start3A_111] : memref<10000x128xf32, #tpu.memory_space<hbm>> -> memref<10000x128xf32, #tpu.memory_space<hbm>>
    tpu.enqueue_indirect_dma source(%dma_start3A_112 : memref<10000x128xf32, #tpu.memory_space<hbm>>) target(%arg10 : memref<80x128xf32, #tpu.memory_space<vmem>>) offsets(%dma_start3A_109 : memref<80xi32, #tpu.memory_space<vmem>>) semaphore(%arg13 : memref<!tpu.dma_semaphore, #tpu.memory_space<semaphore_mem>>)
    %scan3A_113 = arith.constant 0 : i32
    %scan3A_114 = arith.constant 13 : i32
    %scan3A_115 = arith.addi %scan3A_113, %scan3A_114 : i32
    %scan3A_116 = arith.constant 1 : i32
    scf.for %scan3A_249 = %scan3A_113 to %scan3A_115 step %scan3A_116  : i32 {
      %mul3A_250 = arith.constant 2 : i32
      %mul3A_251 = arith.muli %scan3A_249, %mul3A_250 : i32
      %add3A_252 = arith.constant 0 : i32
      %add3A_253 = arith.addi %add3A_252, %mul3A_251 : i32
      %add3A_254 = arith.constant 1 : i32
      %add3A_255 = arith.addi %add3A_253, %add3A_254 : i32
      %lt3A_256 = arith.constant 25 : i32
      %lt3A_257 = arith.cmpi slt, %add3A_255, %lt3A_256 : i32
      %convert_element_type3A_258 = arith.extui %lt3A_257 : i1 to i32
      %cond3A_259 = arith.constant 0 : i32
      %cond3A_260 = arith.cmpi ne, %convert_element_type3A_258, %cond3A_259 : i32
      scf.if %cond3A_260 {
        %add3A_281 = arith.constant 1 : i32
        %add3A_282 = arith.addi %add3A_253, %add3A_281 : i32
        %dma_start3A_283 = arith.constant 0 : i32
        %dma_start3A_284 = tpu.memref_slice %arg8[%add3A_282, %dma_start3A_283] : memref<25x80xi32, #tpu.memory_space<vmem>> -> memref<1x80xi32, #tpu.memory_space<vmem>>
        %dma_start3A_285 = tpu.memref_squeeze %dma_start3A_284 : memref<1x80xi32, #tpu.memory_space<vmem>> -> memref<80xi32, #tpu.memory_space<vmem>>
        %dma_start3A_286 = arith.constant 0 : i32
        %dma_start3A_287 = arith.constant 0 : i32
        %dma_start3A_288 = tpu.memref_slice %arg2[%dma_start3A_286, %dma_start3A_287] : memref<10000x128xf32, #tpu.memory_space<hbm>> -> memref<10000x128xf32, #tpu.memory_space<hbm>>
        tpu.enqueue_indirect_dma source(%dma_start3A_288 : memref<10000x128xf32, #tpu.memory_space<hbm>>) target(%arg11 : memref<80x128xf32, #tpu.memory_space<vmem>>) offsets(%dma_start3A_285 : memref<80xi32, #tpu.memory_space<vmem>>) semaphore(%arg14 : memref<!tpu.dma_semaphore, #tpu.memory_space<semaphore_mem>>)
      } else {
      }
      %dma_wait3A_261 = arith.constant 0 : i32
      %dma_wait3A_262 = tpu.memref_slice %arg8[%add3A_253, %dma_wait3A_261] : memref<25x80xi32, #tpu.memory_space<vmem>> -> memref<1x80xi32, #tpu.memory_space<vmem>>
      %dma_wait3A_263 = tpu.memref_squeeze %dma_wait3A_262 : memref<1x80xi32, #tpu.memory_space<vmem>> -> memref<80xi32, #tpu.memory_space<vmem>>
      %dma_wait3A_264 = arith.constant 0 : i32
      %dma_wait3A_265 = arith.constant 0 : i32
      %dma_wait3A_266 = tpu.memref_slice %arg2[%dma_wait3A_264, %dma_wait3A_265] : memref<10000x128xf32, #tpu.memory_space<hbm>> -> memref<10000x128xf32, #tpu.memory_space<hbm>>
      tpu.wait_indirect_dma semaphore(%arg13 : memref<!tpu.dma_semaphore, #tpu.memory_space<semaphore_mem>>) src(%dma_wait3A_266 : memref<10000x128xf32, #tpu.memory_space<hbm>>) dst(%arg10 : memref<80x128xf32, #tpu.memory_space<vmem>>)
      "tpu.region"() ({
        %run_scoped3A = tpu.sem_alloc : memref<!tpu.dma_semaphore, #tpu.memory_space<semaphore_mem>>
        %dma_start3A_281 = arith.constant 0 : i32
        %dma_start3A_282 = tpu.memref_slice %arg9[%add3A_253, %dma_start3A_281] : memref<25x80xi32, #tpu.memory_space<vmem>> -> memref<1x80xi32, #tpu.memory_space<vmem>>
        %dma_start3A_283 = tpu.memref_squeeze %dma_start3A_282 : memref<1x80xi32, #tpu.memory_space<vmem>> -> memref<80xi32, #tpu.memory_space<vmem>>
        %dma_start3A_284 = arith.constant 0 : i32
        %dma_start3A_285 = arith.constant 0 : i32
        %dma_start3A_286 = tpu.memref_slice %arg12[%dma_start3A_284, %dma_start3A_285] : memref<10240x128xf32, #tpu.memory_space<vmem_shared>> -> memref<10240x128xf32, #tpu.memory_space<vmem_shared>>
        tpu.enqueue_indirect_dma source(%arg10 : memref<80x128xf32, #tpu.memory_space<vmem>>) target(%dma_start3A_286 : memref<10240x128xf32, #tpu.memory_space<vmem_shared>>) offsets(%dma_start3A_283 : memref<80xi32, #tpu.memory_space<vmem>>) semaphore(%run_scoped3A : memref<!tpu.dma_semaphore, #tpu.memory_space<semaphore_mem>>) {add = true}
        %dma_wait3A_287 = arith.constant 0 : i32
        %dma_wait3A_288 = tpu.memref_slice %arg9[%add3A_253, %dma_wait3A_287] : memref<25x80xi32, #tpu.memory_space<vmem>> -> memref<1x80xi32, #tpu.memory_space<vmem>>
        %dma_wait3A_289 = tpu.memref_squeeze %dma_wait3A_288 : memref<1x80xi32, #tpu.memory_space<vmem>> -> memref<80xi32, #tpu.memory_space<vmem>>
        %dma_wait3A_290 = arith.constant 0 : i32
        %dma_wait3A_291 = arith.constant 0 : i32
        %dma_wait3A_292 = tpu.memref_slice %arg12[%dma_wait3A_290, %dma_wait3A_291] : memref<10240x128xf32, #tpu.memory_space<vmem_shared>> -> memref<10240x128xf32, #tpu.memory_space<vmem_shared>>
        tpu.wait_indirect_dma semaphore(%run_scoped3A : memref<!tpu.dma_semaphore, #tpu.memory_space<semaphore_mem>>) src(%arg10 : memref<80x128xf32, #tpu.memory_space<vmem>>) dst(%dma_wait3A_292 : memref<10240x128xf32, #tpu.memory_space<vmem_shared>>)
        tpu.yield
      }) : () -> ()
      %add3A_267 = arith.constant 2 : i32
      %add3A_268 = arith.addi %add3A_253, %add3A_267 : i32
      %lt3A_269 = arith.constant 25 : i32
      %lt3A_270 = arith.cmpi slt, %add3A_268, %lt3A_269 : i32
      %convert_element_type3A_271 = arith.extui %lt3A_270 : i1 to i32
      %cond3A_272 = arith.constant 0 : i32
      %cond3A_273 = arith.cmpi ne, %convert_element_type3A_271, %cond3A_272 : i32
      scf.if %cond3A_273 {
        %add3A_281 = arith.constant 2 : i32
        %add3A_282 = arith.addi %add3A_253, %add3A_281 : i32
        %dma_start3A_283 = arith.constant 0 : i32
        %dma_start3A_284 = tpu.memref_slice %arg8[%add3A_282, %dma_start3A_283] : memref<25x80xi32, #tpu.memory_space<vmem>> -> memref<1x80xi32, #tpu.memory_space<vmem>>
        %dma_start3A_285 = tpu.memref_squeeze %dma_start3A_284 : memref<1x80xi32, #tpu.memory_space<vmem>> -> memref<80xi32, #tpu.memory_space<vmem>>
        %dma_start3A_286 = arith.constant 0 : i32
        %dma_start3A_287 = arith.constant 0 : i32
        %dma_start3A_288 = tpu.memref_slice %arg2[%dma_start3A_286, %dma_start3A_287] : memref<10000x128xf32, #tpu.memory_space<hbm>> -> memref<10000x128xf32, #tpu.memory_space<hbm>>
        tpu.enqueue_indirect_dma source(%dma_start3A_288 : memref<10000x128xf32, #tpu.memory_space<hbm>>) target(%arg10 : memref<80x128xf32, #tpu.memory_space<vmem>>) offsets(%dma_start3A_285 : memref<80xi32, #tpu.memory_space<vmem>>) semaphore(%arg13 : memref<!tpu.dma_semaphore, #tpu.memory_space<semaphore_mem>>)
      } else {
      }
      %add3A_274 = arith.constant 1 : i32
      %add3A_275 = arith.addi %add3A_253, %add3A_274 : i32
      %lt3A_276 = arith.constant 25 : i32
      %lt3A_277 = arith.cmpi slt, %add3A_275, %lt3A_276 : i32
      %convert_element_type3A_278 = arith.extui %lt3A_277 : i1 to i32
      %cond3A_279 = arith.constant 0 : i32
      %cond3A_280 = arith.cmpi ne, %convert_element_type3A_278, %cond3A_279 : i32
      scf.if %cond3A_280 {
        %add3A_281 = arith.constant 1 : i32
        %add3A_282 = arith.addi %add3A_253, %add3A_281 : i32
        %dma_wait3A_283 = arith.constant 0 : i32
        %dma_wait3A_284 = tpu.memref_slice %arg8[%add3A_282, %dma_wait3A_283] : memref<25x80xi32, #tpu.memory_space<vmem>> -> memref<1x80xi32, #tpu.memory_space<vmem>>
        %dma_wait3A_285 = tpu.memref_squeeze %dma_wait3A_284 : memref<1x80xi32, #tpu.memory_space<vmem>> -> memref<80xi32, #tpu.memory_space<vmem>>
        %dma_wait3A_286 = arith.constant 0 : i32
        %dma_wait3A_287 = arith.constant 0 : i32
        %dma_wait3A_288 = tpu.memref_slice %arg2[%dma_wait3A_286, %dma_wait3A_287] : memref<10000x128xf32, #tpu.memory_space<hbm>> -> memref<10000x128xf32, #tpu.memory_space<hbm>>
        tpu.wait_indirect_dma semaphore(%arg14 : memref<!tpu.dma_semaphore, #tpu.memory_space<semaphore_mem>>) src(%dma_wait3A_288 : memref<10000x128xf32, #tpu.memory_space<hbm>>) dst(%arg11 : memref<80x128xf32, #tpu.memory_space<vmem>>)
        %add3A_289 = arith.constant 1 : i32
        %add3A_290 = arith.addi %add3A_253, %add3A_289 : i32
        "tpu.region"() ({
          %run_scoped3A = tpu.sem_alloc : memref<!tpu.dma_semaphore, #tpu.memory_space<semaphore_mem>>
          %dma_start3A_291 = arith.constant 0 : i32
          %dma_start3A_292 = tpu.memref_slice %arg9[%add3A_290, %dma_start3A_291] : memref<25x80xi32, #tpu.memory_space<vmem>> -> memref<1x80xi32, #tpu.memory_space<vmem>>
          %dma_start3A_293 = tpu.memref_squeeze %dma_start3A_292 : memref<1x80xi32, #tpu.memory_space<vmem>> -> memref<80xi32, #tpu.memory_space<vmem>>
          %dma_start3A_294 = arith.constant 0 : i32
          %dma_start3A_295 = arith.constant 0 : i32
          %dma_start3A_296 = tpu.memref_slice %arg12[%dma_start3A_294, %dma_start3A_295] : memref<10240x128xf32, #tpu.memory_space<vmem_shared>> -> memref<10240x128xf32, #tpu.memory_space<vmem_shared>>
          tpu.enqueue_indirect_dma source(%arg11 : memref<80x128xf32, #tpu.memory_space<vmem>>) target(%dma_start3A_296 : memref<10240x128xf32, #tpu.memory_space<vmem_shared>>) offsets(%dma_start3A_293 : memref<80xi32, #tpu.memory_space<vmem>>) semaphore(%run_scoped3A : memref<!tpu.dma_semaphore, #tpu.memory_space<semaphore_mem>>) {add = true}
          %dma_wait3A_297 = arith.constant 0 : i32
          %dma_wait3A_298 = tpu.memref_slice %arg9[%add3A_290, %dma_wait3A_297] : memref<25x80xi32, #tpu.memory_space<vmem>> -> memref<1x80xi32, #tpu.memory_space<vmem>>
          %dma_wait3A_299 = tpu.memref_squeeze %dma_wait3A_298 : memref<1x80xi32, #tpu.memory_space<vmem>> -> memref<80xi32, #tpu.memory_space<vmem>>
          %dma_wait3A_300 = arith.constant 0 : i32
          %dma_wait3A_301 = arith.constant 0 : i32
          %dma_wait3A_302 = tpu.memref_slice %arg12[%dma_wait3A_300, %dma_wait3A_301] : memref<10240x128xf32, #tpu.memory_space<vmem_shared>> -> memref<10240x128xf32, #tpu.memory_space<vmem_shared>>
          tpu.wait_indirect_dma semaphore(%run_scoped3A : memref<!tpu.dma_semaphore, #tpu.memory_space<semaphore_mem>>) src(%arg11 : memref<80x128xf32, #tpu.memory_space<vmem>>) dst(%dma_wait3A_302 : memref<10240x128xf32, #tpu.memory_space<vmem_shared>>)
          tpu.yield
        }) : () -> ()
      } else {
      }
    }
    %scan3A_117 = arith.constant 13 : i32
    %dma_wait3A_118 = arith.constant 2 : i32
    %dma_wait3A_119 = arith.constant 0 : i32
    %dma_wait3A_120 = arith.constant 0 : i32
    %dma_wait3A_121 = tpu.memref_slice %arg3[%add3A, %dma_wait3A_118, %dma_wait3A_119, %dma_wait3A_120] : memref<32x5x25x80xi32, #tpu.memory_space<hbm>> -> memref<1x1x25x80xi32, #tpu.memory_space<hbm>>
    %dma_wait3A_122 = tpu.memref_squeeze %dma_wait3A_121 : memref<1x1x25x80xi32, #tpu.memory_space<hbm>> -> memref<25x80xi32, #tpu.memory_space<hbm>>
    %dma_wait3A_123 = arith.constant 0 : i32
    %dma_wait3A_124 = arith.constant 0 : i32
    %dma_wait3A_125 = tpu.memref_slice %arg3[%add3A, %dma_wait3A_118, %dma_wait3A_123, %dma_wait3A_124] : memref<32x5x25x80xi32, #tpu.memory_space<hbm>> -> memref<1x1x25x80xi32, #tpu.memory_space<hbm>>
    %dma_wait3A_126 = tpu.memref_squeeze %dma_wait3A_125 : memref<1x1x25x80xi32, #tpu.memory_space<hbm>> -> memref<25x80xi32, #tpu.memory_space<hbm>>
    tpu.wait_dma2 semaphore(%arg15 : memref<!tpu.dma_semaphore, #tpu.memory_space<semaphore_mem>>) src(%dma_wait3A_126 : memref<25x80xi32, #tpu.memory_space<hbm>>) dst(%arg6 : memref<25x80xi32, #tpu.memory_space<vmem>>)
    %dma_wait3A_127 = arith.constant 2 : i32
    %dma_wait3A_128 = arith.constant 0 : i32
    %dma_wait3A_129 = arith.constant 0 : i32
    %dma_wait3A_130 = tpu.memref_slice %arg4[%add3A, %dma_wait3A_127, %dma_wait3A_128, %dma_wait3A_129] : memref<32x5x25x80xi32, #tpu.memory_space<hbm>> -> memref<1x1x25x80xi32, #tpu.memory_space<hbm>>
    %dma_wait3A_131 = tpu.memref_squeeze %dma_wait3A_130 : memref<1x1x25x80xi32, #tpu.memory_space<hbm>> -> memref<25x80xi32, #tpu.memory_space<hbm>>
    %dma_wait3A_132 = arith.constant 0 : i32
    %dma_wait3A_133 = arith.constant 0 : i32
    %dma_wait3A_134 = tpu.memref_slice %arg4[%add3A, %dma_wait3A_127, %dma_wait3A_132, %dma_wait3A_133] : memref<32x5x25x80xi32, #tpu.memory_space<hbm>> -> memref<1x1x25x80xi32, #tpu.memory_space<hbm>>
    %dma_wait3A_135 = tpu.memref_squeeze %dma_wait3A_134 : memref<1x1x25x80xi32, #tpu.memory_space<hbm>> -> memref<25x80xi32, #tpu.memory_space<hbm>>
    tpu.wait_dma2 semaphore(%arg15 : memref<!tpu.dma_semaphore, #tpu.memory_space<semaphore_mem>>) src(%dma_wait3A_135 : memref<25x80xi32, #tpu.memory_space<hbm>>) dst(%arg7 : memref<25x80xi32, #tpu.memory_space<vmem>>)
    %dma_start3A_136 = arith.constant 3 : i32
    %dma_start3A_137 = arith.constant 0 : i32
    %dma_start3A_138 = arith.constant 0 : i32
    %dma_start3A_139 = tpu.memref_slice %arg3[%add3A, %dma_start3A_136, %dma_start3A_137, %dma_start3A_138] : memref<32x5x25x80xi32, #tpu.memory_space<hbm>> -> memref<1x1x25x80xi32, #tpu.memory_space<hbm>>
    %dma_start3A_140 = tpu.memref_squeeze %dma_start3A_139 : memref<1x1x25x80xi32, #tpu.memory_space<hbm>> -> memref<25x80xi32, #tpu.memory_space<hbm>>
    %dma_start3A_141 = arith.constant 0 : i32
    %dma_start3A_142 = arith.constant 0 : i32
    %dma_start3A_143 = tpu.memref_slice %arg3[%add3A, %dma_start3A_136, %dma_start3A_141, %dma_start3A_142] : memref<32x5x25x80xi32, #tpu.memory_space<hbm>> -> memref<1x1x25x80xi32, #tpu.memory_space<hbm>>
    %dma_start3A_144 = tpu.memref_squeeze %dma_start3A_143 : memref<1x1x25x80xi32, #tpu.memory_space<hbm>> -> memref<25x80xi32, #tpu.memory_space<hbm>>
    tpu.enqueue_dma source(%dma_start3A_144 : memref<25x80xi32, #tpu.memory_space<hbm>>) target(%arg8 : memref<25x80xi32, #tpu.memory_space<vmem>>) target_semaphore(%arg15 : memref<!tpu.dma_semaphore, #tpu.memory_space<semaphore_mem>>)
    %dma_start3A_145 = arith.constant 3 : i32
    %dma_start3A_146 = arith.constant 0 : i32
    %dma_start3A_147 = arith.constant 0 : i32
    %dma_start3A_148 = tpu.memref_slice %arg4[%add3A, %dma_start3A_145, %dma_start3A_146, %dma_start3A_147] : memref<32x5x25x80xi32, #tpu.memory_space<hbm>> -> memref<1x1x25x80xi32, #tpu.memory_space<hbm>>
    %dma_start3A_149 = tpu.memref_squeeze %dma_start3A_148 : memref<1x1x25x80xi32, #tpu.memory_space<hbm>> -> memref<25x80xi32, #tpu.memory_space<hbm>>
    %dma_start3A_150 = arith.constant 0 : i32
    %dma_start3A_151 = arith.constant 0 : i32
    %dma_start3A_152 = tpu.memref_slice %arg4[%add3A, %dma_start3A_145, %dma_start3A_150, %dma_start3A_151] : memref<32x5x25x80xi32, #tpu.memory_space<hbm>> -> memref<1x1x25x80xi32, #tpu.memory_space<hbm>>
    %dma_start3A_153 = tpu.memref_squeeze %dma_start3A_152 : memref<1x1x25x80xi32, #tpu.memory_space<hbm>> -> memref<25x80xi32, #tpu.memory_space<hbm>>
    tpu.enqueue_dma source(%dma_start3A_153 : memref<25x80xi32, #tpu.memory_space<hbm>>) target(%arg9 : memref<25x80xi32, #tpu.memory_space<vmem>>) target_semaphore(%arg15 : memref<!tpu.dma_semaphore, #tpu.memory_space<semaphore_mem>>)
    %dma_start3A_154 = arith.constant 0 : i32
    %dma_start3A_155 = arith.constant 0 : i32
    %dma_start3A_156 = tpu.memref_slice %arg6[%dma_start3A_154, %dma_start3A_155] : memref<25x80xi32, #tpu.memory_space<vmem>> -> memref<1x80xi32, #tpu.memory_space<vmem>>
    %dma_start3A_157 = tpu.memref_squeeze %dma_start3A_156 : memref<1x80xi32, #tpu.memory_space<vmem>> -> memref<80xi32, #tpu.memory_space<vmem>>
    %dma_start3A_158 = arith.constant 0 : i32
    %dma_start3A_159 = arith.constant 0 : i32
    %dma_start3A_160 = tpu.memref_slice %arg2[%dma_start3A_158, %dma_start3A_159] : memref<10000x128xf32, #tpu.memory_space<hbm>> -> memref<10000x128xf32, #tpu.memory_space<hbm>>
    tpu.enqueue_indirect_dma source(%dma_start3A_160 : memref<10000x128xf32, #tpu.memory_space<hbm>>) target(%arg10 : memref<80x128xf32, #tpu.memory_space<vmem>>) offsets(%dma_start3A_157 : memref<80xi32, #tpu.memory_space<vmem>>) semaphore(%arg13 : memref<!tpu.dma_semaphore, #tpu.memory_space<semaphore_mem>>)
    %scan3A_161 = arith.constant 0 : i32
    %scan3A_162 = arith.constant 13 : i32
    %scan3A_163 = arith.addi %scan3A_161, %scan3A_162 : i32
    %scan3A_164 = arith.constant 1 : i32
    scf.for %scan3A_249 = %scan3A_161 to %scan3A_163 step %scan3A_164  : i32 {
      %mul3A_250 = arith.constant 2 : i32
      %mul3A_251 = arith.muli %scan3A_249, %mul3A_250 : i32
      %add3A_252 = arith.constant 0 : i32
      %add3A_253 = arith.addi %add3A_252, %mul3A_251 : i32
      %add3A_254 = arith.constant 1 : i32
      %add3A_255 = arith.addi %add3A_253, %add3A_254 : i32
      %lt3A_256 = arith.constant 25 : i32
      %lt3A_257 = arith.cmpi slt, %add3A_255, %lt3A_256 : i32
      %convert_element_type3A_258 = arith.extui %lt3A_257 : i1 to i32
      %cond3A_259 = arith.constant 0 : i32
      %cond3A_260 = arith.cmpi ne, %convert_element_type3A_258, %cond3A_259 : i32
      scf.if %cond3A_260 {
        %add3A_281 = arith.constant 1 : i32
        %add3A_282 = arith.addi %add3A_253, %add3A_281 : i32
        %dma_start3A_283 = arith.constant 0 : i32
        %dma_start3A_284 = tpu.memref_slice %arg6[%add3A_282, %dma_start3A_283] : memref<25x80xi32, #tpu.memory_space<vmem>> -> memref<1x80xi32, #tpu.memory_space<vmem>>
        %dma_start3A_285 = tpu.memref_squeeze %dma_start3A_284 : memref<1x80xi32, #tpu.memory_space<vmem>> -> memref<80xi32, #tpu.memory_space<vmem>>
        %dma_start3A_286 = arith.constant 0 : i32
        %dma_start3A_287 = arith.constant 0 : i32
        %dma_start3A_288 = tpu.memref_slice %arg2[%dma_start3A_286, %dma_start3A_287] : memref<10000x128xf32, #tpu.memory_space<hbm>> -> memref<10000x128xf32, #tpu.memory_space<hbm>>
        tpu.enqueue_indirect_dma source(%dma_start3A_288 : memref<10000x128xf32, #tpu.memory_space<hbm>>) target(%arg11 : memref<80x128xf32, #tpu.memory_space<vmem>>) offsets(%dma_start3A_285 : memref<80xi32, #tpu.memory_space<vmem>>) semaphore(%arg14 : memref<!tpu.dma_semaphore, #tpu.memory_space<semaphore_mem>>)
      } else {
      }
      %dma_wait3A_261 = arith.constant 0 : i32
      %dma_wait3A_262 = tpu.memref_slice %arg6[%add3A_253, %dma_wait3A_261] : memref<25x80xi32, #tpu.memory_space<vmem>> -> memref<1x80xi32, #tpu.memory_space<vmem>>
      %dma_wait3A_263 = tpu.memref_squeeze %dma_wait3A_262 : memref<1x80xi32, #tpu.memory_space<vmem>> -> memref<80xi32, #tpu.memory_space<vmem>>
      %dma_wait3A_264 = arith.constant 0 : i32
      %dma_wait3A_265 = arith.constant 0 : i32
      %dma_wait3A_266 = tpu.memref_slice %arg2[%dma_wait3A_264, %dma_wait3A_265] : memref<10000x128xf32, #tpu.memory_space<hbm>> -> memref<10000x128xf32, #tpu.memory_space<hbm>>
      tpu.wait_indirect_dma semaphore(%arg13 : memref<!tpu.dma_semaphore, #tpu.memory_space<semaphore_mem>>) src(%dma_wait3A_266 : memref<10000x128xf32, #tpu.memory_space<hbm>>) dst(%arg10 : memref<80x128xf32, #tpu.memory_space<vmem>>)
      "tpu.region"() ({
        %run_scoped3A = tpu.sem_alloc : memref<!tpu.dma_semaphore, #tpu.memory_space<semaphore_mem>>
        %dma_start3A_281 = arith.constant 0 : i32
        %dma_start3A_282 = tpu.memref_slice %arg7[%add3A_253, %dma_start3A_281] : memref<25x80xi32, #tpu.memory_space<vmem>> -> memref<1x80xi32, #tpu.memory_space<vmem>>
        %dma_start3A_283 = tpu.memref_squeeze %dma_start3A_282 : memref<1x80xi32, #tpu.memory_space<vmem>> -> memref<80xi32, #tpu.memory_space<vmem>>
        %dma_start3A_284 = arith.constant 0 : i32
        %dma_start3A_285 = arith.constant 0 : i32
        %dma_start3A_286 = tpu.memref_slice %arg12[%dma_start3A_284, %dma_start3A_285] : memref<10240x128xf32, #tpu.memory_space<vmem_shared>> -> memref<10240x128xf32, #tpu.memory_space<vmem_shared>>
        tpu.enqueue_indirect_dma source(%arg10 : memref<80x128xf32, #tpu.memory_space<vmem>>) target(%dma_start3A_286 : memref<10240x128xf32, #tpu.memory_space<vmem_shared>>) offsets(%dma_start3A_283 : memref<80xi32, #tpu.memory_space<vmem>>) semaphore(%run_scoped3A : memref<!tpu.dma_semaphore, #tpu.memory_space<semaphore_mem>>) {add = true}
        %dma_wait3A_287 = arith.constant 0 : i32
        %dma_wait3A_288 = tpu.memref_slice %arg7[%add3A_253, %dma_wait3A_287] : memref<25x80xi32, #tpu.memory_space<vmem>> -> memref<1x80xi32, #tpu.memory_space<vmem>>
        %dma_wait3A_289 = tpu.memref_squeeze %dma_wait3A_288 : memref<1x80xi32, #tpu.memory_space<vmem>> -> memref<80xi32, #tpu.memory_space<vmem>>
        %dma_wait3A_290 = arith.constant 0 : i32
        %dma_wait3A_291 = arith.constant 0 : i32
        %dma_wait3A_292 = tpu.memref_slice %arg12[%dma_wait3A_290, %dma_wait3A_291] : memref<10240x128xf32, #tpu.memory_space<vmem_shared>> -> memref<10240x128xf32, #tpu.memory_space<vmem_shared>>
        tpu.wait_indirect_dma semaphore(%run_scoped3A : memref<!tpu.dma_semaphore, #tpu.memory_space<semaphore_mem>>) src(%arg10 : memref<80x128xf32, #tpu.memory_space<vmem>>) dst(%dma_wait3A_292 : memref<10240x128xf32, #tpu.memory_space<vmem_shared>>)
        tpu.yield
      }) : () -> ()
      %add3A_267 = arith.constant 2 : i32
      %add3A_268 = arith.addi %add3A_253, %add3A_267 : i32
      %lt3A_269 = arith.constant 25 : i32
      %lt3A_270 = arith.cmpi slt, %add3A_268, %lt3A_269 : i32
      %convert_element_type3A_271 = arith.extui %lt3A_270 : i1 to i32
      %cond3A_272 = arith.constant 0 : i32
      %cond3A_273 = arith.cmpi ne, %convert_element_type3A_271, %cond3A_272 : i32
      scf.if %cond3A_273 {
        %add3A_281 = arith.constant 2 : i32
        %add3A_282 = arith.addi %add3A_253, %add3A_281 : i32
        %dma_start3A_283 = arith.constant 0 : i32
        %dma_start3A_284 = tpu.memref_slice %arg6[%add3A_282, %dma_start3A_283] : memref<25x80xi32, #tpu.memory_space<vmem>> -> memref<1x80xi32, #tpu.memory_space<vmem>>
        %dma_start3A_285 = tpu.memref_squeeze %dma_start3A_284 : memref<1x80xi32, #tpu.memory_space<vmem>> -> memref<80xi32, #tpu.memory_space<vmem>>
        %dma_start3A_286 = arith.constant 0 : i32
        %dma_start3A_287 = arith.constant 0 : i32
        %dma_start3A_288 = tpu.memref_slice %arg2[%dma_start3A_286, %dma_start3A_287] : memref<10000x128xf32, #tpu.memory_space<hbm>> -> memref<10000x128xf32, #tpu.memory_space<hbm>>
        tpu.enqueue_indirect_dma source(%dma_start3A_288 : memref<10000x128xf32, #tpu.memory_space<hbm>>) target(%arg10 : memref<80x128xf32, #tpu.memory_space<vmem>>) offsets(%dma_start3A_285 : memref<80xi32, #tpu.memory_space<vmem>>) semaphore(%arg13 : memref<!tpu.dma_semaphore, #tpu.memory_space<semaphore_mem>>)
      } else {
      }
      %add3A_274 = arith.constant 1 : i32
      %add3A_275 = arith.addi %add3A_253, %add3A_274 : i32
      %lt3A_276 = arith.constant 25 : i32
      %lt3A_277 = arith.cmpi slt, %add3A_275, %lt3A_276 : i32
      %convert_element_type3A_278 = arith.extui %lt3A_277 : i1 to i32
      %cond3A_279 = arith.constant 0 : i32
      %cond3A_280 = arith.cmpi ne, %convert_element_type3A_278, %cond3A_279 : i32
      scf.if %cond3A_280 {
        %add3A_281 = arith.constant 1 : i32
        %add3A_282 = arith.addi %add3A_253, %add3A_281 : i32
        %dma_wait3A_283 = arith.constant 0 : i32
        %dma_wait3A_284 = tpu.memref_slice %arg6[%add3A_282, %dma_wait3A_283] : memref<25x80xi32, #tpu.memory_space<vmem>> -> memref<1x80xi32, #tpu.memory_space<vmem>>
        %dma_wait3A_285 = tpu.memref_squeeze %dma_wait3A_284 : memref<1x80xi32, #tpu.memory_space<vmem>> -> memref<80xi32, #tpu.memory_space<vmem>>
        %dma_wait3A_286 = arith.constant 0 : i32
        %dma_wait3A_287 = arith.constant 0 : i32
        %dma_wait3A_288 = tpu.memref_slice %arg2[%dma_wait3A_286, %dma_wait3A_287] : memref<10000x128xf32, #tpu.memory_space<hbm>> -> memref<10000x128xf32, #tpu.memory_space<hbm>>
        tpu.wait_indirect_dma semaphore(%arg14 : memref<!tpu.dma_semaphore, #tpu.memory_space<semaphore_mem>>) src(%dma_wait3A_288 : memref<10000x128xf32, #tpu.memory_space<hbm>>) dst(%arg11 : memref<80x128xf32, #tpu.memory_space<vmem>>)
        %add3A_289 = arith.constant 1 : i32
        %add3A_290 = arith.addi %add3A_253, %add3A_289 : i32
        "tpu.region"() ({
          %run_scoped3A = tpu.sem_alloc : memref<!tpu.dma_semaphore, #tpu.memory_space<semaphore_mem>>
          %dma_start3A_291 = arith.constant 0 : i32
          %dma_start3A_292 = tpu.memref_slice %arg7[%add3A_290, %dma_start3A_291] : memref<25x80xi32, #tpu.memory_space<vmem>> -> memref<1x80xi32, #tpu.memory_space<vmem>>
          %dma_start3A_293 = tpu.memref_squeeze %dma_start3A_292 : memref<1x80xi32, #tpu.memory_space<vmem>> -> memref<80xi32, #tpu.memory_space<vmem>>
          %dma_start3A_294 = arith.constant 0 : i32
          %dma_start3A_295 = arith.constant 0 : i32
          %dma_start3A_296 = tpu.memref_slice %arg12[%dma_start3A_294, %dma_start3A_295] : memref<10240x128xf32, #tpu.memory_space<vmem_shared>> -> memref<10240x128xf32, #tpu.memory_space<vmem_shared>>
          tpu.enqueue_indirect_dma source(%arg11 : memref<80x128xf32, #tpu.memory_space<vmem>>) target(%dma_start3A_296 : memref<10240x128xf32, #tpu.memory_space<vmem_shared>>) offsets(%dma_start3A_293 : memref<80xi32, #tpu.memory_space<vmem>>) semaphore(%run_scoped3A : memref<!tpu.dma_semaphore, #tpu.memory_space<semaphore_mem>>) {add = true}
          %dma_wait3A_297 = arith.constant 0 : i32
          %dma_wait3A_298 = tpu.memref_slice %arg7[%add3A_290, %dma_wait3A_297] : memref<25x80xi32, #tpu.memory_space<vmem>> -> memref<1x80xi32, #tpu.memory_space<vmem>>
          %dma_wait3A_299 = tpu.memref_squeeze %dma_wait3A_298 : memref<1x80xi32, #tpu.memory_space<vmem>> -> memref<80xi32, #tpu.memory_space<vmem>>
          %dma_wait3A_300 = arith.constant 0 : i32
          %dma_wait3A_301 = arith.constant 0 : i32
          %dma_wait3A_302 = tpu.memref_slice %arg12[%dma_wait3A_300, %dma_wait3A_301] : memref<10240x128xf32, #tpu.memory_space<vmem_shared>> -> memref<10240x128xf32, #tpu.memory_space<vmem_shared>>
          tpu.wait_indirect_dma semaphore(%run_scoped3A : memref<!tpu.dma_semaphore, #tpu.memory_space<semaphore_mem>>) src(%arg11 : memref<80x128xf32, #tpu.memory_space<vmem>>) dst(%dma_wait3A_302 : memref<10240x128xf32, #tpu.memory_space<vmem_shared>>)
          tpu.yield
        }) : () -> ()
      } else {
      }
    }
    %scan3A_165 = arith.constant 13 : i32
    %dma_wait3A_166 = arith.constant 3 : i32
    %dma_wait3A_167 = arith.constant 0 : i32
    %dma_wait3A_168 = arith.constant 0 : i32
    %dma_wait3A_169 = tpu.memref_slice %arg3[%add3A, %dma_wait3A_166, %dma_wait3A_167, %dma_wait3A_168] : memref<32x5x25x80xi32, #tpu.memory_space<hbm>> -> memref<1x1x25x80xi32, #tpu.memory_space<hbm>>
    %dma_wait3A_170 = tpu.memref_squeeze %dma_wait3A_169 : memref<1x1x25x80xi32, #tpu.memory_space<hbm>> -> memref<25x80xi32, #tpu.memory_space<hbm>>
    %dma_wait3A_171 = arith.constant 0 : i32
    %dma_wait3A_172 = arith.constant 0 : i32
    %dma_wait3A_173 = tpu.memref_slice %arg3[%add3A, %dma_wait3A_166, %dma_wait3A_171, %dma_wait3A_172] : memref<32x5x25x80xi32, #tpu.memory_space<hbm>> -> memref<1x1x25x80xi32, #tpu.memory_space<hbm>>
    %dma_wait3A_174 = tpu.memref_squeeze %dma_wait3A_173 : memref<1x1x25x80xi32, #tpu.memory_space<hbm>> -> memref<25x80xi32, #tpu.memory_space<hbm>>
    tpu.wait_dma2 semaphore(%arg15 : memref<!tpu.dma_semaphore, #tpu.memory_space<semaphore_mem>>) src(%dma_wait3A_174 : memref<25x80xi32, #tpu.memory_space<hbm>>) dst(%arg8 : memref<25x80xi32, #tpu.memory_space<vmem>>)
    %dma_wait3A_175 = arith.constant 3 : i32
    %dma_wait3A_176 = arith.constant 0 : i32
    %dma_wait3A_177 = arith.constant 0 : i32
    %dma_wait3A_178 = tpu.memref_slice %arg4[%add3A, %dma_wait3A_175, %dma_wait3A_176, %dma_wait3A_177] : memref<32x5x25x80xi32, #tpu.memory_space<hbm>> -> memref<1x1x25x80xi32, #tpu.memory_space<hbm>>
    %dma_wait3A_179 = tpu.memref_squeeze %dma_wait3A_178 : memref<1x1x25x80xi32, #tpu.memory_space<hbm>> -> memref<25x80xi32, #tpu.memory_space<hbm>>
    %dma_wait3A_180 = arith.constant 0 : i32
    %dma_wait3A_181 = arith.constant 0 : i32
    %dma_wait3A_182 = tpu.memref_slice %arg4[%add3A, %dma_wait3A_175, %dma_wait3A_180, %dma_wait3A_181] : memref<32x5x25x80xi32, #tpu.memory_space<hbm>> -> memref<1x1x25x80xi32, #tpu.memory_space<hbm>>
    %dma_wait3A_183 = tpu.memref_squeeze %dma_wait3A_182 : memref<1x1x25x80xi32, #tpu.memory_space<hbm>> -> memref<25x80xi32, #tpu.memory_space<hbm>>
    tpu.wait_dma2 semaphore(%arg15 : memref<!tpu.dma_semaphore, #tpu.memory_space<semaphore_mem>>) src(%dma_wait3A_183 : memref<25x80xi32, #tpu.memory_space<hbm>>) dst(%arg9 : memref<25x80xi32, #tpu.memory_space<vmem>>)
    %dma_start3A_184 = arith.constant 4 : i32
    %dma_start3A_185 = arith.constant 0 : i32
    %dma_start3A_186 = arith.constant 0 : i32
    %dma_start3A_187 = tpu.memref_slice %arg3[%add3A, %dma_start3A_184, %dma_start3A_185, %dma_start3A_186] : memref<32x5x25x80xi32, #tpu.memory_space<hbm>> -> memref<1x1x25x80xi32, #tpu.memory_space<hbm>>
    %dma_start3A_188 = tpu.memref_squeeze %dma_start3A_187 : memref<1x1x25x80xi32, #tpu.memory_space<hbm>> -> memref<25x80xi32, #tpu.memory_space<hbm>>
    %dma_start3A_189 = arith.constant 0 : i32
    %dma_start3A_190 = arith.constant 0 : i32
    %dma_start3A_191 = tpu.memref_slice %arg3[%add3A, %dma_start3A_184, %dma_start3A_189, %dma_start3A_190] : memref<32x5x25x80xi32, #tpu.memory_space<hbm>> -> memref<1x1x25x80xi32, #tpu.memory_space<hbm>>
    %dma_start3A_192 = tpu.memref_squeeze %dma_start3A_191 : memref<1x1x25x80xi32, #tpu.memory_space<hbm>> -> memref<25x80xi32, #tpu.memory_space<hbm>>
    tpu.enqueue_dma source(%dma_start3A_192 : memref<25x80xi32, #tpu.memory_space<hbm>>) target(%arg6 : memref<25x80xi32, #tpu.memory_space<vmem>>) target_semaphore(%arg15 : memref<!tpu.dma_semaphore, #tpu.memory_space<semaphore_mem>>)
    %dma_start3A_193 = arith.constant 4 : i32
    %dma_start3A_194 = arith.constant 0 : i32
    %dma_start3A_195 = arith.constant 0 : i32
    %dma_start3A_196 = tpu.memref_slice %arg4[%add3A, %dma_start3A_193, %dma_start3A_194, %dma_start3A_195] : memref<32x5x25x80xi32, #tpu.memory_space<hbm>> -> memref<1x1x25x80xi32, #tpu.memory_space<hbm>>
    %dma_start3A_197 = tpu.memref_squeeze %dma_start3A_196 : memref<1x1x25x80xi32, #tpu.memory_space<hbm>> -> memref<25x80xi32, #tpu.memory_space<hbm>>
    %dma_start3A_198 = arith.constant 0 : i32
    %dma_start3A_199 = arith.constant 0 : i32
    %dma_start3A_200 = tpu.memref_slice %arg4[%add3A, %dma_start3A_193, %dma_start3A_198, %dma_start3A_199] : memref<32x5x25x80xi32, #tpu.memory_space<hbm>> -> memref<1x1x25x80xi32, #tpu.memory_space<hbm>>
    %dma_start3A_201 = tpu.memref_squeeze %dma_start3A_200 : memref<1x1x25x80xi32, #tpu.memory_space<hbm>> -> memref<25x80xi32, #tpu.memory_space<hbm>>
    tpu.enqueue_dma source(%dma_start3A_201 : memref<25x80xi32, #tpu.memory_space<hbm>>) target(%arg7 : memref<25x80xi32, #tpu.memory_space<vmem>>) target_semaphore(%arg15 : memref<!tpu.dma_semaphore, #tpu.memory_space<semaphore_mem>>)
    %dma_start3A_202 = arith.constant 0 : i32
    %dma_start3A_203 = arith.constant 0 : i32
    %dma_start3A_204 = tpu.memref_slice %arg8[%dma_start3A_202, %dma_start3A_203] : memref<25x80xi32, #tpu.memory_space<vmem>> -> memref<1x80xi32, #tpu.memory_space<vmem>>
    %dma_start3A_205 = tpu.memref_squeeze %dma_start3A_204 : memref<1x80xi32, #tpu.memory_space<vmem>> -> memref<80xi32, #tpu.memory_space<vmem>>
    %dma_start3A_206 = arith.constant 0 : i32
    %dma_start3A_207 = arith.constant 0 : i32
    %dma_start3A_208 = tpu.memref_slice %arg2[%dma_start3A_206, %dma_start3A_207] : memref<10000x128xf32, #tpu.memory_space<hbm>> -> memref<10000x128xf32, #tpu.memory_space<hbm>>
    tpu.enqueue_indirect_dma source(%dma_start3A_208 : memref<10000x128xf32, #tpu.memory_space<hbm>>) target(%arg10 : memref<80x128xf32, #tpu.memory_space<vmem>>) offsets(%dma_start3A_205 : memref<80xi32, #tpu.memory_space<vmem>>) semaphore(%arg13 : memref<!tpu.dma_semaphore, #tpu.memory_space<semaphore_mem>>)
    %scan3A_209 = arith.constant 0 : i32
    %scan3A_210 = arith.constant 13 : i32
    %scan3A_211 = arith.addi %scan3A_209, %scan3A_210 : i32
    %scan3A_212 = arith.constant 1 : i32
    scf.for %scan3A_249 = %scan3A_209 to %scan3A_211 step %scan3A_212  : i32 {
      %mul3A_250 = arith.constant 2 : i32
      %mul3A_251 = arith.muli %scan3A_249, %mul3A_250 : i32
      %add3A_252 = arith.constant 0 : i32
      %add3A_253 = arith.addi %add3A_252, %mul3A_251 : i32
      %add3A_254 = arith.constant 1 : i32
      %add3A_255 = arith.addi %add3A_253, %add3A_254 : i32
      %lt3A_256 = arith.constant 25 : i32
      %lt3A_257 = arith.cmpi slt, %add3A_255, %lt3A_256 : i32
      %convert_element_type3A_258 = arith.extui %lt3A_257 : i1 to i32
      %cond3A_259 = arith.constant 0 : i32
      %cond3A_260 = arith.cmpi ne, %convert_element_type3A_258, %cond3A_259 : i32
      scf.if %cond3A_260 {
        %add3A_281 = arith.constant 1 : i32
        %add3A_282 = arith.addi %add3A_253, %add3A_281 : i32
        %dma_start3A_283 = arith.constant 0 : i32
        %dma_start3A_284 = tpu.memref_slice %arg8[%add3A_282, %dma_start3A_283] : memref<25x80xi32, #tpu.memory_space<vmem>> -> memref<1x80xi32, #tpu.memory_space<vmem>>
        %dma_start3A_285 = tpu.memref_squeeze %dma_start3A_284 : memref<1x80xi32, #tpu.memory_space<vmem>> -> memref<80xi32, #tpu.memory_space<vmem>>
        %dma_start3A_286 = arith.constant 0 : i32
        %dma_start3A_287 = arith.constant 0 : i32
        %dma_start3A_288 = tpu.memref_slice %arg2[%dma_start3A_286, %dma_start3A_287] : memref<10000x128xf32, #tpu.memory_space<hbm>> -> memref<10000x128xf32, #tpu.memory_space<hbm>>
        tpu.enqueue_indirect_dma source(%dma_start3A_288 : memref<10000x128xf32, #tpu.memory_space<hbm>>) target(%arg11 : memref<80x128xf32, #tpu.memory_space<vmem>>) offsets(%dma_start3A_285 : memref<80xi32, #tpu.memory_space<vmem>>) semaphore(%arg14 : memref<!tpu.dma_semaphore, #tpu.memory_space<semaphore_mem>>)
      } else {
      }
      %dma_wait3A_261 = arith.constant 0 : i32
      %dma_wait3A_262 = tpu.memref_slice %arg8[%add3A_253, %dma_wait3A_261] : memref<25x80xi32, #tpu.memory_space<vmem>> -> memref<1x80xi32, #tpu.memory_space<vmem>>
      %dma_wait3A_263 = tpu.memref_squeeze %dma_wait3A_262 : memref<1x80xi32, #tpu.memory_space<vmem>> -> memref<80xi32, #tpu.memory_space<vmem>>
      %dma_wait3A_264 = arith.constant 0 : i32
      %dma_wait3A_265 = arith.constant 0 : i32
      %dma_wait3A_266 = tpu.memref_slice %arg2[%dma_wait3A_264, %dma_wait3A_265] : memref<10000x128xf32, #tpu.memory_space<hbm>> -> memref<10000x128xf32, #tpu.memory_space<hbm>>
      tpu.wait_indirect_dma semaphore(%arg13 : memref<!tpu.dma_semaphore, #tpu.memory_space<semaphore_mem>>) src(%dma_wait3A_266 : memref<10000x128xf32, #tpu.memory_space<hbm>>) dst(%arg10 : memref<80x128xf32, #tpu.memory_space<vmem>>)
      "tpu.region"() ({
        %run_scoped3A = tpu.sem_alloc : memref<!tpu.dma_semaphore, #tpu.memory_space<semaphore_mem>>
        %dma_start3A_281 = arith.constant 0 : i32
        %dma_start3A_282 = tpu.memref_slice %arg9[%add3A_253, %dma_start3A_281] : memref<25x80xi32, #tpu.memory_space<vmem>> -> memref<1x80xi32, #tpu.memory_space<vmem>>
        %dma_start3A_283 = tpu.memref_squeeze %dma_start3A_282 : memref<1x80xi32, #tpu.memory_space<vmem>> -> memref<80xi32, #tpu.memory_space<vmem>>
        %dma_start3A_284 = arith.constant 0 : i32
        %dma_start3A_285 = arith.constant 0 : i32
        %dma_start3A_286 = tpu.memref_slice %arg12[%dma_start3A_284, %dma_start3A_285] : memref<10240x128xf32, #tpu.memory_space<vmem_shared>> -> memref<10240x128xf32, #tpu.memory_space<vmem_shared>>
        tpu.enqueue_indirect_dma source(%arg10 : memref<80x128xf32, #tpu.memory_space<vmem>>) target(%dma_start3A_286 : memref<10240x128xf32, #tpu.memory_space<vmem_shared>>) offsets(%dma_start3A_283 : memref<80xi32, #tpu.memory_space<vmem>>) semaphore(%run_scoped3A : memref<!tpu.dma_semaphore, #tpu.memory_space<semaphore_mem>>) {add = true}
        %dma_wait3A_287 = arith.constant 0 : i32
        %dma_wait3A_288 = tpu.memref_slice %arg9[%add3A_253, %dma_wait3A_287] : memref<25x80xi32, #tpu.memory_space<vmem>> -> memref<1x80xi32, #tpu.memory_space<vmem>>
        %dma_wait3A_289 = tpu.memref_squeeze %dma_wait3A_288 : memref<1x80xi32, #tpu.memory_space<vmem>> -> memref<80xi32, #tpu.memory_space<vmem>>
        %dma_wait3A_290 = arith.constant 0 : i32
        %dma_wait3A_291 = arith.constant 0 : i32
        %dma_wait3A_292 = tpu.memref_slice %arg12[%dma_wait3A_290, %dma_wait3A_291] : memref<10240x128xf32, #tpu.memory_space<vmem_shared>> -> memref<10240x128xf32, #tpu.memory_space<vmem_shared>>
        tpu.wait_indirect_dma semaphore(%run_scoped3A : memref<!tpu.dma_semaphore, #tpu.memory_space<semaphore_mem>>) src(%arg10 : memref<80x128xf32, #tpu.memory_space<vmem>>) dst(%dma_wait3A_292 : memref<10240x128xf32, #tpu.memory_space<vmem_shared>>)
        tpu.yield
      }) : () -> ()
      %add3A_267 = arith.constant 2 : i32
      %add3A_268 = arith.addi %add3A_253, %add3A_267 : i32
      %lt3A_269 = arith.constant 25 : i32
      %lt3A_270 = arith.cmpi slt, %add3A_268, %lt3A_269 : i32
      %convert_element_type3A_271 = arith.extui %lt3A_270 : i1 to i32
      %cond3A_272 = arith.constant 0 : i32
      %cond3A_273 = arith.cmpi ne, %convert_element_type3A_271, %cond3A_272 : i32
      scf.if %cond3A_273 {
        %add3A_281 = arith.constant 2 : i32
        %add3A_282 = arith.addi %add3A_253, %add3A_281 : i32
        %dma_start3A_283 = arith.constant 0 : i32
        %dma_start3A_284 = tpu.memref_slice %arg8[%add3A_282, %dma_start3A_283] : memref<25x80xi32, #tpu.memory_space<vmem>> -> memref<1x80xi32, #tpu.memory_space<vmem>>
        %dma_start3A_285 = tpu.memref_squeeze %dma_start3A_284 : memref<1x80xi32, #tpu.memory_space<vmem>> -> memref<80xi32, #tpu.memory_space<vmem>>
        %dma_start3A_286 = arith.constant 0 : i32
        %dma_start3A_287 = arith.constant 0 : i32
        %dma_start3A_288 = tpu.memref_slice %arg2[%dma_start3A_286, %dma_start3A_287] : memref<10000x128xf32, #tpu.memory_space<hbm>> -> memref<10000x128xf32, #tpu.memory_space<hbm>>
        tpu.enqueue_indirect_dma source(%dma_start3A_288 : memref<10000x128xf32, #tpu.memory_space<hbm>>) target(%arg10 : memref<80x128xf32, #tpu.memory_space<vmem>>) offsets(%dma_start3A_285 : memref<80xi32, #tpu.memory_space<vmem>>) semaphore(%arg13 : memref<!tpu.dma_semaphore, #tpu.memory_space<semaphore_mem>>)
      } else {
      }
      %add3A_274 = arith.constant 1 : i32
      %add3A_275 = arith.addi %add3A_253, %add3A_274 : i32
      %lt3A_276 = arith.constant 25 : i32
      %lt3A_277 = arith.cmpi slt, %add3A_275, %lt3A_276 : i32
      %convert_element_type3A_278 = arith.extui %lt3A_277 : i1 to i32
      %cond3A_279 = arith.constant 0 : i32
      %cond3A_280 = arith.cmpi ne, %convert_element_type3A_278, %cond3A_279 : i32
      scf.if %cond3A_280 {
        %add3A_281 = arith.constant 1 : i32
        %add3A_282 = arith.addi %add3A_253, %add3A_281 : i32
        %dma_wait3A_283 = arith.constant 0 : i32
        %dma_wait3A_284 = tpu.memref_slice %arg8[%add3A_282, %dma_wait3A_283] : memref<25x80xi32, #tpu.memory_space<vmem>> -> memref<1x80xi32, #tpu.memory_space<vmem>>
        %dma_wait3A_285 = tpu.memref_squeeze %dma_wait3A_284 : memref<1x80xi32, #tpu.memory_space<vmem>> -> memref<80xi32, #tpu.memory_space<vmem>>
        %dma_wait3A_286 = arith.constant 0 : i32
        %dma_wait3A_287 = arith.constant 0 : i32
        %dma_wait3A_288 = tpu.memref_slice %arg2[%dma_wait3A_286, %dma_wait3A_287] : memref<10000x128xf32, #tpu.memory_space<hbm>> -> memref<10000x128xf32, #tpu.memory_space<hbm>>
        tpu.wait_indirect_dma semaphore(%arg14 : memref<!tpu.dma_semaphore, #tpu.memory_space<semaphore_mem>>) src(%dma_wait3A_288 : memref<10000x128xf32, #tpu.memory_space<hbm>>) dst(%arg11 : memref<80x128xf32, #tpu.memory_space<vmem>>)
        %add3A_289 = arith.constant 1 : i32
        %add3A_290 = arith.addi %add3A_253, %add3A_289 : i32
        "tpu.region"() ({
          %run_scoped3A = tpu.sem_alloc : memref<!tpu.dma_semaphore, #tpu.memory_space<semaphore_mem>>
          %dma_start3A_291 = arith.constant 0 : i32
          %dma_start3A_292 = tpu.memref_slice %arg9[%add3A_290, %dma_start3A_291] : memref<25x80xi32, #tpu.memory_space<vmem>> -> memref<1x80xi32, #tpu.memory_space<vmem>>
          %dma_start3A_293 = tpu.memref_squeeze %dma_start3A_292 : memref<1x80xi32, #tpu.memory_space<vmem>> -> memref<80xi32, #tpu.memory_space<vmem>>
          %dma_start3A_294 = arith.constant 0 : i32
          %dma_start3A_295 = arith.constant 0 : i32
          %dma_start3A_296 = tpu.memref_slice %arg12[%dma_start3A_294, %dma_start3A_295] : memref<10240x128xf32, #tpu.memory_space<vmem_shared>> -> memref<10240x128xf32, #tpu.memory_space<vmem_shared>>
          tpu.enqueue_indirect_dma source(%arg11 : memref<80x128xf32, #tpu.memory_space<vmem>>) target(%dma_start3A_296 : memref<10240x128xf32, #tpu.memory_space<vmem_shared>>) offsets(%dma_start3A_293 : memref<80xi32, #tpu.memory_space<vmem>>) semaphore(%run_scoped3A : memref<!tpu.dma_semaphore, #tpu.memory_space<semaphore_mem>>) {add = true}
          %dma_wait3A_297 = arith.constant 0 : i32
          %dma_wait3A_298 = tpu.memref_slice %arg9[%add3A_290, %dma_wait3A_297] : memref<25x80xi32, #tpu.memory_space<vmem>> -> memref<1x80xi32, #tpu.memory_space<vmem>>
          %dma_wait3A_299 = tpu.memref_squeeze %dma_wait3A_298 : memref<1x80xi32, #tpu.memory_space<vmem>> -> memref<80xi32, #tpu.memory_space<vmem>>
          %dma_wait3A_300 = arith.constant 0 : i32
          %dma_wait3A_301 = arith.constant 0 : i32
          %dma_wait3A_302 = tpu.memref_slice %arg12[%dma_wait3A_300, %dma_wait3A_301] : memref<10240x128xf32, #tpu.memory_space<vmem_shared>> -> memref<10240x128xf32, #tpu.memory_space<vmem_shared>>
          tpu.wait_indirect_dma semaphore(%run_scoped3A : memref<!tpu.dma_semaphore, #tpu.memory_space<semaphore_mem>>) src(%arg11 : memref<80x128xf32, #tpu.memory_space<vmem>>) dst(%dma_wait3A_302 : memref<10240x128xf32, #tpu.memory_space<vmem_shared>>)
          tpu.yield
        }) : () -> ()
      } else {
      }
    }
    %scan3A_213 = arith.constant 13 : i32
    %dma_wait3A_214 = arith.constant 4 : i32
    %dma_wait3A_215 = arith.constant 0 : i32
    %dma_wait3A_216 = arith.constant 0 : i32
    %dma_wait3A_217 = tpu.memref_slice %arg3[%add3A, %dma_wait3A_214, %dma_wait3A_215, %dma_wait3A_216] : memref<32x5x25x80xi32, #tpu.memory_space<hbm>> -> memref<1x1x25x80xi32, #tpu.memory_space<hbm>>
    %dma_wait3A_218 = tpu.memref_squeeze %dma_wait3A_217 : memref<1x1x25x80xi32, #tpu.memory_space<hbm>> -> memref<25x80xi32, #tpu.memory_space<hbm>>
    %dma_wait3A_219 = arith.constant 0 : i32
    %dma_wait3A_220 = arith.constant 0 : i32
    %dma_wait3A_221 = tpu.memref_slice %arg3[%add3A, %dma_wait3A_214, %dma_wait3A_219, %dma_wait3A_220] : memref<32x5x25x80xi32, #tpu.memory_space<hbm>> -> memref<1x1x25x80xi32, #tpu.memory_space<hbm>>
    %dma_wait3A_222 = tpu.memref_squeeze %dma_wait3A_221 : memref<1x1x25x80xi32, #tpu.memory_space<hbm>> -> memref<25x80xi32, #tpu.memory_space<hbm>>
    tpu.wait_dma2 semaphore(%arg15 : memref<!tpu.dma_semaphore, #tpu.memory_space<semaphore_mem>>) src(%dma_wait3A_222 : memref<25x80xi32, #tpu.memory_space<hbm>>) dst(%arg6 : memref<25x80xi32, #tpu.memory_space<vmem>>)
    %dma_wait3A_223 = arith.constant 4 : i32
    %dma_wait3A_224 = arith.constant 0 : i32
    %dma_wait3A_225 = arith.constant 0 : i32
    %dma_wait3A_226 = tpu.memref_slice %arg4[%add3A, %dma_wait3A_223, %dma_wait3A_224, %dma_wait3A_225] : memref<32x5x25x80xi32, #tpu.memory_space<hbm>> -> memref<1x1x25x80xi32, #tpu.memory_space<hbm>>
    %dma_wait3A_227 = tpu.memref_squeeze %dma_wait3A_226 : memref<1x1x25x80xi32, #tpu.memory_space<hbm>> -> memref<25x80xi32, #tpu.memory_space<hbm>>
    %dma_wait3A_228 = arith.constant 0 : i32
    %dma_wait3A_229 = arith.constant 0 : i32
    %dma_wait3A_230 = tpu.memref_slice %arg4[%add3A, %dma_wait3A_223, %dma_wait3A_228, %dma_wait3A_229] : memref<32x5x25x80xi32, #tpu.memory_space<hbm>> -> memref<1x1x25x80xi32, #tpu.memory_space<hbm>>
    %dma_wait3A_231 = tpu.memref_squeeze %dma_wait3A_230 : memref<1x1x25x80xi32, #tpu.memory_space<hbm>> -> memref<25x80xi32, #tpu.memory_space<hbm>>
    tpu.wait_dma2 semaphore(%arg15 : memref<!tpu.dma_semaphore, #tpu.memory_space<semaphore_mem>>) src(%dma_wait3A_231 : memref<25x80xi32, #tpu.memory_space<hbm>>) dst(%arg7 : memref<25x80xi32, #tpu.memory_space<vmem>>)
    %dma_start3A_232 = arith.constant 0 : i32
    %dma_start3A_233 = arith.constant 0 : i32
    %dma_start3A_234 = tpu.memref_slice %arg6[%dma_start3A_232, %dma_start3A_233] : memref<25x80xi32, #tpu.memory_space<vmem>> -> memref<1x80xi32, #tpu.memory_space<vmem>>
    %dma_start3A_235 = tpu.memref_squeeze %dma_start3A_234 : memref<1x80xi32, #tpu.memory_space<vmem>> -> memref<80xi32, #tpu.memory_space<vmem>>
    %dma_start3A_236 = arith.constant 0 : i32
    %dma_start3A_237 = arith.constant 0 : i32
    %dma_start3A_238 = tpu.memref_slice %arg2[%dma_start3A_236, %dma_start3A_237] : memref<10000x128xf32, #tpu.memory_space<hbm>> -> memref<10000x128xf32, #tpu.memory_space<hbm>>
    tpu.enqueue_indirect_dma source(%dma_start3A_238 : memref<10000x128xf32, #tpu.memory_space<hbm>>) target(%arg10 : memref<80x128xf32, #tpu.memory_space<vmem>>) offsets(%dma_start3A_235 : memref<80xi32, #tpu.memory_space<vmem>>) semaphore(%arg13 : memref<!tpu.dma_semaphore, #tpu.memory_space<semaphore_mem>>)
    %scan3A_239 = arith.constant 0 : i32
    %scan3A_240 = arith.constant 13 : i32
    %scan3A_241 = arith.addi %scan3A_239, %scan3A_240 : i32
    %scan3A_242 = arith.constant 1 : i32
    scf.for %scan3A_249 = %scan3A_239 to %scan3A_241 step %scan3A_242  : i32 {
      %mul3A_250 = arith.constant 2 : i32
      %mul3A_251 = arith.muli %scan3A_249, %mul3A_250 : i32
      %add3A_252 = arith.constant 0 : i32
      %add3A_253 = arith.addi %add3A_252, %mul3A_251 : i32
      %add3A_254 = arith.constant 1 : i32
      %add3A_255 = arith.addi %add3A_253, %add3A_254 : i32
      %lt3A_256 = arith.constant 25 : i32
      %lt3A_257 = arith.cmpi slt, %add3A_255, %lt3A_256 : i32
      %convert_element_type3A_258 = arith.extui %lt3A_257 : i1 to i32
      %cond3A_259 = arith.constant 0 : i32
      %cond3A_260 = arith.cmpi ne, %convert_element_type3A_258, %cond3A_259 : i32
      scf.if %cond3A_260 {
        %add3A_281 = arith.constant 1 : i32
        %add3A_282 = arith.addi %add3A_253, %add3A_281 : i32
        %dma_start3A_283 = arith.constant 0 : i32
        %dma_start3A_284 = tpu.memref_slice %arg6[%add3A_282, %dma_start3A_283] : memref<25x80xi32, #tpu.memory_space<vmem>> -> memref<1x80xi32, #tpu.memory_space<vmem>>
        %dma_start3A_285 = tpu.memref_squeeze %dma_start3A_284 : memref<1x80xi32, #tpu.memory_space<vmem>> -> memref<80xi32, #tpu.memory_space<vmem>>
        %dma_start3A_286 = arith.constant 0 : i32
        %dma_start3A_287 = arith.constant 0 : i32
        %dma_start3A_288 = tpu.memref_slice %arg2[%dma_start3A_286, %dma_start3A_287] : memref<10000x128xf32, #tpu.memory_space<hbm>> -> memref<10000x128xf32, #tpu.memory_space<hbm>>
        tpu.enqueue_indirect_dma source(%dma_start3A_288 : memref<10000x128xf32, #tpu.memory_space<hbm>>) target(%arg11 : memref<80x128xf32, #tpu.memory_space<vmem>>) offsets(%dma_start3A_285 : memref<80xi32, #tpu.memory_space<vmem>>) semaphore(%arg14 : memref<!tpu.dma_semaphore, #tpu.memory_space<semaphore_mem>>)
      } else {
      }
      %dma_wait3A_261 = arith.constant 0 : i32
      %dma_wait3A_262 = tpu.memref_slice %arg6[%add3A_253, %dma_wait3A_261] : memref<25x80xi32, #tpu.memory_space<vmem>> -> memref<1x80xi32, #tpu.memory_space<vmem>>
      %dma_wait3A_263 = tpu.memref_squeeze %dma_wait3A_262 : memref<1x80xi32, #tpu.memory_space<vmem>> -> memref<80xi32, #tpu.memory_space<vmem>>
      %dma_wait3A_264 = arith.constant 0 : i32
      %dma_wait3A_265 = arith.constant 0 : i32
      %dma_wait3A_266 = tpu.memref_slice %arg2[%dma_wait3A_264, %dma_wait3A_265] : memref<10000x128xf32, #tpu.memory_space<hbm>> -> memref<10000x128xf32, #tpu.memory_space<hbm>>
      tpu.wait_indirect_dma semaphore(%arg13 : memref<!tpu.dma_semaphore, #tpu.memory_space<semaphore_mem>>) src(%dma_wait3A_266 : memref<10000x128xf32, #tpu.memory_space<hbm>>) dst(%arg10 : memref<80x128xf32, #tpu.memory_space<vmem>>)
      "tpu.region"() ({
        %run_scoped3A = tpu.sem_alloc : memref<!tpu.dma_semaphore, #tpu.memory_space<semaphore_mem>>
        %dma_start3A_281 = arith.constant 0 : i32
        %dma_start3A_282 = tpu.memref_slice %arg7[%add3A_253, %dma_start3A_281] : memref<25x80xi32, #tpu.memory_space<vmem>> -> memref<1x80xi32, #tpu.memory_space<vmem>>
        %dma_start3A_283 = tpu.memref_squeeze %dma_start3A_282 : memref<1x80xi32, #tpu.memory_space<vmem>> -> memref<80xi32, #tpu.memory_space<vmem>>
        %dma_start3A_284 = arith.constant 0 : i32
        %dma_start3A_285 = arith.constant 0 : i32
        %dma_start3A_286 = tpu.memref_slice %arg12[%dma_start3A_284, %dma_start3A_285] : memref<10240x128xf32, #tpu.memory_space<vmem_shared>> -> memref<10240x128xf32, #tpu.memory_space<vmem_shared>>
        tpu.enqueue_indirect_dma source(%arg10 : memref<80x128xf32, #tpu.memory_space<vmem>>) target(%dma_start3A_286 : memref<10240x128xf32, #tpu.memory_space<vmem_shared>>) offsets(%dma_start3A_283 : memref<80xi32, #tpu.memory_space<vmem>>) semaphore(%run_scoped3A : memref<!tpu.dma_semaphore, #tpu.memory_space<semaphore_mem>>) {add = true}
        %dma_wait3A_287 = arith.constant 0 : i32
        %dma_wait3A_288 = tpu.memref_slice %arg7[%add3A_253, %dma_wait3A_287] : memref<25x80xi32, #tpu.memory_space<vmem>> -> memref<1x80xi32, #tpu.memory_space<vmem>>
        %dma_wait3A_289 = tpu.memref_squeeze %dma_wait3A_288 : memref<1x80xi32, #tpu.memory_space<vmem>> -> memref<80xi32, #tpu.memory_space<vmem>>
        %dma_wait3A_290 = arith.constant 0 : i32
        %dma_wait3A_291 = arith.constant 0 : i32
        %dma_wait3A_292 = tpu.memref_slice %arg12[%dma_wait3A_290, %dma_wait3A_291] : memref<10240x128xf32, #tpu.memory_space<vmem_shared>> -> memref<10240x128xf32, #tpu.memory_space<vmem_shared>>
        tpu.wait_indirect_dma semaphore(%run_scoped3A : memref<!tpu.dma_semaphore, #tpu.memory_space<semaphore_mem>>) src(%arg10 : memref<80x128xf32, #tpu.memory_space<vmem>>) dst(%dma_wait3A_292 : memref<10240x128xf32, #tpu.memory_space<vmem_shared>>)
        tpu.yield
      }) : () -> ()
      %add3A_267 = arith.constant 2 : i32
      %add3A_268 = arith.addi %add3A_253, %add3A_267 : i32
      %lt3A_269 = arith.constant 25 : i32
      %lt3A_270 = arith.cmpi slt, %add3A_268, %lt3A_269 : i32
      %convert_element_type3A_271 = arith.extui %lt3A_270 : i1 to i32
      %cond3A_272 = arith.constant 0 : i32
      %cond3A_273 = arith.cmpi ne, %convert_element_type3A_271, %cond3A_272 : i32
      scf.if %cond3A_273 {
        %add3A_281 = arith.constant 2 : i32
        %add3A_282 = arith.addi %add3A_253, %add3A_281 : i32
        %dma_start3A_283 = arith.constant 0 : i32
        %dma_start3A_284 = tpu.memref_slice %arg6[%add3A_282, %dma_start3A_283] : memref<25x80xi32, #tpu.memory_space<vmem>> -> memref<1x80xi32, #tpu.memory_space<vmem>>
        %dma_start3A_285 = tpu.memref_squeeze %dma_start3A_284 : memref<1x80xi32, #tpu.memory_space<vmem>> -> memref<80xi32, #tpu.memory_space<vmem>>
        %dma_start3A_286 = arith.constant 0 : i32
        %dma_start3A_287 = arith.constant 0 : i32
        %dma_start3A_288 = tpu.memref_slice %arg2[%dma_start3A_286, %dma_start3A_287] : memref<10000x128xf32, #tpu.memory_space<hbm>> -> memref<10000x128xf32, #tpu.memory_space<hbm>>
        tpu.enqueue_indirect_dma source(%dma_start3A_288 : memref<10000x128xf32, #tpu.memory_space<hbm>>) target(%arg10 : memref<80x128xf32, #tpu.memory_space<vmem>>) offsets(%dma_start3A_285 : memref<80xi32, #tpu.memory_space<vmem>>) semaphore(%arg13 : memref<!tpu.dma_semaphore, #tpu.memory_space<semaphore_mem>>)
      } else {
      }
      %add3A_274 = arith.constant 1 : i32
      %add3A_275 = arith.addi %add3A_253, %add3A_274 : i32
      %lt3A_276 = arith.constant 25 : i32
      %lt3A_277 = arith.cmpi slt, %add3A_275, %lt3A_276 : i32
      %convert_element_type3A_278 = arith.extui %lt3A_277 : i1 to i32
      %cond3A_279 = arith.constant 0 : i32
      %cond3A_280 = arith.cmpi ne, %convert_element_type3A_278, %cond3A_279 : i32
      scf.if %cond3A_280 {
        %add3A_281 = arith.constant 1 : i32
        %add3A_282 = arith.addi %add3A_253, %add3A_281 : i32
        %dma_wait3A_283 = arith.constant 0 : i32
        %dma_wait3A_284 = tpu.memref_slice %arg6[%add3A_282, %dma_wait3A_283] : memref<25x80xi32, #tpu.memory_space<vmem>> -> memref<1x80xi32, #tpu.memory_space<vmem>>
        %dma_wait3A_285 = tpu.memref_squeeze %dma_wait3A_284 : memref<1x80xi32, #tpu.memory_space<vmem>> -> memref<80xi32, #tpu.memory_space<vmem>>
        %dma_wait3A_286 = arith.constant 0 : i32
        %dma_wait3A_287 = arith.constant 0 : i32
        %dma_wait3A_288 = tpu.memref_slice %arg2[%dma_wait3A_286, %dma_wait3A_287] : memref<10000x128xf32, #tpu.memory_space<hbm>> -> memref<10000x128xf32, #tpu.memory_space<hbm>>
        tpu.wait_indirect_dma semaphore(%arg14 : memref<!tpu.dma_semaphore, #tpu.memory_space<semaphore_mem>>) src(%dma_wait3A_288 : memref<10000x128xf32, #tpu.memory_space<hbm>>) dst(%arg11 : memref<80x128xf32, #tpu.memory_space<vmem>>)
        %add3A_289 = arith.constant 1 : i32
        %add3A_290 = arith.addi %add3A_253, %add3A_289 : i32
        "tpu.region"() ({
          %run_scoped3A = tpu.sem_alloc : memref<!tpu.dma_semaphore, #tpu.memory_space<semaphore_mem>>
          %dma_start3A_291 = arith.constant 0 : i32
          %dma_start3A_292 = tpu.memref_slice %arg7[%add3A_290, %dma_start3A_291] : memref<25x80xi32, #tpu.memory_space<vmem>> -> memref<1x80xi32, #tpu.memory_space<vmem>>
          %dma_start3A_293 = tpu.memref_squeeze %dma_start3A_292 : memref<1x80xi32, #tpu.memory_space<vmem>> -> memref<80xi32, #tpu.memory_space<vmem>>
          %dma_start3A_294 = arith.constant 0 : i32
          %dma_start3A_295 = arith.constant 0 : i32
          %dma_start3A_296 = tpu.memref_slice %arg12[%dma_start3A_294, %dma_start3A_295] : memref<10240x128xf32, #tpu.memory_space<vmem_shared>> -> memref<10240x128xf32, #tpu.memory_space<vmem_shared>>
          tpu.enqueue_indirect_dma source(%arg11 : memref<80x128xf32, #tpu.memory_space<vmem>>) target(%dma_start3A_296 : memref<10240x128xf32, #tpu.memory_space<vmem_shared>>) offsets(%dma_start3A_293 : memref<80xi32, #tpu.memory_space<vmem>>) semaphore(%run_scoped3A : memref<!tpu.dma_semaphore, #tpu.memory_space<semaphore_mem>>) {add = true}
          %dma_wait3A_297 = arith.constant 0 : i32
          %dma_wait3A_298 = tpu.memref_slice %arg7[%add3A_290, %dma_wait3A_297] : memref<25x80xi32, #tpu.memory_space<vmem>> -> memref<1x80xi32, #tpu.memory_space<vmem>>
          %dma_wait3A_299 = tpu.memref_squeeze %dma_wait3A_298 : memref<1x80xi32, #tpu.memory_space<vmem>> -> memref<80xi32, #tpu.memory_space<vmem>>
          %dma_wait3A_300 = arith.constant 0 : i32
          %dma_wait3A_301 = arith.constant 0 : i32
          %dma_wait3A_302 = tpu.memref_slice %arg12[%dma_wait3A_300, %dma_wait3A_301] : memref<10240x128xf32, #tpu.memory_space<vmem_shared>> -> memref<10240x128xf32, #tpu.memory_space<vmem_shared>>
          tpu.wait_indirect_dma semaphore(%run_scoped3A : memref<!tpu.dma_semaphore, #tpu.memory_space<semaphore_mem>>) src(%arg11 : memref<80x128xf32, #tpu.memory_space<vmem>>) dst(%dma_wait3A_302 : memref<10240x128xf32, #tpu.memory_space<vmem_shared>>)
          tpu.yield
        }) : () -> ()
      } else {
      }
    }
    %scan3A_243 = arith.constant 13 : i32
    %barrier3A_244 = arith.constant 0 : index
    tpu.barrier barrier_id(%barrier3A_244)
    %mul3A_245 = arith.constant 640 : i32
    %mul3A_246 = arith.muli %arg1, %mul3A_245 : i32
    %mul3A_247 = arith.constant 640 : i32
    %mul3A_248 = arith.muli %arg1, %mul3A_247 : i32
    "tpu.region"() ({
      %run_scoped3A = tpu.sem_alloc : memref<!tpu.dma_semaphore, #tpu.memory_space<semaphore_mem>>
      %dma_start3A_249 = arith.constant 0 : i32
      %dma_start3A_250 = tpu.memref_slice %arg5[%arg0, %mul3A_248, %dma_start3A_249] : memref<2x10240x128xf32, #tpu.memory_space<hbm>> -> memref<1x640x128xf32, #tpu.memory_space<hbm>>
      %dma_start3A_251 = tpu.memref_squeeze %dma_start3A_250 : memref<1x640x128xf32, #tpu.memory_space<hbm>> -> memref<640x128xf32, #tpu.memory_space<hbm>>
      %dma_start3A_252 = arith.constant 0 : i32
      %dma_start3A_253 = tpu.memref_slice %arg12[%mul3A_246, %dma_start3A_252] : memref<10240x128xf32, #tpu.memory_space<vmem_shared>> -> memref<640x128xf32, #tpu.memory_space<vmem_shared>>
      tpu.enqueue_dma source(%dma_start3A_253 : memref<640x128xf32, #tpu.memory_space<vmem_shared>>) target(%dma_start3A_251 : memref<640x128xf32, #tpu.memory_space<hbm>>) target_semaphore(%run_scoped3A : memref<!tpu.dma_semaphore, #tpu.memory_space<semaphore_mem>>)
      %dma_wait3A_254 = arith.constant 0 : i32
      %dma_wait3A_255 = tpu.memref_slice %arg5[%arg0, %mul3A_248, %dma_wait3A_254] : memref<2x10240x128xf32, #tpu.memory_space<hbm>> -> memref<1x640x128xf32, #tpu.memory_space<hbm>>
      %dma_wait3A_256 = tpu.memref_squeeze %dma_wait3A_255 : memref<1x640x128xf32, #tpu.memory_space<hbm>> -> memref<640x128xf32, #tpu.memory_space<hbm>>
      %dma_wait3A_257 = arith.constant 0 : i32
      %dma_wait3A_258 = tpu.memref_slice %arg12[%mul3A_246, %dma_wait3A_257] : memref<10240x128xf32, #tpu.memory_space<vmem_shared>> -> memref<640x128xf32, #tpu.memory_space<vmem_shared>>
      tpu.wait_dma2 semaphore(%run_scoped3A : memref<!tpu.dma_semaphore, #tpu.memory_space<semaphore_mem>>) src(%dma_wait3A_258 : memref<640x128xf32, #tpu.memory_space<vmem_shared>>) dst(%dma_wait3A_256 : memref<640x128xf32, #tpu.memory_space<hbm>>)
      tpu.yield
    }) : () -> ()
    return
  }
}

#map = affine_map<(d0, d1) -> (0, 0)>
#map1 = affine_map<(d0, d1) -> (0, 0, 0, 0)>
#map2 = affine_map<(d0, d1) -> (0, 0, 0)>
module attributes {stable_mosaic.version = 14 : i64} {
  func.func @_rows_body(%arg0: i32, %arg1: i32, %arg2: memref<10000x128xf32, #tpu.memory_space<hbm>>, %arg3: memref<32x5x25x80xi32, #tpu.memory_space<hbm>>, %arg4: memref<32x5x25x80xi32, #tpu.memory_space<hbm>>, %arg5: memref<2x10240x128xf32, #tpu.memory_space<hbm>>, %arg6: memref<25x80xi32, #tpu.memory_space<vmem>>, %arg7: memref<25x80xi32, #tpu.memory_space<vmem>>, %arg8: memref<25x80xi32, #tpu.memory_space<vmem>>, %arg9: memref<25x80xi32, #tpu.memory_space<vmem>>, %arg10: memref<80x128xf32, #tpu.memory_space<vmem>>, %arg11: memref<80x128xf32, #tpu.memory_space<vmem>>, %arg12: memref<10240x128xf32, #tpu.memory_space<vmem_shared>>, %arg13: memref<!tpu.dma_semaphore, #tpu.memory_space<semaphore_mem>>, %arg14: memref<!tpu.dma_semaphore, #tpu.memory_space<semaphore_mem>>, %arg15: memref<!tpu.dma_semaphore, #tpu.memory_space<semaphore_mem>>) attributes {dimension_semantics = [#tpu.dimension_semantics<core_parallel>, #tpu.dimension_semantics<subcore_parallel>], iteration_bounds = array<i64: 2, 16>, scalar_prefetch = 0 : i64, scratch_operands = 10 : i64, tpu.core_type = #tpu.core_type<sc_vector_subcore>, window_params = [{transform_indices = #map}, {transform_indices = #map1}, {transform_indices = #map1}, {transform_indices = #map2}]} {
    %mul3A = arith.constant 2 : i32
    %mul3A_0 = arith.muli %arg1, %mul3A : i32
    %add3A = arith.addi %mul3A_0, %arg0 : i32
    %lt3A = arith.constant 15 : i32
    %lt3A_1 = arith.cmpi slt, %arg1, %lt3A : i32
    %convert_element_type3A = arith.extui %lt3A_1 : i1 to i32
    %cond3A = arith.constant 0 : i32
    %cond3A_2 = arith.cmpi ne, %convert_element_type3A, %cond3A : i32
    scf.if %cond3A_2 {
      %mul3A_249 = arith.constant 640 : i32
      %mul3A_250 = arith.muli %arg1, %mul3A_249 : i32
      %mul3A_251 = arith.constant 640 : i32
      %mul3A_252 = arith.muli %arg1, %mul3A_251 : i32
      "tpu.region"() ({
        %run_scoped3A = tpu.sem_alloc : memref<!tpu.dma_semaphore, #tpu.memory_space<semaphore_mem>>
        %dma_start3A_253 = arith.constant 0 : i32
        %dma_start3A_254 = tpu.memref_slice %arg12[%mul3A_252, %dma_start3A_253] : memref<10240x128xf32, #tpu.memory_space<vmem_shared>> -> memref<640x128xf32, #tpu.memory_space<vmem_shared>>
        %dma_start3A_255 = arith.constant 0 : i32
        %dma_start3A_256 = tpu.memref_slice %arg2[%mul3A_250, %dma_start3A_255] : memref<10000x128xf32, #tpu.memory_space<hbm>> -> memref<640x128xf32, #tpu.memory_space<hbm>>
        tpu.enqueue_dma source(%dma_start3A_256 : memref<640x128xf32, #tpu.memory_space<hbm>>) target(%dma_start3A_254 : memref<640x128xf32, #tpu.memory_space<vmem_shared>>) target_semaphore(%run_scoped3A : memref<!tpu.dma_semaphore, #tpu.memory_space<semaphore_mem>>)
        %dma_wait3A_257 = arith.constant 0 : i32
        %dma_wait3A_258 = tpu.memref_slice %arg12[%mul3A_252, %dma_wait3A_257] : memref<10240x128xf32, #tpu.memory_space<vmem_shared>> -> memref<640x128xf32, #tpu.memory_space<vmem_shared>>
        %dma_wait3A_259 = arith.constant 0 : i32
        %dma_wait3A_260 = tpu.memref_slice %arg2[%mul3A_250, %dma_wait3A_259] : memref<10000x128xf32, #tpu.memory_space<hbm>> -> memref<640x128xf32, #tpu.memory_space<hbm>>
        tpu.wait_dma2 semaphore(%run_scoped3A : memref<!tpu.dma_semaphore, #tpu.memory_space<semaphore_mem>>) src(%dma_wait3A_260 : memref<640x128xf32, #tpu.memory_space<hbm>>) dst(%dma_wait3A_258 : memref<640x128xf32, #tpu.memory_space<vmem_shared>>)
        tpu.yield
      }) : () -> ()
    } else {
    }
    %eq3A = arith.constant 15 : i32
    %eq3A_3 = arith.cmpi eq, %arg1, %eq3A : i32
    %convert_element_type3A_4 = arith.extui %eq3A_3 : i1 to i32
    %cond3A_5 = arith.constant 0 : i32
    %cond3A_6 = arith.cmpi ne, %convert_element_type3A_4, %cond3A_5 : i32
    scf.if %cond3A_6 {
      "tpu.region"() ({
        %run_scoped3A = tpu.sem_alloc : memref<!tpu.dma_semaphore, #tpu.memory_space<semaphore_mem>>
        %dma_start3A_249 = arith.constant 9600 : i32
        %dma_start3A_250 = arith.constant 0 : i32
        %dma_start3A_251 = tpu.memref_slice %arg12[%dma_start3A_249, %dma_start3A_250] : memref<10240x128xf32, #tpu.memory_space<vmem_shared>> -> memref<400x128xf32, #tpu.memory_space<vmem_shared>>
        %dma_start3A_252 = arith.constant 9600 : i32
        %dma_start3A_253 = arith.constant 0 : i32
        %dma_start3A_254 = tpu.memref_slice %arg2[%dma_start3A_252, %dma_start3A_253] : memref<10000x128xf32, #tpu.memory_space<hbm>> -> memref<400x128xf32, #tpu.memory_space<hbm>>
        tpu.enqueue_dma source(%dma_start3A_254 : memref<400x128xf32, #tpu.memory_space<hbm>>) target(%dma_start3A_251 : memref<400x128xf32, #tpu.memory_space<vmem_shared>>) target_semaphore(%run_scoped3A : memref<!tpu.dma_semaphore, #tpu.memory_space<semaphore_mem>>)
        %dma_wait3A_255 = arith.constant 9600 : i32
        %dma_wait3A_256 = arith.constant 0 : i32
        %dma_wait3A_257 = tpu.memref_slice %arg12[%dma_wait3A_255, %dma_wait3A_256] : memref<10240x128xf32, #tpu.memory_space<vmem_shared>> -> memref<400x128xf32, #tpu.memory_space<vmem_shared>>
        %dma_wait3A_258 = arith.constant 9600 : i32
        %dma_wait3A_259 = arith.constant 0 : i32
        %dma_wait3A_260 = tpu.memref_slice %arg2[%dma_wait3A_258, %dma_wait3A_259] : memref<10000x128xf32, #tpu.memory_space<hbm>> -> memref<400x128xf32, #tpu.memory_space<hbm>>
        tpu.wait_dma2 semaphore(%run_scoped3A : memref<!tpu.dma_semaphore, #tpu.memory_space<semaphore_mem>>) src(%dma_wait3A_260 : memref<400x128xf32, #tpu.memory_space<hbm>>) dst(%dma_wait3A_257 : memref<400x128xf32, #tpu.memory_space<vmem_shared>>)
        tpu.yield
      }) : () -> ()
    } else {
    }
    %barrier3A = arith.constant 0 : index
    tpu.barrier barrier_id(%barrier3A)
    %dma_start3A = arith.constant 0 : i32
    %dma_start3A_7 = arith.constant 0 : i32
    %dma_start3A_8 = arith.constant 0 : i32
    %dma_start3A_9 = tpu.memref_slice %arg3[%add3A, %dma_start3A, %dma_start3A_7, %dma_start3A_8] : memref<32x5x25x80xi32, #tpu.memory_space<hbm>> -> memref<1x1x25x80xi32, #tpu.memory_space<hbm>>
    %dma_start3A_10 = tpu.memref_squeeze %dma_start3A_9 : memref<1x1x25x80xi32, #tpu.memory_space<hbm>> -> memref<25x80xi32, #tpu.memory_space<hbm>>
    %dma_start3A_11 = arith.constant 0 : i32
    %dma_start3A_12 = arith.constant 0 : i32
    %dma_start3A_13 = tpu.memref_slice %arg3[%add3A, %dma_start3A, %dma_start3A_11, %dma_start3A_12] : memref<32x5x25x80xi32, #tpu.memory_space<hbm>> -> memref<1x1x25x80xi32, #tpu.memory_space<hbm>>
    %dma_start3A_14 = tpu.memref_squeeze %dma_start3A_13 : memref<1x1x25x80xi32, #tpu.memory_space<hbm>> -> memref<25x80xi32, #tpu.memory_space<hbm>>
    tpu.enqueue_dma source(%dma_start3A_14 : memref<25x80xi32, #tpu.memory_space<hbm>>) target(%arg6 : memref<25x80xi32, #tpu.memory_space<vmem>>) target_semaphore(%arg15 : memref<!tpu.dma_semaphore, #tpu.memory_space<semaphore_mem>>)
    %dma_start3A_15 = arith.constant 0 : i32
    %dma_start3A_16 = arith.constant 0 : i32
    %dma_start3A_17 = arith.constant 0 : i32
    %dma_start3A_18 = tpu.memref_slice %arg4[%add3A, %dma_start3A_15, %dma_start3A_16, %dma_start3A_17] : memref<32x5x25x80xi32, #tpu.memory_space<hbm>> -> memref<1x1x25x80xi32, #tpu.memory_space<hbm>>
    %dma_start3A_19 = tpu.memref_squeeze %dma_start3A_18 : memref<1x1x25x80xi32, #tpu.memory_space<hbm>> -> memref<25x80xi32, #tpu.memory_space<hbm>>
    %dma_start3A_20 = arith.constant 0 : i32
    %dma_start3A_21 = arith.constant 0 : i32
    %dma_start3A_22 = tpu.memref_slice %arg4[%add3A, %dma_start3A_15, %dma_start3A_20, %dma_start3A_21] : memref<32x5x25x80xi32, #tpu.memory_space<hbm>> -> memref<1x1x25x80xi32, #tpu.memory_space<hbm>>
    %dma_start3A_23 = tpu.memref_squeeze %dma_start3A_22 : memref<1x1x25x80xi32, #tpu.memory_space<hbm>> -> memref<25x80xi32, #tpu.memory_space<hbm>>
    tpu.enqueue_dma source(%dma_start3A_23 : memref<25x80xi32, #tpu.memory_space<hbm>>) target(%arg7 : memref<25x80xi32, #tpu.memory_space<vmem>>) target_semaphore(%arg15 : memref<!tpu.dma_semaphore, #tpu.memory_space<semaphore_mem>>)
    %dma_wait3A = arith.constant 0 : i32
    %dma_wait3A_24 = arith.constant 0 : i32
    %dma_wait3A_25 = arith.constant 0 : i32
    %dma_wait3A_26 = tpu.memref_slice %arg3[%add3A, %dma_wait3A, %dma_wait3A_24, %dma_wait3A_25] : memref<32x5x25x80xi32, #tpu.memory_space<hbm>> -> memref<1x1x25x80xi32, #tpu.memory_space<hbm>>
    %dma_wait3A_27 = tpu.memref_squeeze %dma_wait3A_26 : memref<1x1x25x80xi32, #tpu.memory_space<hbm>> -> memref<25x80xi32, #tpu.memory_space<hbm>>
    %dma_wait3A_28 = arith.constant 0 : i32
    %dma_wait3A_29 = arith.constant 0 : i32
    %dma_wait3A_30 = tpu.memref_slice %arg3[%add3A, %dma_wait3A, %dma_wait3A_28, %dma_wait3A_29] : memref<32x5x25x80xi32, #tpu.memory_space<hbm>> -> memref<1x1x25x80xi32, #tpu.memory_space<hbm>>
    %dma_wait3A_31 = tpu.memref_squeeze %dma_wait3A_30 : memref<1x1x25x80xi32, #tpu.memory_space<hbm>> -> memref<25x80xi32, #tpu.memory_space<hbm>>
    tpu.wait_dma2 semaphore(%arg15 : memref<!tpu.dma_semaphore, #tpu.memory_space<semaphore_mem>>) src(%dma_wait3A_31 : memref<25x80xi32, #tpu.memory_space<hbm>>) dst(%arg6 : memref<25x80xi32, #tpu.memory_space<vmem>>)
    %dma_wait3A_32 = arith.constant 0 : i32
    %dma_wait3A_33 = arith.constant 0 : i32
    %dma_wait3A_34 = arith.constant 0 : i32
    %dma_wait3A_35 = tpu.memref_slice %arg4[%add3A, %dma_wait3A_32, %dma_wait3A_33, %dma_wait3A_34] : memref<32x5x25x80xi32, #tpu.memory_space<hbm>> -> memref<1x1x25x80xi32, #tpu.memory_space<hbm>>
    %dma_wait3A_36 = tpu.memref_squeeze %dma_wait3A_35 : memref<1x1x25x80xi32, #tpu.memory_space<hbm>> -> memref<25x80xi32, #tpu.memory_space<hbm>>
    %dma_wait3A_37 = arith.constant 0 : i32
    %dma_wait3A_38 = arith.constant 0 : i32
    %dma_wait3A_39 = tpu.memref_slice %arg4[%add3A, %dma_wait3A_32, %dma_wait3A_37, %dma_wait3A_38] : memref<32x5x25x80xi32, #tpu.memory_space<hbm>> -> memref<1x1x25x80xi32, #tpu.memory_space<hbm>>
    %dma_wait3A_40 = tpu.memref_squeeze %dma_wait3A_39 : memref<1x1x25x80xi32, #tpu.memory_space<hbm>> -> memref<25x80xi32, #tpu.memory_space<hbm>>
    tpu.wait_dma2 semaphore(%arg15 : memref<!tpu.dma_semaphore, #tpu.memory_space<semaphore_mem>>) src(%dma_wait3A_40 : memref<25x80xi32, #tpu.memory_space<hbm>>) dst(%arg7 : memref<25x80xi32, #tpu.memory_space<vmem>>)
    %dma_start3A_41 = arith.constant 1 : i32
    %dma_start3A_42 = arith.constant 0 : i32
    %dma_start3A_43 = arith.constant 0 : i32
    %dma_start3A_44 = tpu.memref_slice %arg3[%add3A, %dma_start3A_41, %dma_start3A_42, %dma_start3A_43] : memref<32x5x25x80xi32, #tpu.memory_space<hbm>> -> memref<1x1x25x80xi32, #tpu.memory_space<hbm>>
    %dma_start3A_45 = tpu.memref_squeeze %dma_start3A_44 : memref<1x1x25x80xi32, #tpu.memory_space<hbm>> -> memref<25x80xi32, #tpu.memory_space<hbm>>
    %dma_start3A_46 = arith.constant 0 : i32
    %dma_start3A_47 = arith.constant 0 : i32
    %dma_start3A_48 = tpu.memref_slice %arg3[%add3A, %dma_start3A_41, %dma_start3A_46, %dma_start3A_47] : memref<32x5x25x80xi32, #tpu.memory_space<hbm>> -> memref<1x1x25x80xi32, #tpu.memory_space<hbm>>
    %dma_start3A_49 = tpu.memref_squeeze %dma_start3A_48 : memref<1x1x25x80xi32, #tpu.memory_space<hbm>> -> memref<25x80xi32, #tpu.memory_space<hbm>>
    tpu.enqueue_dma source(%dma_start3A_49 : memref<25x80xi32, #tpu.memory_space<hbm>>) target(%arg8 : memref<25x80xi32, #tpu.memory_space<vmem>>) target_semaphore(%arg15 : memref<!tpu.dma_semaphore, #tpu.memory_space<semaphore_mem>>)
    %dma_start3A_50 = arith.constant 1 : i32
    %dma_start3A_51 = arith.constant 0 : i32
    %dma_start3A_52 = arith.constant 0 : i32
    %dma_start3A_53 = tpu.memref_slice %arg4[%add3A, %dma_start3A_50, %dma_start3A_51, %dma_start3A_52] : memref<32x5x25x80xi32, #tpu.memory_space<hbm>> -> memref<1x1x25x80xi32, #tpu.memory_space<hbm>>
    %dma_start3A_54 = tpu.memref_squeeze %dma_start3A_53 : memref<1x1x25x80xi32, #tpu.memory_space<hbm>> -> memref<25x80xi32, #tpu.memory_space<hbm>>
    %dma_start3A_55 = arith.constant 0 : i32
    %dma_start3A_56 = arith.constant 0 : i32
    %dma_start3A_57 = tpu.memref_slice %arg4[%add3A, %dma_start3A_50, %dma_start3A_55, %dma_start3A_56] : memref<32x5x25x80xi32, #tpu.memory_space<hbm>> -> memref<1x1x25x80xi32, #tpu.memory_space<hbm>>
    %dma_start3A_58 = tpu.memref_squeeze %dma_start3A_57 : memref<1x1x25x80xi32, #tpu.memory_space<hbm>> -> memref<25x80xi32, #tpu.memory_space<hbm>>
    tpu.enqueue_dma source(%dma_start3A_58 : memref<25x80xi32, #tpu.memory_space<hbm>>) target(%arg9 : memref<25x80xi32, #tpu.memory_space<vmem>>) target_semaphore(%arg15 : memref<!tpu.dma_semaphore, #tpu.memory_space<semaphore_mem>>)
    %dma_start3A_59 = arith.constant 0 : i32
    %dma_start3A_60 = arith.constant 0 : i32
    %dma_start3A_61 = tpu.memref_slice %arg6[%dma_start3A_59, %dma_start3A_60] : memref<25x80xi32, #tpu.memory_space<vmem>> -> memref<1x80xi32, #tpu.memory_space<vmem>>
    %dma_start3A_62 = tpu.memref_squeeze %dma_start3A_61 : memref<1x80xi32, #tpu.memory_space<vmem>> -> memref<80xi32, #tpu.memory_space<vmem>>
    %dma_start3A_63 = arith.constant 0 : i32
    %dma_start3A_64 = arith.constant 0 : i32
    %dma_start3A_65 = tpu.memref_slice %arg2[%dma_start3A_63, %dma_start3A_64] : memref<10000x128xf32, #tpu.memory_space<hbm>> -> memref<10000x128xf32, #tpu.memory_space<hbm>>
    tpu.enqueue_indirect_dma source(%dma_start3A_65 : memref<10000x128xf32, #tpu.memory_space<hbm>>) target(%arg10 : memref<80x128xf32, #tpu.memory_space<vmem>>) offsets(%dma_start3A_62 : memref<80xi32, #tpu.memory_space<vmem>>) semaphore(%arg13 : memref<!tpu.dma_semaphore, #tpu.memory_space<semaphore_mem>>)
    %scan3A = arith.constant 0 : i32
    %scan3A_66 = arith.constant 13 : i32
    %scan3A_67 = arith.addi %scan3A, %scan3A_66 : i32
    %scan3A_68 = arith.constant 1 : i32
    scf.for %scan3A_249 = %scan3A to %scan3A_67 step %scan3A_68  : i32 {
      %mul3A_250 = arith.constant 2 : i32
      %mul3A_251 = arith.muli %scan3A_249, %mul3A_250 : i32
      %add3A_252 = arith.constant 0 : i32
      %add3A_253 = arith.addi %add3A_252, %mul3A_251 : i32
      %add3A_254 = arith.constant 1 : i32
      %add3A_255 = arith.addi %add3A_253, %add3A_254 : i32
      %lt3A_256 = arith.constant 25 : i32
      %lt3A_257 = arith.cmpi slt, %add3A_255, %lt3A_256 : i32
      %convert_element_type3A_258 = arith.extui %lt3A_257 : i1 to i32
      %cond3A_259 = arith.constant 0 : i32
      %cond3A_260 = arith.cmpi ne, %convert_element_type3A_258, %cond3A_259 : i32
      scf.if %cond3A_260 {
        %add3A_281 = arith.constant 1 : i32
        %add3A_282 = arith.addi %add3A_253, %add3A_281 : i32
        %dma_start3A_283 = arith.constant 0 : i32
        %dma_start3A_284 = tpu.memref_slice %arg6[%add3A_282, %dma_start3A_283] : memref<25x80xi32, #tpu.memory_space<vmem>> -> memref<1x80xi32, #tpu.memory_space<vmem>>
        %dma_start3A_285 = tpu.memref_squeeze %dma_start3A_284 : memref<1x80xi32, #tpu.memory_space<vmem>> -> memref<80xi32, #tpu.memory_space<vmem>>
        %dma_start3A_286 = arith.constant 0 : i32
        %dma_start3A_287 = arith.constant 0 : i32
        %dma_start3A_288 = tpu.memref_slice %arg2[%dma_start3A_286, %dma_start3A_287] : memref<10000x128xf32, #tpu.memory_space<hbm>> -> memref<10000x128xf32, #tpu.memory_space<hbm>>
        tpu.enqueue_indirect_dma source(%dma_start3A_288 : memref<10000x128xf32, #tpu.memory_space<hbm>>) target(%arg11 : memref<80x128xf32, #tpu.memory_space<vmem>>) offsets(%dma_start3A_285 : memref<80xi32, #tpu.memory_space<vmem>>) semaphore(%arg14 : memref<!tpu.dma_semaphore, #tpu.memory_space<semaphore_mem>>)
      } else {
      }
      %dma_wait3A_261 = arith.constant 0 : i32
      %dma_wait3A_262 = tpu.memref_slice %arg6[%add3A_253, %dma_wait3A_261] : memref<25x80xi32, #tpu.memory_space<vmem>> -> memref<1x80xi32, #tpu.memory_space<vmem>>
      %dma_wait3A_263 = tpu.memref_squeeze %dma_wait3A_262 : memref<1x80xi32, #tpu.memory_space<vmem>> -> memref<80xi32, #tpu.memory_space<vmem>>
      %dma_wait3A_264 = arith.constant 0 : i32
      %dma_wait3A_265 = arith.constant 0 : i32
      %dma_wait3A_266 = tpu.memref_slice %arg2[%dma_wait3A_264, %dma_wait3A_265] : memref<10000x128xf32, #tpu.memory_space<hbm>> -> memref<10000x128xf32, #tpu.memory_space<hbm>>
      tpu.wait_indirect_dma semaphore(%arg13 : memref<!tpu.dma_semaphore, #tpu.memory_space<semaphore_mem>>) src(%dma_wait3A_266 : memref<10000x128xf32, #tpu.memory_space<hbm>>) dst(%arg10 : memref<80x128xf32, #tpu.memory_space<vmem>>)
      "tpu.region"() ({
        %run_scoped3A = tpu.sem_alloc : memref<!tpu.dma_semaphore, #tpu.memory_space<semaphore_mem>>
        %dma_start3A_281 = arith.constant 0 : i32
        %dma_start3A_282 = tpu.memref_slice %arg7[%add3A_253, %dma_start3A_281] : memref<25x80xi32, #tpu.memory_space<vmem>> -> memref<1x80xi32, #tpu.memory_space<vmem>>
        %dma_start3A_283 = tpu.memref_squeeze %dma_start3A_282 : memref<1x80xi32, #tpu.memory_space<vmem>> -> memref<80xi32, #tpu.memory_space<vmem>>
        %dma_start3A_284 = arith.constant 0 : i32
        %dma_start3A_285 = arith.constant 0 : i32
        %dma_start3A_286 = tpu.memref_slice %arg12[%dma_start3A_284, %dma_start3A_285] : memref<10240x128xf32, #tpu.memory_space<vmem_shared>> -> memref<10240x128xf32, #tpu.memory_space<vmem_shared>>
        tpu.enqueue_indirect_dma source(%arg10 : memref<80x128xf32, #tpu.memory_space<vmem>>) target(%dma_start3A_286 : memref<10240x128xf32, #tpu.memory_space<vmem_shared>>) offsets(%dma_start3A_283 : memref<80xi32, #tpu.memory_space<vmem>>) semaphore(%run_scoped3A : memref<!tpu.dma_semaphore, #tpu.memory_space<semaphore_mem>>) {add = true}
        %dma_wait3A_287 = arith.constant 0 : i32
        %dma_wait3A_288 = tpu.memref_slice %arg7[%add3A_253, %dma_wait3A_287] : memref<25x80xi32, #tpu.memory_space<vmem>> -> memref<1x80xi32, #tpu.memory_space<vmem>>
        %dma_wait3A_289 = tpu.memref_squeeze %dma_wait3A_288 : memref<1x80xi32, #tpu.memory_space<vmem>> -> memref<80xi32, #tpu.memory_space<vmem>>
        %dma_wait3A_290 = arith.constant 0 : i32
        %dma_wait3A_291 = arith.constant 0 : i32
        %dma_wait3A_292 = tpu.memref_slice %arg12[%dma_wait3A_290, %dma_wait3A_291] : memref<10240x128xf32, #tpu.memory_space<vmem_shared>> -> memref<10240x128xf32, #tpu.memory_space<vmem_shared>>
        tpu.wait_indirect_dma semaphore(%run_scoped3A : memref<!tpu.dma_semaphore, #tpu.memory_space<semaphore_mem>>) src(%arg10 : memref<80x128xf32, #tpu.memory_space<vmem>>) dst(%dma_wait3A_292 : memref<10240x128xf32, #tpu.memory_space<vmem_shared>>)
        tpu.yield
      }) : () -> ()
      %add3A_267 = arith.constant 2 : i32
      %add3A_268 = arith.addi %add3A_253, %add3A_267 : i32
      %lt3A_269 = arith.constant 25 : i32
      %lt3A_270 = arith.cmpi slt, %add3A_268, %lt3A_269 : i32
      %convert_element_type3A_271 = arith.extui %lt3A_270 : i1 to i32
      %cond3A_272 = arith.constant 0 : i32
      %cond3A_273 = arith.cmpi ne, %convert_element_type3A_271, %cond3A_272 : i32
      scf.if %cond3A_273 {
        %add3A_281 = arith.constant 2 : i32
        %add3A_282 = arith.addi %add3A_253, %add3A_281 : i32
        %dma_start3A_283 = arith.constant 0 : i32
        %dma_start3A_284 = tpu.memref_slice %arg6[%add3A_282, %dma_start3A_283] : memref<25x80xi32, #tpu.memory_space<vmem>> -> memref<1x80xi32, #tpu.memory_space<vmem>>
        %dma_start3A_285 = tpu.memref_squeeze %dma_start3A_284 : memref<1x80xi32, #tpu.memory_space<vmem>> -> memref<80xi32, #tpu.memory_space<vmem>>
        %dma_start3A_286 = arith.constant 0 : i32
        %dma_start3A_287 = arith.constant 0 : i32
        %dma_start3A_288 = tpu.memref_slice %arg2[%dma_start3A_286, %dma_start3A_287] : memref<10000x128xf32, #tpu.memory_space<hbm>> -> memref<10000x128xf32, #tpu.memory_space<hbm>>
        tpu.enqueue_indirect_dma source(%dma_start3A_288 : memref<10000x128xf32, #tpu.memory_space<hbm>>) target(%arg10 : memref<80x128xf32, #tpu.memory_space<vmem>>) offsets(%dma_start3A_285 : memref<80xi32, #tpu.memory_space<vmem>>) semaphore(%arg13 : memref<!tpu.dma_semaphore, #tpu.memory_space<semaphore_mem>>)
      } else {
      }
      %add3A_274 = arith.constant 1 : i32
      %add3A_275 = arith.addi %add3A_253, %add3A_274 : i32
      %lt3A_276 = arith.constant 25 : i32
      %lt3A_277 = arith.cmpi slt, %add3A_275, %lt3A_276 : i32
      %convert_element_type3A_278 = arith.extui %lt3A_277 : i1 to i32
      %cond3A_279 = arith.constant 0 : i32
      %cond3A_280 = arith.cmpi ne, %convert_element_type3A_278, %cond3A_279 : i32
      scf.if %cond3A_280 {
        %add3A_281 = arith.constant 1 : i32
        %add3A_282 = arith.addi %add3A_253, %add3A_281 : i32
        %dma_wait3A_283 = arith.constant 0 : i32
        %dma_wait3A_284 = tpu.memref_slice %arg6[%add3A_282, %dma_wait3A_283] : memref<25x80xi32, #tpu.memory_space<vmem>> -> memref<1x80xi32, #tpu.memory_space<vmem>>
        %dma_wait3A_285 = tpu.memref_squeeze %dma_wait3A_284 : memref<1x80xi32, #tpu.memory_space<vmem>> -> memref<80xi32, #tpu.memory_space<vmem>>
        %dma_wait3A_286 = arith.constant 0 : i32
        %dma_wait3A_287 = arith.constant 0 : i32
        %dma_wait3A_288 = tpu.memref_slice %arg2[%dma_wait3A_286, %dma_wait3A_287] : memref<10000x128xf32, #tpu.memory_space<hbm>> -> memref<10000x128xf32, #tpu.memory_space<hbm>>
        tpu.wait_indirect_dma semaphore(%arg14 : memref<!tpu.dma_semaphore, #tpu.memory_space<semaphore_mem>>) src(%dma_wait3A_288 : memref<10000x128xf32, #tpu.memory_space<hbm>>) dst(%arg11 : memref<80x128xf32, #tpu.memory_space<vmem>>)
        %add3A_289 = arith.constant 1 : i32
        %add3A_290 = arith.addi %add3A_253, %add3A_289 : i32
        "tpu.region"() ({
          %run_scoped3A = tpu.sem_alloc : memref<!tpu.dma_semaphore, #tpu.memory_space<semaphore_mem>>
          %dma_start3A_291 = arith.constant 0 : i32
          %dma_start3A_292 = tpu.memref_slice %arg7[%add3A_290, %dma_start3A_291] : memref<25x80xi32, #tpu.memory_space<vmem>> -> memref<1x80xi32, #tpu.memory_space<vmem>>
          %dma_start3A_293 = tpu.memref_squeeze %dma_start3A_292 : memref<1x80xi32, #tpu.memory_space<vmem>> -> memref<80xi32, #tpu.memory_space<vmem>>
          %dma_start3A_294 = arith.constant 0 : i32
          %dma_start3A_295 = arith.constant 0 : i32
          %dma_start3A_296 = tpu.memref_slice %arg12[%dma_start3A_294, %dma_start3A_295] : memref<10240x128xf32, #tpu.memory_space<vmem_shared>> -> memref<10240x128xf32, #tpu.memory_space<vmem_shared>>
          tpu.enqueue_indirect_dma source(%arg11 : memref<80x128xf32, #tpu.memory_space<vmem>>) target(%dma_start3A_296 : memref<10240x128xf32, #tpu.memory_space<vmem_shared>>) offsets(%dma_start3A_293 : memref<80xi32, #tpu.memory_space<vmem>>) semaphore(%run_scoped3A : memref<!tpu.dma_semaphore, #tpu.memory_space<semaphore_mem>>) {add = true}
          %dma_wait3A_297 = arith.constant 0 : i32
          %dma_wait3A_298 = tpu.memref_slice %arg7[%add3A_290, %dma_wait3A_297] : memref<25x80xi32, #tpu.memory_space<vmem>> -> memref<1x80xi32, #tpu.memory_space<vmem>>
          %dma_wait3A_299 = tpu.memref_squeeze %dma_wait3A_298 : memref<1x80xi32, #tpu.memory_space<vmem>> -> memref<80xi32, #tpu.memory_space<vmem>>
          %dma_wait3A_300 = arith.constant 0 : i32
          %dma_wait3A_301 = arith.constant 0 : i32
          %dma_wait3A_302 = tpu.memref_slice %arg12[%dma_wait3A_300, %dma_wait3A_301] : memref<10240x128xf32, #tpu.memory_space<vmem_shared>> -> memref<10240x128xf32, #tpu.memory_space<vmem_shared>>
          tpu.wait_indirect_dma semaphore(%run_scoped3A : memref<!tpu.dma_semaphore, #tpu.memory_space<semaphore_mem>>) src(%arg11 : memref<80x128xf32, #tpu.memory_space<vmem>>) dst(%dma_wait3A_302 : memref<10240x128xf32, #tpu.memory_space<vmem_shared>>)
          tpu.yield
        }) : () -> ()
      } else {
      }
    }
    %scan3A_69 = arith.constant 13 : i32
    %dma_wait3A_70 = arith.constant 1 : i32
    %dma_wait3A_71 = arith.constant 0 : i32
    %dma_wait3A_72 = arith.constant 0 : i32
    %dma_wait3A_73 = tpu.memref_slice %arg3[%add3A, %dma_wait3A_70, %dma_wait3A_71, %dma_wait3A_72] : memref<32x5x25x80xi32, #tpu.memory_space<hbm>> -> memref<1x1x25x80xi32, #tpu.memory_space<hbm>>
    %dma_wait3A_74 = tpu.memref_squeeze %dma_wait3A_73 : memref<1x1x25x80xi32, #tpu.memory_space<hbm>> -> memref<25x80xi32, #tpu.memory_space<hbm>>
    %dma_wait3A_75 = arith.constant 0 : i32
    %dma_wait3A_76 = arith.constant 0 : i32
    %dma_wait3A_77 = tpu.memref_slice %arg3[%add3A, %dma_wait3A_70, %dma_wait3A_75, %dma_wait3A_76] : memref<32x5x25x80xi32, #tpu.memory_space<hbm>> -> memref<1x1x25x80xi32, #tpu.memory_space<hbm>>
    %dma_wait3A_78 = tpu.memref_squeeze %dma_wait3A_77 : memref<1x1x25x80xi32, #tpu.memory_space<hbm>> -> memref<25x80xi32, #tpu.memory_space<hbm>>
    tpu.wait_dma2 semaphore(%arg15 : memref<!tpu.dma_semaphore, #tpu.memory_space<semaphore_mem>>) src(%dma_wait3A_78 : memref<25x80xi32, #tpu.memory_space<hbm>>) dst(%arg8 : memref<25x80xi32, #tpu.memory_space<vmem>>)
    %dma_wait3A_79 = arith.constant 1 : i32
    %dma_wait3A_80 = arith.constant 0 : i32
    %dma_wait3A_81 = arith.constant 0 : i32
    %dma_wait3A_82 = tpu.memref_slice %arg4[%add3A, %dma_wait3A_79, %dma_wait3A_80, %dma_wait3A_81] : memref<32x5x25x80xi32, #tpu.memory_space<hbm>> -> memref<1x1x25x80xi32, #tpu.memory_space<hbm>>
    %dma_wait3A_83 = tpu.memref_squeeze %dma_wait3A_82 : memref<1x1x25x80xi32, #tpu.memory_space<hbm>> -> memref<25x80xi32, #tpu.memory_space<hbm>>
    %dma_wait3A_84 = arith.constant 0 : i32
    %dma_wait3A_85 = arith.constant 0 : i32
    %dma_wait3A_86 = tpu.memref_slice %arg4[%add3A, %dma_wait3A_79, %dma_wait3A_84, %dma_wait3A_85] : memref<32x5x25x80xi32, #tpu.memory_space<hbm>> -> memref<1x1x25x80xi32, #tpu.memory_space<hbm>>
    %dma_wait3A_87 = tpu.memref_squeeze %dma_wait3A_86 : memref<1x1x25x80xi32, #tpu.memory_space<hbm>> -> memref<25x80xi32, #tpu.memory_space<hbm>>
    tpu.wait_dma2 semaphore(%arg15 : memref<!tpu.dma_semaphore, #tpu.memory_space<semaphore_mem>>) src(%dma_wait3A_87 : memref<25x80xi32, #tpu.memory_space<hbm>>) dst(%arg9 : memref<25x80xi32, #tpu.memory_space<vmem>>)
    %dma_start3A_88 = arith.constant 2 : i32
    %dma_start3A_89 = arith.constant 0 : i32
    %dma_start3A_90 = arith.constant 0 : i32
    %dma_start3A_91 = tpu.memref_slice %arg3[%add3A, %dma_start3A_88, %dma_start3A_89, %dma_start3A_90] : memref<32x5x25x80xi32, #tpu.memory_space<hbm>> -> memref<1x1x25x80xi32, #tpu.memory_space<hbm>>
    %dma_start3A_92 = tpu.memref_squeeze %dma_start3A_91 : memref<1x1x25x80xi32, #tpu.memory_space<hbm>> -> memref<25x80xi32, #tpu.memory_space<hbm>>
    %dma_start3A_93 = arith.constant 0 : i32
    %dma_start3A_94 = arith.constant 0 : i32
    %dma_start3A_95 = tpu.memref_slice %arg3[%add3A, %dma_start3A_88, %dma_start3A_93, %dma_start3A_94] : memref<32x5x25x80xi32, #tpu.memory_space<hbm>> -> memref<1x1x25x80xi32, #tpu.memory_space<hbm>>
    %dma_start3A_96 = tpu.memref_squeeze %dma_start3A_95 : memref<1x1x25x80xi32, #tpu.memory_space<hbm>> -> memref<25x80xi32, #tpu.memory_space<hbm>>
    tpu.enqueue_dma source(%dma_start3A_96 : memref<25x80xi32, #tpu.memory_space<hbm>>) target(%arg6 : memref<25x80xi32, #tpu.memory_space<vmem>>) target_semaphore(%arg15 : memref<!tpu.dma_semaphore, #tpu.memory_space<semaphore_mem>>)
    %dma_start3A_97 = arith.constant 2 : i32
    %dma_start3A_98 = arith.constant 0 : i32
    %dma_start3A_99 = arith.constant 0 : i32
    %dma_start3A_100 = tpu.memref_slice %arg4[%add3A, %dma_start3A_97, %dma_start3A_98, %dma_start3A_99] : memref<32x5x25x80xi32, #tpu.memory_space<hbm>> -> memref<1x1x25x80xi32, #tpu.memory_space<hbm>>
    %dma_start3A_101 = tpu.memref_squeeze %dma_start3A_100 : memref<1x1x25x80xi32, #tpu.memory_space<hbm>> -> memref<25x80xi32, #tpu.memory_space<hbm>>
    %dma_start3A_102 = arith.constant 0 : i32
    %dma_start3A_103 = arith.constant 0 : i32
    %dma_start3A_104 = tpu.memref_slice %arg4[%add3A, %dma_start3A_97, %dma_start3A_102, %dma_start3A_103] : memref<32x5x25x80xi32, #tpu.memory_space<hbm>> -> memref<1x1x25x80xi32, #tpu.memory_space<hbm>>
    %dma_start3A_105 = tpu.memref_squeeze %dma_start3A_104 : memref<1x1x25x80xi32, #tpu.memory_space<hbm>> -> memref<25x80xi32, #tpu.memory_space<hbm>>
    tpu.enqueue_dma source(%dma_start3A_105 : memref<25x80xi32, #tpu.memory_space<hbm>>) target(%arg7 : memref<25x80xi32, #tpu.memory_space<vmem>>) target_semaphore(%arg15 : memref<!tpu.dma_semaphore, #tpu.memory_space<semaphore_mem>>)
    %dma_start3A_106 = arith.constant 0 : i32
    %dma_start3A_107 = arith.constant 0 : i32
    %dma_start3A_108 = tpu.memref_slice %arg8[%dma_start3A_106, %dma_start3A_107] : memref<25x80xi32, #tpu.memory_space<vmem>> -> memref<1x80xi32, #tpu.memory_space<vmem>>
    %dma_start3A_109 = tpu.memref_squeeze %dma_start3A_108 : memref<1x80xi32, #tpu.memory_space<vmem>> -> memref<80xi32, #tpu.memory_space<vmem>>
    %dma_start3A_110 = arith.constant 0 : i32
    %dma_start3A_111 = arith.constant 0 : i32
    %dma_start3A_112 = tpu.memref_slice %arg2[%dma_start3A_110, %dma_start3A_111] : memref<10000x128xf32, #tpu.memory_space<hbm>> -> memref<10000x128xf32, #tpu.memory_space<hbm>>
    tpu.enqueue_indirect_dma source(%dma_start3A_112 : memref<10000x128xf32, #tpu.memory_space<hbm>>) target(%arg10 : memref<80x128xf32, #tpu.memory_space<vmem>>) offsets(%dma_start3A_109 : memref<80xi32, #tpu.memory_space<vmem>>) semaphore(%arg13 : memref<!tpu.dma_semaphore, #tpu.memory_space<semaphore_mem>>)
    %scan3A_113 = arith.constant 0 : i32
    %scan3A_114 = arith.constant 13 : i32
    %scan3A_115 = arith.addi %scan3A_113, %scan3A_114 : i32
    %scan3A_116 = arith.constant 1 : i32
    scf.for %scan3A_249 = %scan3A_113 to %scan3A_115 step %scan3A_116  : i32 {
      %mul3A_250 = arith.constant 2 : i32
      %mul3A_251 = arith.muli %scan3A_249, %mul3A_250 : i32
      %add3A_252 = arith.constant 0 : i32
      %add3A_253 = arith.addi %add3A_252, %mul3A_251 : i32
      %add3A_254 = arith.constant 1 : i32
      %add3A_255 = arith.addi %add3A_253, %add3A_254 : i32
      %lt3A_256 = arith.constant 25 : i32
      %lt3A_257 = arith.cmpi slt, %add3A_255, %lt3A_256 : i32
      %convert_element_type3A_258 = arith.extui %lt3A_257 : i1 to i32
      %cond3A_259 = arith.constant 0 : i32
      %cond3A_260 = arith.cmpi ne, %convert_element_type3A_258, %cond3A_259 : i32
      scf.if %cond3A_260 {
        %add3A_281 = arith.constant 1 : i32
        %add3A_282 = arith.addi %add3A_253, %add3A_281 : i32
        %dma_start3A_283 = arith.constant 0 : i32
        %dma_start3A_284 = tpu.memref_slice %arg8[%add3A_282, %dma_start3A_283] : memref<25x80xi32, #tpu.memory_space<vmem>> -> memref<1x80xi32, #tpu.memory_space<vmem>>
        %dma_start3A_285 = tpu.memref_squeeze %dma_start3A_284 : memref<1x80xi32, #tpu.memory_space<vmem>> -> memref<80xi32, #tpu.memory_space<vmem>>
        %dma_start3A_286 = arith.constant 0 : i32
        %dma_start3A_287 = arith.constant 0 : i32
        %dma_start3A_288 = tpu.memref_slice %arg2[%dma_start3A_286, %dma_start3A_287] : memref<10000x128xf32, #tpu.memory_space<hbm>> -> memref<10000x128xf32, #tpu.memory_space<hbm>>
        tpu.enqueue_indirect_dma source(%dma_start3A_288 : memref<10000x128xf32, #tpu.memory_space<hbm>>) target(%arg11 : memref<80x128xf32, #tpu.memory_space<vmem>>) offsets(%dma_start3A_285 : memref<80xi32, #tpu.memory_space<vmem>>) semaphore(%arg14 : memref<!tpu.dma_semaphore, #tpu.memory_space<semaphore_mem>>)
      } else {
      }
      %dma_wait3A_261 = arith.constant 0 : i32
      %dma_wait3A_262 = tpu.memref_slice %arg8[%add3A_253, %dma_wait3A_261] : memref<25x80xi32, #tpu.memory_space<vmem>> -> memref<1x80xi32, #tpu.memory_space<vmem>>
      %dma_wait3A_263 = tpu.memref_squeeze %dma_wait3A_262 : memref<1x80xi32, #tpu.memory_space<vmem>> -> memref<80xi32, #tpu.memory_space<vmem>>
      %dma_wait3A_264 = arith.constant 0 : i32
      %dma_wait3A_265 = arith.constant 0 : i32
      %dma_wait3A_266 = tpu.memref_slice %arg2[%dma_wait3A_264, %dma_wait3A_265] : memref<10000x128xf32, #tpu.memory_space<hbm>> -> memref<10000x128xf32, #tpu.memory_space<hbm>>
      tpu.wait_indirect_dma semaphore(%arg13 : memref<!tpu.dma_semaphore, #tpu.memory_space<semaphore_mem>>) src(%dma_wait3A_266 : memref<10000x128xf32, #tpu.memory_space<hbm>>) dst(%arg10 : memref<80x128xf32, #tpu.memory_space<vmem>>)
      "tpu.region"() ({
        %run_scoped3A = tpu.sem_alloc : memref<!tpu.dma_semaphore, #tpu.memory_space<semaphore_mem>>
        %dma_start3A_281 = arith.constant 0 : i32
        %dma_start3A_282 = tpu.memref_slice %arg9[%add3A_253, %dma_start3A_281] : memref<25x80xi32, #tpu.memory_space<vmem>> -> memref<1x80xi32, #tpu.memory_space<vmem>>
        %dma_start3A_283 = tpu.memref_squeeze %dma_start3A_282 : memref<1x80xi32, #tpu.memory_space<vmem>> -> memref<80xi32, #tpu.memory_space<vmem>>
        %dma_start3A_284 = arith.constant 0 : i32
        %dma_start3A_285 = arith.constant 0 : i32
        %dma_start3A_286 = tpu.memref_slice %arg12[%dma_start3A_284, %dma_start3A_285] : memref<10240x128xf32, #tpu.memory_space<vmem_shared>> -> memref<10240x128xf32, #tpu.memory_space<vmem_shared>>
        tpu.enqueue_indirect_dma source(%arg10 : memref<80x128xf32, #tpu.memory_space<vmem>>) target(%dma_start3A_286 : memref<10240x128xf32, #tpu.memory_space<vmem_shared>>) offsets(%dma_start3A_283 : memref<80xi32, #tpu.memory_space<vmem>>) semaphore(%run_scoped3A : memref<!tpu.dma_semaphore, #tpu.memory_space<semaphore_mem>>) {add = true}
        %dma_wait3A_287 = arith.constant 0 : i32
        %dma_wait3A_288 = tpu.memref_slice %arg9[%add3A_253, %dma_wait3A_287] : memref<25x80xi32, #tpu.memory_space<vmem>> -> memref<1x80xi32, #tpu.memory_space<vmem>>
        %dma_wait3A_289 = tpu.memref_squeeze %dma_wait3A_288 : memref<1x80xi32, #tpu.memory_space<vmem>> -> memref<80xi32, #tpu.memory_space<vmem>>
        %dma_wait3A_290 = arith.constant 0 : i32
        %dma_wait3A_291 = arith.constant 0 : i32
        %dma_wait3A_292 = tpu.memref_slice %arg12[%dma_wait3A_290, %dma_wait3A_291] : memref<10240x128xf32, #tpu.memory_space<vmem_shared>> -> memref<10240x128xf32, #tpu.memory_space<vmem_shared>>
        tpu.wait_indirect_dma semaphore(%run_scoped3A : memref<!tpu.dma_semaphore, #tpu.memory_space<semaphore_mem>>) src(%arg10 : memref<80x128xf32, #tpu.memory_space<vmem>>) dst(%dma_wait3A_292 : memref<10240x128xf32, #tpu.memory_space<vmem_shared>>)
        tpu.yield
      }) : () -> ()
      %add3A_267 = arith.constant 2 : i32
      %add3A_268 = arith.addi %add3A_253, %add3A_267 : i32
      %lt3A_269 = arith.constant 25 : i32
      %lt3A_270 = arith.cmpi slt, %add3A_268, %lt3A_269 : i32
      %convert_element_type3A_271 = arith.extui %lt3A_270 : i1 to i32
      %cond3A_272 = arith.constant 0 : i32
      %cond3A_273 = arith.cmpi ne, %convert_element_type3A_271, %cond3A_272 : i32
      scf.if %cond3A_273 {
        %add3A_281 = arith.constant 2 : i32
        %add3A_282 = arith.addi %add3A_253, %add3A_281 : i32
        %dma_start3A_283 = arith.constant 0 : i32
        %dma_start3A_284 = tpu.memref_slice %arg8[%add3A_282, %dma_start3A_283] : memref<25x80xi32, #tpu.memory_space<vmem>> -> memref<1x80xi32, #tpu.memory_space<vmem>>
        %dma_start3A_285 = tpu.memref_squeeze %dma_start3A_284 : memref<1x80xi32, #tpu.memory_space<vmem>> -> memref<80xi32, #tpu.memory_space<vmem>>
        %dma_start3A_286 = arith.constant 0 : i32
        %dma_start3A_287 = arith.constant 0 : i32
        %dma_start3A_288 = tpu.memref_slice %arg2[%dma_start3A_286, %dma_start3A_287] : memref<10000x128xf32, #tpu.memory_space<hbm>> -> memref<10000x128xf32, #tpu.memory_space<hbm>>
        tpu.enqueue_indirect_dma source(%dma_start3A_288 : memref<10000x128xf32, #tpu.memory_space<hbm>>) target(%arg10 : memref<80x128xf32, #tpu.memory_space<vmem>>) offsets(%dma_start3A_285 : memref<80xi32, #tpu.memory_space<vmem>>) semaphore(%arg13 : memref<!tpu.dma_semaphore, #tpu.memory_space<semaphore_mem>>)
      } else {
      }
      %add3A_274 = arith.constant 1 : i32
      %add3A_275 = arith.addi %add3A_253, %add3A_274 : i32
      %lt3A_276 = arith.constant 25 : i32
      %lt3A_277 = arith.cmpi slt, %add3A_275, %lt3A_276 : i32
      %convert_element_type3A_278 = arith.extui %lt3A_277 : i1 to i32
      %cond3A_279 = arith.constant 0 : i32
      %cond3A_280 = arith.cmpi ne, %convert_element_type3A_278, %cond3A_279 : i32
      scf.if %cond3A_280 {
        %add3A_281 = arith.constant 1 : i32
        %add3A_282 = arith.addi %add3A_253, %add3A_281 : i32
        %dma_wait3A_283 = arith.constant 0 : i32
        %dma_wait3A_284 = tpu.memref_slice %arg8[%add3A_282, %dma_wait3A_283] : memref<25x80xi32, #tpu.memory_space<vmem>> -> memref<1x80xi32, #tpu.memory_space<vmem>>
        %dma_wait3A_285 = tpu.memref_squeeze %dma_wait3A_284 : memref<1x80xi32, #tpu.memory_space<vmem>> -> memref<80xi32, #tpu.memory_space<vmem>>
        %dma_wait3A_286 = arith.constant 0 : i32
        %dma_wait3A_287 = arith.constant 0 : i32
        %dma_wait3A_288 = tpu.memref_slice %arg2[%dma_wait3A_286, %dma_wait3A_287] : memref<10000x128xf32, #tpu.memory_space<hbm>> -> memref<10000x128xf32, #tpu.memory_space<hbm>>
        tpu.wait_indirect_dma semaphore(%arg14 : memref<!tpu.dma_semaphore, #tpu.memory_space<semaphore_mem>>) src(%dma_wait3A_288 : memref<10000x128xf32, #tpu.memory_space<hbm>>) dst(%arg11 : memref<80x128xf32, #tpu.memory_space<vmem>>)
        %add3A_289 = arith.constant 1 : i32
        %add3A_290 = arith.addi %add3A_253, %add3A_289 : i32
        "tpu.region"() ({
          %run_scoped3A = tpu.sem_alloc : memref<!tpu.dma_semaphore, #tpu.memory_space<semaphore_mem>>
          %dma_start3A_291 = arith.constant 0 : i32
          %dma_start3A_292 = tpu.memref_slice %arg9[%add3A_290, %dma_start3A_291] : memref<25x80xi32, #tpu.memory_space<vmem>> -> memref<1x80xi32, #tpu.memory_space<vmem>>
          %dma_start3A_293 = tpu.memref_squeeze %dma_start3A_292 : memref<1x80xi32, #tpu.memory_space<vmem>> -> memref<80xi32, #tpu.memory_space<vmem>>
          %dma_start3A_294 = arith.constant 0 : i32
          %dma_start3A_295 = arith.constant 0 : i32
          %dma_start3A_296 = tpu.memref_slice %arg12[%dma_start3A_294, %dma_start3A_295] : memref<10240x128xf32, #tpu.memory_space<vmem_shared>> -> memref<10240x128xf32, #tpu.memory_space<vmem_shared>>
          tpu.enqueue_indirect_dma source(%arg11 : memref<80x128xf32, #tpu.memory_space<vmem>>) target(%dma_start3A_296 : memref<10240x128xf32, #tpu.memory_space<vmem_shared>>) offsets(%dma_start3A_293 : memref<80xi32, #tpu.memory_space<vmem>>) semaphore(%run_scoped3A : memref<!tpu.dma_semaphore, #tpu.memory_space<semaphore_mem>>) {add = true}
          %dma_wait3A_297 = arith.constant 0 : i32
          %dma_wait3A_298 = tpu.memref_slice %arg9[%add3A_290, %dma_wait3A_297] : memref<25x80xi32, #tpu.memory_space<vmem>> -> memref<1x80xi32, #tpu.memory_space<vmem>>
          %dma_wait3A_299 = tpu.memref_squeeze %dma_wait3A_298 : memref<1x80xi32, #tpu.memory_space<vmem>> -> memref<80xi32, #tpu.memory_space<vmem>>
          %dma_wait3A_300 = arith.constant 0 : i32
          %dma_wait3A_301 = arith.constant 0 : i32
          %dma_wait3A_302 = tpu.memref_slice %arg12[%dma_wait3A_300, %dma_wait3A_301] : memref<10240x128xf32, #tpu.memory_space<vmem_shared>> -> memref<10240x128xf32, #tpu.memory_space<vmem_shared>>
          tpu.wait_indirect_dma semaphore(%run_scoped3A : memref<!tpu.dma_semaphore, #tpu.memory_space<semaphore_mem>>) src(%arg11 : memref<80x128xf32, #tpu.memory_space<vmem>>) dst(%dma_wait3A_302 : memref<10240x128xf32, #tpu.memory_space<vmem_shared>>)
          tpu.yield
        }) : () -> ()
      } else {
      }
    }
    %scan3A_117 = arith.constant 13 : i32
    %dma_wait3A_118 = arith.constant 2 : i32
    %dma_wait3A_119 = arith.constant 0 : i32
    %dma_wait3A_120 = arith.constant 0 : i32
    %dma_wait3A_121 = tpu.memref_slice %arg3[%add3A, %dma_wait3A_118, %dma_wait3A_119, %dma_wait3A_120] : memref<32x5x25x80xi32, #tpu.memory_space<hbm>> -> memref<1x1x25x80xi32, #tpu.memory_space<hbm>>
    %dma_wait3A_122 = tpu.memref_squeeze %dma_wait3A_121 : memref<1x1x25x80xi32, #tpu.memory_space<hbm>> -> memref<25x80xi32, #tpu.memory_space<hbm>>
    %dma_wait3A_123 = arith.constant 0 : i32
    %dma_wait3A_124 = arith.constant 0 : i32
    %dma_wait3A_125 = tpu.memref_slice %arg3[%add3A, %dma_wait3A_118, %dma_wait3A_123, %dma_wait3A_124] : memref<32x5x25x80xi32, #tpu.memory_space<hbm>> -> memref<1x1x25x80xi32, #tpu.memory_space<hbm>>
    %dma_wait3A_126 = tpu.memref_squeeze %dma_wait3A_125 : memref<1x1x25x80xi32, #tpu.memory_space<hbm>> -> memref<25x80xi32, #tpu.memory_space<hbm>>
    tpu.wait_dma2 semaphore(%arg15 : memref<!tpu.dma_semaphore, #tpu.memory_space<semaphore_mem>>) src(%dma_wait3A_126 : memref<25x80xi32, #tpu.memory_space<hbm>>) dst(%arg6 : memref<25x80xi32, #tpu.memory_space<vmem>>)
    %dma_wait3A_127 = arith.constant 2 : i32
    %dma_wait3A_128 = arith.constant 0 : i32
    %dma_wait3A_129 = arith.constant 0 : i32
    %dma_wait3A_130 = tpu.memref_slice %arg4[%add3A, %dma_wait3A_127, %dma_wait3A_128, %dma_wait3A_129] : memref<32x5x25x80xi32, #tpu.memory_space<hbm>> -> memref<1x1x25x80xi32, #tpu.memory_space<hbm>>
    %dma_wait3A_131 = tpu.memref_squeeze %dma_wait3A_130 : memref<1x1x25x80xi32, #tpu.memory_space<hbm>> -> memref<25x80xi32, #tpu.memory_space<hbm>>
    %dma_wait3A_132 = arith.constant 0 : i32
    %dma_wait3A_133 = arith.constant 0 : i32
    %dma_wait3A_134 = tpu.memref_slice %arg4[%add3A, %dma_wait3A_127, %dma_wait3A_132, %dma_wait3A_133] : memref<32x5x25x80xi32, #tpu.memory_space<hbm>> -> memref<1x1x25x80xi32, #tpu.memory_space<hbm>>
    %dma_wait3A_135 = tpu.memref_squeeze %dma_wait3A_134 : memref<1x1x25x80xi32, #tpu.memory_space<hbm>> -> memref<25x80xi32, #tpu.memory_space<hbm>>
    tpu.wait_dma2 semaphore(%arg15 : memref<!tpu.dma_semaphore, #tpu.memory_space<semaphore_mem>>) src(%dma_wait3A_135 : memref<25x80xi32, #tpu.memory_space<hbm>>) dst(%arg7 : memref<25x80xi32, #tpu.memory_space<vmem>>)
    %dma_start3A_136 = arith.constant 3 : i32
    %dma_start3A_137 = arith.constant 0 : i32
    %dma_start3A_138 = arith.constant 0 : i32
    %dma_start3A_139 = tpu.memref_slice %arg3[%add3A, %dma_start3A_136, %dma_start3A_137, %dma_start3A_138] : memref<32x5x25x80xi32, #tpu.memory_space<hbm>> -> memref<1x1x25x80xi32, #tpu.memory_space<hbm>>
    %dma_start3A_140 = tpu.memref_squeeze %dma_start3A_139 : memref<1x1x25x80xi32, #tpu.memory_space<hbm>> -> memref<25x80xi32, #tpu.memory_space<hbm>>
    %dma_start3A_141 = arith.constant 0 : i32
    %dma_start3A_142 = arith.constant 0 : i32
    %dma_start3A_143 = tpu.memref_slice %arg3[%add3A, %dma_start3A_136, %dma_start3A_141, %dma_start3A_142] : memref<32x5x25x80xi32, #tpu.memory_space<hbm>> -> memref<1x1x25x80xi32, #tpu.memory_space<hbm>>
    %dma_start3A_144 = tpu.memref_squeeze %dma_start3A_143 : memref<1x1x25x80xi32, #tpu.memory_space<hbm>> -> memref<25x80xi32, #tpu.memory_space<hbm>>
    tpu.enqueue_dma source(%dma_start3A_144 : memref<25x80xi32, #tpu.memory_space<hbm>>) target(%arg8 : memref<25x80xi32, #tpu.memory_space<vmem>>) target_semaphore(%arg15 : memref<!tpu.dma_semaphore, #tpu.memory_space<semaphore_mem>>)
    %dma_start3A_145 = arith.constant 3 : i32
    %dma_start3A_146 = arith.constant 0 : i32
    %dma_start3A_147 = arith.constant 0 : i32
    %dma_start3A_148 = tpu.memref_slice %arg4[%add3A, %dma_start3A_145, %dma_start3A_146, %dma_start3A_147] : memref<32x5x25x80xi32, #tpu.memory_space<hbm>> -> memref<1x1x25x80xi32, #tpu.memory_space<hbm>>
    %dma_start3A_149 = tpu.memref_squeeze %dma_start3A_148 : memref<1x1x25x80xi32, #tpu.memory_space<hbm>> -> memref<25x80xi32, #tpu.memory_space<hbm>>
    %dma_start3A_150 = arith.constant 0 : i32
    %dma_start3A_151 = arith.constant 0 : i32
    %dma_start3A_152 = tpu.memref_slice %arg4[%add3A, %dma_start3A_145, %dma_start3A_150, %dma_start3A_151] : memref<32x5x25x80xi32, #tpu.memory_space<hbm>> -> memref<1x1x25x80xi32, #tpu.memory_space<hbm>>
    %dma_start3A_153 = tpu.memref_squeeze %dma_start3A_152 : memref<1x1x25x80xi32, #tpu.memory_space<hbm>> -> memref<25x80xi32, #tpu.memory_space<hbm>>
    tpu.enqueue_dma source(%dma_start3A_153 : memref<25x80xi32, #tpu.memory_space<hbm>>) target(%arg9 : memref<25x80xi32, #tpu.memory_space<vmem>>) target_semaphore(%arg15 : memref<!tpu.dma_semaphore, #tpu.memory_space<semaphore_mem>>)
    %dma_start3A_154 = arith.constant 0 : i32
    %dma_start3A_155 = arith.constant 0 : i32
    %dma_start3A_156 = tpu.memref_slice %arg6[%dma_start3A_154, %dma_start3A_155] : memref<25x80xi32, #tpu.memory_space<vmem>> -> memref<1x80xi32, #tpu.memory_space<vmem>>
    %dma_start3A_157 = tpu.memref_squeeze %dma_start3A_156 : memref<1x80xi32, #tpu.memory_space<vmem>> -> memref<80xi32, #tpu.memory_space<vmem>>
    %dma_start3A_158 = arith.constant 0 : i32
    %dma_start3A_159 = arith.constant 0 : i32
    %dma_start3A_160 = tpu.memref_slice %arg2[%dma_start3A_158, %dma_start3A_159] : memref<10000x128xf32, #tpu.memory_space<hbm>> -> memref<10000x128xf32, #tpu.memory_space<hbm>>
    tpu.enqueue_indirect_dma source(%dma_start3A_160 : memref<10000x128xf32, #tpu.memory_space<hbm>>) target(%arg10 : memref<80x128xf32, #tpu.memory_space<vmem>>) offsets(%dma_start3A_157 : memref<80xi32, #tpu.memory_space<vmem>>) semaphore(%arg13 : memref<!tpu.dma_semaphore, #tpu.memory_space<semaphore_mem>>)
    %scan3A_161 = arith.constant 0 : i32
    %scan3A_162 = arith.constant 13 : i32
    %scan3A_163 = arith.addi %scan3A_161, %scan3A_162 : i32
    %scan3A_164 = arith.constant 1 : i32
    scf.for %scan3A_249 = %scan3A_161 to %scan3A_163 step %scan3A_164  : i32 {
      %mul3A_250 = arith.constant 2 : i32
      %mul3A_251 = arith.muli %scan3A_249, %mul3A_250 : i32
      %add3A_252 = arith.constant 0 : i32
      %add3A_253 = arith.addi %add3A_252, %mul3A_251 : i32
      %add3A_254 = arith.constant 1 : i32
      %add3A_255 = arith.addi %add3A_253, %add3A_254 : i32
      %lt3A_256 = arith.constant 25 : i32
      %lt3A_257 = arith.cmpi slt, %add3A_255, %lt3A_256 : i32
      %convert_element_type3A_258 = arith.extui %lt3A_257 : i1 to i32
      %cond3A_259 = arith.constant 0 : i32
      %cond3A_260 = arith.cmpi ne, %convert_element_type3A_258, %cond3A_259 : i32
      scf.if %cond3A_260 {
        %add3A_281 = arith.constant 1 : i32
        %add3A_282 = arith.addi %add3A_253, %add3A_281 : i32
        %dma_start3A_283 = arith.constant 0 : i32
        %dma_start3A_284 = tpu.memref_slice %arg6[%add3A_282, %dma_start3A_283] : memref<25x80xi32, #tpu.memory_space<vmem>> -> memref<1x80xi32, #tpu.memory_space<vmem>>
        %dma_start3A_285 = tpu.memref_squeeze %dma_start3A_284 : memref<1x80xi32, #tpu.memory_space<vmem>> -> memref<80xi32, #tpu.memory_space<vmem>>
        %dma_start3A_286 = arith.constant 0 : i32
        %dma_start3A_287 = arith.constant 0 : i32
        %dma_start3A_288 = tpu.memref_slice %arg2[%dma_start3A_286, %dma_start3A_287] : memref<10000x128xf32, #tpu.memory_space<hbm>> -> memref<10000x128xf32, #tpu.memory_space<hbm>>
        tpu.enqueue_indirect_dma source(%dma_start3A_288 : memref<10000x128xf32, #tpu.memory_space<hbm>>) target(%arg11 : memref<80x128xf32, #tpu.memory_space<vmem>>) offsets(%dma_start3A_285 : memref<80xi32, #tpu.memory_space<vmem>>) semaphore(%arg14 : memref<!tpu.dma_semaphore, #tpu.memory_space<semaphore_mem>>)
      } else {
      }
      %dma_wait3A_261 = arith.constant 0 : i32
      %dma_wait3A_262 = tpu.memref_slice %arg6[%add3A_253, %dma_wait3A_261] : memref<25x80xi32, #tpu.memory_space<vmem>> -> memref<1x80xi32, #tpu.memory_space<vmem>>
      %dma_wait3A_263 = tpu.memref_squeeze %dma_wait3A_262 : memref<1x80xi32, #tpu.memory_space<vmem>> -> memref<80xi32, #tpu.memory_space<vmem>>
      %dma_wait3A_264 = arith.constant 0 : i32
      %dma_wait3A_265 = arith.constant 0 : i32
      %dma_wait3A_266 = tpu.memref_slice %arg2[%dma_wait3A_264, %dma_wait3A_265] : memref<10000x128xf32, #tpu.memory_space<hbm>> -> memref<10000x128xf32, #tpu.memory_space<hbm>>
      tpu.wait_indirect_dma semaphore(%arg13 : memref<!tpu.dma_semaphore, #tpu.memory_space<semaphore_mem>>) src(%dma_wait3A_266 : memref<10000x128xf32, #tpu.memory_space<hbm>>) dst(%arg10 : memref<80x128xf32, #tpu.memory_space<vmem>>)
      "tpu.region"() ({
        %run_scoped3A = tpu.sem_alloc : memref<!tpu.dma_semaphore, #tpu.memory_space<semaphore_mem>>
        %dma_start3A_281 = arith.constant 0 : i32
        %dma_start3A_282 = tpu.memref_slice %arg7[%add3A_253, %dma_start3A_281] : memref<25x80xi32, #tpu.memory_space<vmem>> -> memref<1x80xi32, #tpu.memory_space<vmem>>
        %dma_start3A_283 = tpu.memref_squeeze %dma_start3A_282 : memref<1x80xi32, #tpu.memory_space<vmem>> -> memref<80xi32, #tpu.memory_space<vmem>>
        %dma_start3A_284 = arith.constant 0 : i32
        %dma_start3A_285 = arith.constant 0 : i32
        %dma_start3A_286 = tpu.memref_slice %arg12[%dma_start3A_284, %dma_start3A_285] : memref<10240x128xf32, #tpu.memory_space<vmem_shared>> -> memref<10240x128xf32, #tpu.memory_space<vmem_shared>>
        tpu.enqueue_indirect_dma source(%arg10 : memref<80x128xf32, #tpu.memory_space<vmem>>) target(%dma_start3A_286 : memref<10240x128xf32, #tpu.memory_space<vmem_shared>>) offsets(%dma_start3A_283 : memref<80xi32, #tpu.memory_space<vmem>>) semaphore(%run_scoped3A : memref<!tpu.dma_semaphore, #tpu.memory_space<semaphore_mem>>) {add = true}
        %dma_wait3A_287 = arith.constant 0 : i32
        %dma_wait3A_288 = tpu.memref_slice %arg7[%add3A_253, %dma_wait3A_287] : memref<25x80xi32, #tpu.memory_space<vmem>> -> memref<1x80xi32, #tpu.memory_space<vmem>>
        %dma_wait3A_289 = tpu.memref_squeeze %dma_wait3A_288 : memref<1x80xi32, #tpu.memory_space<vmem>> -> memref<80xi32, #tpu.memory_space<vmem>>
        %dma_wait3A_290 = arith.constant 0 : i32
        %dma_wait3A_291 = arith.constant 0 : i32
        %dma_wait3A_292 = tpu.memref_slice %arg12[%dma_wait3A_290, %dma_wait3A_291] : memref<10240x128xf32, #tpu.memory_space<vmem_shared>> -> memref<10240x128xf32, #tpu.memory_space<vmem_shared>>
        tpu.wait_indirect_dma semaphore(%run_scoped3A : memref<!tpu.dma_semaphore, #tpu.memory_space<semaphore_mem>>) src(%arg10 : memref<80x128xf32, #tpu.memory_space<vmem>>) dst(%dma_wait3A_292 : memref<10240x128xf32, #tpu.memory_space<vmem_shared>>)
        tpu.yield
      }) : () -> ()
      %add3A_267 = arith.constant 2 : i32
      %add3A_268 = arith.addi %add3A_253, %add3A_267 : i32
      %lt3A_269 = arith.constant 25 : i32
      %lt3A_270 = arith.cmpi slt, %add3A_268, %lt3A_269 : i32
      %convert_element_type3A_271 = arith.extui %lt3A_270 : i1 to i32
      %cond3A_272 = arith.constant 0 : i32
      %cond3A_273 = arith.cmpi ne, %convert_element_type3A_271, %cond3A_272 : i32
      scf.if %cond3A_273 {
        %add3A_281 = arith.constant 2 : i32
        %add3A_282 = arith.addi %add3A_253, %add3A_281 : i32
        %dma_start3A_283 = arith.constant 0 : i32
        %dma_start3A_284 = tpu.memref_slice %arg6[%add3A_282, %dma_start3A_283] : memref<25x80xi32, #tpu.memory_space<vmem>> -> memref<1x80xi32, #tpu.memory_space<vmem>>
        %dma_start3A_285 = tpu.memref_squeeze %dma_start3A_284 : memref<1x80xi32, #tpu.memory_space<vmem>> -> memref<80xi32, #tpu.memory_space<vmem>>
        %dma_start3A_286 = arith.constant 0 : i32
        %dma_start3A_287 = arith.constant 0 : i32
        %dma_start3A_288 = tpu.memref_slice %arg2[%dma_start3A_286, %dma_start3A_287] : memref<10000x128xf32, #tpu.memory_space<hbm>> -> memref<10000x128xf32, #tpu.memory_space<hbm>>
        tpu.enqueue_indirect_dma source(%dma_start3A_288 : memref<10000x128xf32, #tpu.memory_space<hbm>>) target(%arg10 : memref<80x128xf32, #tpu.memory_space<vmem>>) offsets(%dma_start3A_285 : memref<80xi32, #tpu.memory_space<vmem>>) semaphore(%arg13 : memref<!tpu.dma_semaphore, #tpu.memory_space<semaphore_mem>>)
      } else {
      }
      %add3A_274 = arith.constant 1 : i32
      %add3A_275 = arith.addi %add3A_253, %add3A_274 : i32
      %lt3A_276 = arith.constant 25 : i32
      %lt3A_277 = arith.cmpi slt, %add3A_275, %lt3A_276 : i32
      %convert_element_type3A_278 = arith.extui %lt3A_277 : i1 to i32
      %cond3A_279 = arith.constant 0 : i32
      %cond3A_280 = arith.cmpi ne, %convert_element_type3A_278, %cond3A_279 : i32
      scf.if %cond3A_280 {
        %add3A_281 = arith.constant 1 : i32
        %add3A_282 = arith.addi %add3A_253, %add3A_281 : i32
        %dma_wait3A_283 = arith.constant 0 : i32
        %dma_wait3A_284 = tpu.memref_slice %arg6[%add3A_282, %dma_wait3A_283] : memref<25x80xi32, #tpu.memory_space<vmem>> -> memref<1x80xi32, #tpu.memory_space<vmem>>
        %dma_wait3A_285 = tpu.memref_squeeze %dma_wait3A_284 : memref<1x80xi32, #tpu.memory_space<vmem>> -> memref<80xi32, #tpu.memory_space<vmem>>
        %dma_wait3A_286 = arith.constant 0 : i32
        %dma_wait3A_287 = arith.constant 0 : i32
        %dma_wait3A_288 = tpu.memref_slice %arg2[%dma_wait3A_286, %dma_wait3A_287] : memref<10000x128xf32, #tpu.memory_space<hbm>> -> memref<10000x128xf32, #tpu.memory_space<hbm>>
        tpu.wait_indirect_dma semaphore(%arg14 : memref<!tpu.dma_semaphore, #tpu.memory_space<semaphore_mem>>) src(%dma_wait3A_288 : memref<10000x128xf32, #tpu.memory_space<hbm>>) dst(%arg11 : memref<80x128xf32, #tpu.memory_space<vmem>>)
        %add3A_289 = arith.constant 1 : i32
        %add3A_290 = arith.addi %add3A_253, %add3A_289 : i32
        "tpu.region"() ({
          %run_scoped3A = tpu.sem_alloc : memref<!tpu.dma_semaphore, #tpu.memory_space<semaphore_mem>>
          %dma_start3A_291 = arith.constant 0 : i32
          %dma_start3A_292 = tpu.memref_slice %arg7[%add3A_290, %dma_start3A_291] : memref<25x80xi32, #tpu.memory_space<vmem>> -> memref<1x80xi32, #tpu.memory_space<vmem>>
          %dma_start3A_293 = tpu.memref_squeeze %dma_start3A_292 : memref<1x80xi32, #tpu.memory_space<vmem>> -> memref<80xi32, #tpu.memory_space<vmem>>
          %dma_start3A_294 = arith.constant 0 : i32
          %dma_start3A_295 = arith.constant 0 : i32
          %dma_start3A_296 = tpu.memref_slice %arg12[%dma_start3A_294, %dma_start3A_295] : memref<10240x128xf32, #tpu.memory_space<vmem_shared>> -> memref<10240x128xf32, #tpu.memory_space<vmem_shared>>
          tpu.enqueue_indirect_dma source(%arg11 : memref<80x128xf32, #tpu.memory_space<vmem>>) target(%dma_start3A_296 : memref<10240x128xf32, #tpu.memory_space<vmem_shared>>) offsets(%dma_start3A_293 : memref<80xi32, #tpu.memory_space<vmem>>) semaphore(%run_scoped3A : memref<!tpu.dma_semaphore, #tpu.memory_space<semaphore_mem>>) {add = true}
          %dma_wait3A_297 = arith.constant 0 : i32
          %dma_wait3A_298 = tpu.memref_slice %arg7[%add3A_290, %dma_wait3A_297] : memref<25x80xi32, #tpu.memory_space<vmem>> -> memref<1x80xi32, #tpu.memory_space<vmem>>
          %dma_wait3A_299 = tpu.memref_squeeze %dma_wait3A_298 : memref<1x80xi32, #tpu.memory_space<vmem>> -> memref<80xi32, #tpu.memory_space<vmem>>
          %dma_wait3A_300 = arith.constant 0 : i32
          %dma_wait3A_301 = arith.constant 0 : i32
          %dma_wait3A_302 = tpu.memref_slice %arg12[%dma_wait3A_300, %dma_wait3A_301] : memref<10240x128xf32, #tpu.memory_space<vmem_shared>> -> memref<10240x128xf32, #tpu.memory_space<vmem_shared>>
          tpu.wait_indirect_dma semaphore(%run_scoped3A : memref<!tpu.dma_semaphore, #tpu.memory_space<semaphore_mem>>) src(%arg11 : memref<80x128xf32, #tpu.memory_space<vmem>>) dst(%dma_wait3A_302 : memref<10240x128xf32, #tpu.memory_space<vmem_shared>>)
          tpu.yield
        }) : () -> ()
      } else {
      }
    }
    %scan3A_165 = arith.constant 13 : i32
    %dma_wait3A_166 = arith.constant 3 : i32
    %dma_wait3A_167 = arith.constant 0 : i32
    %dma_wait3A_168 = arith.constant 0 : i32
    %dma_wait3A_169 = tpu.memref_slice %arg3[%add3A, %dma_wait3A_166, %dma_wait3A_167, %dma_wait3A_168] : memref<32x5x25x80xi32, #tpu.memory_space<hbm>> -> memref<1x1x25x80xi32, #tpu.memory_space<hbm>>
    %dma_wait3A_170 = tpu.memref_squeeze %dma_wait3A_169 : memref<1x1x25x80xi32, #tpu.memory_space<hbm>> -> memref<25x80xi32, #tpu.memory_space<hbm>>
    %dma_wait3A_171 = arith.constant 0 : i32
    %dma_wait3A_172 = arith.constant 0 : i32
    %dma_wait3A_173 = tpu.memref_slice %arg3[%add3A, %dma_wait3A_166, %dma_wait3A_171, %dma_wait3A_172] : memref<32x5x25x80xi32, #tpu.memory_space<hbm>> -> memref<1x1x25x80xi32, #tpu.memory_space<hbm>>
    %dma_wait3A_174 = tpu.memref_squeeze %dma_wait3A_173 : memref<1x1x25x80xi32, #tpu.memory_space<hbm>> -> memref<25x80xi32, #tpu.memory_space<hbm>>
    tpu.wait_dma2 semaphore(%arg15 : memref<!tpu.dma_semaphore, #tpu.memory_space<semaphore_mem>>) src(%dma_wait3A_174 : memref<25x80xi32, #tpu.memory_space<hbm>>) dst(%arg8 : memref<25x80xi32, #tpu.memory_space<vmem>>)
    %dma_wait3A_175 = arith.constant 3 : i32
    %dma_wait3A_176 = arith.constant 0 : i32
    %dma_wait3A_177 = arith.constant 0 : i32
    %dma_wait3A_178 = tpu.memref_slice %arg4[%add3A, %dma_wait3A_175, %dma_wait3A_176, %dma_wait3A_177] : memref<32x5x25x80xi32, #tpu.memory_space<hbm>> -> memref<1x1x25x80xi32, #tpu.memory_space<hbm>>
    %dma_wait3A_179 = tpu.memref_squeeze %dma_wait3A_178 : memref<1x1x25x80xi32, #tpu.memory_space<hbm>> -> memref<25x80xi32, #tpu.memory_space<hbm>>
    %dma_wait3A_180 = arith.constant 0 : i32
    %dma_wait3A_181 = arith.constant 0 : i32
    %dma_wait3A_182 = tpu.memref_slice %arg4[%add3A, %dma_wait3A_175, %dma_wait3A_180, %dma_wait3A_181] : memref<32x5x25x80xi32, #tpu.memory_space<hbm>> -> memref<1x1x25x80xi32, #tpu.memory_space<hbm>>
    %dma_wait3A_183 = tpu.memref_squeeze %dma_wait3A_182 : memref<1x1x25x80xi32, #tpu.memory_space<hbm>> -> memref<25x80xi32, #tpu.memory_space<hbm>>
    tpu.wait_dma2 semaphore(%arg15 : memref<!tpu.dma_semaphore, #tpu.memory_space<semaphore_mem>>) src(%dma_wait3A_183 : memref<25x80xi32, #tpu.memory_space<hbm>>) dst(%arg9 : memref<25x80xi32, #tpu.memory_space<vmem>>)
    %dma_start3A_184 = arith.constant 4 : i32
    %dma_start3A_185 = arith.constant 0 : i32
    %dma_start3A_186 = arith.constant 0 : i32
    %dma_start3A_187 = tpu.memref_slice %arg3[%add3A, %dma_start3A_184, %dma_start3A_185, %dma_start3A_186] : memref<32x5x25x80xi32, #tpu.memory_space<hbm>> -> memref<1x1x25x80xi32, #tpu.memory_space<hbm>>
    %dma_start3A_188 = tpu.memref_squeeze %dma_start3A_187 : memref<1x1x25x80xi32, #tpu.memory_space<hbm>> -> memref<25x80xi32, #tpu.memory_space<hbm>>
    %dma_start3A_189 = arith.constant 0 : i32
    %dma_start3A_190 = arith.constant 0 : i32
    %dma_start3A_191 = tpu.memref_slice %arg3[%add3A, %dma_start3A_184, %dma_start3A_189, %dma_start3A_190] : memref<32x5x25x80xi32, #tpu.memory_space<hbm>> -> memref<1x1x25x80xi32, #tpu.memory_space<hbm>>
    %dma_start3A_192 = tpu.memref_squeeze %dma_start3A_191 : memref<1x1x25x80xi32, #tpu.memory_space<hbm>> -> memref<25x80xi32, #tpu.memory_space<hbm>>
    tpu.enqueue_dma source(%dma_start3A_192 : memref<25x80xi32, #tpu.memory_space<hbm>>) target(%arg6 : memref<25x80xi32, #tpu.memory_space<vmem>>) target_semaphore(%arg15 : memref<!tpu.dma_semaphore, #tpu.memory_space<semaphore_mem>>)
    %dma_start3A_193 = arith.constant 4 : i32
    %dma_start3A_194 = arith.constant 0 : i32
    %dma_start3A_195 = arith.constant 0 : i32
    %dma_start3A_196 = tpu.memref_slice %arg4[%add3A, %dma_start3A_193, %dma_start3A_194, %dma_start3A_195] : memref<32x5x25x80xi32, #tpu.memory_space<hbm>> -> memref<1x1x25x80xi32, #tpu.memory_space<hbm>>
    %dma_start3A_197 = tpu.memref_squeeze %dma_start3A_196 : memref<1x1x25x80xi32, #tpu.memory_space<hbm>> -> memref<25x80xi32, #tpu.memory_space<hbm>>
    %dma_start3A_198 = arith.constant 0 : i32
    %dma_start3A_199 = arith.constant 0 : i32
    %dma_start3A_200 = tpu.memref_slice %arg4[%add3A, %dma_start3A_193, %dma_start3A_198, %dma_start3A_199] : memref<32x5x25x80xi32, #tpu.memory_space<hbm>> -> memref<1x1x25x80xi32, #tpu.memory_space<hbm>>
    %dma_start3A_201 = tpu.memref_squeeze %dma_start3A_200 : memref<1x1x25x80xi32, #tpu.memory_space<hbm>> -> memref<25x80xi32, #tpu.memory_space<hbm>>
    tpu.enqueue_dma source(%dma_start3A_201 : memref<25x80xi32, #tpu.memory_space<hbm>>) target(%arg7 : memref<25x80xi32, #tpu.memory_space<vmem>>) target_semaphore(%arg15 : memref<!tpu.dma_semaphore, #tpu.memory_space<semaphore_mem>>)
    %dma_start3A_202 = arith.constant 0 : i32
    %dma_start3A_203 = arith.constant 0 : i32
    %dma_start3A_204 = tpu.memref_slice %arg8[%dma_start3A_202, %dma_start3A_203] : memref<25x80xi32, #tpu.memory_space<vmem>> -> memref<1x80xi32, #tpu.memory_space<vmem>>
    %dma_start3A_205 = tpu.memref_squeeze %dma_start3A_204 : memref<1x80xi32, #tpu.memory_space<vmem>> -> memref<80xi32, #tpu.memory_space<vmem>>
    %dma_start3A_206 = arith.constant 0 : i32
    %dma_start3A_207 = arith.constant 0 : i32
    %dma_start3A_208 = tpu.memref_slice %arg2[%dma_start3A_206, %dma_start3A_207] : memref<10000x128xf32, #tpu.memory_space<hbm>> -> memref<10000x128xf32, #tpu.memory_space<hbm>>
    tpu.enqueue_indirect_dma source(%dma_start3A_208 : memref<10000x128xf32, #tpu.memory_space<hbm>>) target(%arg10 : memref<80x128xf32, #tpu.memory_space<vmem>>) offsets(%dma_start3A_205 : memref<80xi32, #tpu.memory_space<vmem>>) semaphore(%arg13 : memref<!tpu.dma_semaphore, #tpu.memory_space<semaphore_mem>>)
    %scan3A_209 = arith.constant 0 : i32
    %scan3A_210 = arith.constant 13 : i32
    %scan3A_211 = arith.addi %scan3A_209, %scan3A_210 : i32
    %scan3A_212 = arith.constant 1 : i32
    scf.for %scan3A_249 = %scan3A_209 to %scan3A_211 step %scan3A_212  : i32 {
      %mul3A_250 = arith.constant 2 : i32
      %mul3A_251 = arith.muli %scan3A_249, %mul3A_250 : i32
      %add3A_252 = arith.constant 0 : i32
      %add3A_253 = arith.addi %add3A_252, %mul3A_251 : i32
      %add3A_254 = arith.constant 1 : i32
      %add3A_255 = arith.addi %add3A_253, %add3A_254 : i32
      %lt3A_256 = arith.constant 25 : i32
      %lt3A_257 = arith.cmpi slt, %add3A_255, %lt3A_256 : i32
      %convert_element_type3A_258 = arith.extui %lt3A_257 : i1 to i32
      %cond3A_259 = arith.constant 0 : i32
      %cond3A_260 = arith.cmpi ne, %convert_element_type3A_258, %cond3A_259 : i32
      scf.if %cond3A_260 {
        %add3A_281 = arith.constant 1 : i32
        %add3A_282 = arith.addi %add3A_253, %add3A_281 : i32
        %dma_start3A_283 = arith.constant 0 : i32
        %dma_start3A_284 = tpu.memref_slice %arg8[%add3A_282, %dma_start3A_283] : memref<25x80xi32, #tpu.memory_space<vmem>> -> memref<1x80xi32, #tpu.memory_space<vmem>>
        %dma_start3A_285 = tpu.memref_squeeze %dma_start3A_284 : memref<1x80xi32, #tpu.memory_space<vmem>> -> memref<80xi32, #tpu.memory_space<vmem>>
        %dma_start3A_286 = arith.constant 0 : i32
        %dma_start3A_287 = arith.constant 0 : i32
        %dma_start3A_288 = tpu.memref_slice %arg2[%dma_start3A_286, %dma_start3A_287] : memref<10000x128xf32, #tpu.memory_space<hbm>> -> memref<10000x128xf32, #tpu.memory_space<hbm>>
        tpu.enqueue_indirect_dma source(%dma_start3A_288 : memref<10000x128xf32, #tpu.memory_space<hbm>>) target(%arg11 : memref<80x128xf32, #tpu.memory_space<vmem>>) offsets(%dma_start3A_285 : memref<80xi32, #tpu.memory_space<vmem>>) semaphore(%arg14 : memref<!tpu.dma_semaphore, #tpu.memory_space<semaphore_mem>>)
      } else {
      }
      %dma_wait3A_261 = arith.constant 0 : i32
      %dma_wait3A_262 = tpu.memref_slice %arg8[%add3A_253, %dma_wait3A_261] : memref<25x80xi32, #tpu.memory_space<vmem>> -> memref<1x80xi32, #tpu.memory_space<vmem>>
      %dma_wait3A_263 = tpu.memref_squeeze %dma_wait3A_262 : memref<1x80xi32, #tpu.memory_space<vmem>> -> memref<80xi32, #tpu.memory_space<vmem>>
      %dma_wait3A_264 = arith.constant 0 : i32
      %dma_wait3A_265 = arith.constant 0 : i32
      %dma_wait3A_266 = tpu.memref_slice %arg2[%dma_wait3A_264, %dma_wait3A_265] : memref<10000x128xf32, #tpu.memory_space<hbm>> -> memref<10000x128xf32, #tpu.memory_space<hbm>>
      tpu.wait_indirect_dma semaphore(%arg13 : memref<!tpu.dma_semaphore, #tpu.memory_space<semaphore_mem>>) src(%dma_wait3A_266 : memref<10000x128xf32, #tpu.memory_space<hbm>>) dst(%arg10 : memref<80x128xf32, #tpu.memory_space<vmem>>)
      "tpu.region"() ({
        %run_scoped3A = tpu.sem_alloc : memref<!tpu.dma_semaphore, #tpu.memory_space<semaphore_mem>>
        %dma_start3A_281 = arith.constant 0 : i32
        %dma_start3A_282 = tpu.memref_slice %arg9[%add3A_253, %dma_start3A_281] : memref<25x80xi32, #tpu.memory_space<vmem>> -> memref<1x80xi32, #tpu.memory_space<vmem>>
        %dma_start3A_283 = tpu.memref_squeeze %dma_start3A_282 : memref<1x80xi32, #tpu.memory_space<vmem>> -> memref<80xi32, #tpu.memory_space<vmem>>
        %dma_start3A_284 = arith.constant 0 : i32
        %dma_start3A_285 = arith.constant 0 : i32
        %dma_start3A_286 = tpu.memref_slice %arg12[%dma_start3A_284, %dma_start3A_285] : memref<10240x128xf32, #tpu.memory_space<vmem_shared>> -> memref<10240x128xf32, #tpu.memory_space<vmem_shared>>
        tpu.enqueue_indirect_dma source(%arg10 : memref<80x128xf32, #tpu.memory_space<vmem>>) target(%dma_start3A_286 : memref<10240x128xf32, #tpu.memory_space<vmem_shared>>) offsets(%dma_start3A_283 : memref<80xi32, #tpu.memory_space<vmem>>) semaphore(%run_scoped3A : memref<!tpu.dma_semaphore, #tpu.memory_space<semaphore_mem>>) {add = true}
        %dma_wait3A_287 = arith.constant 0 : i32
        %dma_wait3A_288 = tpu.memref_slice %arg9[%add3A_253, %dma_wait3A_287] : memref<25x80xi32, #tpu.memory_space<vmem>> -> memref<1x80xi32, #tpu.memory_space<vmem>>
        %dma_wait3A_289 = tpu.memref_squeeze %dma_wait3A_288 : memref<1x80xi32, #tpu.memory_space<vmem>> -> memref<80xi32, #tpu.memory_space<vmem>>
        %dma_wait3A_290 = arith.constant 0 : i32
        %dma_wait3A_291 = arith.constant 0 : i32
        %dma_wait3A_292 = tpu.memref_slice %arg12[%dma_wait3A_290, %dma_wait3A_291] : memref<10240x128xf32, #tpu.memory_space<vmem_shared>> -> memref<10240x128xf32, #tpu.memory_space<vmem_shared>>
        tpu.wait_indirect_dma semaphore(%run_scoped3A : memref<!tpu.dma_semaphore, #tpu.memory_space<semaphore_mem>>) src(%arg10 : memref<80x128xf32, #tpu.memory_space<vmem>>) dst(%dma_wait3A_292 : memref<10240x128xf32, #tpu.memory_space<vmem_shared>>)
        tpu.yield
      }) : () -> ()
      %add3A_267 = arith.constant 2 : i32
      %add3A_268 = arith.addi %add3A_253, %add3A_267 : i32
      %lt3A_269 = arith.constant 25 : i32
      %lt3A_270 = arith.cmpi slt, %add3A_268, %lt3A_269 : i32
      %convert_element_type3A_271 = arith.extui %lt3A_270 : i1 to i32
      %cond3A_272 = arith.constant 0 : i32
      %cond3A_273 = arith.cmpi ne, %convert_element_type3A_271, %cond3A_272 : i32
      scf.if %cond3A_273 {
        %add3A_281 = arith.constant 2 : i32
        %add3A_282 = arith.addi %add3A_253, %add3A_281 : i32
        %dma_start3A_283 = arith.constant 0 : i32
        %dma_start3A_284 = tpu.memref_slice %arg8[%add3A_282, %dma_start3A_283] : memref<25x80xi32, #tpu.memory_space<vmem>> -> memref<1x80xi32, #tpu.memory_space<vmem>>
        %dma_start3A_285 = tpu.memref_squeeze %dma_start3A_284 : memref<1x80xi32, #tpu.memory_space<vmem>> -> memref<80xi32, #tpu.memory_space<vmem>>
        %dma_start3A_286 = arith.constant 0 : i32
        %dma_start3A_287 = arith.constant 0 : i32
        %dma_start3A_288 = tpu.memref_slice %arg2[%dma_start3A_286, %dma_start3A_287] : memref<10000x128xf32, #tpu.memory_space<hbm>> -> memref<10000x128xf32, #tpu.memory_space<hbm>>
        tpu.enqueue_indirect_dma source(%dma_start3A_288 : memref<10000x128xf32, #tpu.memory_space<hbm>>) target(%arg10 : memref<80x128xf32, #tpu.memory_space<vmem>>) offsets(%dma_start3A_285 : memref<80xi32, #tpu.memory_space<vmem>>) semaphore(%arg13 : memref<!tpu.dma_semaphore, #tpu.memory_space<semaphore_mem>>)
      } else {
      }
      %add3A_274 = arith.constant 1 : i32
      %add3A_275 = arith.addi %add3A_253, %add3A_274 : i32
      %lt3A_276 = arith.constant 25 : i32
      %lt3A_277 = arith.cmpi slt, %add3A_275, %lt3A_276 : i32
      %convert_element_type3A_278 = arith.extui %lt3A_277 : i1 to i32
      %cond3A_279 = arith.constant 0 : i32
      %cond3A_280 = arith.cmpi ne, %convert_element_type3A_278, %cond3A_279 : i32
      scf.if %cond3A_280 {
        %add3A_281 = arith.constant 1 : i32
        %add3A_282 = arith.addi %add3A_253, %add3A_281 : i32
        %dma_wait3A_283 = arith.constant 0 : i32
        %dma_wait3A_284 = tpu.memref_slice %arg8[%add3A_282, %dma_wait3A_283] : memref<25x80xi32, #tpu.memory_space<vmem>> -> memref<1x80xi32, #tpu.memory_space<vmem>>
        %dma_wait3A_285 = tpu.memref_squeeze %dma_wait3A_284 : memref<1x80xi32, #tpu.memory_space<vmem>> -> memref<80xi32, #tpu.memory_space<vmem>>
        %dma_wait3A_286 = arith.constant 0 : i32
        %dma_wait3A_287 = arith.constant 0 : i32
        %dma_wait3A_288 = tpu.memref_slice %arg2[%dma_wait3A_286, %dma_wait3A_287] : memref<10000x128xf32, #tpu.memory_space<hbm>> -> memref<10000x128xf32, #tpu.memory_space<hbm>>
        tpu.wait_indirect_dma semaphore(%arg14 : memref<!tpu.dma_semaphore, #tpu.memory_space<semaphore_mem>>) src(%dma_wait3A_288 : memref<10000x128xf32, #tpu.memory_space<hbm>>) dst(%arg11 : memref<80x128xf32, #tpu.memory_space<vmem>>)
        %add3A_289 = arith.constant 1 : i32
        %add3A_290 = arith.addi %add3A_253, %add3A_289 : i32
        "tpu.region"() ({
          %run_scoped3A = tpu.sem_alloc : memref<!tpu.dma_semaphore, #tpu.memory_space<semaphore_mem>>
          %dma_start3A_291 = arith.constant 0 : i32
          %dma_start3A_292 = tpu.memref_slice %arg9[%add3A_290, %dma_start3A_291] : memref<25x80xi32, #tpu.memory_space<vmem>> -> memref<1x80xi32, #tpu.memory_space<vmem>>
          %dma_start3A_293 = tpu.memref_squeeze %dma_start3A_292 : memref<1x80xi32, #tpu.memory_space<vmem>> -> memref<80xi32, #tpu.memory_space<vmem>>
          %dma_start3A_294 = arith.constant 0 : i32
          %dma_start3A_295 = arith.constant 0 : i32
          %dma_start3A_296 = tpu.memref_slice %arg12[%dma_start3A_294, %dma_start3A_295] : memref<10240x128xf32, #tpu.memory_space<vmem_shared>> -> memref<10240x128xf32, #tpu.memory_space<vmem_shared>>
          tpu.enqueue_indirect_dma source(%arg11 : memref<80x128xf32, #tpu.memory_space<vmem>>) target(%dma_start3A_296 : memref<10240x128xf32, #tpu.memory_space<vmem_shared>>) offsets(%dma_start3A_293 : memref<80xi32, #tpu.memory_space<vmem>>) semaphore(%run_scoped3A : memref<!tpu.dma_semaphore, #tpu.memory_space<semaphore_mem>>) {add = true}
          %dma_wait3A_297 = arith.constant 0 : i32
          %dma_wait3A_298 = tpu.memref_slice %arg9[%add3A_290, %dma_wait3A_297] : memref<25x80xi32, #tpu.memory_space<vmem>> -> memref<1x80xi32, #tpu.memory_space<vmem>>
          %dma_wait3A_299 = tpu.memref_squeeze %dma_wait3A_298 : memref<1x80xi32, #tpu.memory_space<vmem>> -> memref<80xi32, #tpu.memory_space<vmem>>
          %dma_wait3A_300 = arith.constant 0 : i32
          %dma_wait3A_301 = arith.constant 0 : i32
          %dma_wait3A_302 = tpu.memref_slice %arg12[%dma_wait3A_300, %dma_wait3A_301] : memref<10240x128xf32, #tpu.memory_space<vmem_shared>> -> memref<10240x128xf32, #tpu.memory_space<vmem_shared>>
          tpu.wait_indirect_dma semaphore(%run_scoped3A : memref<!tpu.dma_semaphore, #tpu.memory_space<semaphore_mem>>) src(%arg11 : memref<80x128xf32, #tpu.memory_space<vmem>>) dst(%dma_wait3A_302 : memref<10240x128xf32, #tpu.memory_space<vmem_shared>>)
          tpu.yield
        }) : () -> ()
      } else {
      }
    }
    %scan3A_213 = arith.constant 13 : i32
    %dma_wait3A_214 = arith.constant 4 : i32
    %dma_wait3A_215 = arith.constant 0 : i32
    %dma_wait3A_216 = arith.constant 0 : i32
    %dma_wait3A_217 = tpu.memref_slice %arg3[%add3A, %dma_wait3A_214, %dma_wait3A_215, %dma_wait3A_216] : memref<32x5x25x80xi32, #tpu.memory_space<hbm>> -> memref<1x1x25x80xi32, #tpu.memory_space<hbm>>
    %dma_wait3A_218 = tpu.memref_squeeze %dma_wait3A_217 : memref<1x1x25x80xi32, #tpu.memory_space<hbm>> -> memref<25x80xi32, #tpu.memory_space<hbm>>
    %dma_wait3A_219 = arith.constant 0 : i32
    %dma_wait3A_220 = arith.constant 0 : i32
    %dma_wait3A_221 = tpu.memref_slice %arg3[%add3A, %dma_wait3A_214, %dma_wait3A_219, %dma_wait3A_220] : memref<32x5x25x80xi32, #tpu.memory_space<hbm>> -> memref<1x1x25x80xi32, #tpu.memory_space<hbm>>
    %dma_wait3A_222 = tpu.memref_squeeze %dma_wait3A_221 : memref<1x1x25x80xi32, #tpu.memory_space<hbm>> -> memref<25x80xi32, #tpu.memory_space<hbm>>
    tpu.wait_dma2 semaphore(%arg15 : memref<!tpu.dma_semaphore, #tpu.memory_space<semaphore_mem>>) src(%dma_wait3A_222 : memref<25x80xi32, #tpu.memory_space<hbm>>) dst(%arg6 : memref<25x80xi32, #tpu.memory_space<vmem>>)
    %dma_wait3A_223 = arith.constant 4 : i32
    %dma_wait3A_224 = arith.constant 0 : i32
    %dma_wait3A_225 = arith.constant 0 : i32
    %dma_wait3A_226 = tpu.memref_slice %arg4[%add3A, %dma_wait3A_223, %dma_wait3A_224, %dma_wait3A_225] : memref<32x5x25x80xi32, #tpu.memory_space<hbm>> -> memref<1x1x25x80xi32, #tpu.memory_space<hbm>>
    %dma_wait3A_227 = tpu.memref_squeeze %dma_wait3A_226 : memref<1x1x25x80xi32, #tpu.memory_space<hbm>> -> memref<25x80xi32, #tpu.memory_space<hbm>>
    %dma_wait3A_228 = arith.constant 0 : i32
    %dma_wait3A_229 = arith.constant 0 : i32
    %dma_wait3A_230 = tpu.memref_slice %arg4[%add3A, %dma_wait3A_223, %dma_wait3A_228, %dma_wait3A_229] : memref<32x5x25x80xi32, #tpu.memory_space<hbm>> -> memref<1x1x25x80xi32, #tpu.memory_space<hbm>>
    %dma_wait3A_231 = tpu.memref_squeeze %dma_wait3A_230 : memref<1x1x25x80xi32, #tpu.memory_space<hbm>> -> memref<25x80xi32, #tpu.memory_space<hbm>>
    tpu.wait_dma2 semaphore(%arg15 : memref<!tpu.dma_semaphore, #tpu.memory_space<semaphore_mem>>) src(%dma_wait3A_231 : memref<25x80xi32, #tpu.memory_space<hbm>>) dst(%arg7 : memref<25x80xi32, #tpu.memory_space<vmem>>)
    %dma_start3A_232 = arith.constant 0 : i32
    %dma_start3A_233 = arith.constant 0 : i32
    %dma_start3A_234 = tpu.memref_slice %arg6[%dma_start3A_232, %dma_start3A_233] : memref<25x80xi32, #tpu.memory_space<vmem>> -> memref<1x80xi32, #tpu.memory_space<vmem>>
    %dma_start3A_235 = tpu.memref_squeeze %dma_start3A_234 : memref<1x80xi32, #tpu.memory_space<vmem>> -> memref<80xi32, #tpu.memory_space<vmem>>
    %dma_start3A_236 = arith.constant 0 : i32
    %dma_start3A_237 = arith.constant 0 : i32
    %dma_start3A_238 = tpu.memref_slice %arg2[%dma_start3A_236, %dma_start3A_237] : memref<10000x128xf32, #tpu.memory_space<hbm>> -> memref<10000x128xf32, #tpu.memory_space<hbm>>
    tpu.enqueue_indirect_dma source(%dma_start3A_238 : memref<10000x128xf32, #tpu.memory_space<hbm>>) target(%arg10 : memref<80x128xf32, #tpu.memory_space<vmem>>) offsets(%dma_start3A_235 : memref<80xi32, #tpu.memory_space<vmem>>) semaphore(%arg13 : memref<!tpu.dma_semaphore, #tpu.memory_space<semaphore_mem>>)
    %scan3A_239 = arith.constant 0 : i32
    %scan3A_240 = arith.constant 13 : i32
    %scan3A_241 = arith.addi %scan3A_239, %scan3A_240 : i32
    %scan3A_242 = arith.constant 1 : i32
    scf.for %scan3A_249 = %scan3A_239 to %scan3A_241 step %scan3A_242  : i32 {
      %mul3A_250 = arith.constant 2 : i32
      %mul3A_251 = arith.muli %scan3A_249, %mul3A_250 : i32
      %add3A_252 = arith.constant 0 : i32
      %add3A_253 = arith.addi %add3A_252, %mul3A_251 : i32
      %add3A_254 = arith.constant 1 : i32
      %add3A_255 = arith.addi %add3A_253, %add3A_254 : i32
      %lt3A_256 = arith.constant 25 : i32
      %lt3A_257 = arith.cmpi slt, %add3A_255, %lt3A_256 : i32
      %convert_element_type3A_258 = arith.extui %lt3A_257 : i1 to i32
      %cond3A_259 = arith.constant 0 : i32
      %cond3A_260 = arith.cmpi ne, %convert_element_type3A_258, %cond3A_259 : i32
      scf.if %cond3A_260 {
        %add3A_281 = arith.constant 1 : i32
        %add3A_282 = arith.addi %add3A_253, %add3A_281 : i32
        %dma_start3A_283 = arith.constant 0 : i32
        %dma_start3A_284 = tpu.memref_slice %arg6[%add3A_282, %dma_start3A_283] : memref<25x80xi32, #tpu.memory_space<vmem>> -> memref<1x80xi32, #tpu.memory_space<vmem>>
        %dma_start3A_285 = tpu.memref_squeeze %dma_start3A_284 : memref<1x80xi32, #tpu.memory_space<vmem>> -> memref<80xi32, #tpu.memory_space<vmem>>
        %dma_start3A_286 = arith.constant 0 : i32
        %dma_start3A_287 = arith.constant 0 : i32
        %dma_start3A_288 = tpu.memref_slice %arg2[%dma_start3A_286, %dma_start3A_287] : memref<10000x128xf32, #tpu.memory_space<hbm>> -> memref<10000x128xf32, #tpu.memory_space<hbm>>
        tpu.enqueue_indirect_dma source(%dma_start3A_288 : memref<10000x128xf32, #tpu.memory_space<hbm>>) target(%arg11 : memref<80x128xf32, #tpu.memory_space<vmem>>) offsets(%dma_start3A_285 : memref<80xi32, #tpu.memory_space<vmem>>) semaphore(%arg14 : memref<!tpu.dma_semaphore, #tpu.memory_space<semaphore_mem>>)
      } else {
      }
      %dma_wait3A_261 = arith.constant 0 : i32
      %dma_wait3A_262 = tpu.memref_slice %arg6[%add3A_253, %dma_wait3A_261] : memref<25x80xi32, #tpu.memory_space<vmem>> -> memref<1x80xi32, #tpu.memory_space<vmem>>
      %dma_wait3A_263 = tpu.memref_squeeze %dma_wait3A_262 : memref<1x80xi32, #tpu.memory_space<vmem>> -> memref<80xi32, #tpu.memory_space<vmem>>
      %dma_wait3A_264 = arith.constant 0 : i32
      %dma_wait3A_265 = arith.constant 0 : i32
      %dma_wait3A_266 = tpu.memref_slice %arg2[%dma_wait3A_264, %dma_wait3A_265] : memref<10000x128xf32, #tpu.memory_space<hbm>> -> memref<10000x128xf32, #tpu.memory_space<hbm>>
      tpu.wait_indirect_dma semaphore(%arg13 : memref<!tpu.dma_semaphore, #tpu.memory_space<semaphore_mem>>) src(%dma_wait3A_266 : memref<10000x128xf32, #tpu.memory_space<hbm>>) dst(%arg10 : memref<80x128xf32, #tpu.memory_space<vmem>>)
      "tpu.region"() ({
        %run_scoped3A = tpu.sem_alloc : memref<!tpu.dma_semaphore, #tpu.memory_space<semaphore_mem>>
        %dma_start3A_281 = arith.constant 0 : i32
        %dma_start3A_282 = tpu.memref_slice %arg7[%add3A_253, %dma_start3A_281] : memref<25x80xi32, #tpu.memory_space<vmem>> -> memref<1x80xi32, #tpu.memory_space<vmem>>
        %dma_start3A_283 = tpu.memref_squeeze %dma_start3A_282 : memref<1x80xi32, #tpu.memory_space<vmem>> -> memref<80xi32, #tpu.memory_space<vmem>>
        %dma_start3A_284 = arith.constant 0 : i32
        %dma_start3A_285 = arith.constant 0 : i32
        %dma_start3A_286 = tpu.memref_slice %arg12[%dma_start3A_284, %dma_start3A_285] : memref<10240x128xf32, #tpu.memory_space<vmem_shared>> -> memref<10240x128xf32, #tpu.memory_space<vmem_shared>>
        tpu.enqueue_indirect_dma source(%arg10 : memref<80x128xf32, #tpu.memory_space<vmem>>) target(%dma_start3A_286 : memref<10240x128xf32, #tpu.memory_space<vmem_shared>>) offsets(%dma_start3A_283 : memref<80xi32, #tpu.memory_space<vmem>>) semaphore(%run_scoped3A : memref<!tpu.dma_semaphore, #tpu.memory_space<semaphore_mem>>) {add = true}
        %dma_wait3A_287 = arith.constant 0 : i32
        %dma_wait3A_288 = tpu.memref_slice %arg7[%add3A_253, %dma_wait3A_287] : memref<25x80xi32, #tpu.memory_space<vmem>> -> memref<1x80xi32, #tpu.memory_space<vmem>>
        %dma_wait3A_289 = tpu.memref_squeeze %dma_wait3A_288 : memref<1x80xi32, #tpu.memory_space<vmem>> -> memref<80xi32, #tpu.memory_space<vmem>>
        %dma_wait3A_290 = arith.constant 0 : i32
        %dma_wait3A_291 = arith.constant 0 : i32
        %dma_wait3A_292 = tpu.memref_slice %arg12[%dma_wait3A_290, %dma_wait3A_291] : memref<10240x128xf32, #tpu.memory_space<vmem_shared>> -> memref<10240x128xf32, #tpu.memory_space<vmem_shared>>
        tpu.wait_indirect_dma semaphore(%run_scoped3A : memref<!tpu.dma_semaphore, #tpu.memory_space<semaphore_mem>>) src(%arg10 : memref<80x128xf32, #tpu.memory_space<vmem>>) dst(%dma_wait3A_292 : memref<10240x128xf32, #tpu.memory_space<vmem_shared>>)
        tpu.yield
      }) : () -> ()
      %add3A_267 = arith.constant 2 : i32
      %add3A_268 = arith.addi %add3A_253, %add3A_267 : i32
      %lt3A_269 = arith.constant 25 : i32
      %lt3A_270 = arith.cmpi slt, %add3A_268, %lt3A_269 : i32
      %convert_element_type3A_271 = arith.extui %lt3A_270 : i1 to i32
      %cond3A_272 = arith.constant 0 : i32
      %cond3A_273 = arith.cmpi ne, %convert_element_type3A_271, %cond3A_272 : i32
      scf.if %cond3A_273 {
        %add3A_281 = arith.constant 2 : i32
        %add3A_282 = arith.addi %add3A_253, %add3A_281 : i32
        %dma_start3A_283 = arith.constant 0 : i32
        %dma_start3A_284 = tpu.memref_slice %arg6[%add3A_282, %dma_start3A_283] : memref<25x80xi32, #tpu.memory_space<vmem>> -> memref<1x80xi32, #tpu.memory_space<vmem>>
        %dma_start3A_285 = tpu.memref_squeeze %dma_start3A_284 : memref<1x80xi32, #tpu.memory_space<vmem>> -> memref<80xi32, #tpu.memory_space<vmem>>
        %dma_start3A_286 = arith.constant 0 : i32
        %dma_start3A_287 = arith.constant 0 : i32
        %dma_start3A_288 = tpu.memref_slice %arg2[%dma_start3A_286, %dma_start3A_287] : memref<10000x128xf32, #tpu.memory_space<hbm>> -> memref<10000x128xf32, #tpu.memory_space<hbm>>
        tpu.enqueue_indirect_dma source(%dma_start3A_288 : memref<10000x128xf32, #tpu.memory_space<hbm>>) target(%arg10 : memref<80x128xf32, #tpu.memory_space<vmem>>) offsets(%dma_start3A_285 : memref<80xi32, #tpu.memory_space<vmem>>) semaphore(%arg13 : memref<!tpu.dma_semaphore, #tpu.memory_space<semaphore_mem>>)
      } else {
      }
      %add3A_274 = arith.constant 1 : i32
      %add3A_275 = arith.addi %add3A_253, %add3A_274 : i32
      %lt3A_276 = arith.constant 25 : i32
      %lt3A_277 = arith.cmpi slt, %add3A_275, %lt3A_276 : i32
      %convert_element_type3A_278 = arith.extui %lt3A_277 : i1 to i32
      %cond3A_279 = arith.constant 0 : i32
      %cond3A_280 = arith.cmpi ne, %convert_element_type3A_278, %cond3A_279 : i32
      scf.if %cond3A_280 {
        %add3A_281 = arith.constant 1 : i32
        %add3A_282 = arith.addi %add3A_253, %add3A_281 : i32
        %dma_wait3A_283 = arith.constant 0 : i32
        %dma_wait3A_284 = tpu.memref_slice %arg6[%add3A_282, %dma_wait3A_283] : memref<25x80xi32, #tpu.memory_space<vmem>> -> memref<1x80xi32, #tpu.memory_space<vmem>>
        %dma_wait3A_285 = tpu.memref_squeeze %dma_wait3A_284 : memref<1x80xi32, #tpu.memory_space<vmem>> -> memref<80xi32, #tpu.memory_space<vmem>>
        %dma_wait3A_286 = arith.constant 0 : i32
        %dma_wait3A_287 = arith.constant 0 : i32
        %dma_wait3A_288 = tpu.memref_slice %arg2[%dma_wait3A_286, %dma_wait3A_287] : memref<10000x128xf32, #tpu.memory_space<hbm>> -> memref<10000x128xf32, #tpu.memory_space<hbm>>
        tpu.wait_indirect_dma semaphore(%arg14 : memref<!tpu.dma_semaphore, #tpu.memory_space<semaphore_mem>>) src(%dma_wait3A_288 : memref<10000x128xf32, #tpu.memory_space<hbm>>) dst(%arg11 : memref<80x128xf32, #tpu.memory_space<vmem>>)
        %add3A_289 = arith.constant 1 : i32
        %add3A_290 = arith.addi %add3A_253, %add3A_289 : i32
        "tpu.region"() ({
          %run_scoped3A = tpu.sem_alloc : memref<!tpu.dma_semaphore, #tpu.memory_space<semaphore_mem>>
          %dma_start3A_291 = arith.constant 0 : i32
          %dma_start3A_292 = tpu.memref_slice %arg7[%add3A_290, %dma_start3A_291] : memref<25x80xi32, #tpu.memory_space<vmem>> -> memref<1x80xi32, #tpu.memory_space<vmem>>
          %dma_start3A_293 = tpu.memref_squeeze %dma_start3A_292 : memref<1x80xi32, #tpu.memory_space<vmem>> -> memref<80xi32, #tpu.memory_space<vmem>>
          %dma_start3A_294 = arith.constant 0 : i32
          %dma_start3A_295 = arith.constant 0 : i32
          %dma_start3A_296 = tpu.memref_slice %arg12[%dma_start3A_294, %dma_start3A_295] : memref<10240x128xf32, #tpu.memory_space<vmem_shared>> -> memref<10240x128xf32, #tpu.memory_space<vmem_shared>>
          tpu.enqueue_indirect_dma source(%arg11 : memref<80x128xf32, #tpu.memory_space<vmem>>) target(%dma_start3A_296 : memref<10240x128xf32, #tpu.memory_space<vmem_shared>>) offsets(%dma_start3A_293 : memref<80xi32, #tpu.memory_space<vmem>>) semaphore(%run_scoped3A : memref<!tpu.dma_semaphore, #tpu.memory_space<semaphore_mem>>) {add = true}
          %dma_wait3A_297 = arith.constant 0 : i32
          %dma_wait3A_298 = tpu.memref_slice %arg7[%add3A_290, %dma_wait3A_297] : memref<25x80xi32, #tpu.memory_space<vmem>> -> memref<1x80xi32, #tpu.memory_space<vmem>>
          %dma_wait3A_299 = tpu.memref_squeeze %dma_wait3A_298 : memref<1x80xi32, #tpu.memory_space<vmem>> -> memref<80xi32, #tpu.memory_space<vmem>>
          %dma_wait3A_300 = arith.constant 0 : i32
          %dma_wait3A_301 = arith.constant 0 : i32
          %dma_wait3A_302 = tpu.memref_slice %arg12[%dma_wait3A_300, %dma_wait3A_301] : memref<10240x128xf32, #tpu.memory_space<vmem_shared>> -> memref<10240x128xf32, #tpu.memory_space<vmem_shared>>
          tpu.wait_indirect_dma semaphore(%run_scoped3A : memref<!tpu.dma_semaphore, #tpu.memory_space<semaphore_mem>>) src(%arg11 : memref<80x128xf32, #tpu.memory_space<vmem>>) dst(%dma_wait3A_302 : memref<10240x128xf32, #tpu.memory_space<vmem_shared>>)
          tpu.yield
        }) : () -> ()
      } else {
      }
    }
    %scan3A_243 = arith.constant 13 : i32
    %barrier3A_244 = arith.constant 0 : index
    tpu.barrier barrier_id(%barrier3A_244)
    %mul3A_245 = arith.constant 640 : i32
    %mul3A_246 = arith.muli %arg1, %mul3A_245 : i32
    %mul3A_247 = arith.constant 640 : i32
    %mul3A_248 = arith.muli %arg1, %mul3A_247 : i32
    "tpu.region"() ({
      %run_scoped3A = tpu.sem_alloc : memref<!tpu.dma_semaphore, #tpu.memory_space<semaphore_mem>>
      %dma_start3A_249 = arith.constant 0 : i32
      %dma_start3A_250 = tpu.memref_slice %arg5[%arg0, %mul3A_248, %dma_start3A_249] : memref<2x10240x128xf32, #tpu.memory_space<hbm>> -> memref<1x640x128xf32, #tpu.memory_space<hbm>>
      %dma_start3A_251 = tpu.memref_squeeze %dma_start3A_250 : memref<1x640x128xf32, #tpu.memory_space<hbm>> -> memref<640x128xf32, #tpu.memory_space<hbm>>
      %dma_start3A_252 = arith.constant 0 : i32
      %dma_start3A_253 = tpu.memref_slice %arg12[%mul3A_246, %dma_start3A_252] : memref<10240x128xf32, #tpu.memory_space<vmem_shared>> -> memref<640x128xf32, #tpu.memory_space<vmem_shared>>
      tpu.enqueue_dma source(%dma_start3A_253 : memref<640x128xf32, #tpu.memory_space<vmem_shared>>) target(%dma_start3A_251 : memref<640x128xf32, #tpu.memory_space<hbm>>) target_semaphore(%run_scoped3A : memref<!tpu.dma_semaphore, #tpu.memory_space<semaphore_mem>>)
      %dma_wait3A_254 = arith.constant 0 : i32
      %dma_wait3A_255 = tpu.memref_slice %arg5[%arg0, %mul3A_248, %dma_wait3A_254] : memref<2x10240x128xf32, #tpu.memory_space<hbm>> -> memref<1x640x128xf32, #tpu.memory_space<hbm>>
      %dma_wait3A_256 = tpu.memref_squeeze %dma_wait3A_255 : memref<1x640x128xf32, #tpu.memory_space<hbm>> -> memref<640x128xf32, #tpu.memory_space<hbm>>
      %dma_wait3A_257 = arith.constant 0 : i32
      %dma_wait3A_258 = tpu.memref_slice %arg12[%mul3A_246, %dma_wait3A_257] : memref<10240x128xf32, #tpu.memory_space<vmem_shared>> -> memref<640x128xf32, #tpu.memory_space<vmem_shared>>
      tpu.wait_dma2 semaphore(%run_scoped3A : memref<!tpu.dma_semaphore, #tpu.memory_space<semaphore_mem>>) src(%dma_wait3A_258 : memref<640x128xf32, #tpu.memory_space<vmem_shared>>) dst(%dma_wait3A_256 : memref<640x128xf32, #tpu.memory_space<hbm>>)
      tpu.yield
    }) : () -> ()
    return
  }
}

#map = affine_map<(d0, d1) -> (0, 0, 0)>
module attributes {stable_mosaic.version = 14 : i64} {
  func.func @_deg_body(%arg0: i32, %arg1: i32, %arg2: memref<32x125x80xi32, #tpu.memory_space<hbm>>, %arg3: memref<2x10240x16xf32, #tpu.memory_space<hbm>>, %arg4: memref<125x80xi32, #tpu.memory_space<vmem>>, %arg5: memref<80x16xf32, #tpu.memory_space<vmem>>, %arg6: memref<80x16xf32, #tpu.memory_space<vmem>>, %arg7: memref<10240x16xf32, #tpu.memory_space<vmem_shared>>) attributes {dimension_semantics = [#tpu.dimension_semantics<core_parallel>, #tpu.dimension_semantics<subcore_parallel>], iteration_bounds = array<i64: 2, 16>, scalar_prefetch = 0 : i64, scratch_operands = 4 : i64, tpu.core_type = #tpu.core_type<sc_vector_subcore>, window_params = [{transform_indices = #map}, {transform_indices = #map}]} {
    %mul3A = arith.constant 2 : i32
    %mul3A_0 = arith.muli %arg1, %mul3A : i32
    %add3A = arith.addi %mul3A_0, %arg0 : i32
    %broadcast_in_dim3A = arith.constant 0.000000e+00 : f32
    %broadcast_in_dim3A_1 = vector.broadcast %broadcast_in_dim3A : f32 to vector<16xf32>
    %broadcast_in_dim3A_2 = arith.constant 1.000000e+00 : f32
    %broadcast_in_dim3A_3 = vector.broadcast %broadcast_in_dim3A_2 : f32 to vector<16xf32>
    %swap3A = arith.constant 0 : i32
    %swap3A_4 = arith.index_cast %swap3A : i32 to index
    %swap3A_5 = arith.constant 0 : index
    %swap3A_6 = tpu.vector_load %arg5[%swap3A_4, %swap3A_5] {strides = array<i32>} : memref<80x16xf32, #tpu.memory_space<vmem>>, vector<1x16xf32>,
    %swap3A_7 = vector.shape_cast %swap3A_6 : vector<1x16xf32> to vector<16xf32>
    %swap3A_8 = vector.shape_cast %broadcast_in_dim3A_1 : vector<16xf32> to vector<1x16xf32>
    tpu.vector_store %arg5[%swap3A_4, %swap3A_5], %swap3A_8 {strides = array<i32>} : memref<80x16xf32, #tpu.memory_space<vmem>>, vector<1x16xf32>,
    %swap3A_9 = arith.constant 0 : i32
    %swap3A_10 = arith.index_cast %swap3A_9 : i32 to index
    %swap3A_11 = arith.constant 0 : index
    %swap3A_12 = tpu.vector_load %arg6[%swap3A_10, %swap3A_11] {strides = array<i32>} : memref<80x16xf32, #tpu.memory_space<vmem>>, vector<1x16xf32>,
    %swap3A_13 = vector.shape_cast %swap3A_12 : vector<1x16xf32> to vector<16xf32>
    %swap3A_14 = vector.shape_cast %broadcast_in_dim3A_3 : vector<16xf32> to vector<1x16xf32>
    tpu.vector_store %arg6[%swap3A_10, %swap3A_11], %swap3A_14 {strides = array<i32>} : memref<80x16xf32, #tpu.memory_space<vmem>>, vector<1x16xf32>,
    %swap3A_15 = arith.constant 1 : i32
    %swap3A_16 = arith.index_cast %swap3A_15 : i32 to index
    %swap3A_17 = arith.constant 0 : index
    %swap3A_18 = tpu.vector_load %arg5[%swap3A_16, %swap3A_17] {strides = array<i32>} : memref<80x16xf32, #tpu.memory_space<vmem>>, vector<1x16xf32>,
    %swap3A_19 = vector.shape_cast %swap3A_18 : vector<1x16xf32> to vector<16xf32>
    %swap3A_20 = vector.shape_cast %broadcast_in_dim3A_1 : vector<16xf32> to vector<1x16xf32>
    tpu.vector_store %arg5[%swap3A_16, %swap3A_17], %swap3A_20 {strides = array<i32>} : memref<80x16xf32, #tpu.memory_space<vmem>>, vector<1x16xf32>,
    %swap3A_21 = arith.constant 1 : i32
    %swap3A_22 = arith.index_cast %swap3A_21 : i32 to index
    %swap3A_23 = arith.constant 0 : index
    %swap3A_24 = tpu.vector_load %arg6[%swap3A_22, %swap3A_23] {strides = array<i32>} : memref<80x16xf32, #tpu.memory_space<vmem>>, vector<1x16xf32>,
    %swap3A_25 = vector.shape_cast %swap3A_24 : vector<1x16xf32> to vector<16xf32>
    %swap3A_26 = vector.shape_cast %broadcast_in_dim3A_3 : vector<16xf32> to vector<1x16xf32>
    tpu.vector_store %arg6[%swap3A_22, %swap3A_23], %swap3A_26 {strides = array<i32>} : memref<80x16xf32, #tpu.memory_space<vmem>>, vector<1x16xf32>,
    %swap3A_27 = arith.constant 2 : i32
    %swap3A_28 = arith.index_cast %swap3A_27 : i32 to index
    %swap3A_29 = arith.constant 0 : index
    %swap3A_30 = tpu.vector_load %arg5[%swap3A_28, %swap3A_29] {strides = array<i32>} : memref<80x16xf32, #tpu.memory_space<vmem>>, vector<1x16xf32>,
    %swap3A_31 = vector.shape_cast %swap3A_30 : vector<1x16xf32> to vector<16xf32>
    %swap3A_32 = vector.shape_cast %broadcast_in_dim3A_1 : vector<16xf32> to vector<1x16xf32>
    tpu.vector_store %arg5[%swap3A_28, %swap3A_29], %swap3A_32 {strides = array<i32>} : memref<80x16xf32, #tpu.memory_space<vmem>>, vector<1x16xf32>,
    %swap3A_33 = arith.constant 2 : i32
    %swap3A_34 = arith.index_cast %swap3A_33 : i32 to index
    %swap3A_35 = arith.constant 0 : index
    %swap3A_36 = tpu.vector_load %arg6[%swap3A_34, %swap3A_35] {strides = array<i32>} : memref<80x16xf32, #tpu.memory_space<vmem>>, vector<1x16xf32>,
    %swap3A_37 = vector.shape_cast %swap3A_36 : vector<1x16xf32> to vector<16xf32>
    %swap3A_38 = vector.shape_cast %broadcast_in_dim3A_3 : vector<16xf32> to vector<1x16xf32>
    tpu.vector_store %arg6[%swap3A_34, %swap3A_35], %swap3A_38 {strides = array<i32>} : memref<80x16xf32, #tpu.memory_space<vmem>>, vector<1x16xf32>,
    %swap3A_39 = arith.constant 3 : i32
    %swap3A_40 = arith.index_cast %swap3A_39 : i32 to index
    %swap3A_41 = arith.constant 0 : index
    %swap3A_42 = tpu.vector_load %arg5[%swap3A_40, %swap3A_41] {strides = array<i32>} : memref<80x16xf32, #tpu.memory_space<vmem>>, vector<1x16xf32>,
    %swap3A_43 = vector.shape_cast %swap3A_42 : vector<1x16xf32> to vector<16xf32>
    %swap3A_44 = vector.shape_cast %broadcast_in_dim3A_1 : vector<16xf32> to vector<1x16xf32>
    tpu.vector_store %arg5[%swap3A_40, %swap3A_41], %swap3A_44 {strides = array<i32>} : memref<80x16xf32, #tpu.memory_space<vmem>>, vector<1x16xf32>,
    %swap3A_45 = arith.constant 3 : i32
    %swap3A_46 = arith.index_cast %swap3A_45 : i32 to index
    %swap3A_47 = arith.constant 0 : index
    %swap3A_48 = tpu.vector_load %arg6[%swap3A_46, %swap3A_47] {strides = array<i32>} : memref<80x16xf32, #tpu.memory_space<vmem>>, vector<1x16xf32>,
    %swap3A_49 = vector.shape_cast %swap3A_48 : vector<1x16xf32> to vector<16xf32>
    %swap3A_50 = vector.shape_cast %broadcast_in_dim3A_3 : vector<16xf32> to vector<1x16xf32>
    tpu.vector_store %arg6[%swap3A_46, %swap3A_47], %swap3A_50 {strides = array<i32>} : memref<80x16xf32, #tpu.memory_space<vmem>>, vector<1x16xf32>,
    %swap3A_51 = arith.constant 4 : i32
    %swap3A_52 = arith.index_cast %swap3A_51 : i32 to index
    %swap3A_53 = arith.constant 0 : index
    %swap3A_54 = tpu.vector_load %arg5[%swap3A_52, %swap3A_53] {strides = array<i32>} : memref<80x16xf32, #tpu.memory_space<vmem>>, vector<1x16xf32>,
    %swap3A_55 = vector.shape_cast %swap3A_54 : vector<1x16xf32> to vector<16xf32>
    %swap3A_56 = vector.shape_cast %broadcast_in_dim3A_1 : vector<16xf32> to vector<1x16xf32>
    tpu.vector_store %arg5[%swap3A_52, %swap3A_53], %swap3A_56 {strides = array<i32>} : memref<80x16xf32, #tpu.memory_space<vmem>>, vector<1x16xf32>,
    %swap3A_57 = arith.constant 4 : i32
    %swap3A_58 = arith.index_cast %swap3A_57 : i32 to index
    %swap3A_59 = arith.constant 0 : index
    %swap3A_60 = tpu.vector_load %arg6[%swap3A_58, %swap3A_59] {strides = array<i32>} : memref<80x16xf32, #tpu.memory_space<vmem>>, vector<1x16xf32>,
    %swap3A_61 = vector.shape_cast %swap3A_60 : vector<1x16xf32> to vector<16xf32>
    %swap3A_62 = vector.shape_cast %broadcast_in_dim3A_3 : vector<16xf32> to vector<1x16xf32>
    tpu.vector_store %arg6[%swap3A_58, %swap3A_59], %swap3A_62 {strides = array<i32>} : memref<80x16xf32, #tpu.memory_space<vmem>>, vector<1x16xf32>,
    %swap3A_63 = arith.constant 5 : i32
    %swap3A_64 = arith.index_cast %swap3A_63 : i32 to index
    %swap3A_65 = arith.constant 0 : index
    %swap3A_66 = tpu.vector_load %arg5[%swap3A_64, %swap3A_65] {strides = array<i32>} : memref<80x16xf32, #tpu.memory_space<vmem>>, vector<1x16xf32>,
    %swap3A_67 = vector.shape_cast %swap3A_66 : vector<1x16xf32> to vector<16xf32>
    %swap3A_68 = vector.shape_cast %broadcast_in_dim3A_1 : vector<16xf32> to vector<1x16xf32>
    tpu.vector_store %arg5[%swap3A_64, %swap3A_65], %swap3A_68 {strides = array<i32>} : memref<80x16xf32, #tpu.memory_space<vmem>>, vector<1x16xf32>,
    %swap3A_69 = arith.constant 5 : i32
    %swap3A_70 = arith.index_cast %swap3A_69 : i32 to index
    %swap3A_71 = arith.constant 0 : index
    %swap3A_72 = tpu.vector_load %arg6[%swap3A_70, %swap3A_71] {strides = array<i32>} : memref<80x16xf32, #tpu.memory_space<vmem>>, vector<1x16xf32>,
    %swap3A_73 = vector.shape_cast %swap3A_72 : vector<1x16xf32> to vector<16xf32>
    %swap3A_74 = vector.shape_cast %broadcast_in_dim3A_3 : vector<16xf32> to vector<1x16xf32>
    tpu.vector_store %arg6[%swap3A_70, %swap3A_71], %swap3A_74 {strides = array<i32>} : memref<80x16xf32, #tpu.memory_space<vmem>>, vector<1x16xf32>,
    %swap3A_75 = arith.constant 6 : i32
    %swap3A_76 = arith.index_cast %swap3A_75 : i32 to index
    %swap3A_77 = arith.constant 0 : index
    %swap3A_78 = tpu.vector_load %arg5[%swap3A_76, %swap3A_77] {strides = array<i32>} : memref<80x16xf32, #tpu.memory_space<vmem>>, vector<1x16xf32>,
    %swap3A_79 = vector.shape_cast %swap3A_78 : vector<1x16xf32> to vector<16xf32>
    %swap3A_80 = vector.shape_cast %broadcast_in_dim3A_1 : vector<16xf32> to vector<1x16xf32>
    tpu.vector_store %arg5[%swap3A_76, %swap3A_77], %swap3A_80 {strides = array<i32>} : memref<80x16xf32, #tpu.memory_space<vmem>>, vector<1x16xf32>,
    %swap3A_81 = arith.constant 6 : i32
    %swap3A_82 = arith.index_cast %swap3A_81 : i32 to index
    %swap3A_83 = arith.constant 0 : index
    %swap3A_84 = tpu.vector_load %arg6[%swap3A_82, %swap3A_83] {strides = array<i32>} : memref<80x16xf32, #tpu.memory_space<vmem>>, vector<1x16xf32>,
    %swap3A_85 = vector.shape_cast %swap3A_84 : vector<1x16xf32> to vector<16xf32>
    %swap3A_86 = vector.shape_cast %broadcast_in_dim3A_3 : vector<16xf32> to vector<1x16xf32>
    tpu.vector_store %arg6[%swap3A_82, %swap3A_83], %swap3A_86 {strides = array<i32>} : memref<80x16xf32, #tpu.memory_space<vmem>>, vector<1x16xf32>,
    %swap3A_87 = arith.constant 7 : i32
    %swap3A_88 = arith.index_cast %swap3A_87 : i32 to index
    %swap3A_89 = arith.constant 0 : index
    %swap3A_90 = tpu.vector_load %arg5[%swap3A_88, %swap3A_89] {strides = array<i32>} : memref<80x16xf32, #tpu.memory_space<vmem>>, vector<1x16xf32>,
    %swap3A_91 = vector.shape_cast %swap3A_90 : vector<1x16xf32> to vector<16xf32>
    %swap3A_92 = vector.shape_cast %broadcast_in_dim3A_1 : vector<16xf32> to vector<1x16xf32>
    tpu.vector_store %arg5[%swap3A_88, %swap3A_89], %swap3A_92 {strides = array<i32>} : memref<80x16xf32, #tpu.memory_space<vmem>>, vector<1x16xf32>,
    %swap3A_93 = arith.constant 7 : i32
    %swap3A_94 = arith.index_cast %swap3A_93 : i32 to index
    %swap3A_95 = arith.constant 0 : index
    %swap3A_96 = tpu.vector_load %arg6[%swap3A_94, %swap3A_95] {strides = array<i32>} : memref<80x16xf32, #tpu.memory_space<vmem>>, vector<1x16xf32>,
    %swap3A_97 = vector.shape_cast %swap3A_96 : vector<1x16xf32> to vector<16xf32>
    %swap3A_98 = vector.shape_cast %broadcast_in_dim3A_3 : vector<16xf32> to vector<1x16xf32>
    tpu.vector_store %arg6[%swap3A_94, %swap3A_95], %swap3A_98 {strides = array<i32>} : memref<80x16xf32, #tpu.memory_space<vmem>>, vector<1x16xf32>,
    %swap3A_99 = arith.constant 8 : i32
    %swap3A_100 = arith.index_cast %swap3A_99 : i32 to index
    %swap3A_101 = arith.constant 0 : index
    %swap3A_102 = tpu.vector_load %arg5[%swap3A_100, %swap3A_101] {strides = array<i32>} : memref<80x16xf32, #tpu.memory_space<vmem>>, vector<1x16xf32>,
    %swap3A_103 = vector.shape_cast %swap3A_102 : vector<1x16xf32> to vector<16xf32>
    %swap3A_104 = vector.shape_cast %broadcast_in_dim3A_1 : vector<16xf32> to vector<1x16xf32>
    tpu.vector_store %arg5[%swap3A_100, %swap3A_101], %swap3A_104 {strides = array<i32>} : memref<80x16xf32, #tpu.memory_space<vmem>>, vector<1x16xf32>,
    %swap3A_105 = arith.constant 8 : i32
    %swap3A_106 = arith.index_cast %swap3A_105 : i32 to index
    %swap3A_107 = arith.constant 0 : index
    %swap3A_108 = tpu.vector_load %arg6[%swap3A_106, %swap3A_107] {strides = array<i32>} : memref<80x16xf32, #tpu.memory_space<vmem>>, vector<1x16xf32>,
    %swap3A_109 = vector.shape_cast %swap3A_108 : vector<1x16xf32> to vector<16xf32>
    %swap3A_110 = vector.shape_cast %broadcast_in_dim3A_3 : vector<16xf32> to vector<1x16xf32>
    tpu.vector_store %arg6[%swap3A_106, %swap3A_107], %swap3A_110 {strides = array<i32>} : memref<80x16xf32, #tpu.memory_space<vmem>>, vector<1x16xf32>,
    %swap3A_111 = arith.constant 9 : i32
    %swap3A_112 = arith.index_cast %swap3A_111 : i32 to index
    %swap3A_113 = arith.constant 0 : index
    %swap3A_114 = tpu.vector_load %arg5[%swap3A_112, %swap3A_113] {strides = array<i32>} : memref<80x16xf32, #tpu.memory_space<vmem>>, vector<1x16xf32>,
    %swap3A_115 = vector.shape_cast %swap3A_114 : vector<1x16xf32> to vector<16xf32>
    %swap3A_116 = vector.shape_cast %broadcast_in_dim3A_1 : vector<16xf32> to vector<1x16xf32>
    tpu.vector_store %arg5[%swap3A_112, %swap3A_113], %swap3A_116 {strides = array<i32>} : memref<80x16xf32, #tpu.memory_space<vmem>>, vector<1x16xf32>,
    %swap3A_117 = arith.constant 9 : i32
    %swap3A_118 = arith.index_cast %swap3A_117 : i32 to index
    %swap3A_119 = arith.constant 0 : index
    %swap3A_120 = tpu.vector_load %arg6[%swap3A_118, %swap3A_119] {strides = array<i32>} : memref<80x16xf32, #tpu.memory_space<vmem>>, vector<1x16xf32>,
    %swap3A_121 = vector.shape_cast %swap3A_120 : vector<1x16xf32> to vector<16xf32>
    %swap3A_122 = vector.shape_cast %broadcast_in_dim3A_3 : vector<16xf32> to vector<1x16xf32>
    tpu.vector_store %arg6[%swap3A_118, %swap3A_119], %swap3A_122 {strides = array<i32>} : memref<80x16xf32, #tpu.memory_space<vmem>>, vector<1x16xf32>,
    %swap3A_123 = arith.constant 10 : i32
    %swap3A_124 = arith.index_cast %swap3A_123 : i32 to index
    %swap3A_125 = arith.constant 0 : index
    %swap3A_126 = tpu.vector_load %arg5[%swap3A_124, %swap3A_125] {strides = array<i32>} : memref<80x16xf32, #tpu.memory_space<vmem>>, vector<1x16xf32>,
    %swap3A_127 = vector.shape_cast %swap3A_126 : vector<1x16xf32> to vector<16xf32>
    %swap3A_128 = vector.shape_cast %broadcast_in_dim3A_1 : vector<16xf32> to vector<1x16xf32>
    tpu.vector_store %arg5[%swap3A_124, %swap3A_125], %swap3A_128 {strides = array<i32>} : memref<80x16xf32, #tpu.memory_space<vmem>>, vector<1x16xf32>,
    %swap3A_129 = arith.constant 10 : i32
    %swap3A_130 = arith.index_cast %swap3A_129 : i32 to index
    %swap3A_131 = arith.constant 0 : index
    %swap3A_132 = tpu.vector_load %arg6[%swap3A_130, %swap3A_131] {strides = array<i32>} : memref<80x16xf32, #tpu.memory_space<vmem>>, vector<1x16xf32>,
    %swap3A_133 = vector.shape_cast %swap3A_132 : vector<1x16xf32> to vector<16xf32>
    %swap3A_134 = vector.shape_cast %broadcast_in_dim3A_3 : vector<16xf32> to vector<1x16xf32>
    tpu.vector_store %arg6[%swap3A_130, %swap3A_131], %swap3A_134 {strides = array<i32>} : memref<80x16xf32, #tpu.memory_space<vmem>>, vector<1x16xf32>,
    %swap3A_135 = arith.constant 11 : i32
    %swap3A_136 = arith.index_cast %swap3A_135 : i32 to index
    %swap3A_137 = arith.constant 0 : index
    %swap3A_138 = tpu.vector_load %arg5[%swap3A_136, %swap3A_137] {strides = array<i32>} : memref<80x16xf32, #tpu.memory_space<vmem>>, vector<1x16xf32>,
    %swap3A_139 = vector.shape_cast %swap3A_138 : vector<1x16xf32> to vector<16xf32>
    %swap3A_140 = vector.shape_cast %broadcast_in_dim3A_1 : vector<16xf32> to vector<1x16xf32>
    tpu.vector_store %arg5[%swap3A_136, %swap3A_137], %swap3A_140 {strides = array<i32>} : memref<80x16xf32, #tpu.memory_space<vmem>>, vector<1x16xf32>,
    %swap3A_141 = arith.constant 11 : i32
    %swap3A_142 = arith.index_cast %swap3A_141 : i32 to index
    %swap3A_143 = arith.constant 0 : index
    %swap3A_144 = tpu.vector_load %arg6[%swap3A_142, %swap3A_143] {strides = array<i32>} : memref<80x16xf32, #tpu.memory_space<vmem>>, vector<1x16xf32>,
    %swap3A_145 = vector.shape_cast %swap3A_144 : vector<1x16xf32> to vector<16xf32>
    %swap3A_146 = vector.shape_cast %broadcast_in_dim3A_3 : vector<16xf32> to vector<1x16xf32>
    tpu.vector_store %arg6[%swap3A_142, %swap3A_143], %swap3A_146 {strides = array<i32>} : memref<80x16xf32, #tpu.memory_space<vmem>>, vector<1x16xf32>,
    %swap3A_147 = arith.constant 12 : i32
    %swap3A_148 = arith.index_cast %swap3A_147 : i32 to index
    %swap3A_149 = arith.constant 0 : index
    %swap3A_150 = tpu.vector_load %arg5[%swap3A_148, %swap3A_149] {strides = array<i32>} : memref<80x16xf32, #tpu.memory_space<vmem>>, vector<1x16xf32>,
    %swap3A_151 = vector.shape_cast %swap3A_150 : vector<1x16xf32> to vector<16xf32>
    %swap3A_152 = vector.shape_cast %broadcast_in_dim3A_1 : vector<16xf32> to vector<1x16xf32>
    tpu.vector_store %arg5[%swap3A_148, %swap3A_149], %swap3A_152 {strides = array<i32>} : memref<80x16xf32, #tpu.memory_space<vmem>>, vector<1x16xf32>,
    %swap3A_153 = arith.constant 12 : i32
    %swap3A_154 = arith.index_cast %swap3A_153 : i32 to index
    %swap3A_155 = arith.constant 0 : index
    %swap3A_156 = tpu.vector_load %arg6[%swap3A_154, %swap3A_155] {strides = array<i32>} : memref<80x16xf32, #tpu.memory_space<vmem>>, vector<1x16xf32>,
    %swap3A_157 = vector.shape_cast %swap3A_156 : vector<1x16xf32> to vector<16xf32>
    %swap3A_158 = vector.shape_cast %broadcast_in_dim3A_3 : vector<16xf32> to vector<1x16xf32>
    tpu.vector_store %arg6[%swap3A_154, %swap3A_155], %swap3A_158 {strides = array<i32>} : memref<80x16xf32, #tpu.memory_space<vmem>>, vector<1x16xf32>,
    %swap3A_159 = arith.constant 13 : i32
    %swap3A_160 = arith.index_cast %swap3A_159 : i32 to index
    %swap3A_161 = arith.constant 0 : index
    %swap3A_162 = tpu.vector_load %arg5[%swap3A_160, %swap3A_161] {strides = array<i32>} : memref<80x16xf32, #tpu.memory_space<vmem>>, vector<1x16xf32>,
    %swap3A_163 = vector.shape_cast %swap3A_162 : vector<1x16xf32> to vector<16xf32>
    %swap3A_164 = vector.shape_cast %broadcast_in_dim3A_1 : vector<16xf32> to vector<1x16xf32>
    tpu.vector_store %arg5[%swap3A_160, %swap3A_161], %swap3A_164 {strides = array<i32>} : memref<80x16xf32, #tpu.memory_space<vmem>>, vector<1x16xf32>,
    %swap3A_165 = arith.constant 13 : i32
    %swap3A_166 = arith.index_cast %swap3A_165 : i32 to index
    %swap3A_167 = arith.constant 0 : index
    %swap3A_168 = tpu.vector_load %arg6[%swap3A_166, %swap3A_167] {strides = array<i32>} : memref<80x16xf32, #tpu.memory_space<vmem>>, vector<1x16xf32>,
    %swap3A_169 = vector.shape_cast %swap3A_168 : vector<1x16xf32> to vector<16xf32>
    %swap3A_170 = vector.shape_cast %broadcast_in_dim3A_3 : vector<16xf32> to vector<1x16xf32>
    tpu.vector_store %arg6[%swap3A_166, %swap3A_167], %swap3A_170 {strides = array<i32>} : memref<80x16xf32, #tpu.memory_space<vmem>>, vector<1x16xf32>,
    %swap3A_171 = arith.constant 14 : i32
    %swap3A_172 = arith.index_cast %swap3A_171 : i32 to index
    %swap3A_173 = arith.constant 0 : index
    %swap3A_174 = tpu.vector_load %arg5[%swap3A_172, %swap3A_173] {strides = array<i32>} : memref<80x16xf32, #tpu.memory_space<vmem>>, vector<1x16xf32>,
    %swap3A_175 = vector.shape_cast %swap3A_174 : vector<1x16xf32> to vector<16xf32>
    %swap3A_176 = vector.shape_cast %broadcast_in_dim3A_1 : vector<16xf32> to vector<1x16xf32>
    tpu.vector_store %arg5[%swap3A_172, %swap3A_173], %swap3A_176 {strides = array<i32>} : memref<80x16xf32, #tpu.memory_space<vmem>>, vector<1x16xf32>,
    %swap3A_177 = arith.constant 14 : i32
    %swap3A_178 = arith.index_cast %swap3A_177 : i32 to index
    %swap3A_179 = arith.constant 0 : index
    %swap3A_180 = tpu.vector_load %arg6[%swap3A_178, %swap3A_179] {strides = array<i32>} : memref<80x16xf32, #tpu.memory_space<vmem>>, vector<1x16xf32>,
    %swap3A_181 = vector.shape_cast %swap3A_180 : vector<1x16xf32> to vector<16xf32>
    %swap3A_182 = vector.shape_cast %broadcast_in_dim3A_3 : vector<16xf32> to vector<1x16xf32>
    tpu.vector_store %arg6[%swap3A_178, %swap3A_179], %swap3A_182 {strides = array<i32>} : memref<80x16xf32, #tpu.memory_space<vmem>>, vector<1x16xf32>,
    %swap3A_183 = arith.constant 15 : i32
    %swap3A_184 = arith.index_cast %swap3A_183 : i32 to index
    %swap3A_185 = arith.constant 0 : index
    %swap3A_186 = tpu.vector_load %arg5[%swap3A_184, %swap3A_185] {strides = array<i32>} : memref<80x16xf32, #tpu.memory_space<vmem>>, vector<1x16xf32>,
    %swap3A_187 = vector.shape_cast %swap3A_186 : vector<1x16xf32> to vector<16xf32>
    %swap3A_188 = vector.shape_cast %broadcast_in_dim3A_1 : vector<16xf32> to vector<1x16xf32>
    tpu.vector_store %arg5[%swap3A_184, %swap3A_185], %swap3A_188 {strides = array<i32>} : memref<80x16xf32, #tpu.memory_space<vmem>>, vector<1x16xf32>,
    %swap3A_189 = arith.constant 15 : i32
    %swap3A_190 = arith.index_cast %swap3A_189 : i32 to index
    %swap3A_191 = arith.constant 0 : index
    %swap3A_192 = tpu.vector_load %arg6[%swap3A_190, %swap3A_191] {strides = array<i32>} : memref<80x16xf32, #tpu.memory_space<vmem>>, vector<1x16xf32>,
    %swap3A_193 = vector.shape_cast %swap3A_192 : vector<1x16xf32> to vector<16xf32>
    %swap3A_194 = vector.shape_cast %broadcast_in_dim3A_3 : vector<16xf32> to vector<1x16xf32>
    tpu.vector_store %arg6[%swap3A_190, %swap3A_191], %swap3A_194 {strides = array<i32>} : memref<80x16xf32, #tpu.memory_space<vmem>>, vector<1x16xf32>,
    %swap3A_195 = arith.constant 16 : i32
    %swap3A_196 = arith.index_cast %swap3A_195 : i32 to index
    %swap3A_197 = arith.constant 0 : index
    %swap3A_198 = tpu.vector_load %arg5[%swap3A_196, %swap3A_197] {strides = array<i32>} : memref<80x16xf32, #tpu.memory_space<vmem>>, vector<1x16xf32>,
    %swap3A_199 = vector.shape_cast %swap3A_198 : vector<1x16xf32> to vector<16xf32>
    %swap3A_200 = vector.shape_cast %broadcast_in_dim3A_1 : vector<16xf32> to vector<1x16xf32>
    tpu.vector_store %arg5[%swap3A_196, %swap3A_197], %swap3A_200 {strides = array<i32>} : memref<80x16xf32, #tpu.memory_space<vmem>>, vector<1x16xf32>,
    %swap3A_201 = arith.constant 16 : i32
    %swap3A_202 = arith.index_cast %swap3A_201 : i32 to index
    %swap3A_203 = arith.constant 0 : index
    %swap3A_204 = tpu.vector_load %arg6[%swap3A_202, %swap3A_203] {strides = array<i32>} : memref<80x16xf32, #tpu.memory_space<vmem>>, vector<1x16xf32>,
    %swap3A_205 = vector.shape_cast %swap3A_204 : vector<1x16xf32> to vector<16xf32>
    %swap3A_206 = vector.shape_cast %broadcast_in_dim3A_3 : vector<16xf32> to vector<1x16xf32>
    tpu.vector_store %arg6[%swap3A_202, %swap3A_203], %swap3A_206 {strides = array<i32>} : memref<80x16xf32, #tpu.memory_space<vmem>>, vector<1x16xf32>,
    %swap3A_207 = arith.constant 17 : i32
    %swap3A_208 = arith.index_cast %swap3A_207 : i32 to index
    %swap3A_209 = arith.constant 0 : index
    %swap3A_210 = tpu.vector_load %arg5[%swap3A_208, %swap3A_209] {strides = array<i32>} : memref<80x16xf32, #tpu.memory_space<vmem>>, vector<1x16xf32>,
    %swap3A_211 = vector.shape_cast %swap3A_210 : vector<1x16xf32> to vector<16xf32>
    %swap3A_212 = vector.shape_cast %broadcast_in_dim3A_1 : vector<16xf32> to vector<1x16xf32>
    tpu.vector_store %arg5[%swap3A_208, %swap3A_209], %swap3A_212 {strides = array<i32>} : memref<80x16xf32, #tpu.memory_space<vmem>>, vector<1x16xf32>,
    %swap3A_213 = arith.constant 17 : i32
    %swap3A_214 = arith.index_cast %swap3A_213 : i32 to index
    %swap3A_215 = arith.constant 0 : index
    %swap3A_216 = tpu.vector_load %arg6[%swap3A_214, %swap3A_215] {strides = array<i32>} : memref<80x16xf32, #tpu.memory_space<vmem>>, vector<1x16xf32>,
    %swap3A_217 = vector.shape_cast %swap3A_216 : vector<1x16xf32> to vector<16xf32>
    %swap3A_218 = vector.shape_cast %broadcast_in_dim3A_3 : vector<16xf32> to vector<1x16xf32>
    tpu.vector_store %arg6[%swap3A_214, %swap3A_215], %swap3A_218 {strides = array<i32>} : memref<80x16xf32, #tpu.memory_space<vmem>>, vector<1x16xf32>,
    %swap3A_219 = arith.constant 18 : i32
    %swap3A_220 = arith.index_cast %swap3A_219 : i32 to index
    %swap3A_221 = arith.constant 0 : index
    %swap3A_222 = tpu.vector_load %arg5[%swap3A_220, %swap3A_221] {strides = array<i32>} : memref<80x16xf32, #tpu.memory_space<vmem>>, vector<1x16xf32>,
    %swap3A_223 = vector.shape_cast %swap3A_222 : vector<1x16xf32> to vector<16xf32>
    %swap3A_224 = vector.shape_cast %broadcast_in_dim3A_1 : vector<16xf32> to vector<1x16xf32>
    tpu.vector_store %arg5[%swap3A_220, %swap3A_221], %swap3A_224 {strides = array<i32>} : memref<80x16xf32, #tpu.memory_space<vmem>>, vector<1x16xf32>,
    %swap3A_225 = arith.constant 18 : i32
    %swap3A_226 = arith.index_cast %swap3A_225 : i32 to index
    %swap3A_227 = arith.constant 0 : index
    %swap3A_228 = tpu.vector_load %arg6[%swap3A_226, %swap3A_227] {strides = array<i32>} : memref<80x16xf32, #tpu.memory_space<vmem>>, vector<1x16xf32>,
    %swap3A_229 = vector.shape_cast %swap3A_228 : vector<1x16xf32> to vector<16xf32>
    %swap3A_230 = vector.shape_cast %broadcast_in_dim3A_3 : vector<16xf32> to vector<1x16xf32>
    tpu.vector_store %arg6[%swap3A_226, %swap3A_227], %swap3A_230 {strides = array<i32>} : memref<80x16xf32, #tpu.memory_space<vmem>>, vector<1x16xf32>,
    %swap3A_231 = arith.constant 19 : i32
    %swap3A_232 = arith.index_cast %swap3A_231 : i32 to index
    %swap3A_233 = arith.constant 0 : index
    %swap3A_234 = tpu.vector_load %arg5[%swap3A_232, %swap3A_233] {strides = array<i32>} : memref<80x16xf32, #tpu.memory_space<vmem>>, vector<1x16xf32>,
    %swap3A_235 = vector.shape_cast %swap3A_234 : vector<1x16xf32> to vector<16xf32>
    %swap3A_236 = vector.shape_cast %broadcast_in_dim3A_1 : vector<16xf32> to vector<1x16xf32>
    tpu.vector_store %arg5[%swap3A_232, %swap3A_233], %swap3A_236 {strides = array<i32>} : memref<80x16xf32, #tpu.memory_space<vmem>>, vector<1x16xf32>,
    %swap3A_237 = arith.constant 19 : i32
    %swap3A_238 = arith.index_cast %swap3A_237 : i32 to index
    %swap3A_239 = arith.constant 0 : index
    %swap3A_240 = tpu.vector_load %arg6[%swap3A_238, %swap3A_239] {strides = array<i32>} : memref<80x16xf32, #tpu.memory_space<vmem>>, vector<1x16xf32>,
    %swap3A_241 = vector.shape_cast %swap3A_240 : vector<1x16xf32> to vector<16xf32>
    %swap3A_242 = vector.shape_cast %broadcast_in_dim3A_3 : vector<16xf32> to vector<1x16xf32>
    tpu.vector_store %arg6[%swap3A_238, %swap3A_239], %swap3A_242 {strides = array<i32>} : memref<80x16xf32, #tpu.memory_space<vmem>>, vector<1x16xf32>,
    %swap3A_243 = arith.constant 20 : i32
    %swap3A_244 = arith.index_cast %swap3A_243 : i32 to index
    %swap3A_245 = arith.constant 0 : index
    %swap3A_246 = tpu.vector_load %arg5[%swap3A_244, %swap3A_245] {strides = array<i32>} : memref<80x16xf32, #tpu.memory_space<vmem>>, vector<1x16xf32>,
    %swap3A_247 = vector.shape_cast %swap3A_246 : vector<1x16xf32> to vector<16xf32>
    %swap3A_248 = vector.shape_cast %broadcast_in_dim3A_1 : vector<16xf32> to vector<1x16xf32>
    tpu.vector_store %arg5[%swap3A_244, %swap3A_245], %swap3A_248 {strides = array<i32>} : memref<80x16xf32, #tpu.memory_space<vmem>>, vector<1x16xf32>,
    %swap3A_249 = arith.constant 20 : i32
    %swap3A_250 = arith.index_cast %swap3A_249 : i32 to index
    %swap3A_251 = arith.constant 0 : index
    %swap3A_252 = tpu.vector_load %arg6[%swap3A_250, %swap3A_251] {strides = array<i32>} : memref<80x16xf32, #tpu.memory_space<vmem>>, vector<1x16xf32>,
    %swap3A_253 = vector.shape_cast %swap3A_252 : vector<1x16xf32> to vector<16xf32>
    %swap3A_254 = vector.shape_cast %broadcast_in_dim3A_3 : vector<16xf32> to vector<1x16xf32>
    tpu.vector_store %arg6[%swap3A_250, %swap3A_251], %swap3A_254 {strides = array<i32>} : memref<80x16xf32, #tpu.memory_space<vmem>>, vector<1x16xf32>,
    %swap3A_255 = arith.constant 21 : i32
    %swap3A_256 = arith.index_cast %swap3A_255 : i32 to index
    %swap3A_257 = arith.constant 0 : index
    %swap3A_258 = tpu.vector_load %arg5[%swap3A_256, %swap3A_257] {strides = array<i32>} : memref<80x16xf32, #tpu.memory_space<vmem>>, vector<1x16xf32>,
    %swap3A_259 = vector.shape_cast %swap3A_258 : vector<1x16xf32> to vector<16xf32>
    %swap3A_260 = vector.shape_cast %broadcast_in_dim3A_1 : vector<16xf32> to vector<1x16xf32>
    tpu.vector_store %arg5[%swap3A_256, %swap3A_257], %swap3A_260 {strides = array<i32>} : memref<80x16xf32, #tpu.memory_space<vmem>>, vector<1x16xf32>,
    %swap3A_261 = arith.constant 21 : i32
    %swap3A_262 = arith.index_cast %swap3A_261 : i32 to index
    %swap3A_263 = arith.constant 0 : index
    %swap3A_264 = tpu.vector_load %arg6[%swap3A_262, %swap3A_263] {strides = array<i32>} : memref<80x16xf32, #tpu.memory_space<vmem>>, vector<1x16xf32>,
    %swap3A_265 = vector.shape_cast %swap3A_264 : vector<1x16xf32> to vector<16xf32>
    %swap3A_266 = vector.shape_cast %broadcast_in_dim3A_3 : vector<16xf32> to vector<1x16xf32>
    tpu.vector_store %arg6[%swap3A_262, %swap3A_263], %swap3A_266 {strides = array<i32>} : memref<80x16xf32, #tpu.memory_space<vmem>>, vector<1x16xf32>,
    %swap3A_267 = arith.constant 22 : i32
    %swap3A_268 = arith.index_cast %swap3A_267 : i32 to index
    %swap3A_269 = arith.constant 0 : index
    %swap3A_270 = tpu.vector_load %arg5[%swap3A_268, %swap3A_269] {strides = array<i32>} : memref<80x16xf32, #tpu.memory_space<vmem>>, vector<1x16xf32>,
    %swap3A_271 = vector.shape_cast %swap3A_270 : vector<1x16xf32> to vector<16xf32>
    %swap3A_272 = vector.shape_cast %broadcast_in_dim3A_1 : vector<16xf32> to vector<1x16xf32>
    tpu.vector_store %arg5[%swap3A_268, %swap3A_269], %swap3A_272 {strides = array<i32>} : memref<80x16xf32, #tpu.memory_space<vmem>>, vector<1x16xf32>,
    %swap3A_273 = arith.constant 22 : i32
    %swap3A_274 = arith.index_cast %swap3A_273 : i32 to index
    %swap3A_275 = arith.constant 0 : index
    %swap3A_276 = tpu.vector_load %arg6[%swap3A_274, %swap3A_275] {strides = array<i32>} : memref<80x16xf32, #tpu.memory_space<vmem>>, vector<1x16xf32>,
    %swap3A_277 = vector.shape_cast %swap3A_276 : vector<1x16xf32> to vector<16xf32>
    %swap3A_278 = vector.shape_cast %broadcast_in_dim3A_3 : vector<16xf32> to vector<1x16xf32>
    tpu.vector_store %arg6[%swap3A_274, %swap3A_275], %swap3A_278 {strides = array<i32>} : memref<80x16xf32, #tpu.memory_space<vmem>>, vector<1x16xf32>,
    %swap3A_279 = arith.constant 23 : i32
    %swap3A_280 = arith.index_cast %swap3A_279 : i32 to index
    %swap3A_281 = arith.constant 0 : index
    %swap3A_282 = tpu.vector_load %arg5[%swap3A_280, %swap3A_281] {strides = array<i32>} : memref<80x16xf32, #tpu.memory_space<vmem>>, vector<1x16xf32>,
    %swap3A_283 = vector.shape_cast %swap3A_282 : vector<1x16xf32> to vector<16xf32>
    %swap3A_284 = vector.shape_cast %broadcast_in_dim3A_1 : vector<16xf32> to vector<1x16xf32>
    tpu.vector_store %arg5[%swap3A_280, %swap3A_281], %swap3A_284 {strides = array<i32>} : memref<80x16xf32, #tpu.memory_space<vmem>>, vector<1x16xf32>,
    %swap3A_285 = arith.constant 23 : i32
    %swap3A_286 = arith.index_cast %swap3A_285 : i32 to index
    %swap3A_287 = arith.constant 0 : index
    %swap3A_288 = tpu.vector_load %arg6[%swap3A_286, %swap3A_287] {strides = array<i32>} : memref<80x16xf32, #tpu.memory_space<vmem>>, vector<1x16xf32>,
    %swap3A_289 = vector.shape_cast %swap3A_288 : vector<1x16xf32> to vector<16xf32>
    %swap3A_290 = vector.shape_cast %broadcast_in_dim3A_3 : vector<16xf32> to vector<1x16xf32>
    tpu.vector_store %arg6[%swap3A_286, %swap3A_287], %swap3A_290 {strides = array<i32>} : memref<80x16xf32, #tpu.memory_space<vmem>>, vector<1x16xf32>,
    %swap3A_291 = arith.constant 24 : i32
    %swap3A_292 = arith.index_cast %swap3A_291 : i32 to index
    %swap3A_293 = arith.constant 0 : index
    %swap3A_294 = tpu.vector_load %arg5[%swap3A_292, %swap3A_293] {strides = array<i32>} : memref<80x16xf32, #tpu.memory_space<vmem>>, vector<1x16xf32>,
    %swap3A_295 = vector.shape_cast %swap3A_294 : vector<1x16xf32> to vector<16xf32>
    %swap3A_296 = vector.shape_cast %broadcast_in_dim3A_1 : vector<16xf32> to vector<1x16xf32>
    tpu.vector_store %arg5[%swap3A_292, %swap3A_293], %swap3A_296 {strides = array<i32>} : memref<80x16xf32, #tpu.memory_space<vmem>>, vector<1x16xf32>,
    %swap3A_297 = arith.constant 24 : i32
    %swap3A_298 = arith.index_cast %swap3A_297 : i32 to index
    %swap3A_299 = arith.constant 0 : index
    %swap3A_300 = tpu.vector_load %arg6[%swap3A_298, %swap3A_299] {strides = array<i32>} : memref<80x16xf32, #tpu.memory_space<vmem>>, vector<1x16xf32>,
    %swap3A_301 = vector.shape_cast %swap3A_300 : vector<1x16xf32> to vector<16xf32>
    %swap3A_302 = vector.shape_cast %broadcast_in_dim3A_3 : vector<16xf32> to vector<1x16xf32>
    tpu.vector_store %arg6[%swap3A_298, %swap3A_299], %swap3A_302 {strides = array<i32>} : memref<80x16xf32, #tpu.memory_space<vmem>>, vector<1x16xf32>,
    %swap3A_303 = arith.constant 25 : i32
    %swap3A_304 = arith.index_cast %swap3A_303 : i32 to index
    %swap3A_305 = arith.constant 0 : index
    %swap3A_306 = tpu.vector_load %arg5[%swap3A_304, %swap3A_305] {strides = array<i32>} : memref<80x16xf32, #tpu.memory_space<vmem>>, vector<1x16xf32>,
    %swap3A_307 = vector.shape_cast %swap3A_306 : vector<1x16xf32> to vector<16xf32>
    %swap3A_308 = vector.shape_cast %broadcast_in_dim3A_1 : vector<16xf32> to vector<1x16xf32>
    tpu.vector_store %arg5[%swap3A_304, %swap3A_305], %swap3A_308 {strides = array<i32>} : memref<80x16xf32, #tpu.memory_space<vmem>>, vector<1x16xf32>,
    %swap3A_309 = arith.constant 25 : i32
    %swap3A_310 = arith.index_cast %swap3A_309 : i32 to index
    %swap3A_311 = arith.constant 0 : index
    %swap3A_312 = tpu.vector_load %arg6[%swap3A_310, %swap3A_311] {strides = array<i32>} : memref<80x16xf32, #tpu.memory_space<vmem>>, vector<1x16xf32>,
    %swap3A_313 = vector.shape_cast %swap3A_312 : vector<1x16xf32> to vector<16xf32>
    %swap3A_314 = vector.shape_cast %broadcast_in_dim3A_3 : vector<16xf32> to vector<1x16xf32>
    tpu.vector_store %arg6[%swap3A_310, %swap3A_311], %swap3A_314 {strides = array<i32>} : memref<80x16xf32, #tpu.memory_space<vmem>>, vector<1x16xf32>,
    %swap3A_315 = arith.constant 26 : i32
    %swap3A_316 = arith.index_cast %swap3A_315 : i32 to index
    %swap3A_317 = arith.constant 0 : index
    %swap3A_318 = tpu.vector_load %arg5[%swap3A_316, %swap3A_317] {strides = array<i32>} : memref<80x16xf32, #tpu.memory_space<vmem>>, vector<1x16xf32>,
    %swap3A_319 = vector.shape_cast %swap3A_318 : vector<1x16xf32> to vector<16xf32>
    %swap3A_320 = vector.shape_cast %broadcast_in_dim3A_1 : vector<16xf32> to vector<1x16xf32>
    tpu.vector_store %arg5[%swap3A_316, %swap3A_317], %swap3A_320 {strides = array<i32>} : memref<80x16xf32, #tpu.memory_space<vmem>>, vector<1x16xf32>,
    %swap3A_321 = arith.constant 26 : i32
    %swap3A_322 = arith.index_cast %swap3A_321 : i32 to index
    %swap3A_323 = arith.constant 0 : index
    %swap3A_324 = tpu.vector_load %arg6[%swap3A_322, %swap3A_323] {strides = array<i32>} : memref<80x16xf32, #tpu.memory_space<vmem>>, vector<1x16xf32>,
    %swap3A_325 = vector.shape_cast %swap3A_324 : vector<1x16xf32> to vector<16xf32>
    %swap3A_326 = vector.shape_cast %broadcast_in_dim3A_3 : vector<16xf32> to vector<1x16xf32>
    tpu.vector_store %arg6[%swap3A_322, %swap3A_323], %swap3A_326 {strides = array<i32>} : memref<80x16xf32, #tpu.memory_space<vmem>>, vector<1x16xf32>,
    %swap3A_327 = arith.constant 27 : i32
    %swap3A_328 = arith.index_cast %swap3A_327 : i32 to index
    %swap3A_329 = arith.constant 0 : index
    %swap3A_330 = tpu.vector_load %arg5[%swap3A_328, %swap3A_329] {strides = array<i32>} : memref<80x16xf32, #tpu.memory_space<vmem>>, vector<1x16xf32>,
    %swap3A_331 = vector.shape_cast %swap3A_330 : vector<1x16xf32> to vector<16xf32>
    %swap3A_332 = vector.shape_cast %broadcast_in_dim3A_1 : vector<16xf32> to vector<1x16xf32>
    tpu.vector_store %arg5[%swap3A_328, %swap3A_329], %swap3A_332 {strides = array<i32>} : memref<80x16xf32, #tpu.memory_space<vmem>>, vector<1x16xf32>,
    %swap3A_333 = arith.constant 27 : i32
    %swap3A_334 = arith.index_cast %swap3A_333 : i32 to index
    %swap3A_335 = arith.constant 0 : index
    %swap3A_336 = tpu.vector_load %arg6[%swap3A_334, %swap3A_335] {strides = array<i32>} : memref<80x16xf32, #tpu.memory_space<vmem>>, vector<1x16xf32>,
    %swap3A_337 = vector.shape_cast %swap3A_336 : vector<1x16xf32> to vector<16xf32>
    %swap3A_338 = vector.shape_cast %broadcast_in_dim3A_3 : vector<16xf32> to vector<1x16xf32>
    tpu.vector_store %arg6[%swap3A_334, %swap3A_335], %swap3A_338 {strides = array<i32>} : memref<80x16xf32, #tpu.memory_space<vmem>>, vector<1x16xf32>,
    %swap3A_339 = arith.constant 28 : i32
    %swap3A_340 = arith.index_cast %swap3A_339 : i32 to index
    %swap3A_341 = arith.constant 0 : index
    %swap3A_342 = tpu.vector_load %arg5[%swap3A_340, %swap3A_341] {strides = array<i32>} : memref<80x16xf32, #tpu.memory_space<vmem>>, vector<1x16xf32>,
    %swap3A_343 = vector.shape_cast %swap3A_342 : vector<1x16xf32> to vector<16xf32>
    %swap3A_344 = vector.shape_cast %broadcast_in_dim3A_1 : vector<16xf32> to vector<1x16xf32>
    tpu.vector_store %arg5[%swap3A_340, %swap3A_341], %swap3A_344 {strides = array<i32>} : memref<80x16xf32, #tpu.memory_space<vmem>>, vector<1x16xf32>,
    %swap3A_345 = arith.constant 28 : i32
    %swap3A_346 = arith.index_cast %swap3A_345 : i32 to index
    %swap3A_347 = arith.constant 0 : index
    %swap3A_348 = tpu.vector_load %arg6[%swap3A_346, %swap3A_347] {strides = array<i32>} : memref<80x16xf32, #tpu.memory_space<vmem>>, vector<1x16xf32>,
    %swap3A_349 = vector.shape_cast %swap3A_348 : vector<1x16xf32> to vector<16xf32>
    %swap3A_350 = vector.shape_cast %broadcast_in_dim3A_3 : vector<16xf32> to vector<1x16xf32>
    tpu.vector_store %arg6[%swap3A_346, %swap3A_347], %swap3A_350 {strides = array<i32>} : memref<80x16xf32, #tpu.memory_space<vmem>>, vector<1x16xf32>,
    %swap3A_351 = arith.constant 29 : i32
    %swap3A_352 = arith.index_cast %swap3A_351 : i32 to index
    %swap3A_353 = arith.constant 0 : index
    %swap3A_354 = tpu.vector_load %arg5[%swap3A_352, %swap3A_353] {strides = array<i32>} : memref<80x16xf32, #tpu.memory_space<vmem>>, vector<1x16xf32>,
    %swap3A_355 = vector.shape_cast %swap3A_354 : vector<1x16xf32> to vector<16xf32>
    %swap3A_356 = vector.shape_cast %broadcast_in_dim3A_1 : vector<16xf32> to vector<1x16xf32>
    tpu.vector_store %arg5[%swap3A_352, %swap3A_353], %swap3A_356 {strides = array<i32>} : memref<80x16xf32, #tpu.memory_space<vmem>>, vector<1x16xf32>,
    %swap3A_357 = arith.constant 29 : i32
    %swap3A_358 = arith.index_cast %swap3A_357 : i32 to index
    %swap3A_359 = arith.constant 0 : index
    %swap3A_360 = tpu.vector_load %arg6[%swap3A_358, %swap3A_359] {strides = array<i32>} : memref<80x16xf32, #tpu.memory_space<vmem>>, vector<1x16xf32>,
    %swap3A_361 = vector.shape_cast %swap3A_360 : vector<1x16xf32> to vector<16xf32>
    %swap3A_362 = vector.shape_cast %broadcast_in_dim3A_3 : vector<16xf32> to vector<1x16xf32>
    tpu.vector_store %arg6[%swap3A_358, %swap3A_359], %swap3A_362 {strides = array<i32>} : memref<80x16xf32, #tpu.memory_space<vmem>>, vector<1x16xf32>,
    %swap3A_363 = arith.constant 30 : i32
    %swap3A_364 = arith.index_cast %swap3A_363 : i32 to index
    %swap3A_365 = arith.constant 0 : index
    %swap3A_366 = tpu.vector_load %arg5[%swap3A_364, %swap3A_365] {strides = array<i32>} : memref<80x16xf32, #tpu.memory_space<vmem>>, vector<1x16xf32>,
    %swap3A_367 = vector.shape_cast %swap3A_366 : vector<1x16xf32> to vector<16xf32>
    %swap3A_368 = vector.shape_cast %broadcast_in_dim3A_1 : vector<16xf32> to vector<1x16xf32>
    tpu.vector_store %arg5[%swap3A_364, %swap3A_365], %swap3A_368 {strides = array<i32>} : memref<80x16xf32, #tpu.memory_space<vmem>>, vector<1x16xf32>,
    %swap3A_369 = arith.constant 30 : i32
    %swap3A_370 = arith.index_cast %swap3A_369 : i32 to index
    %swap3A_371 = arith.constant 0 : index
    %swap3A_372 = tpu.vector_load %arg6[%swap3A_370, %swap3A_371] {strides = array<i32>} : memref<80x16xf32, #tpu.memory_space<vmem>>, vector<1x16xf32>,
    %swap3A_373 = vector.shape_cast %swap3A_372 : vector<1x16xf32> to vector<16xf32>
    %swap3A_374 = vector.shape_cast %broadcast_in_dim3A_3 : vector<16xf32> to vector<1x16xf32>
    tpu.vector_store %arg6[%swap3A_370, %swap3A_371], %swap3A_374 {strides = array<i32>} : memref<80x16xf32, #tpu.memory_space<vmem>>, vector<1x16xf32>,
    %swap3A_375 = arith.constant 31 : i32
    %swap3A_376 = arith.index_cast %swap3A_375 : i32 to index
    %swap3A_377 = arith.constant 0 : index
    %swap3A_378 = tpu.vector_load %arg5[%swap3A_376, %swap3A_377] {strides = array<i32>} : memref<80x16xf32, #tpu.memory_space<vmem>>, vector<1x16xf32>,
    %swap3A_379 = vector.shape_cast %swap3A_378 : vector<1x16xf32> to vector<16xf32>
    %swap3A_380 = vector.shape_cast %broadcast_in_dim3A_1 : vector<16xf32> to vector<1x16xf32>
    tpu.vector_store %arg5[%swap3A_376, %swap3A_377], %swap3A_380 {strides = array<i32>} : memref<80x16xf32, #tpu.memory_space<vmem>>, vector<1x16xf32>,
    %swap3A_381 = arith.constant 31 : i32
    %swap3A_382 = arith.index_cast %swap3A_381 : i32 to index
    %swap3A_383 = arith.constant 0 : index
    %swap3A_384 = tpu.vector_load %arg6[%swap3A_382, %swap3A_383] {strides = array<i32>} : memref<80x16xf32, #tpu.memory_space<vmem>>, vector<1x16xf32>,
    %swap3A_385 = vector.shape_cast %swap3A_384 : vector<1x16xf32> to vector<16xf32>
    %swap3A_386 = vector.shape_cast %broadcast_in_dim3A_3 : vector<16xf32> to vector<1x16xf32>
    tpu.vector_store %arg6[%swap3A_382, %swap3A_383], %swap3A_386 {strides = array<i32>} : memref<80x16xf32, #tpu.memory_space<vmem>>, vector<1x16xf32>,
    %swap3A_387 = arith.constant 32 : i32
    %swap3A_388 = arith.index_cast %swap3A_387 : i32 to index
    %swap3A_389 = arith.constant 0 : index
    %swap3A_390 = tpu.vector_load %arg5[%swap3A_388, %swap3A_389] {strides = array<i32>} : memref<80x16xf32, #tpu.memory_space<vmem>>, vector<1x16xf32>,
    %swap3A_391 = vector.shape_cast %swap3A_390 : vector<1x16xf32> to vector<16xf32>
    %swap3A_392 = vector.shape_cast %broadcast_in_dim3A_1 : vector<16xf32> to vector<1x16xf32>
    tpu.vector_store %arg5[%swap3A_388, %swap3A_389], %swap3A_392 {strides = array<i32>} : memref<80x16xf32, #tpu.memory_space<vmem>>, vector<1x16xf32>,
    %swap3A_393 = arith.constant 32 : i32
    %swap3A_394 = arith.index_cast %swap3A_393 : i32 to index
    %swap3A_395 = arith.constant 0 : index
    %swap3A_396 = tpu.vector_load %arg6[%swap3A_394, %swap3A_395] {strides = array<i32>} : memref<80x16xf32, #tpu.memory_space<vmem>>, vector<1x16xf32>,
    %swap3A_397 = vector.shape_cast %swap3A_396 : vector<1x16xf32> to vector<16xf32>
    %swap3A_398 = vector.shape_cast %broadcast_in_dim3A_3 : vector<16xf32> to vector<1x16xf32>
    tpu.vector_store %arg6[%swap3A_394, %swap3A_395], %swap3A_398 {strides = array<i32>} : memref<80x16xf32, #tpu.memory_space<vmem>>, vector<1x16xf32>,
    %swap3A_399 = arith.constant 33 : i32
    %swap3A_400 = arith.index_cast %swap3A_399 : i32 to index
    %swap3A_401 = arith.constant 0 : index
    %swap3A_402 = tpu.vector_load %arg5[%swap3A_400, %swap3A_401] {strides = array<i32>} : memref<80x16xf32, #tpu.memory_space<vmem>>, vector<1x16xf32>,
    %swap3A_403 = vector.shape_cast %swap3A_402 : vector<1x16xf32> to vector<16xf32>
    %swap3A_404 = vector.shape_cast %broadcast_in_dim3A_1 : vector<16xf32> to vector<1x16xf32>
    tpu.vector_store %arg5[%swap3A_400, %swap3A_401], %swap3A_404 {strides = array<i32>} : memref<80x16xf32, #tpu.memory_space<vmem>>, vector<1x16xf32>,
    %swap3A_405 = arith.constant 33 : i32
    %swap3A_406 = arith.index_cast %swap3A_405 : i32 to index
    %swap3A_407 = arith.constant 0 : index
    %swap3A_408 = tpu.vector_load %arg6[%swap3A_406, %swap3A_407] {strides = array<i32>} : memref<80x16xf32, #tpu.memory_space<vmem>>, vector<1x16xf32>,
    %swap3A_409 = vector.shape_cast %swap3A_408 : vector<1x16xf32> to vector<16xf32>
    %swap3A_410 = vector.shape_cast %broadcast_in_dim3A_3 : vector<16xf32> to vector<1x16xf32>
    tpu.vector_store %arg6[%swap3A_406, %swap3A_407], %swap3A_410 {strides = array<i32>} : memref<80x16xf32, #tpu.memory_space<vmem>>, vector<1x16xf32>,
    %swap3A_411 = arith.constant 34 : i32
    %swap3A_412 = arith.index_cast %swap3A_411 : i32 to index
    %swap3A_413 = arith.constant 0 : index
    %swap3A_414 = tpu.vector_load %arg5[%swap3A_412, %swap3A_413] {strides = array<i32>} : memref<80x16xf32, #tpu.memory_space<vmem>>, vector<1x16xf32>,
    %swap3A_415 = vector.shape_cast %swap3A_414 : vector<1x16xf32> to vector<16xf32>
    %swap3A_416 = vector.shape_cast %broadcast_in_dim3A_1 : vector<16xf32> to vector<1x16xf32>
    tpu.vector_store %arg5[%swap3A_412, %swap3A_413], %swap3A_416 {strides = array<i32>} : memref<80x16xf32, #tpu.memory_space<vmem>>, vector<1x16xf32>,
    %swap3A_417 = arith.constant 34 : i32
    %swap3A_418 = arith.index_cast %swap3A_417 : i32 to index
    %swap3A_419 = arith.constant 0 : index
    %swap3A_420 = tpu.vector_load %arg6[%swap3A_418, %swap3A_419] {strides = array<i32>} : memref<80x16xf32, #tpu.memory_space<vmem>>, vector<1x16xf32>,
    %swap3A_421 = vector.shape_cast %swap3A_420 : vector<1x16xf32> to vector<16xf32>
    %swap3A_422 = vector.shape_cast %broadcast_in_dim3A_3 : vector<16xf32> to vector<1x16xf32>
    tpu.vector_store %arg6[%swap3A_418, %swap3A_419], %swap3A_422 {strides = array<i32>} : memref<80x16xf32, #tpu.memory_space<vmem>>, vector<1x16xf32>,
    %swap3A_423 = arith.constant 35 : i32
    %swap3A_424 = arith.index_cast %swap3A_423 : i32 to index
    %swap3A_425 = arith.constant 0 : index
    %swap3A_426 = tpu.vector_load %arg5[%swap3A_424, %swap3A_425] {strides = array<i32>} : memref<80x16xf32, #tpu.memory_space<vmem>>, vector<1x16xf32>,
    %swap3A_427 = vector.shape_cast %swap3A_426 : vector<1x16xf32> to vector<16xf32>
    %swap3A_428 = vector.shape_cast %broadcast_in_dim3A_1 : vector<16xf32> to vector<1x16xf32>
    tpu.vector_store %arg5[%swap3A_424, %swap3A_425], %swap3A_428 {strides = array<i32>} : memref<80x16xf32, #tpu.memory_space<vmem>>, vector<1x16xf32>,
    %swap3A_429 = arith.constant 35 : i32
    %swap3A_430 = arith.index_cast %swap3A_429 : i32 to index
    %swap3A_431 = arith.constant 0 : index
    %swap3A_432 = tpu.vector_load %arg6[%swap3A_430, %swap3A_431] {strides = array<i32>} : memref<80x16xf32, #tpu.memory_space<vmem>>, vector<1x16xf32>,
    %swap3A_433 = vector.shape_cast %swap3A_432 : vector<1x16xf32> to vector<16xf32>
    %swap3A_434 = vector.shape_cast %broadcast_in_dim3A_3 : vector<16xf32> to vector<1x16xf32>
    tpu.vector_store %arg6[%swap3A_430, %swap3A_431], %swap3A_434 {strides = array<i32>} : memref<80x16xf32, #tpu.memory_space<vmem>>, vector<1x16xf32>,
    %swap3A_435 = arith.constant 36 : i32
    %swap3A_436 = arith.index_cast %swap3A_435 : i32 to index
    %swap3A_437 = arith.constant 0 : index
    %swap3A_438 = tpu.vector_load %arg5[%swap3A_436, %swap3A_437] {strides = array<i32>} : memref<80x16xf32, #tpu.memory_space<vmem>>, vector<1x16xf32>,
    %swap3A_439 = vector.shape_cast %swap3A_438 : vector<1x16xf32> to vector<16xf32>
    %swap3A_440 = vector.shape_cast %broadcast_in_dim3A_1 : vector<16xf32> to vector<1x16xf32>
    tpu.vector_store %arg5[%swap3A_436, %swap3A_437], %swap3A_440 {strides = array<i32>} : memref<80x16xf32, #tpu.memory_space<vmem>>, vector<1x16xf32>,
    %swap3A_441 = arith.constant 36 : i32
    %swap3A_442 = arith.index_cast %swap3A_441 : i32 to index
    %swap3A_443 = arith.constant 0 : index
    %swap3A_444 = tpu.vector_load %arg6[%swap3A_442, %swap3A_443] {strides = array<i32>} : memref<80x16xf32, #tpu.memory_space<vmem>>, vector<1x16xf32>,
    %swap3A_445 = vector.shape_cast %swap3A_444 : vector<1x16xf32> to vector<16xf32>
    %swap3A_446 = vector.shape_cast %broadcast_in_dim3A_3 : vector<16xf32> to vector<1x16xf32>
    tpu.vector_store %arg6[%swap3A_442, %swap3A_443], %swap3A_446 {strides = array<i32>} : memref<80x16xf32, #tpu.memory_space<vmem>>, vector<1x16xf32>,
    %swap3A_447 = arith.constant 37 : i32
    %swap3A_448 = arith.index_cast %swap3A_447 : i32 to index
    %swap3A_449 = arith.constant 0 : index
    %swap3A_450 = tpu.vector_load %arg5[%swap3A_448, %swap3A_449] {strides = array<i32>} : memref<80x16xf32, #tpu.memory_space<vmem>>, vector<1x16xf32>,
    %swap3A_451 = vector.shape_cast %swap3A_450 : vector<1x16xf32> to vector<16xf32>
    %swap3A_452 = vector.shape_cast %broadcast_in_dim3A_1 : vector<16xf32> to vector<1x16xf32>
    tpu.vector_store %arg5[%swap3A_448, %swap3A_449], %swap3A_452 {strides = array<i32>} : memref<80x16xf32, #tpu.memory_space<vmem>>, vector<1x16xf32>,
    %swap3A_453 = arith.constant 37 : i32
    %swap3A_454 = arith.index_cast %swap3A_453 : i32 to index
    %swap3A_455 = arith.constant 0 : index
    %swap3A_456 = tpu.vector_load %arg6[%swap3A_454, %swap3A_455] {strides = array<i32>} : memref<80x16xf32, #tpu.memory_space<vmem>>, vector<1x16xf32>,
    %swap3A_457 = vector.shape_cast %swap3A_456 : vector<1x16xf32> to vector<16xf32>
    %swap3A_458 = vector.shape_cast %broadcast_in_dim3A_3 : vector<16xf32> to vector<1x16xf32>
    tpu.vector_store %arg6[%swap3A_454, %swap3A_455], %swap3A_458 {strides = array<i32>} : memref<80x16xf32, #tpu.memory_space<vmem>>, vector<1x16xf32>,
    %swap3A_459 = arith.constant 38 : i32
    %swap3A_460 = arith.index_cast %swap3A_459 : i32 to index
    %swap3A_461 = arith.constant 0 : index
    %swap3A_462 = tpu.vector_load %arg5[%swap3A_460, %swap3A_461] {strides = array<i32>} : memref<80x16xf32, #tpu.memory_space<vmem>>, vector<1x16xf32>,
    %swap3A_463 = vector.shape_cast %swap3A_462 : vector<1x16xf32> to vector<16xf32>
    %swap3A_464 = vector.shape_cast %broadcast_in_dim3A_1 : vector<16xf32> to vector<1x16xf32>
    tpu.vector_store %arg5[%swap3A_460, %swap3A_461], %swap3A_464 {strides = array<i32>} : memref<80x16xf32, #tpu.memory_space<vmem>>, vector<1x16xf32>,
    %swap3A_465 = arith.constant 38 : i32
    %swap3A_466 = arith.index_cast %swap3A_465 : i32 to index
    %swap3A_467 = arith.constant 0 : index
    %swap3A_468 = tpu.vector_load %arg6[%swap3A_466, %swap3A_467] {strides = array<i32>} : memref<80x16xf32, #tpu.memory_space<vmem>>, vector<1x16xf32>,
    %swap3A_469 = vector.shape_cast %swap3A_468 : vector<1x16xf32> to vector<16xf32>
    %swap3A_470 = vector.shape_cast %broadcast_in_dim3A_3 : vector<16xf32> to vector<1x16xf32>
    tpu.vector_store %arg6[%swap3A_466, %swap3A_467], %swap3A_470 {strides = array<i32>} : memref<80x16xf32, #tpu.memory_space<vmem>>, vector<1x16xf32>,
    %swap3A_471 = arith.constant 39 : i32
    %swap3A_472 = arith.index_cast %swap3A_471 : i32 to index
    %swap3A_473 = arith.constant 0 : index
    %swap3A_474 = tpu.vector_load %arg5[%swap3A_472, %swap3A_473] {strides = array<i32>} : memref<80x16xf32, #tpu.memory_space<vmem>>, vector<1x16xf32>,
    %swap3A_475 = vector.shape_cast %swap3A_474 : vector<1x16xf32> to vector<16xf32>
    %swap3A_476 = vector.shape_cast %broadcast_in_dim3A_1 : vector<16xf32> to vector<1x16xf32>
    tpu.vector_store %arg5[%swap3A_472, %swap3A_473], %swap3A_476 {strides = array<i32>} : memref<80x16xf32, #tpu.memory_space<vmem>>, vector<1x16xf32>,
    %swap3A_477 = arith.constant 39 : i32
    %swap3A_478 = arith.index_cast %swap3A_477 : i32 to index
    %swap3A_479 = arith.constant 0 : index
    %swap3A_480 = tpu.vector_load %arg6[%swap3A_478, %swap3A_479] {strides = array<i32>} : memref<80x16xf32, #tpu.memory_space<vmem>>, vector<1x16xf32>,
    %swap3A_481 = vector.shape_cast %swap3A_480 : vector<1x16xf32> to vector<16xf32>
    %swap3A_482 = vector.shape_cast %broadcast_in_dim3A_3 : vector<16xf32> to vector<1x16xf32>
    tpu.vector_store %arg6[%swap3A_478, %swap3A_479], %swap3A_482 {strides = array<i32>} : memref<80x16xf32, #tpu.memory_space<vmem>>, vector<1x16xf32>,
    %swap3A_483 = arith.constant 40 : i32
    %swap3A_484 = arith.index_cast %swap3A_483 : i32 to index
    %swap3A_485 = arith.constant 0 : index
    %swap3A_486 = tpu.vector_load %arg5[%swap3A_484, %swap3A_485] {strides = array<i32>} : memref<80x16xf32, #tpu.memory_space<vmem>>, vector<1x16xf32>,
    %swap3A_487 = vector.shape_cast %swap3A_486 : vector<1x16xf32> to vector<16xf32>
    %swap3A_488 = vector.shape_cast %broadcast_in_dim3A_1 : vector<16xf32> to vector<1x16xf32>
    tpu.vector_store %arg5[%swap3A_484, %swap3A_485], %swap3A_488 {strides = array<i32>} : memref<80x16xf32, #tpu.memory_space<vmem>>, vector<1x16xf32>,
    %swap3A_489 = arith.constant 40 : i32
    %swap3A_490 = arith.index_cast %swap3A_489 : i32 to index
    %swap3A_491 = arith.constant 0 : index
    %swap3A_492 = tpu.vector_load %arg6[%swap3A_490, %swap3A_491] {strides = array<i32>} : memref<80x16xf32, #tpu.memory_space<vmem>>, vector<1x16xf32>,
    %swap3A_493 = vector.shape_cast %swap3A_492 : vector<1x16xf32> to vector<16xf32>
    %swap3A_494 = vector.shape_cast %broadcast_in_dim3A_3 : vector<16xf32> to vector<1x16xf32>
    tpu.vector_store %arg6[%swap3A_490, %swap3A_491], %swap3A_494 {strides = array<i32>} : memref<80x16xf32, #tpu.memory_space<vmem>>, vector<1x16xf32>,
    %swap3A_495 = arith.constant 41 : i32
    %swap3A_496 = arith.index_cast %swap3A_495 : i32 to index
    %swap3A_497 = arith.constant 0 : index
    %swap3A_498 = tpu.vector_load %arg5[%swap3A_496, %swap3A_497] {strides = array<i32>} : memref<80x16xf32, #tpu.memory_space<vmem>>, vector<1x16xf32>,
    %swap3A_499 = vector.shape_cast %swap3A_498 : vector<1x16xf32> to vector<16xf32>
    %swap3A_500 = vector.shape_cast %broadcast_in_dim3A_1 : vector<16xf32> to vector<1x16xf32>
    tpu.vector_store %arg5[%swap3A_496, %swap3A_497], %swap3A_500 {strides = array<i32>} : memref<80x16xf32, #tpu.memory_space<vmem>>, vector<1x16xf32>,
    %swap3A_501 = arith.constant 41 : i32
    %swap3A_502 = arith.index_cast %swap3A_501 : i32 to index
    %swap3A_503 = arith.constant 0 : index
    %swap3A_504 = tpu.vector_load %arg6[%swap3A_502, %swap3A_503] {strides = array<i32>} : memref<80x16xf32, #tpu.memory_space<vmem>>, vector<1x16xf32>,
    %swap3A_505 = vector.shape_cast %swap3A_504 : vector<1x16xf32> to vector<16xf32>
    %swap3A_506 = vector.shape_cast %broadcast_in_dim3A_3 : vector<16xf32> to vector<1x16xf32>
    tpu.vector_store %arg6[%swap3A_502, %swap3A_503], %swap3A_506 {strides = array<i32>} : memref<80x16xf32, #tpu.memory_space<vmem>>, vector<1x16xf32>,
    %swap3A_507 = arith.constant 42 : i32
    %swap3A_508 = arith.index_cast %swap3A_507 : i32 to index
    %swap3A_509 = arith.constant 0 : index
    %swap3A_510 = tpu.vector_load %arg5[%swap3A_508, %swap3A_509] {strides = array<i32>} : memref<80x16xf32, #tpu.memory_space<vmem>>, vector<1x16xf32>,
    %swap3A_511 = vector.shape_cast %swap3A_510 : vector<1x16xf32> to vector<16xf32>
    %swap3A_512 = vector.shape_cast %broadcast_in_dim3A_1 : vector<16xf32> to vector<1x16xf32>
    tpu.vector_store %arg5[%swap3A_508, %swap3A_509], %swap3A_512 {strides = array<i32>} : memref<80x16xf32, #tpu.memory_space<vmem>>, vector<1x16xf32>,
    %swap3A_513 = arith.constant 42 : i32
    %swap3A_514 = arith.index_cast %swap3A_513 : i32 to index
    %swap3A_515 = arith.constant 0 : index
    %swap3A_516 = tpu.vector_load %arg6[%swap3A_514, %swap3A_515] {strides = array<i32>} : memref<80x16xf32, #tpu.memory_space<vmem>>, vector<1x16xf32>,
    %swap3A_517 = vector.shape_cast %swap3A_516 : vector<1x16xf32> to vector<16xf32>
    %swap3A_518 = vector.shape_cast %broadcast_in_dim3A_3 : vector<16xf32> to vector<1x16xf32>
    tpu.vector_store %arg6[%swap3A_514, %swap3A_515], %swap3A_518 {strides = array<i32>} : memref<80x16xf32, #tpu.memory_space<vmem>>, vector<1x16xf32>,
    %swap3A_519 = arith.constant 43 : i32
    %swap3A_520 = arith.index_cast %swap3A_519 : i32 to index
    %swap3A_521 = arith.constant 0 : index
    %swap3A_522 = tpu.vector_load %arg5[%swap3A_520, %swap3A_521] {strides = array<i32>} : memref<80x16xf32, #tpu.memory_space<vmem>>, vector<1x16xf32>,
    %swap3A_523 = vector.shape_cast %swap3A_522 : vector<1x16xf32> to vector<16xf32>
    %swap3A_524 = vector.shape_cast %broadcast_in_dim3A_1 : vector<16xf32> to vector<1x16xf32>
    tpu.vector_store %arg5[%swap3A_520, %swap3A_521], %swap3A_524 {strides = array<i32>} : memref<80x16xf32, #tpu.memory_space<vmem>>, vector<1x16xf32>,
    %swap3A_525 = arith.constant 43 : i32
    %swap3A_526 = arith.index_cast %swap3A_525 : i32 to index
    %swap3A_527 = arith.constant 0 : index
    %swap3A_528 = tpu.vector_load %arg6[%swap3A_526, %swap3A_527] {strides = array<i32>} : memref<80x16xf32, #tpu.memory_space<vmem>>, vector<1x16xf32>,
    %swap3A_529 = vector.shape_cast %swap3A_528 : vector<1x16xf32> to vector<16xf32>
    %swap3A_530 = vector.shape_cast %broadcast_in_dim3A_3 : vector<16xf32> to vector<1x16xf32>
    tpu.vector_store %arg6[%swap3A_526, %swap3A_527], %swap3A_530 {strides = array<i32>} : memref<80x16xf32, #tpu.memory_space<vmem>>, vector<1x16xf32>,
    %swap3A_531 = arith.constant 44 : i32
    %swap3A_532 = arith.index_cast %swap3A_531 : i32 to index
    %swap3A_533 = arith.constant 0 : index
    %swap3A_534 = tpu.vector_load %arg5[%swap3A_532, %swap3A_533] {strides = array<i32>} : memref<80x16xf32, #tpu.memory_space<vmem>>, vector<1x16xf32>,
    %swap3A_535 = vector.shape_cast %swap3A_534 : vector<1x16xf32> to vector<16xf32>
    %swap3A_536 = vector.shape_cast %broadcast_in_dim3A_1 : vector<16xf32> to vector<1x16xf32>
    tpu.vector_store %arg5[%swap3A_532, %swap3A_533], %swap3A_536 {strides = array<i32>} : memref<80x16xf32, #tpu.memory_space<vmem>>, vector<1x16xf32>,
    %swap3A_537 = arith.constant 44 : i32
    %swap3A_538 = arith.index_cast %swap3A_537 : i32 to index
    %swap3A_539 = arith.constant 0 : index
    %swap3A_540 = tpu.vector_load %arg6[%swap3A_538, %swap3A_539] {strides = array<i32>} : memref<80x16xf32, #tpu.memory_space<vmem>>, vector<1x16xf32>,
    %swap3A_541 = vector.shape_cast %swap3A_540 : vector<1x16xf32> to vector<16xf32>
    %swap3A_542 = vector.shape_cast %broadcast_in_dim3A_3 : vector<16xf32> to vector<1x16xf32>
    tpu.vector_store %arg6[%swap3A_538, %swap3A_539], %swap3A_542 {strides = array<i32>} : memref<80x16xf32, #tpu.memory_space<vmem>>, vector<1x16xf32>,
    %swap3A_543 = arith.constant 45 : i32
    %swap3A_544 = arith.index_cast %swap3A_543 : i32 to index
    %swap3A_545 = arith.constant 0 : index
    %swap3A_546 = tpu.vector_load %arg5[%swap3A_544, %swap3A_545] {strides = array<i32>} : memref<80x16xf32, #tpu.memory_space<vmem>>, vector<1x16xf32>,
    %swap3A_547 = vector.shape_cast %swap3A_546 : vector<1x16xf32> to vector<16xf32>
    %swap3A_548 = vector.shape_cast %broadcast_in_dim3A_1 : vector<16xf32> to vector<1x16xf32>
    tpu.vector_store %arg5[%swap3A_544, %swap3A_545], %swap3A_548 {strides = array<i32>} : memref<80x16xf32, #tpu.memory_space<vmem>>, vector<1x16xf32>,
    %swap3A_549 = arith.constant 45 : i32
    %swap3A_550 = arith.index_cast %swap3A_549 : i32 to index
    %swap3A_551 = arith.constant 0 : index
    %swap3A_552 = tpu.vector_load %arg6[%swap3A_550, %swap3A_551] {strides = array<i32>} : memref<80x16xf32, #tpu.memory_space<vmem>>, vector<1x16xf32>,
    %swap3A_553 = vector.shape_cast %swap3A_552 : vector<1x16xf32> to vector<16xf32>
    %swap3A_554 = vector.shape_cast %broadcast_in_dim3A_3 : vector<16xf32> to vector<1x16xf32>
    tpu.vector_store %arg6[%swap3A_550, %swap3A_551], %swap3A_554 {strides = array<i32>} : memref<80x16xf32, #tpu.memory_space<vmem>>, vector<1x16xf32>,
    %swap3A_555 = arith.constant 46 : i32
    %swap3A_556 = arith.index_cast %swap3A_555 : i32 to index
    %swap3A_557 = arith.constant 0 : index
    %swap3A_558 = tpu.vector_load %arg5[%swap3A_556, %swap3A_557] {strides = array<i32>} : memref<80x16xf32, #tpu.memory_space<vmem>>, vector<1x16xf32>,
    %swap3A_559 = vector.shape_cast %swap3A_558 : vector<1x16xf32> to vector<16xf32>
    %swap3A_560 = vector.shape_cast %broadcast_in_dim3A_1 : vector<16xf32> to vector<1x16xf32>
    tpu.vector_store %arg5[%swap3A_556, %swap3A_557], %swap3A_560 {strides = array<i32>} : memref<80x16xf32, #tpu.memory_space<vmem>>, vector<1x16xf32>,
    %swap3A_561 = arith.constant 46 : i32
    %swap3A_562 = arith.index_cast %swap3A_561 : i32 to index
    %swap3A_563 = arith.constant 0 : index
    %swap3A_564 = tpu.vector_load %arg6[%swap3A_562, %swap3A_563] {strides = array<i32>} : memref<80x16xf32, #tpu.memory_space<vmem>>, vector<1x16xf32>,
    %swap3A_565 = vector.shape_cast %swap3A_564 : vector<1x16xf32> to vector<16xf32>
    %swap3A_566 = vector.shape_cast %broadcast_in_dim3A_3 : vector<16xf32> to vector<1x16xf32>
    tpu.vector_store %arg6[%swap3A_562, %swap3A_563], %swap3A_566 {strides = array<i32>} : memref<80x16xf32, #tpu.memory_space<vmem>>, vector<1x16xf32>,
    %swap3A_567 = arith.constant 47 : i32
    %swap3A_568 = arith.index_cast %swap3A_567 : i32 to index
    %swap3A_569 = arith.constant 0 : index
    %swap3A_570 = tpu.vector_load %arg5[%swap3A_568, %swap3A_569] {strides = array<i32>} : memref<80x16xf32, #tpu.memory_space<vmem>>, vector<1x16xf32>,
    %swap3A_571 = vector.shape_cast %swap3A_570 : vector<1x16xf32> to vector<16xf32>
    %swap3A_572 = vector.shape_cast %broadcast_in_dim3A_1 : vector<16xf32> to vector<1x16xf32>
    tpu.vector_store %arg5[%swap3A_568, %swap3A_569], %swap3A_572 {strides = array<i32>} : memref<80x16xf32, #tpu.memory_space<vmem>>, vector<1x16xf32>,
    %swap3A_573 = arith.constant 47 : i32
    %swap3A_574 = arith.index_cast %swap3A_573 : i32 to index
    %swap3A_575 = arith.constant 0 : index
    %swap3A_576 = tpu.vector_load %arg6[%swap3A_574, %swap3A_575] {strides = array<i32>} : memref<80x16xf32, #tpu.memory_space<vmem>>, vector<1x16xf32>,
    %swap3A_577 = vector.shape_cast %swap3A_576 : vector<1x16xf32> to vector<16xf32>
    %swap3A_578 = vector.shape_cast %broadcast_in_dim3A_3 : vector<16xf32> to vector<1x16xf32>
    tpu.vector_store %arg6[%swap3A_574, %swap3A_575], %swap3A_578 {strides = array<i32>} : memref<80x16xf32, #tpu.memory_space<vmem>>, vector<1x16xf32>,
    %swap3A_579 = arith.constant 48 : i32
    %swap3A_580 = arith.index_cast %swap3A_579 : i32 to index
    %swap3A_581 = arith.constant 0 : index
    %swap3A_582 = tpu.vector_load %arg5[%swap3A_580, %swap3A_581] {strides = array<i32>} : memref<80x16xf32, #tpu.memory_space<vmem>>, vector<1x16xf32>,
    %swap3A_583 = vector.shape_cast %swap3A_582 : vector<1x16xf32> to vector<16xf32>
    %swap3A_584 = vector.shape_cast %broadcast_in_dim3A_1 : vector<16xf32> to vector<1x16xf32>
    tpu.vector_store %arg5[%swap3A_580, %swap3A_581], %swap3A_584 {strides = array<i32>} : memref<80x16xf32, #tpu.memory_space<vmem>>, vector<1x16xf32>,
    %swap3A_585 = arith.constant 48 : i32
    %swap3A_586 = arith.index_cast %swap3A_585 : i32 to index
    %swap3A_587 = arith.constant 0 : index
    %swap3A_588 = tpu.vector_load %arg6[%swap3A_586, %swap3A_587] {strides = array<i32>} : memref<80x16xf32, #tpu.memory_space<vmem>>, vector<1x16xf32>,
    %swap3A_589 = vector.shape_cast %swap3A_588 : vector<1x16xf32> to vector<16xf32>
    %swap3A_590 = vector.shape_cast %broadcast_in_dim3A_3 : vector<16xf32> to vector<1x16xf32>
    tpu.vector_store %arg6[%swap3A_586, %swap3A_587], %swap3A_590 {strides = array<i32>} : memref<80x16xf32, #tpu.memory_space<vmem>>, vector<1x16xf32>,
    %swap3A_591 = arith.constant 49 : i32
    %swap3A_592 = arith.index_cast %swap3A_591 : i32 to index
    %swap3A_593 = arith.constant 0 : index
    %swap3A_594 = tpu.vector_load %arg5[%swap3A_592, %swap3A_593] {strides = array<i32>} : memref<80x16xf32, #tpu.memory_space<vmem>>, vector<1x16xf32>,
    %swap3A_595 = vector.shape_cast %swap3A_594 : vector<1x16xf32> to vector<16xf32>
    %swap3A_596 = vector.shape_cast %broadcast_in_dim3A_1 : vector<16xf32> to vector<1x16xf32>
    tpu.vector_store %arg5[%swap3A_592, %swap3A_593], %swap3A_596 {strides = array<i32>} : memref<80x16xf32, #tpu.memory_space<vmem>>, vector<1x16xf32>,
    %swap3A_597 = arith.constant 49 : i32
    %swap3A_598 = arith.index_cast %swap3A_597 : i32 to index
    %swap3A_599 = arith.constant 0 : index
    %swap3A_600 = tpu.vector_load %arg6[%swap3A_598, %swap3A_599] {strides = array<i32>} : memref<80x16xf32, #tpu.memory_space<vmem>>, vector<1x16xf32>,
    %swap3A_601 = vector.shape_cast %swap3A_600 : vector<1x16xf32> to vector<16xf32>
    %swap3A_602 = vector.shape_cast %broadcast_in_dim3A_3 : vector<16xf32> to vector<1x16xf32>
    tpu.vector_store %arg6[%swap3A_598, %swap3A_599], %swap3A_602 {strides = array<i32>} : memref<80x16xf32, #tpu.memory_space<vmem>>, vector<1x16xf32>,
    %swap3A_603 = arith.constant 50 : i32
    %swap3A_604 = arith.index_cast %swap3A_603 : i32 to index
    %swap3A_605 = arith.constant 0 : index
    %swap3A_606 = tpu.vector_load %arg5[%swap3A_604, %swap3A_605] {strides = array<i32>} : memref<80x16xf32, #tpu.memory_space<vmem>>, vector<1x16xf32>,
    %swap3A_607 = vector.shape_cast %swap3A_606 : vector<1x16xf32> to vector<16xf32>
    %swap3A_608 = vector.shape_cast %broadcast_in_dim3A_1 : vector<16xf32> to vector<1x16xf32>
    tpu.vector_store %arg5[%swap3A_604, %swap3A_605], %swap3A_608 {strides = array<i32>} : memref<80x16xf32, #tpu.memory_space<vmem>>, vector<1x16xf32>,
    %swap3A_609 = arith.constant 50 : i32
    %swap3A_610 = arith.index_cast %swap3A_609 : i32 to index
    %swap3A_611 = arith.constant 0 : index
    %swap3A_612 = tpu.vector_load %arg6[%swap3A_610, %swap3A_611] {strides = array<i32>} : memref<80x16xf32, #tpu.memory_space<vmem>>, vector<1x16xf32>,
    %swap3A_613 = vector.shape_cast %swap3A_612 : vector<1x16xf32> to vector<16xf32>
    %swap3A_614 = vector.shape_cast %broadcast_in_dim3A_3 : vector<16xf32> to vector<1x16xf32>
    tpu.vector_store %arg6[%swap3A_610, %swap3A_611], %swap3A_614 {strides = array<i32>} : memref<80x16xf32, #tpu.memory_space<vmem>>, vector<1x16xf32>,
    %swap3A_615 = arith.constant 51 : i32
    %swap3A_616 = arith.index_cast %swap3A_615 : i32 to index
    %swap3A_617 = arith.constant 0 : index
    %swap3A_618 = tpu.vector_load %arg5[%swap3A_616, %swap3A_617] {strides = array<i32>} : memref<80x16xf32, #tpu.memory_space<vmem>>, vector<1x16xf32>,
    %swap3A_619 = vector.shape_cast %swap3A_618 : vector<1x16xf32> to vector<16xf32>
    %swap3A_620 = vector.shape_cast %broadcast_in_dim3A_1 : vector<16xf32> to vector<1x16xf32>
    tpu.vector_store %arg5[%swap3A_616, %swap3A_617], %swap3A_620 {strides = array<i32>} : memref<80x16xf32, #tpu.memory_space<vmem>>, vector<1x16xf32>,
    %swap3A_621 = arith.constant 51 : i32
    %swap3A_622 = arith.index_cast %swap3A_621 : i32 to index
    %swap3A_623 = arith.constant 0 : index
    %swap3A_624 = tpu.vector_load %arg6[%swap3A_622, %swap3A_623] {strides = array<i32>} : memref<80x16xf32, #tpu.memory_space<vmem>>, vector<1x16xf32>,
    %swap3A_625 = vector.shape_cast %swap3A_624 : vector<1x16xf32> to vector<16xf32>
    %swap3A_626 = vector.shape_cast %broadcast_in_dim3A_3 : vector<16xf32> to vector<1x16xf32>
    tpu.vector_store %arg6[%swap3A_622, %swap3A_623], %swap3A_626 {strides = array<i32>} : memref<80x16xf32, #tpu.memory_space<vmem>>, vector<1x16xf32>,
    %swap3A_627 = arith.constant 52 : i32
    %swap3A_628 = arith.index_cast %swap3A_627 : i32 to index
    %swap3A_629 = arith.constant 0 : index
    %swap3A_630 = tpu.vector_load %arg5[%swap3A_628, %swap3A_629] {strides = array<i32>} : memref<80x16xf32, #tpu.memory_space<vmem>>, vector<1x16xf32>,
    %swap3A_631 = vector.shape_cast %swap3A_630 : vector<1x16xf32> to vector<16xf32>
    %swap3A_632 = vector.shape_cast %broadcast_in_dim3A_1 : vector<16xf32> to vector<1x16xf32>
    tpu.vector_store %arg5[%swap3A_628, %swap3A_629], %swap3A_632 {strides = array<i32>} : memref<80x16xf32, #tpu.memory_space<vmem>>, vector<1x16xf32>,
    %swap3A_633 = arith.constant 52 : i32
    %swap3A_634 = arith.index_cast %swap3A_633 : i32 to index
    %swap3A_635 = arith.constant 0 : index
    %swap3A_636 = tpu.vector_load %arg6[%swap3A_634, %swap3A_635] {strides = array<i32>} : memref<80x16xf32, #tpu.memory_space<vmem>>, vector<1x16xf32>,
    %swap3A_637 = vector.shape_cast %swap3A_636 : vector<1x16xf32> to vector<16xf32>
    %swap3A_638 = vector.shape_cast %broadcast_in_dim3A_3 : vector<16xf32> to vector<1x16xf32>
    tpu.vector_store %arg6[%swap3A_634, %swap3A_635], %swap3A_638 {strides = array<i32>} : memref<80x16xf32, #tpu.memory_space<vmem>>, vector<1x16xf32>,
    %swap3A_639 = arith.constant 53 : i32
    %swap3A_640 = arith.index_cast %swap3A_639 : i32 to index
    %swap3A_641 = arith.constant 0 : index
    %swap3A_642 = tpu.vector_load %arg5[%swap3A_640, %swap3A_641] {strides = array<i32>} : memref<80x16xf32, #tpu.memory_space<vmem>>, vector<1x16xf32>,
    %swap3A_643 = vector.shape_cast %swap3A_642 : vector<1x16xf32> to vector<16xf32>
    %swap3A_644 = vector.shape_cast %broadcast_in_dim3A_1 : vector<16xf32> to vector<1x16xf32>
    tpu.vector_store %arg5[%swap3A_640, %swap3A_641], %swap3A_644 {strides = array<i32>} : memref<80x16xf32, #tpu.memory_space<vmem>>, vector<1x16xf32>,
    %swap3A_645 = arith.constant 53 : i32
    %swap3A_646 = arith.index_cast %swap3A_645 : i32 to index
    %swap3A_647 = arith.constant 0 : index
    %swap3A_648 = tpu.vector_load %arg6[%swap3A_646, %swap3A_647] {strides = array<i32>} : memref<80x16xf32, #tpu.memory_space<vmem>>, vector<1x16xf32>,
    %swap3A_649 = vector.shape_cast %swap3A_648 : vector<1x16xf32> to vector<16xf32>
    %swap3A_650 = vector.shape_cast %broadcast_in_dim3A_3 : vector<16xf32> to vector<1x16xf32>
    tpu.vector_store %arg6[%swap3A_646, %swap3A_647], %swap3A_650 {strides = array<i32>} : memref<80x16xf32, #tpu.memory_space<vmem>>, vector<1x16xf32>,
    %swap3A_651 = arith.constant 54 : i32
    %swap3A_652 = arith.index_cast %swap3A_651 : i32 to index
    %swap3A_653 = arith.constant 0 : index
    %swap3A_654 = tpu.vector_load %arg5[%swap3A_652, %swap3A_653] {strides = array<i32>} : memref<80x16xf32, #tpu.memory_space<vmem>>, vector<1x16xf32>,
    %swap3A_655 = vector.shape_cast %swap3A_654 : vector<1x16xf32> to vector<16xf32>
    %swap3A_656 = vector.shape_cast %broadcast_in_dim3A_1 : vector<16xf32> to vector<1x16xf32>
    tpu.vector_store %arg5[%swap3A_652, %swap3A_653], %swap3A_656 {strides = array<i32>} : memref<80x16xf32, #tpu.memory_space<vmem>>, vector<1x16xf32>,
    %swap3A_657 = arith.constant 54 : i32
    %swap3A_658 = arith.index_cast %swap3A_657 : i32 to index
    %swap3A_659 = arith.constant 0 : index
    %swap3A_660 = tpu.vector_load %arg6[%swap3A_658, %swap3A_659] {strides = array<i32>} : memref<80x16xf32, #tpu.memory_space<vmem>>, vector<1x16xf32>,
    %swap3A_661 = vector.shape_cast %swap3A_660 : vector<1x16xf32> to vector<16xf32>
    %swap3A_662 = vector.shape_cast %broadcast_in_dim3A_3 : vector<16xf32> to vector<1x16xf32>
    tpu.vector_store %arg6[%swap3A_658, %swap3A_659], %swap3A_662 {strides = array<i32>} : memref<80x16xf32, #tpu.memory_space<vmem>>, vector<1x16xf32>,
    %swap3A_663 = arith.constant 55 : i32
    %swap3A_664 = arith.index_cast %swap3A_663 : i32 to index
    %swap3A_665 = arith.constant 0 : index
    %swap3A_666 = tpu.vector_load %arg5[%swap3A_664, %swap3A_665] {strides = array<i32>} : memref<80x16xf32, #tpu.memory_space<vmem>>, vector<1x16xf32>,
    %swap3A_667 = vector.shape_cast %swap3A_666 : vector<1x16xf32> to vector<16xf32>
    %swap3A_668 = vector.shape_cast %broadcast_in_dim3A_1 : vector<16xf32> to vector<1x16xf32>
    tpu.vector_store %arg5[%swap3A_664, %swap3A_665], %swap3A_668 {strides = array<i32>} : memref<80x16xf32, #tpu.memory_space<vmem>>, vector<1x16xf32>,
    %swap3A_669 = arith.constant 55 : i32
    %swap3A_670 = arith.index_cast %swap3A_669 : i32 to index
    %swap3A_671 = arith.constant 0 : index
    %swap3A_672 = tpu.vector_load %arg6[%swap3A_670, %swap3A_671] {strides = array<i32>} : memref<80x16xf32, #tpu.memory_space<vmem>>, vector<1x16xf32>,
    %swap3A_673 = vector.shape_cast %swap3A_672 : vector<1x16xf32> to vector<16xf32>
    %swap3A_674 = vector.shape_cast %broadcast_in_dim3A_3 : vector<16xf32> to vector<1x16xf32>
    tpu.vector_store %arg6[%swap3A_670, %swap3A_671], %swap3A_674 {strides = array<i32>} : memref<80x16xf32, #tpu.memory_space<vmem>>, vector<1x16xf32>,
    %swap3A_675 = arith.constant 56 : i32
    %swap3A_676 = arith.index_cast %swap3A_675 : i32 to index
    %swap3A_677 = arith.constant 0 : index
    %swap3A_678 = tpu.vector_load %arg5[%swap3A_676, %swap3A_677] {strides = array<i32>} : memref<80x16xf32, #tpu.memory_space<vmem>>, vector<1x16xf32>,
    %swap3A_679 = vector.shape_cast %swap3A_678 : vector<1x16xf32> to vector<16xf32>
    %swap3A_680 = vector.shape_cast %broadcast_in_dim3A_1 : vector<16xf32> to vector<1x16xf32>
    tpu.vector_store %arg5[%swap3A_676, %swap3A_677], %swap3A_680 {strides = array<i32>} : memref<80x16xf32, #tpu.memory_space<vmem>>, vector<1x16xf32>,
    %swap3A_681 = arith.constant 56 : i32
    %swap3A_682 = arith.index_cast %swap3A_681 : i32 to index
    %swap3A_683 = arith.constant 0 : index
    %swap3A_684 = tpu.vector_load %arg6[%swap3A_682, %swap3A_683] {strides = array<i32>} : memref<80x16xf32, #tpu.memory_space<vmem>>, vector<1x16xf32>,
    %swap3A_685 = vector.shape_cast %swap3A_684 : vector<1x16xf32> to vector<16xf32>
    %swap3A_686 = vector.shape_cast %broadcast_in_dim3A_3 : vector<16xf32> to vector<1x16xf32>
    tpu.vector_store %arg6[%swap3A_682, %swap3A_683], %swap3A_686 {strides = array<i32>} : memref<80x16xf32, #tpu.memory_space<vmem>>, vector<1x16xf32>,
    %swap3A_687 = arith.constant 57 : i32
    %swap3A_688 = arith.index_cast %swap3A_687 : i32 to index
    %swap3A_689 = arith.constant 0 : index
    %swap3A_690 = tpu.vector_load %arg5[%swap3A_688, %swap3A_689] {strides = array<i32>} : memref<80x16xf32, #tpu.memory_space<vmem>>, vector<1x16xf32>,
    %swap3A_691 = vector.shape_cast %swap3A_690 : vector<1x16xf32> to vector<16xf32>
    %swap3A_692 = vector.shape_cast %broadcast_in_dim3A_1 : vector<16xf32> to vector<1x16xf32>
    tpu.vector_store %arg5[%swap3A_688, %swap3A_689], %swap3A_692 {strides = array<i32>} : memref<80x16xf32, #tpu.memory_space<vmem>>, vector<1x16xf32>,
    %swap3A_693 = arith.constant 57 : i32
    %swap3A_694 = arith.index_cast %swap3A_693 : i32 to index
    %swap3A_695 = arith.constant 0 : index
    %swap3A_696 = tpu.vector_load %arg6[%swap3A_694, %swap3A_695] {strides = array<i32>} : memref<80x16xf32, #tpu.memory_space<vmem>>, vector<1x16xf32>,
    %swap3A_697 = vector.shape_cast %swap3A_696 : vector<1x16xf32> to vector<16xf32>
    %swap3A_698 = vector.shape_cast %broadcast_in_dim3A_3 : vector<16xf32> to vector<1x16xf32>
    tpu.vector_store %arg6[%swap3A_694, %swap3A_695], %swap3A_698 {strides = array<i32>} : memref<80x16xf32, #tpu.memory_space<vmem>>, vector<1x16xf32>,
    %swap3A_699 = arith.constant 58 : i32
    %swap3A_700 = arith.index_cast %swap3A_699 : i32 to index
    %swap3A_701 = arith.constant 0 : index
    %swap3A_702 = tpu.vector_load %arg5[%swap3A_700, %swap3A_701] {strides = array<i32>} : memref<80x16xf32, #tpu.memory_space<vmem>>, vector<1x16xf32>,
    %swap3A_703 = vector.shape_cast %swap3A_702 : vector<1x16xf32> to vector<16xf32>
    %swap3A_704 = vector.shape_cast %broadcast_in_dim3A_1 : vector<16xf32> to vector<1x16xf32>
    tpu.vector_store %arg5[%swap3A_700, %swap3A_701], %swap3A_704 {strides = array<i32>} : memref<80x16xf32, #tpu.memory_space<vmem>>, vector<1x16xf32>,
    %swap3A_705 = arith.constant 58 : i32
    %swap3A_706 = arith.index_cast %swap3A_705 : i32 to index
    %swap3A_707 = arith.constant 0 : index
    %swap3A_708 = tpu.vector_load %arg6[%swap3A_706, %swap3A_707] {strides = array<i32>} : memref<80x16xf32, #tpu.memory_space<vmem>>, vector<1x16xf32>,
    %swap3A_709 = vector.shape_cast %swap3A_708 : vector<1x16xf32> to vector<16xf32>
    %swap3A_710 = vector.shape_cast %broadcast_in_dim3A_3 : vector<16xf32> to vector<1x16xf32>
    tpu.vector_store %arg6[%swap3A_706, %swap3A_707], %swap3A_710 {strides = array<i32>} : memref<80x16xf32, #tpu.memory_space<vmem>>, vector<1x16xf32>,
    %swap3A_711 = arith.constant 59 : i32
    %swap3A_712 = arith.index_cast %swap3A_711 : i32 to index
    %swap3A_713 = arith.constant 0 : index
    %swap3A_714 = tpu.vector_load %arg5[%swap3A_712, %swap3A_713] {strides = array<i32>} : memref<80x16xf32, #tpu.memory_space<vmem>>, vector<1x16xf32>,
    %swap3A_715 = vector.shape_cast %swap3A_714 : vector<1x16xf32> to vector<16xf32>
    %swap3A_716 = vector.shape_cast %broadcast_in_dim3A_1 : vector<16xf32> to vector<1x16xf32>
    tpu.vector_store %arg5[%swap3A_712, %swap3A_713], %swap3A_716 {strides = array<i32>} : memref<80x16xf32, #tpu.memory_space<vmem>>, vector<1x16xf32>,
    %swap3A_717 = arith.constant 59 : i32
    %swap3A_718 = arith.index_cast %swap3A_717 : i32 to index
    %swap3A_719 = arith.constant 0 : index
    %swap3A_720 = tpu.vector_load %arg6[%swap3A_718, %swap3A_719] {strides = array<i32>} : memref<80x16xf32, #tpu.memory_space<vmem>>, vector<1x16xf32>,
    %swap3A_721 = vector.shape_cast %swap3A_720 : vector<1x16xf32> to vector<16xf32>
    %swap3A_722 = vector.shape_cast %broadcast_in_dim3A_3 : vector<16xf32> to vector<1x16xf32>
    tpu.vector_store %arg6[%swap3A_718, %swap3A_719], %swap3A_722 {strides = array<i32>} : memref<80x16xf32, #tpu.memory_space<vmem>>, vector<1x16xf32>,
    %swap3A_723 = arith.constant 60 : i32
    %swap3A_724 = arith.index_cast %swap3A_723 : i32 to index
    %swap3A_725 = arith.constant 0 : index
    %swap3A_726 = tpu.vector_load %arg5[%swap3A_724, %swap3A_725] {strides = array<i32>} : memref<80x16xf32, #tpu.memory_space<vmem>>, vector<1x16xf32>,
    %swap3A_727 = vector.shape_cast %swap3A_726 : vector<1x16xf32> to vector<16xf32>
    %swap3A_728 = vector.shape_cast %broadcast_in_dim3A_1 : vector<16xf32> to vector<1x16xf32>
    tpu.vector_store %arg5[%swap3A_724, %swap3A_725], %swap3A_728 {strides = array<i32>} : memref<80x16xf32, #tpu.memory_space<vmem>>, vector<1x16xf32>,
    %swap3A_729 = arith.constant 60 : i32
    %swap3A_730 = arith.index_cast %swap3A_729 : i32 to index
    %swap3A_731 = arith.constant 0 : index
    %swap3A_732 = tpu.vector_load %arg6[%swap3A_730, %swap3A_731] {strides = array<i32>} : memref<80x16xf32, #tpu.memory_space<vmem>>, vector<1x16xf32>,
    %swap3A_733 = vector.shape_cast %swap3A_732 : vector<1x16xf32> to vector<16xf32>
    %swap3A_734 = vector.shape_cast %broadcast_in_dim3A_3 : vector<16xf32> to vector<1x16xf32>
    tpu.vector_store %arg6[%swap3A_730, %swap3A_731], %swap3A_734 {strides = array<i32>} : memref<80x16xf32, #tpu.memory_space<vmem>>, vector<1x16xf32>,
    %swap3A_735 = arith.constant 61 : i32
    %swap3A_736 = arith.index_cast %swap3A_735 : i32 to index
    %swap3A_737 = arith.constant 0 : index
    %swap3A_738 = tpu.vector_load %arg5[%swap3A_736, %swap3A_737] {strides = array<i32>} : memref<80x16xf32, #tpu.memory_space<vmem>>, vector<1x16xf32>,
    %swap3A_739 = vector.shape_cast %swap3A_738 : vector<1x16xf32> to vector<16xf32>
    %swap3A_740 = vector.shape_cast %broadcast_in_dim3A_1 : vector<16xf32> to vector<1x16xf32>
    tpu.vector_store %arg5[%swap3A_736, %swap3A_737], %swap3A_740 {strides = array<i32>} : memref<80x16xf32, #tpu.memory_space<vmem>>, vector<1x16xf32>,
    %swap3A_741 = arith.constant 61 : i32
    %swap3A_742 = arith.index_cast %swap3A_741 : i32 to index
    %swap3A_743 = arith.constant 0 : index
    %swap3A_744 = tpu.vector_load %arg6[%swap3A_742, %swap3A_743] {strides = array<i32>} : memref<80x16xf32, #tpu.memory_space<vmem>>, vector<1x16xf32>,
    %swap3A_745 = vector.shape_cast %swap3A_744 : vector<1x16xf32> to vector<16xf32>
    %swap3A_746 = vector.shape_cast %broadcast_in_dim3A_3 : vector<16xf32> to vector<1x16xf32>
    tpu.vector_store %arg6[%swap3A_742, %swap3A_743], %swap3A_746 {strides = array<i32>} : memref<80x16xf32, #tpu.memory_space<vmem>>, vector<1x16xf32>,
    %swap3A_747 = arith.constant 62 : i32
    %swap3A_748 = arith.index_cast %swap3A_747 : i32 to index
    %swap3A_749 = arith.constant 0 : index
    %swap3A_750 = tpu.vector_load %arg5[%swap3A_748, %swap3A_749] {strides = array<i32>} : memref<80x16xf32, #tpu.memory_space<vmem>>, vector<1x16xf32>,
    %swap3A_751 = vector.shape_cast %swap3A_750 : vector<1x16xf32> to vector<16xf32>
    %swap3A_752 = vector.shape_cast %broadcast_in_dim3A_1 : vector<16xf32> to vector<1x16xf32>
    tpu.vector_store %arg5[%swap3A_748, %swap3A_749], %swap3A_752 {strides = array<i32>} : memref<80x16xf32, #tpu.memory_space<vmem>>, vector<1x16xf32>,
    %swap3A_753 = arith.constant 62 : i32
    %swap3A_754 = arith.index_cast %swap3A_753 : i32 to index
    %swap3A_755 = arith.constant 0 : index
    %swap3A_756 = tpu.vector_load %arg6[%swap3A_754, %swap3A_755] {strides = array<i32>} : memref<80x16xf32, #tpu.memory_space<vmem>>, vector<1x16xf32>,
    %swap3A_757 = vector.shape_cast %swap3A_756 : vector<1x16xf32> to vector<16xf32>
    %swap3A_758 = vector.shape_cast %broadcast_in_dim3A_3 : vector<16xf32> to vector<1x16xf32>
    tpu.vector_store %arg6[%swap3A_754, %swap3A_755], %swap3A_758 {strides = array<i32>} : memref<80x16xf32, #tpu.memory_space<vmem>>, vector<1x16xf32>,
    %swap3A_759 = arith.constant 63 : i32
    %swap3A_760 = arith.index_cast %swap3A_759 : i32 to index
    %swap3A_761 = arith.constant 0 : index
    %swap3A_762 = tpu.vector_load %arg5[%swap3A_760, %swap3A_761] {strides = array<i32>} : memref<80x16xf32, #tpu.memory_space<vmem>>, vector<1x16xf32>,
    %swap3A_763 = vector.shape_cast %swap3A_762 : vector<1x16xf32> to vector<16xf32>
    %swap3A_764 = vector.shape_cast %broadcast_in_dim3A_1 : vector<16xf32> to vector<1x16xf32>
    tpu.vector_store %arg5[%swap3A_760, %swap3A_761], %swap3A_764 {strides = array<i32>} : memref<80x16xf32, #tpu.memory_space<vmem>>, vector<1x16xf32>,
    %swap3A_765 = arith.constant 63 : i32
    %swap3A_766 = arith.index_cast %swap3A_765 : i32 to index
    %swap3A_767 = arith.constant 0 : index
    %swap3A_768 = tpu.vector_load %arg6[%swap3A_766, %swap3A_767] {strides = array<i32>} : memref<80x16xf32, #tpu.memory_space<vmem>>, vector<1x16xf32>,
    %swap3A_769 = vector.shape_cast %swap3A_768 : vector<1x16xf32> to vector<16xf32>
    %swap3A_770 = vector.shape_cast %broadcast_in_dim3A_3 : vector<16xf32> to vector<1x16xf32>
    tpu.vector_store %arg6[%swap3A_766, %swap3A_767], %swap3A_770 {strides = array<i32>} : memref<80x16xf32, #tpu.memory_space<vmem>>, vector<1x16xf32>,
    %swap3A_771 = arith.constant 64 : i32
    %swap3A_772 = arith.index_cast %swap3A_771 : i32 to index
    %swap3A_773 = arith.constant 0 : index
    %swap3A_774 = tpu.vector_load %arg5[%swap3A_772, %swap3A_773] {strides = array<i32>} : memref<80x16xf32, #tpu.memory_space<vmem>>, vector<1x16xf32>,
    %swap3A_775 = vector.shape_cast %swap3A_774 : vector<1x16xf32> to vector<16xf32>
    %swap3A_776 = vector.shape_cast %broadcast_in_dim3A_1 : vector<16xf32> to vector<1x16xf32>
    tpu.vector_store %arg5[%swap3A_772, %swap3A_773], %swap3A_776 {strides = array<i32>} : memref<80x16xf32, #tpu.memory_space<vmem>>, vector<1x16xf32>,
    %swap3A_777 = arith.constant 64 : i32
    %swap3A_778 = arith.index_cast %swap3A_777 : i32 to index
    %swap3A_779 = arith.constant 0 : index
    %swap3A_780 = tpu.vector_load %arg6[%swap3A_778, %swap3A_779] {strides = array<i32>} : memref<80x16xf32, #tpu.memory_space<vmem>>, vector<1x16xf32>,
    %swap3A_781 = vector.shape_cast %swap3A_780 : vector<1x16xf32> to vector<16xf32>
    %swap3A_782 = vector.shape_cast %broadcast_in_dim3A_3 : vector<16xf32> to vector<1x16xf32>
    tpu.vector_store %arg6[%swap3A_778, %swap3A_779], %swap3A_782 {strides = array<i32>} : memref<80x16xf32, #tpu.memory_space<vmem>>, vector<1x16xf32>,
    %swap3A_783 = arith.constant 65 : i32
    %swap3A_784 = arith.index_cast %swap3A_783 : i32 to index
    %swap3A_785 = arith.constant 0 : index
    %swap3A_786 = tpu.vector_load %arg5[%swap3A_784, %swap3A_785] {strides = array<i32>} : memref<80x16xf32, #tpu.memory_space<vmem>>, vector<1x16xf32>,
    %swap3A_787 = vector.shape_cast %swap3A_786 : vector<1x16xf32> to vector<16xf32>
    %swap3A_788 = vector.shape_cast %broadcast_in_dim3A_1 : vector<16xf32> to vector<1x16xf32>
    tpu.vector_store %arg5[%swap3A_784, %swap3A_785], %swap3A_788 {strides = array<i32>} : memref<80x16xf32, #tpu.memory_space<vmem>>, vector<1x16xf32>,
    %swap3A_789 = arith.constant 65 : i32
    %swap3A_790 = arith.index_cast %swap3A_789 : i32 to index
    %swap3A_791 = arith.constant 0 : index
    %swap3A_792 = tpu.vector_load %arg6[%swap3A_790, %swap3A_791] {strides = array<i32>} : memref<80x16xf32, #tpu.memory_space<vmem>>, vector<1x16xf32>,
    %swap3A_793 = vector.shape_cast %swap3A_792 : vector<1x16xf32> to vector<16xf32>
    %swap3A_794 = vector.shape_cast %broadcast_in_dim3A_3 : vector<16xf32> to vector<1x16xf32>
    tpu.vector_store %arg6[%swap3A_790, %swap3A_791], %swap3A_794 {strides = array<i32>} : memref<80x16xf32, #tpu.memory_space<vmem>>, vector<1x16xf32>,
    %swap3A_795 = arith.constant 66 : i32
    %swap3A_796 = arith.index_cast %swap3A_795 : i32 to index
    %swap3A_797 = arith.constant 0 : index
    %swap3A_798 = tpu.vector_load %arg5[%swap3A_796, %swap3A_797] {strides = array<i32>} : memref<80x16xf32, #tpu.memory_space<vmem>>, vector<1x16xf32>,
    %swap3A_799 = vector.shape_cast %swap3A_798 : vector<1x16xf32> to vector<16xf32>
    %swap3A_800 = vector.shape_cast %broadcast_in_dim3A_1 : vector<16xf32> to vector<1x16xf32>
    tpu.vector_store %arg5[%swap3A_796, %swap3A_797], %swap3A_800 {strides = array<i32>} : memref<80x16xf32, #tpu.memory_space<vmem>>, vector<1x16xf32>,
    %swap3A_801 = arith.constant 66 : i32
    %swap3A_802 = arith.index_cast %swap3A_801 : i32 to index
    %swap3A_803 = arith.constant 0 : index
    %swap3A_804 = tpu.vector_load %arg6[%swap3A_802, %swap3A_803] {strides = array<i32>} : memref<80x16xf32, #tpu.memory_space<vmem>>, vector<1x16xf32>,
    %swap3A_805 = vector.shape_cast %swap3A_804 : vector<1x16xf32> to vector<16xf32>
    %swap3A_806 = vector.shape_cast %broadcast_in_dim3A_3 : vector<16xf32> to vector<1x16xf32>
    tpu.vector_store %arg6[%swap3A_802, %swap3A_803], %swap3A_806 {strides = array<i32>} : memref<80x16xf32, #tpu.memory_space<vmem>>, vector<1x16xf32>,
    %swap3A_807 = arith.constant 67 : i32
    %swap3A_808 = arith.index_cast %swap3A_807 : i32 to index
    %swap3A_809 = arith.constant 0 : index
    %swap3A_810 = tpu.vector_load %arg5[%swap3A_808, %swap3A_809] {strides = array<i32>} : memref<80x16xf32, #tpu.memory_space<vmem>>, vector<1x16xf32>,
    %swap3A_811 = vector.shape_cast %swap3A_810 : vector<1x16xf32> to vector<16xf32>
    %swap3A_812 = vector.shape_cast %broadcast_in_dim3A_1 : vector<16xf32> to vector<1x16xf32>
    tpu.vector_store %arg5[%swap3A_808, %swap3A_809], %swap3A_812 {strides = array<i32>} : memref<80x16xf32, #tpu.memory_space<vmem>>, vector<1x16xf32>,
    %swap3A_813 = arith.constant 67 : i32
    %swap3A_814 = arith.index_cast %swap3A_813 : i32 to index
    %swap3A_815 = arith.constant 0 : index
    %swap3A_816 = tpu.vector_load %arg6[%swap3A_814, %swap3A_815] {strides = array<i32>} : memref<80x16xf32, #tpu.memory_space<vmem>>, vector<1x16xf32>,
    %swap3A_817 = vector.shape_cast %swap3A_816 : vector<1x16xf32> to vector<16xf32>
    %swap3A_818 = vector.shape_cast %broadcast_in_dim3A_3 : vector<16xf32> to vector<1x16xf32>
    tpu.vector_store %arg6[%swap3A_814, %swap3A_815], %swap3A_818 {strides = array<i32>} : memref<80x16xf32, #tpu.memory_space<vmem>>, vector<1x16xf32>,
    %swap3A_819 = arith.constant 68 : i32
    %swap3A_820 = arith.index_cast %swap3A_819 : i32 to index
    %swap3A_821 = arith.constant 0 : index
    %swap3A_822 = tpu.vector_load %arg5[%swap3A_820, %swap3A_821] {strides = array<i32>} : memref<80x16xf32, #tpu.memory_space<vmem>>, vector<1x16xf32>,
    %swap3A_823 = vector.shape_cast %swap3A_822 : vector<1x16xf32> to vector<16xf32>
    %swap3A_824 = vector.shape_cast %broadcast_in_dim3A_1 : vector<16xf32> to vector<1x16xf32>
    tpu.vector_store %arg5[%swap3A_820, %swap3A_821], %swap3A_824 {strides = array<i32>} : memref<80x16xf32, #tpu.memory_space<vmem>>, vector<1x16xf32>,
    %swap3A_825 = arith.constant 68 : i32
    %swap3A_826 = arith.index_cast %swap3A_825 : i32 to index
    %swap3A_827 = arith.constant 0 : index
    %swap3A_828 = tpu.vector_load %arg6[%swap3A_826, %swap3A_827] {strides = array<i32>} : memref<80x16xf32, #tpu.memory_space<vmem>>, vector<1x16xf32>,
    %swap3A_829 = vector.shape_cast %swap3A_828 : vector<1x16xf32> to vector<16xf32>
    %swap3A_830 = vector.shape_cast %broadcast_in_dim3A_3 : vector<16xf32> to vector<1x16xf32>
    tpu.vector_store %arg6[%swap3A_826, %swap3A_827], %swap3A_830 {strides = array<i32>} : memref<80x16xf32, #tpu.memory_space<vmem>>, vector<1x16xf32>,
    %swap3A_831 = arith.constant 69 : i32
    %swap3A_832 = arith.index_cast %swap3A_831 : i32 to index
    %swap3A_833 = arith.constant 0 : index
    %swap3A_834 = tpu.vector_load %arg5[%swap3A_832, %swap3A_833] {strides = array<i32>} : memref<80x16xf32, #tpu.memory_space<vmem>>, vector<1x16xf32>,
    %swap3A_835 = vector.shape_cast %swap3A_834 : vector<1x16xf32> to vector<16xf32>
    %swap3A_836 = vector.shape_cast %broadcast_in_dim3A_1 : vector<16xf32> to vector<1x16xf32>
    tpu.vector_store %arg5[%swap3A_832, %swap3A_833], %swap3A_836 {strides = array<i32>} : memref<80x16xf32, #tpu.memory_space<vmem>>, vector<1x16xf32>,
    %swap3A_837 = arith.constant 69 : i32
    %swap3A_838 = arith.index_cast %swap3A_837 : i32 to index
    %swap3A_839 = arith.constant 0 : index
    %swap3A_840 = tpu.vector_load %arg6[%swap3A_838, %swap3A_839] {strides = array<i32>} : memref<80x16xf32, #tpu.memory_space<vmem>>, vector<1x16xf32>,
    %swap3A_841 = vector.shape_cast %swap3A_840 : vector<1x16xf32> to vector<16xf32>
    %swap3A_842 = vector.shape_cast %broadcast_in_dim3A_3 : vector<16xf32> to vector<1x16xf32>
    tpu.vector_store %arg6[%swap3A_838, %swap3A_839], %swap3A_842 {strides = array<i32>} : memref<80x16xf32, #tpu.memory_space<vmem>>, vector<1x16xf32>,
    %swap3A_843 = arith.constant 70 : i32
    %swap3A_844 = arith.index_cast %swap3A_843 : i32 to index
    %swap3A_845 = arith.constant 0 : index
    %swap3A_846 = tpu.vector_load %arg5[%swap3A_844, %swap3A_845] {strides = array<i32>} : memref<80x16xf32, #tpu.memory_space<vmem>>, vector<1x16xf32>,
    %swap3A_847 = vector.shape_cast %swap3A_846 : vector<1x16xf32> to vector<16xf32>
    %swap3A_848 = vector.shape_cast %broadcast_in_dim3A_1 : vector<16xf32> to vector<1x16xf32>
    tpu.vector_store %arg5[%swap3A_844, %swap3A_845], %swap3A_848 {strides = array<i32>} : memref<80x16xf32, #tpu.memory_space<vmem>>, vector<1x16xf32>,
    %swap3A_849 = arith.constant 70 : i32
    %swap3A_850 = arith.index_cast %swap3A_849 : i32 to index
    %swap3A_851 = arith.constant 0 : index
    %swap3A_852 = tpu.vector_load %arg6[%swap3A_850, %swap3A_851] {strides = array<i32>} : memref<80x16xf32, #tpu.memory_space<vmem>>, vector<1x16xf32>,
    %swap3A_853 = vector.shape_cast %swap3A_852 : vector<1x16xf32> to vector<16xf32>
    %swap3A_854 = vector.shape_cast %broadcast_in_dim3A_3 : vector<16xf32> to vector<1x16xf32>
    tpu.vector_store %arg6[%swap3A_850, %swap3A_851], %swap3A_854 {strides = array<i32>} : memref<80x16xf32, #tpu.memory_space<vmem>>, vector<1x16xf32>,
    %swap3A_855 = arith.constant 71 : i32
    %swap3A_856 = arith.index_cast %swap3A_855 : i32 to index
    %swap3A_857 = arith.constant 0 : index
    %swap3A_858 = tpu.vector_load %arg5[%swap3A_856, %swap3A_857] {strides = array<i32>} : memref<80x16xf32, #tpu.memory_space<vmem>>, vector<1x16xf32>,
    %swap3A_859 = vector.shape_cast %swap3A_858 : vector<1x16xf32> to vector<16xf32>
    %swap3A_860 = vector.shape_cast %broadcast_in_dim3A_1 : vector<16xf32> to vector<1x16xf32>
    tpu.vector_store %arg5[%swap3A_856, %swap3A_857], %swap3A_860 {strides = array<i32>} : memref<80x16xf32, #tpu.memory_space<vmem>>, vector<1x16xf32>,
    %swap3A_861 = arith.constant 71 : i32
    %swap3A_862 = arith.index_cast %swap3A_861 : i32 to index
    %swap3A_863 = arith.constant 0 : index
    %swap3A_864 = tpu.vector_load %arg6[%swap3A_862, %swap3A_863] {strides = array<i32>} : memref<80x16xf32, #tpu.memory_space<vmem>>, vector<1x16xf32>,
    %swap3A_865 = vector.shape_cast %swap3A_864 : vector<1x16xf32> to vector<16xf32>
    %swap3A_866 = vector.shape_cast %broadcast_in_dim3A_3 : vector<16xf32> to vector<1x16xf32>
    tpu.vector_store %arg6[%swap3A_862, %swap3A_863], %swap3A_866 {strides = array<i32>} : memref<80x16xf32, #tpu.memory_space<vmem>>, vector<1x16xf32>,
    %swap3A_867 = arith.constant 72 : i32
    %swap3A_868 = arith.index_cast %swap3A_867 : i32 to index
    %swap3A_869 = arith.constant 0 : index
    %swap3A_870 = tpu.vector_load %arg5[%swap3A_868, %swap3A_869] {strides = array<i32>} : memref<80x16xf32, #tpu.memory_space<vmem>>, vector<1x16xf32>,
    %swap3A_871 = vector.shape_cast %swap3A_870 : vector<1x16xf32> to vector<16xf32>
    %swap3A_872 = vector.shape_cast %broadcast_in_dim3A_1 : vector<16xf32> to vector<1x16xf32>
    tpu.vector_store %arg5[%swap3A_868, %swap3A_869], %swap3A_872 {strides = array<i32>} : memref<80x16xf32, #tpu.memory_space<vmem>>, vector<1x16xf32>,
    %swap3A_873 = arith.constant 72 : i32
    %swap3A_874 = arith.index_cast %swap3A_873 : i32 to index
    %swap3A_875 = arith.constant 0 : index
    %swap3A_876 = tpu.vector_load %arg6[%swap3A_874, %swap3A_875] {strides = array<i32>} : memref<80x16xf32, #tpu.memory_space<vmem>>, vector<1x16xf32>,
    %swap3A_877 = vector.shape_cast %swap3A_876 : vector<1x16xf32> to vector<16xf32>
    %swap3A_878 = vector.shape_cast %broadcast_in_dim3A_3 : vector<16xf32> to vector<1x16xf32>
    tpu.vector_store %arg6[%swap3A_874, %swap3A_875], %swap3A_878 {strides = array<i32>} : memref<80x16xf32, #tpu.memory_space<vmem>>, vector<1x16xf32>,
    %swap3A_879 = arith.constant 73 : i32
    %swap3A_880 = arith.index_cast %swap3A_879 : i32 to index
    %swap3A_881 = arith.constant 0 : index
    %swap3A_882 = tpu.vector_load %arg5[%swap3A_880, %swap3A_881] {strides = array<i32>} : memref<80x16xf32, #tpu.memory_space<vmem>>, vector<1x16xf32>,
    %swap3A_883 = vector.shape_cast %swap3A_882 : vector<1x16xf32> to vector<16xf32>
    %swap3A_884 = vector.shape_cast %broadcast_in_dim3A_1 : vector<16xf32> to vector<1x16xf32>
    tpu.vector_store %arg5[%swap3A_880, %swap3A_881], %swap3A_884 {strides = array<i32>} : memref<80x16xf32, #tpu.memory_space<vmem>>, vector<1x16xf32>,
    %swap3A_885 = arith.constant 73 : i32
    %swap3A_886 = arith.index_cast %swap3A_885 : i32 to index
    %swap3A_887 = arith.constant 0 : index
    %swap3A_888 = tpu.vector_load %arg6[%swap3A_886, %swap3A_887] {strides = array<i32>} : memref<80x16xf32, #tpu.memory_space<vmem>>, vector<1x16xf32>,
    %swap3A_889 = vector.shape_cast %swap3A_888 : vector<1x16xf32> to vector<16xf32>
    %swap3A_890 = vector.shape_cast %broadcast_in_dim3A_3 : vector<16xf32> to vector<1x16xf32>
    tpu.vector_store %arg6[%swap3A_886, %swap3A_887], %swap3A_890 {strides = array<i32>} : memref<80x16xf32, #tpu.memory_space<vmem>>, vector<1x16xf32>,
    %swap3A_891 = arith.constant 74 : i32
    %swap3A_892 = arith.index_cast %swap3A_891 : i32 to index
    %swap3A_893 = arith.constant 0 : index
    %swap3A_894 = tpu.vector_load %arg5[%swap3A_892, %swap3A_893] {strides = array<i32>} : memref<80x16xf32, #tpu.memory_space<vmem>>, vector<1x16xf32>,
    %swap3A_895 = vector.shape_cast %swap3A_894 : vector<1x16xf32> to vector<16xf32>
    %swap3A_896 = vector.shape_cast %broadcast_in_dim3A_1 : vector<16xf32> to vector<1x16xf32>
    tpu.vector_store %arg5[%swap3A_892, %swap3A_893], %swap3A_896 {strides = array<i32>} : memref<80x16xf32, #tpu.memory_space<vmem>>, vector<1x16xf32>,
    %swap3A_897 = arith.constant 74 : i32
    %swap3A_898 = arith.index_cast %swap3A_897 : i32 to index
    %swap3A_899 = arith.constant 0 : index
    %swap3A_900 = tpu.vector_load %arg6[%swap3A_898, %swap3A_899] {strides = array<i32>} : memref<80x16xf32, #tpu.memory_space<vmem>>, vector<1x16xf32>,
    %swap3A_901 = vector.shape_cast %swap3A_900 : vector<1x16xf32> to vector<16xf32>
    %swap3A_902 = vector.shape_cast %broadcast_in_dim3A_3 : vector<16xf32> to vector<1x16xf32>
    tpu.vector_store %arg6[%swap3A_898, %swap3A_899], %swap3A_902 {strides = array<i32>} : memref<80x16xf32, #tpu.memory_space<vmem>>, vector<1x16xf32>,
    %swap3A_903 = arith.constant 75 : i32
    %swap3A_904 = arith.index_cast %swap3A_903 : i32 to index
    %swap3A_905 = arith.constant 0 : index
    %swap3A_906 = tpu.vector_load %arg5[%swap3A_904, %swap3A_905] {strides = array<i32>} : memref<80x16xf32, #tpu.memory_space<vmem>>, vector<1x16xf32>,
    %swap3A_907 = vector.shape_cast %swap3A_906 : vector<1x16xf32> to vector<16xf32>
    %swap3A_908 = vector.shape_cast %broadcast_in_dim3A_1 : vector<16xf32> to vector<1x16xf32>
    tpu.vector_store %arg5[%swap3A_904, %swap3A_905], %swap3A_908 {strides = array<i32>} : memref<80x16xf32, #tpu.memory_space<vmem>>, vector<1x16xf32>,
    %swap3A_909 = arith.constant 75 : i32
    %swap3A_910 = arith.index_cast %swap3A_909 : i32 to index
    %swap3A_911 = arith.constant 0 : index
    %swap3A_912 = tpu.vector_load %arg6[%swap3A_910, %swap3A_911] {strides = array<i32>} : memref<80x16xf32, #tpu.memory_space<vmem>>, vector<1x16xf32>,
    %swap3A_913 = vector.shape_cast %swap3A_912 : vector<1x16xf32> to vector<16xf32>
    %swap3A_914 = vector.shape_cast %broadcast_in_dim3A_3 : vector<16xf32> to vector<1x16xf32>
    tpu.vector_store %arg6[%swap3A_910, %swap3A_911], %swap3A_914 {strides = array<i32>} : memref<80x16xf32, #tpu.memory_space<vmem>>, vector<1x16xf32>,
    %swap3A_915 = arith.constant 76 : i32
    %swap3A_916 = arith.index_cast %swap3A_915 : i32 to index
    %swap3A_917 = arith.constant 0 : index
    %swap3A_918 = tpu.vector_load %arg5[%swap3A_916, %swap3A_917] {strides = array<i32>} : memref<80x16xf32, #tpu.memory_space<vmem>>, vector<1x16xf32>,
    %swap3A_919 = vector.shape_cast %swap3A_918 : vector<1x16xf32> to vector<16xf32>
    %swap3A_920 = vector.shape_cast %broadcast_in_dim3A_1 : vector<16xf32> to vector<1x16xf32>
    tpu.vector_store %arg5[%swap3A_916, %swap3A_917], %swap3A_920 {strides = array<i32>} : memref<80x16xf32, #tpu.memory_space<vmem>>, vector<1x16xf32>,
    %swap3A_921 = arith.constant 76 : i32
    %swap3A_922 = arith.index_cast %swap3A_921 : i32 to index
    %swap3A_923 = arith.constant 0 : index
    %swap3A_924 = tpu.vector_load %arg6[%swap3A_922, %swap3A_923] {strides = array<i32>} : memref<80x16xf32, #tpu.memory_space<vmem>>, vector<1x16xf32>,
    %swap3A_925 = vector.shape_cast %swap3A_924 : vector<1x16xf32> to vector<16xf32>
    %swap3A_926 = vector.shape_cast %broadcast_in_dim3A_3 : vector<16xf32> to vector<1x16xf32>
    tpu.vector_store %arg6[%swap3A_922, %swap3A_923], %swap3A_926 {strides = array<i32>} : memref<80x16xf32, #tpu.memory_space<vmem>>, vector<1x16xf32>,
    %swap3A_927 = arith.constant 77 : i32
    %swap3A_928 = arith.index_cast %swap3A_927 : i32 to index
    %swap3A_929 = arith.constant 0 : index
    %swap3A_930 = tpu.vector_load %arg5[%swap3A_928, %swap3A_929] {strides = array<i32>} : memref<80x16xf32, #tpu.memory_space<vmem>>, vector<1x16xf32>,
    %swap3A_931 = vector.shape_cast %swap3A_930 : vector<1x16xf32> to vector<16xf32>
    %swap3A_932 = vector.shape_cast %broadcast_in_dim3A_1 : vector<16xf32> to vector<1x16xf32>
    tpu.vector_store %arg5[%swap3A_928, %swap3A_929], %swap3A_932 {strides = array<i32>} : memref<80x16xf32, #tpu.memory_space<vmem>>, vector<1x16xf32>,
    %swap3A_933 = arith.constant 77 : i32
    %swap3A_934 = arith.index_cast %swap3A_933 : i32 to index
    %swap3A_935 = arith.constant 0 : index
    %swap3A_936 = tpu.vector_load %arg6[%swap3A_934, %swap3A_935] {strides = array<i32>} : memref<80x16xf32, #tpu.memory_space<vmem>>, vector<1x16xf32>,
    %swap3A_937 = vector.shape_cast %swap3A_936 : vector<1x16xf32> to vector<16xf32>
    %swap3A_938 = vector.shape_cast %broadcast_in_dim3A_3 : vector<16xf32> to vector<1x16xf32>
    tpu.vector_store %arg6[%swap3A_934, %swap3A_935], %swap3A_938 {strides = array<i32>} : memref<80x16xf32, #tpu.memory_space<vmem>>, vector<1x16xf32>,
    %swap3A_939 = arith.constant 78 : i32
    %swap3A_940 = arith.index_cast %swap3A_939 : i32 to index
    %swap3A_941 = arith.constant 0 : index
    %swap3A_942 = tpu.vector_load %arg5[%swap3A_940, %swap3A_941] {strides = array<i32>} : memref<80x16xf32, #tpu.memory_space<vmem>>, vector<1x16xf32>,
    %swap3A_943 = vector.shape_cast %swap3A_942 : vector<1x16xf32> to vector<16xf32>
    %swap3A_944 = vector.shape_cast %broadcast_in_dim3A_1 : vector<16xf32> to vector<1x16xf32>
    tpu.vector_store %arg5[%swap3A_940, %swap3A_941], %swap3A_944 {strides = array<i32>} : memref<80x16xf32, #tpu.memory_space<vmem>>, vector<1x16xf32>,
    %swap3A_945 = arith.constant 78 : i32
    %swap3A_946 = arith.index_cast %swap3A_945 : i32 to index
    %swap3A_947 = arith.constant 0 : index
    %swap3A_948 = tpu.vector_load %arg6[%swap3A_946, %swap3A_947] {strides = array<i32>} : memref<80x16xf32, #tpu.memory_space<vmem>>, vector<1x16xf32>,
    %swap3A_949 = vector.shape_cast %swap3A_948 : vector<1x16xf32> to vector<16xf32>
    %swap3A_950 = vector.shape_cast %broadcast_in_dim3A_3 : vector<16xf32> to vector<1x16xf32>
    tpu.vector_store %arg6[%swap3A_946, %swap3A_947], %swap3A_950 {strides = array<i32>} : memref<80x16xf32, #tpu.memory_space<vmem>>, vector<1x16xf32>,
    %swap3A_951 = arith.constant 79 : i32
    %swap3A_952 = arith.index_cast %swap3A_951 : i32 to index
    %swap3A_953 = arith.constant 0 : index
    %swap3A_954 = tpu.vector_load %arg5[%swap3A_952, %swap3A_953] {strides = array<i32>} : memref<80x16xf32, #tpu.memory_space<vmem>>, vector<1x16xf32>,
    %swap3A_955 = vector.shape_cast %swap3A_954 : vector<1x16xf32> to vector<16xf32>
    %swap3A_956 = vector.shape_cast %broadcast_in_dim3A_1 : vector<16xf32> to vector<1x16xf32>
    tpu.vector_store %arg5[%swap3A_952, %swap3A_953], %swap3A_956 {strides = array<i32>} : memref<80x16xf32, #tpu.memory_space<vmem>>, vector<1x16xf32>,
    %swap3A_957 = arith.constant 79 : i32
    %swap3A_958 = arith.index_cast %swap3A_957 : i32 to index
    %swap3A_959 = arith.constant 0 : index
    %swap3A_960 = tpu.vector_load %arg6[%swap3A_958, %swap3A_959] {strides = array<i32>} : memref<80x16xf32, #tpu.memory_space<vmem>>, vector<1x16xf32>,
    %swap3A_961 = vector.shape_cast %swap3A_960 : vector<1x16xf32> to vector<16xf32>
    %swap3A_962 = vector.shape_cast %broadcast_in_dim3A_3 : vector<16xf32> to vector<1x16xf32>
    tpu.vector_store %arg6[%swap3A_958, %swap3A_959], %swap3A_962 {strides = array<i32>} : memref<80x16xf32, #tpu.memory_space<vmem>>, vector<1x16xf32>,
    %mul3A_963 = arith.constant 640 : i32
    %mul3A_964 = arith.muli %arg1, %mul3A_963 : i32
    %add3A_965 = arith.constant 0 : i32
    %add3A_966 = arith.addi %mul3A_964, %add3A_965 : i32
    "tpu.region"() ({
      %run_scoped3A = tpu.sem_alloc : memref<!tpu.dma_semaphore, #tpu.memory_space<semaphore_mem>>
      %dma_start3A = arith.constant 0 : i32
      %dma_start3A_1004 = tpu.memref_slice %arg7[%add3A_966, %dma_start3A] : memref<10240x16xf32, #tpu.memory_space<vmem_shared>> -> memref<80x16xf32, #tpu.memory_space<vmem_shared>>
      %dma_start3A_1005 = arith.constant 0 : i32
      %dma_start3A_1006 = tpu.memref_slice %arg7[%add3A_966, %dma_start3A_1005] : memref<10240x16xf32, #tpu.memory_space<vmem_shared>> -> memref<80x16xf32, #tpu.memory_space<vmem_shared>>
      tpu.enqueue_dma source(%arg5 : memref<80x16xf32, #tpu.memory_space<vmem>>) target(%dma_start3A_1006 : memref<80x16xf32, #tpu.memory_space<vmem_shared>>) target_semaphore(%run_scoped3A : memref<!tpu.dma_semaphore, #tpu.memory_space<semaphore_mem>>)
      %dma_wait3A = arith.constant 0 : i32
      %dma_wait3A_1007 = tpu.memref_slice %arg7[%add3A_966, %dma_wait3A] : memref<10240x16xf32, #tpu.memory_space<vmem_shared>> -> memref<80x16xf32, #tpu.memory_space<vmem_shared>>
      %dma_wait3A_1008 = arith.constant 0 : i32
      %dma_wait3A_1009 = tpu.memref_slice %arg7[%add3A_966, %dma_wait3A_1008] : memref<10240x16xf32, #tpu.memory_space<vmem_shared>> -> memref<80x16xf32, #tpu.memory_space<vmem_shared>>
      tpu.wait_dma2 semaphore(%run_scoped3A : memref<!tpu.dma_semaphore, #tpu.memory_space<semaphore_mem>>) src(%arg5 : memref<80x16xf32, #tpu.memory_space<vmem>>) dst(%dma_wait3A_1009 : memref<80x16xf32, #tpu.memory_space<vmem_shared>>)
      tpu.yield
    }) : () -> ()
    %mul3A_967 = arith.constant 640 : i32
    %mul3A_968 = arith.muli %arg1, %mul3A_967 : i32
    %add3A_969 = arith.constant 80 : i32
    %add3A_970 = arith.addi %mul3A_968, %add3A_969 : i32
    "tpu.region"() ({
      %run_scoped3A = tpu.sem_alloc : memref<!tpu.dma_semaphore, #tpu.memory_space<semaphore_mem>>
      %dma_start3A = arith.constant 0 : i32
      %dma_start3A_1004 = tpu.memref_slice %arg7[%add3A_970, %dma_start3A] : memref<10240x16xf32, #tpu.memory_space<vmem_shared>> -> memref<80x16xf32, #tpu.memory_space<vmem_shared>>
      %dma_start3A_1005 = arith.constant 0 : i32
      %dma_start3A_1006 = tpu.memref_slice %arg7[%add3A_970, %dma_start3A_1005] : memref<10240x16xf32, #tpu.memory_space<vmem_shared>> -> memref<80x16xf32, #tpu.memory_space<vmem_shared>>
      tpu.enqueue_dma source(%arg5 : memref<80x16xf32, #tpu.memory_space<vmem>>) target(%dma_start3A_1006 : memref<80x16xf32, #tpu.memory_space<vmem_shared>>) target_semaphore(%run_scoped3A : memref<!tpu.dma_semaphore, #tpu.memory_space<semaphore_mem>>)
      %dma_wait3A = arith.constant 0 : i32
      %dma_wait3A_1007 = tpu.memref_slice %arg7[%add3A_970, %dma_wait3A] : memref<10240x16xf32, #tpu.memory_space<vmem_shared>> -> memref<80x16xf32, #tpu.memory_space<vmem_shared>>
      %dma_wait3A_1008 = arith.constant 0 : i32
      %dma_wait3A_1009 = tpu.memref_slice %arg7[%add3A_970, %dma_wait3A_1008] : memref<10240x16xf32, #tpu.memory_space<vmem_shared>> -> memref<80x16xf32, #tpu.memory_space<vmem_shared>>
      tpu.wait_dma2 semaphore(%run_scoped3A : memref<!tpu.dma_semaphore, #tpu.memory_space<semaphore_mem>>) src(%arg5 : memref<80x16xf32, #tpu.memory_space<vmem>>) dst(%dma_wait3A_1009 : memref<80x16xf32, #tpu.memory_space<vmem_shared>>)
      tpu.yield
    }) : () -> ()
    %mul3A_971 = arith.constant 640 : i32
    %mul3A_972 = arith.muli %arg1, %mul3A_971 : i32
    %add3A_973 = arith.constant 160 : i32
    %add3A_974 = arith.addi %mul3A_972, %add3A_973 : i32
    "tpu.region"() ({
      %run_scoped3A = tpu.sem_alloc : memref<!tpu.dma_semaphore, #tpu.memory_space<semaphore_mem>>
      %dma_start3A = arith.constant 0 : i32
      %dma_start3A_1004 = tpu.memref_slice %arg7[%add3A_974, %dma_start3A] : memref<10240x16xf32, #tpu.memory_space<vmem_shared>> -> memref<80x16xf32, #tpu.memory_space<vmem_shared>>
      %dma_start3A_1005 = arith.constant 0 : i32
      %dma_start3A_1006 = tpu.memref_slice %arg7[%add3A_974, %dma_start3A_1005] : memref<10240x16xf32, #tpu.memory_space<vmem_shared>> -> memref<80x16xf32, #tpu.memory_space<vmem_shared>>
      tpu.enqueue_dma source(%arg5 : memref<80x16xf32, #tpu.memory_space<vmem>>) target(%dma_start3A_1006 : memref<80x16xf32, #tpu.memory_space<vmem_shared>>) target_semaphore(%run_scoped3A : memref<!tpu.dma_semaphore, #tpu.memory_space<semaphore_mem>>)
      %dma_wait3A = arith.constant 0 : i32
      %dma_wait3A_1007 = tpu.memref_slice %arg7[%add3A_974, %dma_wait3A] : memref<10240x16xf32, #tpu.memory_space<vmem_shared>> -> memref<80x16xf32, #tpu.memory_space<vmem_shared>>
      %dma_wait3A_1008 = arith.constant 0 : i32
      %dma_wait3A_1009 = tpu.memref_slice %arg7[%add3A_974, %dma_wait3A_1008] : memref<10240x16xf32, #tpu.memory_space<vmem_shared>> -> memref<80x16xf32, #tpu.memory_space<vmem_shared>>
      tpu.wait_dma2 semaphore(%run_scoped3A : memref<!tpu.dma_semaphore, #tpu.memory_space<semaphore_mem>>) src(%arg5 : memref<80x16xf32, #tpu.memory_space<vmem>>) dst(%dma_wait3A_1009 : memref<80x16xf32, #tpu.memory_space<vmem_shared>>)
      tpu.yield
    }) : () -> ()
    %mul3A_975 = arith.constant 640 : i32
    %mul3A_976 = arith.muli %arg1, %mul3A_975 : i32
    %add3A_977 = arith.constant 240 : i32
    %add3A_978 = arith.addi %mul3A_976, %add3A_977 : i32
    "tpu.region"() ({
      %run_scoped3A = tpu.sem_alloc : memref<!tpu.dma_semaphore, #tpu.memory_space<semaphore_mem>>
      %dma_start3A = arith.constant 0 : i32
      %dma_start3A_1004 = tpu.memref_slice %arg7[%add3A_978, %dma_start3A] : memref<10240x16xf32, #tpu.memory_space<vmem_shared>> -> memref<80x16xf32, #tpu.memory_space<vmem_shared>>
      %dma_start3A_1005 = arith.constant 0 : i32
      %dma_start3A_1006 = tpu.memref_slice %arg7[%add3A_978, %dma_start3A_1005] : memref<10240x16xf32, #tpu.memory_space<vmem_shared>> -> memref<80x16xf32, #tpu.memory_space<vmem_shared>>
      tpu.enqueue_dma source(%arg5 : memref<80x16xf32, #tpu.memory_space<vmem>>) target(%dma_start3A_1006 : memref<80x16xf32, #tpu.memory_space<vmem_shared>>) target_semaphore(%run_scoped3A : memref<!tpu.dma_semaphore, #tpu.memory_space<semaphore_mem>>)
      %dma_wait3A = arith.constant 0 : i32
      %dma_wait3A_1007 = tpu.memref_slice %arg7[%add3A_978, %dma_wait3A] : memref<10240x16xf32, #tpu.memory_space<vmem_shared>> -> memref<80x16xf32, #tpu.memory_space<vmem_shared>>
      %dma_wait3A_1008 = arith.constant 0 : i32
      %dma_wait3A_1009 = tpu.memref_slice %arg7[%add3A_978, %dma_wait3A_1008] : memref<10240x16xf32, #tpu.memory_space<vmem_shared>> -> memref<80x16xf32, #tpu.memory_space<vmem_shared>>
      tpu.wait_dma2 semaphore(%run_scoped3A : memref<!tpu.dma_semaphore, #tpu.memory_space<semaphore_mem>>) src(%arg5 : memref<80x16xf32, #tpu.memory_space<vmem>>) dst(%dma_wait3A_1009 : memref<80x16xf32, #tpu.memory_space<vmem_shared>>)
      tpu.yield
    }) : () -> ()
    %mul3A_979 = arith.constant 640 : i32
    %mul3A_980 = arith.muli %arg1, %mul3A_979 : i32
    %add3A_981 = arith.constant 320 : i32
    %add3A_982 = arith.addi %mul3A_980, %add3A_981 : i32
    "tpu.region"() ({
      %run_scoped3A = tpu.sem_alloc : memref<!tpu.dma_semaphore, #tpu.memory_space<semaphore_mem>>
      %dma_start3A = arith.constant 0 : i32
      %dma_start3A_1004 = tpu.memref_slice %arg7[%add3A_982, %dma_start3A] : memref<10240x16xf32, #tpu.memory_space<vmem_shared>> -> memref<80x16xf32, #tpu.memory_space<vmem_shared>>
      %dma_start3A_1005 = arith.constant 0 : i32
      %dma_start3A_1006 = tpu.memref_slice %arg7[%add3A_982, %dma_start3A_1005] : memref<10240x16xf32, #tpu.memory_space<vmem_shared>> -> memref<80x16xf32, #tpu.memory_space<vmem_shared>>
      tpu.enqueue_dma source(%arg5 : memref<80x16xf32, #tpu.memory_space<vmem>>) target(%dma_start3A_1006 : memref<80x16xf32, #tpu.memory_space<vmem_shared>>) target_semaphore(%run_scoped3A : memref<!tpu.dma_semaphore, #tpu.memory_space<semaphore_mem>>)
      %dma_wait3A = arith.constant 0 : i32
      %dma_wait3A_1007 = tpu.memref_slice %arg7[%add3A_982, %dma_wait3A] : memref<10240x16xf32, #tpu.memory_space<vmem_shared>> -> memref<80x16xf32, #tpu.memory_space<vmem_shared>>
      %dma_wait3A_1008 = arith.constant 0 : i32
      %dma_wait3A_1009 = tpu.memref_slice %arg7[%add3A_982, %dma_wait3A_1008] : memref<10240x16xf32, #tpu.memory_space<vmem_shared>> -> memref<80x16xf32, #tpu.memory_space<vmem_shared>>
      tpu.wait_dma2 semaphore(%run_scoped3A : memref<!tpu.dma_semaphore, #tpu.memory_space<semaphore_mem>>) src(%arg5 : memref<80x16xf32, #tpu.memory_space<vmem>>) dst(%dma_wait3A_1009 : memref<80x16xf32, #tpu.memory_space<vmem_shared>>)
      tpu.yield
    }) : () -> ()
    %mul3A_983 = arith.constant 640 : i32
    %mul3A_984 = arith.muli %arg1, %mul3A_983 : i32
    %add3A_985 = arith.constant 400 : i32
    %add3A_986 = arith.addi %mul3A_984, %add3A_985 : i32
    "tpu.region"() ({
      %run_scoped3A = tpu.sem_alloc : memref<!tpu.dma_semaphore, #tpu.memory_space<semaphore_mem>>
      %dma_start3A = arith.constant 0 : i32
      %dma_start3A_1004 = tpu.memref_slice %arg7[%add3A_986, %dma_start3A] : memref<10240x16xf32, #tpu.memory_space<vmem_shared>> -> memref<80x16xf32, #tpu.memory_space<vmem_shared>>
      %dma_start3A_1005 = arith.constant 0 : i32
      %dma_start3A_1006 = tpu.memref_slice %arg7[%add3A_986, %dma_start3A_1005] : memref<10240x16xf32, #tpu.memory_space<vmem_shared>> -> memref<80x16xf32, #tpu.memory_space<vmem_shared>>
      tpu.enqueue_dma source(%arg5 : memref<80x16xf32, #tpu.memory_space<vmem>>) target(%dma_start3A_1006 : memref<80x16xf32, #tpu.memory_space<vmem_shared>>) target_semaphore(%run_scoped3A : memref<!tpu.dma_semaphore, #tpu.memory_space<semaphore_mem>>)
      %dma_wait3A = arith.constant 0 : i32
      %dma_wait3A_1007 = tpu.memref_slice %arg7[%add3A_986, %dma_wait3A] : memref<10240x16xf32, #tpu.memory_space<vmem_shared>> -> memref<80x16xf32, #tpu.memory_space<vmem_shared>>
      %dma_wait3A_1008 = arith.constant 0 : i32
      %dma_wait3A_1009 = tpu.memref_slice %arg7[%add3A_986, %dma_wait3A_1008] : memref<10240x16xf32, #tpu.memory_space<vmem_shared>> -> memref<80x16xf32, #tpu.memory_space<vmem_shared>>
      tpu.wait_dma2 semaphore(%run_scoped3A : memref<!tpu.dma_semaphore, #tpu.memory_space<semaphore_mem>>) src(%arg5 : memref<80x16xf32, #tpu.memory_space<vmem>>) dst(%dma_wait3A_1009 : memref<80x16xf32, #tpu.memory_space<vmem_shared>>)
      tpu.yield
    }) : () -> ()
    %mul3A_987 = arith.constant 640 : i32
    %mul3A_988 = arith.muli %arg1, %mul3A_987 : i32
    %add3A_989 = arith.constant 480 : i32
    %add3A_990 = arith.addi %mul3A_988, %add3A_989 : i32
    "tpu.region"() ({
      %run_scoped3A = tpu.sem_alloc : memref<!tpu.dma_semaphore, #tpu.memory_space<semaphore_mem>>
      %dma_start3A = arith.constant 0 : i32
      %dma_start3A_1004 = tpu.memref_slice %arg7[%add3A_990, %dma_start3A] : memref<10240x16xf32, #tpu.memory_space<vmem_shared>> -> memref<80x16xf32, #tpu.memory_space<vmem_shared>>
      %dma_start3A_1005 = arith.constant 0 : i32
      %dma_start3A_1006 = tpu.memref_slice %arg7[%add3A_990, %dma_start3A_1005] : memref<10240x16xf32, #tpu.memory_space<vmem_shared>> -> memref<80x16xf32, #tpu.memory_space<vmem_shared>>
      tpu.enqueue_dma source(%arg5 : memref<80x16xf32, #tpu.memory_space<vmem>>) target(%dma_start3A_1006 : memref<80x16xf32, #tpu.memory_space<vmem_shared>>) target_semaphore(%run_scoped3A : memref<!tpu.dma_semaphore, #tpu.memory_space<semaphore_mem>>)
      %dma_wait3A = arith.constant 0 : i32
      %dma_wait3A_1007 = tpu.memref_slice %arg7[%add3A_990, %dma_wait3A] : memref<10240x16xf32, #tpu.memory_space<vmem_shared>> -> memref<80x16xf32, #tpu.memory_space<vmem_shared>>
      %dma_wait3A_1008 = arith.constant 0 : i32
      %dma_wait3A_1009 = tpu.memref_slice %arg7[%add3A_990, %dma_wait3A_1008] : memref<10240x16xf32, #tpu.memory_space<vmem_shared>> -> memref<80x16xf32, #tpu.memory_space<vmem_shared>>
      tpu.wait_dma2 semaphore(%run_scoped3A : memref<!tpu.dma_semaphore, #tpu.memory_space<semaphore_mem>>) src(%arg5 : memref<80x16xf32, #tpu.memory_space<vmem>>) dst(%dma_wait3A_1009 : memref<80x16xf32, #tpu.memory_space<vmem_shared>>)
      tpu.yield
    }) : () -> ()
    %mul3A_991 = arith.constant 640 : i32
    %mul3A_992 = arith.muli %arg1, %mul3A_991 : i32
    %add3A_993 = arith.constant 560 : i32
    %add3A_994 = arith.addi %mul3A_992, %add3A_993 : i32
    "tpu.region"() ({
      %run_scoped3A = tpu.sem_alloc : memref<!tpu.dma_semaphore, #tpu.memory_space<semaphore_mem>>
      %dma_start3A = arith.constant 0 : i32
      %dma_start3A_1004 = tpu.memref_slice %arg7[%add3A_994, %dma_start3A] : memref<10240x16xf32, #tpu.memory_space<vmem_shared>> -> memref<80x16xf32, #tpu.memory_space<vmem_shared>>
      %dma_start3A_1005 = arith.constant 0 : i32
      %dma_start3A_1006 = tpu.memref_slice %arg7[%add3A_994, %dma_start3A_1005] : memref<10240x16xf32, #tpu.memory_space<vmem_shared>> -> memref<80x16xf32, #tpu.memory_space<vmem_shared>>
      tpu.enqueue_dma source(%arg5 : memref<80x16xf32, #tpu.memory_space<vmem>>) target(%dma_start3A_1006 : memref<80x16xf32, #tpu.memory_space<vmem_shared>>) target_semaphore(%run_scoped3A : memref<!tpu.dma_semaphore, #tpu.memory_space<semaphore_mem>>)
      %dma_wait3A = arith.constant 0 : i32
      %dma_wait3A_1007 = tpu.memref_slice %arg7[%add3A_994, %dma_wait3A] : memref<10240x16xf32, #tpu.memory_space<vmem_shared>> -> memref<80x16xf32, #tpu.memory_space<vmem_shared>>
      %dma_wait3A_1008 = arith.constant 0 : i32
      %dma_wait3A_1009 = tpu.memref_slice %arg7[%add3A_994, %dma_wait3A_1008] : memref<10240x16xf32, #tpu.memory_space<vmem_shared>> -> memref<80x16xf32, #tpu.memory_space<vmem_shared>>
      tpu.wait_dma2 semaphore(%run_scoped3A : memref<!tpu.dma_semaphore, #tpu.memory_space<semaphore_mem>>) src(%arg5 : memref<80x16xf32, #tpu.memory_space<vmem>>) dst(%dma_wait3A_1009 : memref<80x16xf32, #tpu.memory_space<vmem_shared>>)
      tpu.yield
    }) : () -> ()
    "tpu.region"() ({
      %run_scoped3A = tpu.sem_alloc : memref<!tpu.dma_semaphore, #tpu.memory_space<semaphore_mem>>
      %dma_start3A = arith.constant 0 : i32
      %dma_start3A_1004 = arith.constant 0 : i32
      %dma_start3A_1005 = tpu.memref_slice %arg2[%add3A, %dma_start3A, %dma_start3A_1004] : memref<32x125x80xi32, #tpu.memory_space<hbm>> -> memref<1x125x80xi32, #tpu.memory_space<hbm>>
      %dma_start3A_1006 = tpu.memref_squeeze %dma_start3A_1005 : memref<1x125x80xi32, #tpu.memory_space<hbm>> -> memref<125x80xi32, #tpu.memory_space<hbm>>
      %dma_start3A_1007 = arith.constant 0 : i32
      %dma_start3A_1008 = arith.constant 0 : i32
      %dma_start3A_1009 = tpu.memref_slice %arg2[%add3A, %dma_start3A_1007, %dma_start3A_1008] : memref<32x125x80xi32, #tpu.memory_space<hbm>> -> memref<1x125x80xi32, #tpu.memory_space<hbm>>
      %dma_start3A_1010 = tpu.memref_squeeze %dma_start3A_1009 : memref<1x125x80xi32, #tpu.memory_space<hbm>> -> memref<125x80xi32, #tpu.memory_space<hbm>>
      tpu.enqueue_dma source(%dma_start3A_1010 : memref<125x80xi32, #tpu.memory_space<hbm>>) target(%arg4 : memref<125x80xi32, #tpu.memory_space<vmem>>) target_semaphore(%run_scoped3A : memref<!tpu.dma_semaphore, #tpu.memory_space<semaphore_mem>>)
      %dma_wait3A = arith.constant 0 : i32
      %dma_wait3A_1011 = arith.constant 0 : i32
      %dma_wait3A_1012 = tpu.memref_slice %arg2[%add3A, %dma_wait3A, %dma_wait3A_1011] : memref<32x125x80xi32, #tpu.memory_space<hbm>> -> memref<1x125x80xi32, #tpu.memory_space<hbm>>
      %dma_wait3A_1013 = tpu.memref_squeeze %dma_wait3A_1012 : memref<1x125x80xi32, #tpu.memory_space<hbm>> -> memref<125x80xi32, #tpu.memory_space<hbm>>
      %dma_wait3A_1014 = arith.constant 0 : i32
      %dma_wait3A_1015 = arith.constant 0 : i32
      %dma_wait3A_1016 = tpu.memref_slice %arg2[%add3A, %dma_wait3A_1014, %dma_wait3A_1015] : memref<32x125x80xi32, #tpu.memory_space<hbm>> -> memref<1x125x80xi32, #tpu.memory_space<hbm>>
      %dma_wait3A_1017 = tpu.memref_squeeze %dma_wait3A_1016 : memref<1x125x80xi32, #tpu.memory_space<hbm>> -> memref<125x80xi32, #tpu.memory_space<hbm>>
      tpu.wait_dma2 semaphore(%run_scoped3A : memref<!tpu.dma_semaphore, #tpu.memory_space<semaphore_mem>>) src(%dma_wait3A_1017 : memref<125x80xi32, #tpu.memory_space<hbm>>) dst(%arg4 : memref<125x80xi32, #tpu.memory_space<vmem>>)
      tpu.yield
    }) : () -> ()
    %barrier3A = arith.constant 0 : index
    tpu.barrier barrier_id(%barrier3A)
    %scan3A = arith.constant 0 : i32
    %scan3A_995 = arith.constant 125 : i32
    %scan3A_996 = arith.addi %scan3A, %scan3A_995 : i32
    %scan3A_997 = arith.constant 1 : i32
    scf.for %scan3A_1004 = %scan3A to %scan3A_996 step %scan3A_997  : i32 {
      %mul3A_1005 = arith.constant 1 : i32
      %mul3A_1006 = arith.muli %scan3A_1004, %mul3A_1005 : i32
      %add3A_1007 = arith.constant 0 : i32
      %add3A_1008 = arith.addi %add3A_1007, %mul3A_1006 : i32
      "tpu.region"() ({
        %run_scoped3A = tpu.sem_alloc : memref<!tpu.dma_semaphore, #tpu.memory_space<semaphore_mem>>
        %dma_start3A = arith.constant 0 : i32
        %dma_start3A_1009 = tpu.memref_slice %arg4[%add3A_1008, %dma_start3A] : memref<125x80xi32, #tpu.memory_space<vmem>> -> memref<1x80xi32, #tpu.memory_space<vmem>>
        %dma_start3A_1010 = tpu.memref_squeeze %dma_start3A_1009 : memref<1x80xi32, #tpu.memory_space<vmem>> -> memref<80xi32, #tpu.memory_space<vmem>>
        %dma_start3A_1011 = arith.constant 0 : i32
        %dma_start3A_1012 = arith.constant 0 : i32
        %dma_start3A_1013 = tpu.memref_slice %arg7[%dma_start3A_1011, %dma_start3A_1012] : memref<10240x16xf32, #tpu.memory_space<vmem_shared>> -> memref<10240x16xf32, #tpu.memory_space<vmem_shared>>
        tpu.enqueue_indirect_dma source(%arg6 : memref<80x16xf32, #tpu.memory_space<vmem>>) target(%dma_start3A_1013 : memref<10240x16xf32, #tpu.memory_space<vmem_shared>>) offsets(%dma_start3A_1010 : memref<80xi32, #tpu.memory_space<vmem>>) semaphore(%run_scoped3A : memref<!tpu.dma_semaphore, #tpu.memory_space<semaphore_mem>>) {add = true}
        %dma_wait3A = arith.constant 0 : i32
        %dma_wait3A_1014 = tpu.memref_slice %arg4[%add3A_1008, %dma_wait3A] : memref<125x80xi32, #tpu.memory_space<vmem>> -> memref<1x80xi32, #tpu.memory_space<vmem>>
        %dma_wait3A_1015 = tpu.memref_squeeze %dma_wait3A_1014 : memref<1x80xi32, #tpu.memory_space<vmem>> -> memref<80xi32, #tpu.memory_space<vmem>>
        %dma_wait3A_1016 = arith.constant 0 : i32
        %dma_wait3A_1017 = arith.constant 0 : i32
        %dma_wait3A_1018 = tpu.memref_slice %arg7[%dma_wait3A_1016, %dma_wait3A_1017] : memref<10240x16xf32, #tpu.memory_space<vmem_shared>> -> memref<10240x16xf32, #tpu.memory_space<vmem_shared>>
        tpu.wait_indirect_dma semaphore(%run_scoped3A : memref<!tpu.dma_semaphore, #tpu.memory_space<semaphore_mem>>) src(%arg6 : memref<80x16xf32, #tpu.memory_space<vmem>>) dst(%dma_wait3A_1018 : memref<10240x16xf32, #tpu.memory_space<vmem_shared>>)
        tpu.yield
      }) : () -> ()
    }
    %scan3A_998 = arith.constant 125 : i32
    %barrier3A_999 = arith.constant 0 : index
    tpu.barrier barrier_id(%barrier3A_999)
    %mul3A_1000 = arith.constant 640 : i32
    %mul3A_1001 = arith.muli %arg1, %mul3A_1000 : i32
    %mul3A_1002 = arith.constant 640 : i32
    %mul3A_1003 = arith.muli %arg1, %mul3A_1002 : i32
    "tpu.region"() ({
      %run_scoped3A = tpu.sem_alloc : memref<!tpu.dma_semaphore, #tpu.memory_space<semaphore_mem>>
      %dma_start3A = arith.constant 0 : i32
      %dma_start3A_1004 = tpu.memref_slice %arg3[%arg0, %mul3A_1003, %dma_start3A] : memref<2x10240x16xf32, #tpu.memory_space<hbm>> -> memref<1x640x16xf32, #tpu.memory_space<hbm>>
      %dma_start3A_1005 = tpu.memref_squeeze %dma_start3A_1004 : memref<1x640x16xf32, #tpu.memory_space<hbm>> -> memref<640x16xf32, #tpu.memory_space<hbm>>
      %dma_start3A_1006 = arith.constant 0 : i32
      %dma_start3A_1007 = tpu.memref_slice %arg7[%mul3A_1001, %dma_start3A_1006] : memref<10240x16xf32, #tpu.memory_space<vmem_shared>> -> memref<640x16xf32, #tpu.memory_space<vmem_shared>>
      tpu.enqueue_dma source(%dma_start3A_1007 : memref<640x16xf32, #tpu.memory_space<vmem_shared>>) target(%dma_start3A_1005 : memref<640x16xf32, #tpu.memory_space<hbm>>) target_semaphore(%run_scoped3A : memref<!tpu.dma_semaphore, #tpu.memory_space<semaphore_mem>>)
      %dma_wait3A = arith.constant 0 : i32
      %dma_wait3A_1008 = tpu.memref_slice %arg3[%arg0, %mul3A_1003, %dma_wait3A] : memref<2x10240x16xf32, #tpu.memory_space<hbm>> -> memref<1x640x16xf32, #tpu.memory_space<hbm>>
      %dma_wait3A_1009 = tpu.memref_squeeze %dma_wait3A_1008 : memref<1x640x16xf32, #tpu.memory_space<hbm>> -> memref<640x16xf32, #tpu.memory_space<hbm>>
      %dma_wait3A_1010 = arith.constant 0 : i32
      %dma_wait3A_1011 = tpu.memref_slice %arg7[%mul3A_1001, %dma_wait3A_1010] : memref<10240x16xf32, #tpu.memory_space<vmem_shared>> -> memref<640x16xf32, #tpu.memory_space<vmem_shared>>
      tpu.wait_dma2 semaphore(%run_scoped3A : memref<!tpu.dma_semaphore, #tpu.memory_space<semaphore_mem>>) src(%dma_wait3A_1011 : memref<640x16xf32, #tpu.memory_space<vmem_shared>>) dst(%dma_wait3A_1009 : memref<640x16xf32, #tpu.memory_space<hbm>>)
      tpu.yield
    }) : () -> ()
    return
  }
}

module attributes {stable_mosaic.version = 14 : i64} {
  func.func @_tc1_body(%arg0: i32, %arg1: memref<2000x128xf32, #tpu.memory_space<vmem>>, %arg2: memref<128x128xf32, #tpu.memory_space<vmem>>, %arg3: memref<2x2000x16xf32, #tpu.memory_space<vmem>>, %arg4: memref<2000x128xf32, #tpu.memory_space<vmem>>, %arg5: memref<2000x1xf32, #tpu.memory_space<vmem>>) attributes {dimension_semantics = [#tpu.dimension_semantics<arbitrary>], iteration_bounds = array<i64: 5>, scalar_prefetch = 0 : i64, scratch_operands = 0 : i64, tpu.core_type = #tpu.core_type<tc>, window_params = [{transform_indices = @transform_0, window_bounds = array<i64: 2000, 128>}, {pipeline_mode = #tpu.pipeline_mode<synchronous>, transform_indices = @transform_1, window_bounds = array<i64: 128, 128>}, {transform_indices = @transform_2, window_bounds = array<i64: 2, 2000, 16>}, {transform_indices = @transform_3, window_bounds = array<i64: 2000, 128>}, {transform_indices = @transform_4, window_bounds = array<i64: 2000, 1>}]} {
    %get3A = arith.constant 0 : index
    %get3A_0 = arith.constant 0 : index
    %get3A_1 = arith.constant 0 : index
    %get3A_2 = vector.load %arg3[%get3A, %get3A_0, %get3A_1] : memref<2x2000x16xf32, #tpu.memory_space<vmem>>, vector<1x2000x1xf32>
    %get3A_3 = vector.shape_cast %get3A_2 : vector<1x2000x1xf32> to vector<2000x1xf32>
    %get3A_4 = arith.constant 1 : index
    %get3A_5 = arith.constant 0 : index
    %get3A_6 = arith.constant 0 : index
    %get3A_7 = vector.load %arg3[%get3A_4, %get3A_5, %get3A_6] : memref<2x2000x16xf32, #tpu.memory_space<vmem>>, vector<1x2000x1xf32>
    %get3A_8 = vector.shape_cast %get3A_7 : vector<1x2000x1xf32> to vector<2000x1xf32>
    %add3A = arith.addf %get3A_3, %get3A_8 : vector<2000x1xf32>
    %add3A_9 = arith.constant 1.000000e+00 : f32
    %add3A_10 = vector.broadcast %add3A_9 : f32 to vector<2000x1xf32>
    %add3A_11 = arith.addf %add3A, %add3A_10 : vector<2000x1xf32>
    %rsqrt3A = math.rsqrt %add3A_11 : vector<2000x1xf32>
    %get3A_12 = arith.constant 0 : index
    %get3A_13 = arith.constant 0 : index
    %get3A_14 = vector.load %arg1[%get3A_12, %get3A_13] : memref<2000x128xf32, #tpu.memory_space<vmem>>, vector<2000x128xf32>
    %get3A_15 = arith.constant 0 : index
    %get3A_16 = arith.constant 0 : index
    %get3A_17 = vector.load %arg2[%get3A_15, %get3A_16] : memref<128x128xf32, #tpu.memory_space<vmem>>, vector<128x128xf32>
    %dot_general3A = arith.constant dense<0.000000e+00> : vector<2000x128xf32>
    %dot_general3A_18 = tpu.matmul %get3A_14, %get3A_17, %dot_general3A {dimension_numbers = #tpu.dot_dimension_numbers<[1], [0], [0], [1], [0, 0, 1, 1], [], []>, transpose_lhs_hint = false} : vector<2000x128xf32>, vector<128x128xf32>, vector<2000x128xf32> -> vector<2000x128xf32>
    %mul3A = vector.broadcast %rsqrt3A : vector<2000x1xf32> to vector<2000x128xf32>
    %mul3A_19 = arith.mulf %dot_general3A_18, %mul3A : vector<2000x128xf32>
    %swap3A = arith.constant 0 : index
    %swap3A_20 = arith.constant 0 : index
    %swap3A_21 = vector.load %arg4[%swap3A, %swap3A_20] : memref<2000x128xf32, #tpu.memory_space<vmem>>, vector<2000x128xf32>
    tpu.vector_store %arg4[%swap3A, %swap3A_20], %mul3A_19 {strides = array<i32>} : memref<2000x128xf32, #tpu.memory_space<vmem>>, vector<2000x128xf32>,
    %swap3A_22 = arith.constant 0 : index
    %swap3A_23 = arith.constant 0 : index
    %swap3A_24 = vector.load %arg5[%swap3A_22, %swap3A_23] : memref<2000x1xf32, #tpu.memory_space<vmem>>, vector<2000x1xf32>
    tpu.vector_store %arg5[%swap3A_22, %swap3A_23], %rsqrt3A {strides = array<i32>} : memref<2000x1xf32, #tpu.memory_space<vmem>>, vector<2000x1xf32>,
    return
  }
  func.func @transform_0(%arg0: i32) -> (i32, i32) {
    %c0_i32 = arith.constant 0 : i32
    %c0_i32_0 = arith.constant 0 : i32
    return %arg0, %c0_i32 : i32, i32
  }
  func.func @transform_1(%arg0: i32) -> (i32, i32) {
    %c0_i32 = arith.constant 0 : i32
    %c0_i32_0 = arith.constant 0 : i32
    %c0_i32_1 = arith.constant 0 : i32
    return %c0_i32, %c0_i32_0 : i32, i32
  }
  func.func @transform_2(%arg0: i32) -> (i32, i32, i32) {
    %c0_i32 = arith.constant 0 : i32
    %c0_i32_0 = arith.constant 0 : i32
    %c0_i32_1 = arith.constant 0 : i32
    return %c0_i32, %arg0, %c0_i32_0 : i32, i32, i32
  }
  func.func @transform_3(%arg0: i32) -> (i32, i32) {
    %c0_i32 = arith.constant 0 : i32
    %c0_i32_0 = arith.constant 0 : i32
    return %arg0, %c0_i32 : i32, i32
  }
  func.func @transform_4(%arg0: i32) -> (i32, i32) {
    %c0_i32 = arith.constant 0 : i32
    %c0_i32_0 = arith.constant 0 : i32
    return %arg0, %c0_i32 : i32, i32
  }
}

module attributes {stable_mosaic.version = 14 : i64} {
  func.func @_tc2_body(%arg0: i32, %arg1: memref<2x2000x128xf32, #tpu.memory_space<vmem>>, %arg2: memref<2000x128xf32, #tpu.memory_space<vmem>>, %arg3: memref<2000x1xf32, #tpu.memory_space<vmem>>, %arg4: memref<1x128xf32, #tpu.memory_space<vmem>>, %arg5: memref<128x128xf32, #tpu.memory_space<vmem>>, %arg6: memref<2000x128xf32, #tpu.memory_space<vmem>>) attributes {dimension_semantics = [#tpu.dimension_semantics<arbitrary>], iteration_bounds = array<i64: 5>, scalar_prefetch = 0 : i64, scratch_operands = 0 : i64, tpu.core_type = #tpu.core_type<tc>, window_params = [{transform_indices = @transform_0, window_bounds = array<i64: 2, 2000, 128>}, {transform_indices = @transform_1, window_bounds = array<i64: 2000, 128>}, {transform_indices = @transform_2, window_bounds = array<i64: 2000, 1>}, {pipeline_mode = #tpu.pipeline_mode<synchronous>, transform_indices = @transform_3, window_bounds = array<i64: 1, 128>}, {pipeline_mode = #tpu.pipeline_mode<synchronous>, transform_indices = @transform_4, window_bounds = array<i64: 128, 128>}, {transform_indices = @transform_5, window_bounds = array<i64: 2000, 128>}]} {
    %get3A = arith.constant 0 : index
    %get3A_0 = arith.constant 0 : index
    %get3A_1 = vector.load %arg3[%get3A, %get3A_0] : memref<2000x1xf32, #tpu.memory_space<vmem>>, vector<2000x1xf32>
    %get3A_2 = arith.constant 0 : index
    %get3A_3 = arith.constant 0 : index
    %get3A_4 = arith.constant 0 : index
    %get3A_5 = vector.load %arg1[%get3A_2, %get3A_3, %get3A_4] : memref<2x2000x128xf32, #tpu.memory_space<vmem>>, vector<1x2000x128xf32>
    %get3A_6 = vector.shape_cast %get3A_5 : vector<1x2000x128xf32> to vector<2000x128xf32>
    %get3A_7 = arith.constant 1 : index
    %get3A_8 = arith.constant 0 : index
    %get3A_9 = arith.constant 0 : index
    %get3A_10 = vector.load %arg1[%get3A_7, %get3A_8, %get3A_9] : memref<2x2000x128xf32, #tpu.memory_space<vmem>>, vector<1x2000x128xf32>
    %get3A_11 = vector.shape_cast %get3A_10 : vector<1x2000x128xf32> to vector<2000x128xf32>
    %add3A = arith.addf %get3A_6, %get3A_11 : vector<2000x128xf32>
    %get3A_12 = arith.constant 0 : index
    %get3A_13 = arith.constant 0 : index
    %get3A_14 = vector.load %arg2[%get3A_12, %get3A_13] : memref<2000x128xf32, #tpu.memory_space<vmem>>, vector<2000x128xf32>
    %sub3A = arith.subf %add3A, %get3A_14 : vector<2000x128xf32>
    %mul3A = vector.broadcast %get3A_1 : vector<2000x1xf32> to vector<2000x128xf32>
    %mul3A_15 = arith.mulf %sub3A, %mul3A : vector<2000x128xf32>
    %get3A_16 = arith.constant 0 : index
    %get3A_17 = arith.constant 0 : index
    %get3A_18 = vector.load %arg4[%get3A_16, %get3A_17] : memref<1x128xf32, #tpu.memory_space<vmem>>, vector<1x128xf32>
    %add3A_19 = vector.broadcast %get3A_18 : vector<1x128xf32> to vector<2000x128xf32>
    %add3A_20 = arith.addf %mul3A_15, %add3A_19 : vector<2000x128xf32>
    %max3A = arith.constant 0.000000e+00 : f32
    %max3A_21 = vector.broadcast %max3A : f32 to vector<2000x128xf32>
    %max3A_22 = arith.maximumf %add3A_20, %max3A_21 : vector<2000x128xf32>
    %get3A_23 = arith.constant 0 : index
    %get3A_24 = arith.constant 0 : index
    %get3A_25 = vector.load %arg5[%get3A_23, %get3A_24] : memref<128x128xf32, #tpu.memory_space<vmem>>, vector<128x128xf32>
    %dot_general3A = arith.constant dense<0.000000e+00> : vector<2000x128xf32>
    %dot_general3A_26 = tpu.matmul %max3A_22, %get3A_25, %dot_general3A {dimension_numbers = #tpu.dot_dimension_numbers<[1], [0], [0], [1], [0, 0, 1, 1], [], []>, transpose_lhs_hint = false} : vector<2000x128xf32>, vector<128x128xf32>, vector<2000x128xf32> -> vector<2000x128xf32>
    %mul3A_27 = vector.broadcast %get3A_1 : vector<2000x1xf32> to vector<2000x128xf32>
    %mul3A_28 = arith.mulf %dot_general3A_26, %mul3A_27 : vector<2000x128xf32>
    %swap3A = arith.constant 0 : index
    %swap3A_29 = arith.constant 0 : index
    %swap3A_30 = vector.load %arg6[%swap3A, %swap3A_29] : memref<2000x128xf32, #tpu.memory_space<vmem>>, vector<2000x128xf32>
    tpu.vector_store %arg6[%swap3A, %swap3A_29], %mul3A_28 {strides = array<i32>} : memref<2000x128xf32, #tpu.memory_space<vmem>>, vector<2000x128xf32>,
    return
  }
  func.func @transform_0(%arg0: i32) -> (i32, i32, i32) {
    %c0_i32 = arith.constant 0 : i32
    %c0_i32_0 = arith.constant 0 : i32
    %c0_i32_1 = arith.constant 0 : i32
    return %c0_i32, %arg0, %c0_i32_0 : i32, i32, i32
  }
  func.func @transform_1(%arg0: i32) -> (i32, i32) {
    %c0_i32 = arith.constant 0 : i32
    %c0_i32_0 = arith.constant 0 : i32
    return %arg0, %c0_i32 : i32, i32
  }
  func.func @transform_2(%arg0: i32) -> (i32, i32) {
    %c0_i32 = arith.constant 0 : i32
    %c0_i32_0 = arith.constant 0 : i32
    return %arg0, %c0_i32 : i32, i32
  }
  func.func @transform_3(%arg0: i32) -> (i32, i32) {
    %c0_i32 = arith.constant 0 : i32
    %c0_i32_0 = arith.constant 0 : i32
    %c0_i32_1 = arith.constant 0 : i32
    return %c0_i32, %c0_i32_0 : i32, i32
  }
  func.func @transform_4(%arg0: i32) -> (i32, i32) {
    %c0_i32 = arith.constant 0 : i32
    %c0_i32_0 = arith.constant 0 : i32
    %c0_i32_1 = arith.constant 0 : i32
    return %c0_i32, %c0_i32_0 : i32, i32
  }
  func.func @transform_5(%arg0: i32) -> (i32, i32) {
    %c0_i32 = arith.constant 0 : i32
    %c0_i32_0 = arith.constant 0 : i32
    return %arg0, %c0_i32 : i32, i32
  }
}

module attributes {stable_mosaic.version = 14 : i64} {
  func.func @_tc3_body(%arg0: i32, %arg1: memref<2x2000x128xf32, #tpu.memory_space<vmem>>, %arg2: memref<2000x128xf32, #tpu.memory_space<vmem>>, %arg3: memref<2000x1xf32, #tpu.memory_space<vmem>>, %arg4: memref<1x128xf32, #tpu.memory_space<vmem>>, %arg5: memref<128x64xf32, #tpu.memory_space<vmem>>, %arg6: memref<1x64xf32, #tpu.memory_space<vmem>>, %arg7: memref<128x64xf32, #tpu.memory_space<vmem>>, %arg8: memref<1x64xf32, #tpu.memory_space<vmem>>, %arg9: memref<1x64xf32, #tpu.memory_space<vmem>>, %arg10: memref<1x64xf32, #tpu.memory_space<vmem>>, %arg11: memref<1x128xf32, #tpu.memory_space<vmem>>) attributes {dimension_semantics = [#tpu.dimension_semantics<arbitrary>], iteration_bounds = array<i64: 5>, scalar_prefetch = 0 : i64, scratch_operands = 1 : i64, tpu.core_type = #tpu.core_type<tc>, window_params = [{transform_indices = @transform_0, window_bounds = array<i64: 2, 2000, 128>}, {transform_indices = @transform_1, window_bounds = array<i64: 2000, 128>}, {transform_indices = @transform_2, window_bounds = array<i64: 2000, 1>}, {pipeline_mode = #tpu.pipeline_mode<synchronous>, transform_indices = @transform_3, window_bounds = array<i64: 1, 128>}, {pipeline_mode = #tpu.pipeline_mode<synchronous>, transform_indices = @transform_4, window_bounds = array<i64: 128, 64>}, {pipeline_mode = #tpu.pipeline_mode<synchronous>, transform_indices = @transform_5, window_bounds = array<i64: 1, 64>}, {pipeline_mode = #tpu.pipeline_mode<synchronous>, transform_indices = @transform_6, window_bounds = array<i64: 128, 64>}, {pipeline_mode = #tpu.pipeline_mode<synchronous>, transform_indices = @transform_7, window_bounds = array<i64: 1, 64>}, {pipeline_mode = #tpu.pipeline_mode<synchronous>, transform_indices = @transform_8, window_bounds = array<i64: 1, 64>}, {pipeline_mode = #tpu.pipeline_mode<synchronous>, transform_indices = @transform_9, window_bounds = array<i64: 1, 64>}]} {
    %eq3A = arith.constant 0 : i32
    %eq3A_0 = arith.cmpi eq, %arg0, %eq3A : i32
    %convert_element_type3A = arith.extui %eq3A_0 : i1 to i32
    %cond3A = arith.constant 0 : i32
    %cond3A_1 = arith.cmpi ne, %convert_element_type3A, %cond3A : i32
    scf.if %cond3A_1 {
      %broadcast_in_dim3A_37 = arith.constant 0.000000e+00 : f32
      %broadcast_in_dim3A_38 = vector.broadcast %broadcast_in_dim3A_37 : f32 to vector<1x128xf32>
      %swap3A_39 = arith.constant 0 : index
      %swap3A_40 = arith.constant 0 : index
      %swap3A_41 = vector.load %arg11[%swap3A_39, %swap3A_40] : memref<1x128xf32, #tpu.memory_space<vmem>>, vector<1x128xf32>
      tpu.vector_store %arg11[%swap3A_39, %swap3A_40], %broadcast_in_dim3A_38 {strides = array<i32>} : memref<1x128xf32, #tpu.memory_space<vmem>>, vector<1x128xf32>,
    } else {
    }
    %get3A = arith.constant 0 : index
    %get3A_2 = arith.constant 0 : index
    %get3A_3 = vector.load %arg3[%get3A, %get3A_2] : memref<2000x1xf32, #tpu.memory_space<vmem>>, vector<2000x1xf32>
    %get3A_4 = arith.constant 0 : index
    %get3A_5 = arith.constant 0 : index
    %get3A_6 = arith.constant 0 : index
    %get3A_7 = vector.load %arg1[%get3A_4, %get3A_5, %get3A_6] : memref<2x2000x128xf32, #tpu.memory_space<vmem>>, vector<1x2000x128xf32>
    %get3A_8 = vector.shape_cast %get3A_7 : vector<1x2000x128xf32> to vector<2000x128xf32>
    %get3A_9 = arith.constant 1 : index
    %get3A_10 = arith.constant 0 : index
    %get3A_11 = arith.constant 0 : index
    %get3A_12 = vector.load %arg1[%get3A_9, %get3A_10, %get3A_11] : memref<2x2000x128xf32, #tpu.memory_space<vmem>>, vector<1x2000x128xf32>
    %get3A_13 = vector.shape_cast %get3A_12 : vector<1x2000x128xf32> to vector<2000x128xf32>
    %add3A = arith.addf %get3A_8, %get3A_13 : vector<2000x128xf32>
    %get3A_14 = arith.constant 0 : index
    %get3A_15 = arith.constant 0 : index
    %get3A_16 = vector.load %arg2[%get3A_14, %get3A_15] : memref<2000x128xf32, #tpu.memory_space<vmem>>, vector<2000x128xf32>
    %sub3A = arith.subf %add3A, %get3A_16 : vector<2000x128xf32>
    %mul3A = vector.broadcast %get3A_3 : vector<2000x1xf32> to vector<2000x128xf32>
    %mul3A_17 = arith.mulf %sub3A, %mul3A : vector<2000x128xf32>
    %get3A_18 = arith.constant 0 : index
    %get3A_19 = arith.constant 0 : index
    %get3A_20 = vector.load %arg4[%get3A_18, %get3A_19] : memref<1x128xf32, #tpu.memory_space<vmem>>, vector<1x128xf32>
    %add3A_21 = vector.broadcast %get3A_20 : vector<1x128xf32> to vector<2000x128xf32>
    %add3A_22 = arith.addf %mul3A_17, %add3A_21 : vector<2000x128xf32>
    %max3A = arith.constant 0.000000e+00 : f32
    %max3A_23 = vector.broadcast %max3A : f32 to vector<2000x128xf32>
    %max3A_24 = arith.maximumf %add3A_22, %max3A_23 : vector<2000x128xf32>
    %get3A_25 = arith.constant 0 : index
    %get3A_26 = arith.constant 0 : index
    %get3A_27 = vector.load %arg11[%get3A_25, %get3A_26] : memref<1x128xf32, #tpu.memory_space<vmem>>, vector<1x128xf32>
    %reduce_sum3A = arith.constant dense<0.000000e+00> : vector<128xf32>
    %reduce_sum3A_28 = vector.multi_reduction <add>, %max3A_24, %reduce_sum3A [0] : vector<2000x128xf32> to vector<128xf32>
    %broadcast_in_dim3A = vector.shape_cast %reduce_sum3A_28 : vector<128xf32> to vector<1x128xf32>
    %add3A_29 = arith.addf %get3A_27, %broadcast_in_dim3A : vector<1x128xf32>
    %swap3A = arith.constant 0 : index
    %swap3A_30 = arith.constant 0 : index
    %swap3A_31 = vector.load %arg11[%swap3A, %swap3A_30] : memref<1x128xf32, #tpu.memory_space<vmem>>, vector<1x128xf32>
    tpu.vector_store %arg11[%swap3A, %swap3A_30], %add3A_29 {strides = array<i32>} : memref<1x128xf32, #tpu.memory_space<vmem>>, vector<1x128xf32>,
    %eq3A_32 = arith.constant 4 : i32
    %eq3A_33 = arith.cmpi eq, %arg0, %eq3A_32 : i32
    %convert_element_type3A_34 = arith.extui %eq3A_33 : i1 to i32
    %cond3A_35 = arith.constant 0 : i32
    %cond3A_36 = arith.cmpi ne, %convert_element_type3A_34, %cond3A_35 : i32
    scf.if %cond3A_36 {
      %get3A_37 = arith.constant 0 : index
      %get3A_38 = arith.constant 0 : index
      %get3A_39 = vector.load %arg11[%get3A_37, %get3A_38] : memref<1x128xf32, #tpu.memory_space<vmem>>, vector<1x128xf32>
      %mul3A_40 = arith.constant 9.99999974E-5 : f32
      %mul3A_41 = vector.broadcast %mul3A_40 : f32 to vector<1x128xf32>
      %mul3A_42 = arith.mulf %get3A_39, %mul3A_41 : vector<1x128xf32>
      %get3A_43 = arith.constant 0 : index
      %get3A_44 = arith.constant 0 : index
      %get3A_45 = vector.load %arg5[%get3A_43, %get3A_44] : memref<128x64xf32, #tpu.memory_space<vmem>>, vector<128x64xf32>
      %dot_general3A = arith.constant dense<0.000000e+00> : vector<1x64xf32>
      %dot_general3A_46 = tpu.matmul %mul3A_42, %get3A_45, %dot_general3A {dimension_numbers = #tpu.dot_dimension_numbers<[1], [0], [0], [1], [0, 0, 1, 1], [], []>, transpose_lhs_hint = false} : vector<1x128xf32>, vector<128x64xf32>, vector<1x64xf32> -> vector<1x64xf32>
      %get3A_47 = arith.constant 0 : index
      %get3A_48 = arith.constant 0 : index
      %get3A_49 = vector.load %arg6[%get3A_47, %get3A_48] : memref<1x64xf32, #tpu.memory_space<vmem>>, vector<1x64xf32>
      %add3A_50 = arith.addf %dot_general3A_46, %get3A_49 : vector<1x64xf32>
      %swap3A_51 = arith.constant 0 : index
      %swap3A_52 = arith.constant 0 : index
      %swap3A_53 = vector.load %arg9[%swap3A_51, %swap3A_52] : memref<1x64xf32, #tpu.memory_space<vmem>>, vector<1x64xf32>
      tpu.vector_store %arg9[%swap3A_51, %swap3A_52], %add3A_50 {strides = array<i32>} : memref<1x64xf32, #tpu.memory_space<vmem>>, vector<1x64xf32>,
      %get3A_54 = arith.constant 0 : index
      %get3A_55 = arith.constant 0 : index
      %get3A_56 = vector.load %arg7[%get3A_54, %get3A_55] : memref<128x64xf32, #tpu.memory_space<vmem>>, vector<128x64xf32>
      %dot_general3A_57 = arith.constant dense<0.000000e+00> : vector<1x64xf32>
      %dot_general3A_58 = tpu.matmul %mul3A_42, %get3A_56, %dot_general3A_57 {dimension_numbers = #tpu.dot_dimension_numbers<[1], [0], [0], [1], [0, 0, 1, 1], [], []>, transpose_lhs_hint = false} : vector<1x128xf32>, vector<128x64xf32>, vector<1x64xf32> -> vector<1x64xf32>
      %get3A_59 = arith.constant 0 : index
      %get3A_60 = arith.constant 0 : index
      %get3A_61 = vector.load %arg8[%get3A_59, %get3A_60] : memref<1x64xf32, #tpu.memory_space<vmem>>, vector<1x64xf32>
      %add3A_62 = arith.addf %dot_general3A_58, %get3A_61 : vector<1x64xf32>
      %swap3A_63 = arith.constant 0 : index
      %swap3A_64 = arith.constant 0 : index
      %swap3A_65 = vector.load %arg10[%swap3A_63, %swap3A_64] : memref<1x64xf32, #tpu.memory_space<vmem>>, vector<1x64xf32>
      tpu.vector_store %arg10[%swap3A_63, %swap3A_64], %add3A_62 {strides = array<i32>} : memref<1x64xf32, #tpu.memory_space<vmem>>, vector<1x64xf32>,
    } else {
    }
    return
  }
  func.func @transform_0(%arg0: i32) -> (i32, i32, i32) {
    %c0_i32 = arith.constant 0 : i32
    %c0_i32_0 = arith.constant 0 : i32
    %c0_i32_1 = arith.constant 0 : i32
    return %c0_i32, %arg0, %c0_i32_0 : i32, i32, i32
  }
  func.func @transform_1(%arg0: i32) -> (i32, i32) {
    %c0_i32 = arith.constant 0 : i32
    %c0_i32_0 = arith.constant 0 : i32
    return %arg0, %c0_i32 : i32, i32
  }
  func.func @transform_2(%arg0: i32) -> (i32, i32) {
    %c0_i32 = arith.constant 0 : i32
    %c0_i32_0 = arith.constant 0 : i32
    return %arg0, %c0_i32 : i32, i32
  }
  func.func @transform_3(%arg0: i32) -> (i32, i32) {
    %c0_i32 = arith.constant 0 : i32
    %c0_i32_0 = arith.constant 0 : i32
    %c0_i32_1 = arith.constant 0 : i32
    return %c0_i32, %c0_i32_0 : i32, i32
  }
  func.func @transform_4(%arg0: i32) -> (i32, i32) {
    %c0_i32 = arith.constant 0 : i32
    %c0_i32_0 = arith.constant 0 : i32
    %c0_i32_1 = arith.constant 0 : i32
    return %c0_i32, %c0_i32_0 : i32, i32
  }
  func.func @transform_5(%arg0: i32) -> (i32, i32) {
    %c0_i32 = arith.constant 0 : i32
    %c0_i32_0 = arith.constant 0 : i32
    %c0_i32_1 = arith.constant 0 : i32
    return %c0_i32, %c0_i32_0 : i32, i32
  }
  func.func @transform_6(%arg0: i32) -> (i32, i32) {
    %c0_i32 = arith.constant 0 : i32
    %c0_i32_0 = arith.constant 0 : i32
    %c0_i32_1 = arith.constant 0 : i32
    return %c0_i32, %c0_i32_0 : i32, i32
  }
  func.func @transform_7(%arg0: i32) -> (i32, i32) {
    %c0_i32 = arith.constant 0 : i32
    %c0_i32_0 = arith.constant 0 : i32
    %c0_i32_1 = arith.constant 0 : i32
    return %c0_i32, %c0_i32_0 : i32, i32
  }
  func.func @transform_8(%arg0: i32) -> (i32, i32) {
    %c0_i32 = arith.constant 0 : i32
    %c0_i32_0 = arith.constant 0 : i32
    %c0_i32_1 = arith.constant 0 : i32
    return %c0_i32, %c0_i32_0 : i32, i32
  }
  func.func @transform_9(%arg0: i32) -> (i32, i32) {
    %c0_i32 = arith.constant 0 : i32
    %c0_i32_0 = arith.constant 0 : i32
    %c0_i32_1 = arith.constant 0 : i32
    return %c0_i32, %c0_i32_0 : i32, i32
  }
}

</mosaic_0001>

<sc_bundles>
// kernel: kernel.11.cloned.1.call-start
scs
__scs_entry_jumppad:
0x0: {  	(pc) =	sbr.rel $0x88, $3  }
0x1: {  	(tag) =	ssettag $0x0;
	lr =	simm.s32 $0x1  }
0x2: {  	[smem:$0x3F97] =	sst lr;
	_ =	strace $0xD0000000  }
0x3: {  	_ = 	snop  }
0x4: {  	_ = 	snop  }
0x5: {  	_ = 	snop  }
0x6: {  	_ = 	snop  }
0x7: {  	_ = 	snop  }
__scs_overlays_trampoline_lowered:
0x8: {  	[smem:$0x3FA6] =	sst s0  }
0x9: {  	[smem:$0x3FA7] =	sst s1  }
0xa: {  	[smem:$0x3FA8] =	sst s2  }
0xb: {  	[smem:$0x3FA9] =	sst s3  }
0xc: {  	[smem:$0x3FAA] =	sst s4  }
0xd: {  	[smem:$0x3FAB] =	sst s5  }
0xe: {  	[smem:$0x3FAC] =	sst s6  }
0xf: {  	[smem:$0x3FAD] =	sst s7  }
0x10: {  	[smem:$0x3FAE] =	sst s8  }
0x11: {  	[smem:$0x3FAF] =	sst s9;
	s0 =	simm.s32 @!p0 $0x0  }
0x12: {  	s1 =	sld [smem:$0x3F95];
	s0 =	simm.s32 @p0 $0x1  }
0x13: {  	[smem:$0x3FB0] =	sst s0;
	s0 =	simm.s32 @!p1 $0x0  }
0x14: {  	s2 =	sld [smem:$0x3F94];
	s0 =	simm.s32 @p1 $0x1  }
0x15: {  	[smem:$0x3FB1] =	sst s0;
	s0 =	simm.s32 @!p2 $0x0  }
0x16: {  	s3 =	sld [smem:$0x3FDB];
	s0 =	simm.s32 @p2 $0x1  }
0x17: {  	s4 =	simm.s32 $0x1BF5;
	[smem:$0x3FB3] =	sst s0  }
0x18: {  	s0 =	sld [smem:$0x3F96];
	_ =	swait.ge [sflag:s4], $0x0  }
0x19: {  	s7 =	sld [smem:$0x3F97]  }
0x1a: {  	s8 =	sadd.s32 $0xFFFFE003, lr  }
0x1b: {  	s9 =	sadd.s32 $0xFFFFFEF7, lr;
	s5 =	simm.s32 $0xFFFFFFFF;
	p2 =	slt.u32 s8, $0xFFFFF086  }
0x1c: {  	p1 =	slt.u32 s9, $0xF7A;
	s5 =	simm.s32 @!p2 $0x0  }
0x1d: {  	s5 =	simm.s32 @p1 $0x1;
	p0 =	seq.s32 s7, s2  }
0x1e: {  	s7 =	smul.u32 @!p0 $0xF7A, s2;
	p2 =	seq.s32 @!p0 s5, $0x0  }
0x1f: {  	s9 =	smul.u32 $0xF7A, s1;
	s8 =	simm.s32 @!p0 $0x1BF5;
	p2 =	por !p2, p0  }
0x20: {  	[sflag:s8] =	ssyncset.s32 @!p0 $0xFFFFF086;
	s6 =	sadd.s32 @!p0 s3, s7;
	s7 =	simm.s32 @!p0 $0x108  }
0x21: {  	s3 =	sadd.s32 s3, s9;
	s6 =	sadd.s32 @!p0 $0x88, s6;
	s7 =	simm.s32 @p2 $0x1082  }
0x22: {  	[simem:s7], [sflag:s8] =	dma.local @!p0 [hbm:s6], $0xF7A  }
0x23: {  	s9 =	sor.u32 $0xD0000000, s2;
	s6 =	simm.s32 $0x108;
	_ =	swait.ge @!p0 [sflag:s8], $0x0  }
0x24: {  	s3 =	sadd.s32 $0x88, s3;
	s6 =	simm.s32 @!p1 $0x1082;
	[sflag:s4] =	ssyncset.s32 $0xFFFFF086  }
0x25: {  	[simem:s6], [sflag:s4] =	dma.local [hbm:s3], $0xF7A  }
0x26: {  	[smem:$0x3F97] =	sst s1;
	(tag) =	ssettag s2;
	_ =	strace s9  }
0x27: {  	s1 =	sld [smem:$0x3FA7]  }
0x28: {  	s2 =	sld [smem:$0x3FA8]  }
0x29: {  	s4 =	sld [smem:$0x3FAA]  }
0x2a: {  	p0 =	seq.s32 s5, $0x0;
	s5 =	sld [smem:$0x3FAB]  }
0x2b: {  	s6 =	sld [smem:$0x3FAC]  }
0x2c: {  	s7 =	sld [smem:$0x3FAD]  }
0x2d: {  	s3 =	simm.s32 $0x108;
	s8 =	sld [smem:$0x3FAE]  }
0x2e: {  	s3 =	simm.s32 @!p0 $0x1082;
	s9 =	sld [smem:$0x3FAF]  }
0x2f: {  	lr =	sadd.s32 s0, s3;
	s0 =	sld [smem:$0x3FA6]  }
0x30: {  	s3 =	sld [smem:$0x3FA9]  }
0x31: {  	[smem:$0x3FB2] =	sst s10  }
0x32: {  	s10 =	sld [smem:$0x3FB0];
	_ =	sdelay $0x3  }
0x33: {  	p0 =	seq.s32 s10, $0x1;
	s10 =	sld [smem:$0x3FB2];
	_ =	sdelay $0x3  }
0x34: {  	[smem:$0x3FB2] =	sst s10  }
0x35: {  	s10 =	sld [smem:$0x3FB1];
	_ =	sdelay $0x3  }
0x36: {  	p1 =	seq.s32 s10, $0x1;
	s10 =	sld [smem:$0x3FB2];
	_ =	sdelay $0x3  }
0x37: {  	[smem:$0x3FB2] =	sst s10  }
0x38: {  	s10 =	sld [smem:$0x3FB3]  }
0x39: {  	_ = 	snop;
	(pc) =	sbr.ind lr, $3  }
0x3a: {  	_ = 	snop  }
0x3b: {  	_ = 	snop  }
0x3c: {  	p2 =	seq.s32 s10, $0x1;
	s10 =	sld [smem:$0x3FB2]  }
0x3d: {  	_ =	shalt  }
0x3e: {  	_ =	shalt  }
0x3f: {  	_ =	shalt  }
0x40: {  	_ =	shalt  }
0x41: {  	_ =	shalt  }
0x42: {  	_ =	shalt  }
0x43: {  	_ =	shalt  }
0x44: {  	_ =	shalt  }
0x45: {  	_ =	shalt  }
0x46: {  	_ =	shalt  }
0x47: {  	_ =	shalt  }
0x48: {  	_ =	shalt  }
0x49: {  	_ =	shalt  }
0x4a: {  	_ =	shalt  }
0x4b: {  	_ =	shalt  }
0x4c: {  	_ =	shalt  }
0x4d: {  	_ =	shalt  }
0x4e: {  	_ =	shalt  }
0x4f: {  	_ =	shalt  }
0x50: {  	_ =	shalt  }
0x51: {  	_ =	shalt  }
0x52: {  	_ =	shalt  }
0x53: {  	_ =	shalt  }
0x54: {  	_ =	shalt  }
0x55: {  	_ =	shalt  }
0x56: {  	_ =	shalt  }
0x57: {  	_ =	shalt  }
0x58: {  	_ =	shalt  }
0x59: {  	_ =	shalt  }
0x5a: {  	_ =	shalt  }
0x5b: {  	_ =	shalt  }
0x5c: {  	_ =	shalt  }
0x5d: {  	_ =	shalt  }
0x5e: {  	_ =	shalt  }
0x5f: {  	_ =	shalt  }
0x60: {  	_ =	shalt  }
0x61: {  	_ =	shalt  }
0x62: {  	_ =	shalt  }
0x63: {  	_ =	shalt  }
0x64: {  	_ =	shalt  }
0x65: {  	_ =	shalt  }
0x66: {  	_ =	shalt  }
0x67: {  	_ =	shalt  }
0x68: {  	_ =	shalt  }
0x69: {  	_ =	shalt  }
0x6a: {  	_ =	shalt  }
0x6b: {  	_ =	shalt  }
0x6c: {  	_ =	shalt  }
0x6d: {  	_ =	shalt  }
0x6e: {  	_ =	shalt  }
0x6f: {  	_ =	shalt  }
0x70: {  	_ =	shalt  }
0x71: {  	_ =	shalt  }
0x72: {  	_ =	shalt  }
0x73: {  	_ =	shalt  }
0x74: {  	_ =	shalt  }
0x75: {  	_ =	shalt  }
0x76: {  	_ =	shalt  }
0x77: {  	_ =	shalt  }
0x78: {  	_ =	shalt  }
0x79: {  	_ =	shalt  }
0x7a: {  	_ =	shalt  }
0x7b: {  	_ =	shalt  }
0x7c: {  	_ =	shalt  }
0x7d: {  	_ =	shalt  }
0x7e: {  	_ =	shalt  }
0x7f: {  	_ =	shalt  }
0x80: {  	_ =	shalt  }
0x81: {  	_ =	shalt  }
0x82: {  	_ =	shalt  }
0x83: {  	_ =	shalt  }
0x84: {  	_ =	shalt  }
0x85: {  	_ =	shalt  }
0x86: {  	_ =	shalt  }
0x87: {  	_ =	shalt  }
.Lfunc_end0:
.L_simem_size_0:
called_computation.1_lowered:
.L_overlay_start_0:
0x88: {  	s2 =	sld [smem:$0x3FD9]  }
0x89: {  	s3 =	sld [smem:$0x3FFE];
	_ =	sdelay $0x1  }
0x8a: {  	s1 =	srdreg.scid  }
0x8b: {  	s0 =	sand.u32 $0x1, s1  }
0x8c: {  	s16 =	sshll.u32 s0, $0xA;
	s2 =	sadd.s32 s3, s2  }
0x8d: {  	s2 =	sadd.s32 s2, s16  }
0x8e: {  	[smem:$0x3FBE] =	sst s2  }
0x8f: {  	_ = 	snop  }
0x90: {  	(tm) =	ssettm $0x1  }
0x91: {  	s17 =	sld [smem:$0x3FFB];
	_ =	sdelay $0x3  }
0x92: {  	_ =	strace s17  }
0x93: {  	s2 =	sld [smem:$0x3FFC];
	_ =	sdelay $0x3  }
0x94: {  	_ =	strace s2  }
0x95: {  	s2 =	sld [smem:$0x3FFD];
	_ =	sdelay $0x3  }
0x96: {  	_ =	strace s2  }
0x97: {  	_ =	strace $0x8FFFFFFF  }
0x98: {  	s18 =	sld [smem:$0x3FDB];
	_ =	sdelay $0x1  }
0x99: {  	s19 =	simm.s32 $_scs_section_size  }
0x9a: {  	s4 =	simm.s32 $_size__tile_overlayer_lowered;
	s5 =	simm.s32 $_tile_overlayer_lowered  }
0x9b: {  	s22 =	simm.s32 $0x1BFF;
	s21 =	sshll.u32 s5, $0x1;
	s2 =	sadd.s32 s19, s18  }
0x9c: {  	s6 =	simm.s32 $0x0;
	s20 =	sshll.u32 s4, $0x1;
	s4 =	sadd.s32 s21, s2  }
0x9d: {  	[timem:s6], [sflag:s22] =	dma.local [hbm:s4], s20  }
0x9e: {  	_ =	swait.ge [sflag:s22], s20  }
0x9f: {  	s3 =	ssub.s32 $0x0, s20;
	[sflag:s22] =	ssyncset.done $0x0  }
0xa0: {  	[sflag:s22] =	ssyncadd.s32 s3;
	_ =	sdelay $0x1  }
0xa1: {  	s23 =	simm.s32 $0x1B8B  }
0xa2: {  	_ =	swait.ge [sflag:s23], $0x1  }
0xa3: {  	[sflag:s23] =	ssyncset.done $0x0  }
0xa4: {  	s25 =	simm.s32 $0x1B8E;
	s24 =	sld [smem:$0x3FFE];
	[sflag:s23] =	ssyncadd.s32 $0xFFFFFFFF  }
0xa5: {  	s26 =	simm.s32 $execute0_lowered;
	[smem:$0x3FD2] =	sst s25  }
0xa6: {  	s4 =	sshll.u32 s26, $0x1;
	_ =	strace $0x80000049;
	[dreg:$0x1] =	wrdreg $0xFFFFFFFF  }
0xa7: {  	s28 =	simm.s32 $_size_execute0_lowered;
	s2 =	sadd.s32 s2, s4;
	[dreg:$0x0] =	wrdreg $0x0  }
0xa8: {  	s4 =	sshll.u32 s28, $0x1;
	[dreg:$0x2] =	wrdreg s2  }
0xa9: {  	[dreg:$0x3] =	wrdreg s4  }
0xaa: {  	[dreg:$0x4] =	wrdreg $0xC0  }
0xab: {  	_ =	task [dreg:s6], $0x5FFFF  }
0xac: {  	[dreg:$0x1] =	wrdreg $0xFFFFFFFF  }
0xad: {  	[dreg:$0x0] =	wrdreg $0x60  }
0xae: {  	[dreg:$0x2] =	wrdreg s24  }
0xaf: {  	[dreg:$0x3] =	wrdreg $0x90000  }
0xb0: {  	[dreg:$0x4] =	wrdreg $0x9  }
0xb1: {  	_ =	task.clear_ibuf [dreg:s6], $0x5FFFF;
	_ =	strace $0x90000049  }
0xb2: {  	s29 =	simm.s32 $0x9;
	_ =	strace $0x8000004B  }
0xb3: {  	_ =	swait.ge [sflag:s29], $0x1  }
0xb4: {  	[sflag:s29] =	ssyncadd.s32 $0xFFFFFFFF  }
0xb5: {  	_ =	strace $0x9000004B  }
0xb6: {  	_ =	sfence  }
0xb7: {  	s30 =	sld [smem:$0x0];
	_ =	sdelay $0x2  }
0xb8: {  	s31 =	sshll.u32 s1, $0xD;
	s1 =	sshrl.u32 s1, $0x2  }
0xb9: {  	s3 =	sand.u32 $0x4000, s31;
	s1 =	sadd.s32 s1, s30  }
0xba: {  	s0 =	sor.u32 s3, s0;
	s1 =	sshll.u32 s1, $0x11  }
0xbb: {  	s0 =	sor.u32 s1, s0  }
0xbc: {  	s0 =	sadd.s32 $0x8F2B, s0  }
0xbd: {  	[sflag:s0] =	ssyncadd.remote.s32 $0x1  }
0xbe: {  	_ =	sfence.sel $0xFFFF  }
0xbf: {  	[dreg:$0x0] =	wrdreg $0xFFFFFFFF;
	(pc) =	sbr.abs _section_cstart, $3  }
0xc0: {  	[dreg:$0x1] =	wrdreg $0xFFFFFFFF  }
0xc1: {  	_ =	task.clear_ibuf [dreg:s6], $0x2FFFF;
	_ =	strace $0x9FFFFFFF  }
0xc2: {  	(tm) =	ssettm $0x7FFFFFFF  }
0xc3: {  	_ =	shalt  }
tec
execute0_lowered:
.L_overlay_start_1:
0x0: {  	(tag) =	ssettag $0x1  }
0x1: {  	s0 =	rddreg [dreg:$0x0]  }
0x2: {  	s1 =	rddreg [dreg:$0x1];
	s2 =	srdreg.scid;
	s3 =	simm.s32 $0x0  }
0x3: {  	s28 =	simm.s32 $0x6800;
	s29 =	simm.s32 $0x1;
	s30 =	simm.s32 $0x5  }
0x4: {  	s31 =	simm.s32 $0x2;
	s5 =	sand.u32 $0x1, s2;
	s2 =	stileid.u32  }
0x5: {  	[smem:$0x7FF] =	sst s3;
	s4 =	sadd.s32 $0x3000, s0;
	s6 =	smul.u32 $0x140000, s5  }
0x6: {  	s8 =	sadd.s32 $0x77000, s0;
	s9 =	sadd.s32 $0x63000, s0;
	s7 =	smul.u32 $0x14000, s2  }
0x7: {  	_ =	strace $0x8000004A;
	s16 =	sshll.u32 s2, $0x1;
	s10 =	smul.u32 $0x50000, s2  }
0x8: {  	s11 =	ssub.s32 $0x2, s5;
	s17 =	smul.u32 $0x2800, s2;
	p0 =	seq.s32 s2, $0xF  }
0x9: {  	s5 =	sor.u32 s5, s16;
	s12 =	sshrl.u32 s11, $0x1;
	s6 =	sadd.s32 s7, s6  }
0xa: {  	s10 =	sshrl.u32 s10, $0x2;
	s13 =	smul.u32 $0x5000, s5;
	s19 =	ssub.s32 s11, s12  }
0xb: {  	s7 =	sadd.s32 s4, s17;
	s6 =	sshrl.u32 s6, $0x3;
	s5 =	sadd.s32 s10, s1  }
0xc: {  	[dreg:$0x3] =	wrdreg s7;
	s7 =	sadd.s32 $0x12C000, s1;
	s19 =	smax.u32 s19, $0x1  }
0xd: {  	s6 =	sadd.s32 s6, s0;
	s18 =	sshrl.u32 s13, $0x3;
	s0 =	sadd.s32 $0x28800, s0  }
0xe: {  	[dreg:$0x4] =	wrdreg s0;
	s20 =	sadd.s32 s8, s18;
	s21 =	sadd.s32 $0x200, s18  }
0xf: {  	s22 =	sadd.s32 s9, s18;
	s13 =	sadd.s32 $0x400, s18;
	s25 =	sadd.s32 $0x600, s18  }
0x10: {  	s10 =	sadd.s32 $0x800, s18;
	s18 =	sadd.s32 $0x8B000, s6;
	[dreg:$0x5] =	wrdreg s20  }
0x11: {  	s6 =	simm.s32 $0x1C00;
	[dreg:$0x6] =	wrdreg s22;
	s23 =	sadd.s32 s8, s21  }
0x12: {  	s0 =	sadd.s32 s9, s21;
	s24 =	sadd.s32 s8, s13;
	s26 =	sadd.s32 s9, s13  }
0x13: {  	s14 =	sadd.s32 s8, s25;
	s15 =	sadd.s32 s9, s25;
	s16 =	sadd.s32 s8, s10  }
0x14: {  	s17 =	sadd.s32 s9, s10;
	s20 =	sshrl.u32 @p0 s7, $0x3;
	[dreg:$0x7] =	wrdreg s23  }
0x15: {  	s21 =	simm.s32 $0x1000;
	s22 =	simm.s32 $0x3;
	[dreg:$0x8] =	wrdreg s0  }
0x16: {  	s25 =	simm.s32 $0x50;
	s7 =	simm.s32 $0x3C00;
	[dreg:$0x9] =	wrdreg s24  }
0x17: {  	s8 =	simm.s32 $0x0;
	[dreg:$0xa] =	wrdreg s26;
	s23 =	simm.s32 $0x2000  }
0x18: {  	s24 =	simm.s32 $0x3000;
	s26 =	simm.s32 $0x4000;
	s0 =	simm.s32 $0x4  }
.LBB2_1:
0x19: {  	s9 =	simm.s32 @p0 $0x1FC4;
	s10 =	rddreg [dreg:$0x4]  }
0x1a: {  	[spmem:s20], [sflag:s9] =	dma.local @p0 [hbm:s10], $0x1900  }
0x1b: {  	s9 =	simm.s32 @p0 $0x4  }
0x1c: {  	_ =	swait.ge @p0 [sflag:s9], $0x1900  }
0x1d: {  	s10 =	sshll.u32 @!p0 s2, $0x6;
	[sflag:s9] =	ssyncset.done @p0 $0x0;
	s11 =	rddreg [dreg:$0x3]  }
0x1e: {  	[sflag:s9] =	ssyncadd.s32 @p0 $0xFFFFE700;
	s9 =	sor.u32 @!p0 $0x1C04, s10;
	s10 =	sshrl.u32 @!p0 s5, $0x3  }
0x1f: {  	[spmem:s10], [sflag:s9] =	dma.local @!p0 [hbm:s11], $0x2800  }
0x20: {  	s9 =	simm.s32 @!p0 $0x4  }
0x21: {  	_ =	swait.ge @!p0 [sflag:s9], $0x2800  }
0x22: {  	[sflag:s9] =	ssyncset.done @!p0 $0x0  }
0x23: {  	[sflag:s9] =	ssyncadd.s32 @!p0 $0xFFFFD800  }
0x24: {  	[bflag:$0x0] =	sbarrier.arrive $0xFFFF  }
0x25: {  	s10 =	rddreg [dreg:$0x5]  }
0x26: {  	[tilespmem:s3], [sflag:$0x3] =	stream.linear.gather [hbm4b:s10+s3], $0xC80, $0x38;
	[tilespmem:$0x1D000] =	vst v63  }
0x27: {  	s11 =	rddreg [dreg:$0x6]  }
0x28: {  	[tilespmem:s21], [sflag:$0x3] =	stream.linear.gather [hbm4b:s11+s3], $0xC80, $0x38;
	[tilespmem:$0x1D000] =	vst v63  }
0x29: {  	_ =	swait.ge [sflag:s22], $0xC80  }
0x2a: {  	[sflag:s22] =	ssyncset.done $0x0  }
0x2b: {  	[sflag:s22] =	ssyncadd.s32 $0xFFFFF380  }
0x2c: {  	_ =	swait.ge [sflag:s22], $0xC80  }
0x2d: {  	[sflag:s22] =	ssyncset.done $0x0  }
0x2e: {  	s12 =	rddreg [dreg:$0x7];
	[sflag:s22] =	ssyncadd.s32 $0xFFFFF380  }
0x2f: {  	[tilespmem:s23], [sflag:$0x3] =	stream.linear.gather [hbm4b:s12+s3], $0xC80, $0x38;
	[tilespmem:$0x1D000] =	vst v63  }
0x30: {  	s13 =	rddreg [dreg:$0x8]  }
0x31: {  	[tilespmem:s24], [sflag:$0x3] =	stream.linear.gather [hbm4b:s13+s3], $0xC80, $0x38;
	[tilespmem:$0x1D000] =	vst v63  }
0x32: {  	_ = 	snop  }
0x33: {  	[tilespmem:s26], [sflag:$0x1] =	stream.indirect.gather [hbm4b:s4+s25], $0x80, s3, s25, $0xb8;
	[tilespmem:$0x1D000] =	vst v63  }
0x34: {  	s10 =	simm.s32 $0x80  }
0x35: {  	[tilespmem:s28], [sflag:$0x2] =	stream.indirect.gather [hbm4b:s4+s25], $0x80, s10, s25, $0xb8;
	[tilespmem:$0x1D000] =	vst v63  }
0x36: {  	_ =	swait.ge [sflag:s29], $0x2800  }
0x37: {  	[sflag:s29] =	ssyncset.done $0x0  }
0x38: {  	s11 =	simm.s32 $0x1000;
	[sflag:s29] =	ssyncadd.s32 $0xFFFFD800  }
0x39: {  	[spmem:s1] =	stream.indirect.scatter.add.f32 [tilespmem:s26], [sflag:$0x5], $0x80, s11, s25, $0xb8;
	[tilespmem:$0x1D000] =	vst v63  }
0x3a: {  	_ =	swait.ge [sflag:s30], $0x2800  }
0x3b: {  	[sflag:s30] =	ssyncset.done $0x0  }
0x3c: {  	s12 =	simm.s32 $0x100;
	[sflag:s30] =	ssyncadd.s32 $0xFFFFD800  }
0x3d: {  	[tilespmem:s26], [sflag:$0x1] =	stream.indirect.gather [hbm4b:s4+s25], $0x80, s12, s25, $0xb8;
	[tilespmem:$0x1D000] =	vst v63  }
0x3e: {  	_ =	swait.ge [sflag:s31], $0x2800  }
0x3f: {  	[sflag:s31] =	ssyncset.done $0x0  }
0x40: {  	s13 =	simm.s32 $0x1080;
	[sflag:s31] =	ssyncadd.s32 $0xFFFFD800  }
0x41: {  	[spmem:s1] =	stream.indirect.scatter.add.f32 [tilespmem:s28], [sflag:$0x4], $0x80, s13, s25, $0xb8;
	[tilespmem:$0x1D000] =	vst v63  }
0x42: {  	_ =	swait.ge [sflag:s0], $0x2800  }
0x43: {  	s9 =	simm.s32 $0x100;
	s10 =	simm.s32 $0x800;
	[sflag:s0] =	ssyncset.done $0x0  }
.LBB2_2:
0x44: {  	s11 =	sadd.s32 $0x80, s9  }
0x45: {  	[sflag:s0] =	ssyncadd.s32 $0xFFFFD800;
	s12 =	smov.u32 s10;
	s13 =	sadd.s32 $0x400, s10  }
0x46: {  	[tilespmem:s28], [sflag:$0x2] =	stream.indirect.gather [hbm4b:s4+s25], $0x80, s11, s25, $0xb8;
	[tilespmem:$0x1D000] =	vst v63  }
0x47: {  	p1 =	sne.s32 s10, $0x2C00;
	_ =	swait.ge [sflag:s29], $0x2800  }
0x48: {  	[sflag:s29] =	ssyncset.done $0x0  }
0x49: {  	s10 =	sadd.s32 $0x1000, s9;
	[sflag:s29] =	ssyncadd.s32 $0xFFFFD800  }
0x4a: {  	[spmem:s1] =	stream.indirect.scatter.add.f32 [tilespmem:s26], [sflag:$0x5], $0x80, s10, s25, $0xb8;
	[tilespmem:$0x1D000] =	vst v63  }
0x4b: {  	_ =	swait.ge [sflag:s30], $0x2800  }
0x4c: {  	[sflag:s30] =	ssyncset.done $0x0  }
0x4d: {  	s10 =	sadd.s32 $0x100, s9;
	[sflag:s30] =	ssyncadd.s32 $0xFFFFD800  }
0x4e: {  	[tilespmem:s26], [sflag:$0x1] =	stream.indirect.gather [hbm4b:s4+s25], $0x80, s10, s25, $0xb8;
	[tilespmem:$0x1D000] =	vst v63  }
0x4f: {  	_ =	swait.ge [sflag:s31], $0x2800  }
.Ltmp0:
0x50: {  	[sflag:s31] =	ssyncset.done $0x0;
	(pc) =	sbr.rel @p1 .LBB2_2-.Ltmp0, $4  }
0x51: {  	s9 =	sadd.s32 $0x1080, s9;
	[sflag:s31] =	ssyncadd.s32 $0xFFFFD800  }
0x52: {  	[spmem:s1] =	stream.indirect.scatter.add.f32 [tilespmem:s28], [sflag:$0x4], $0x80, s9, s25, $0xb8;
	[tilespmem:$0x1D000] =	vst v63  }
0x53: {  	_ =	swait.ge [sflag:s0], $0x2800  }
0x54: {  	s10 =	smov.u32 s13;
	s9 =	sshra.s32 s12, $0x2;
	[sflag:s0] =	ssyncset.done $0x0  }
0x55: {  	s10 =	sadd.s32 $0x80, s9;
	[sflag:s0] =	ssyncadd.s32 $0xFFFFD800  }
0x56: {  	[tilespmem:s28], [sflag:$0x2] =	stream.indirect.gather [hbm4b:s4+s25], $0x80, s10, s25, $0xb8;
	[tilespmem:$0x1D000] =	vst v63  }
0x57: {  	_ =	swait.ge [sflag:s29], $0x2800  }
0x58: {  	[sflag:s29] =	ssyncset.done $0x0  }
0x59: {  	s12 =	sadd.s32 $0x1000, s9;
	[sflag:s29] =	ssyncadd.s32 $0xFFFFD800  }
0x5a: {  	[spmem:s1] =	stream.indirect.scatter.add.f32 [tilespmem:s26], [sflag:$0x5], $0x80, s12, s25, $0xb8;
	[tilespmem:$0x1D000] =	vst v63  }
0x5b: {  	_ =	swait.ge [sflag:s30], $0x2800  }
0x5c: {  	[sflag:s30] =	ssyncset.done $0x0  }
0x5d: {  	s13 =	sadd.s32 $0x100, s9;
	[sflag:s30] =	ssyncadd.s32 $0xFFFFD800  }
0x5e: {  	[tilespmem:s26], [sflag:$0x1] =	stream.indirect.gather [hbm4b:s4+s25], $0x80, s13, s25, $0xb8;
	[tilespmem:$0x1D000] =	vst v63  }
0x5f: {  	_ =	swait.ge [sflag:s31], $0x2800  }
0x60: {  	[sflag:s31] =	ssyncset.done $0x0  }
0x61: {  	s10 =	sadd.s32 $0x1080, s9;
	[sflag:s31] =	ssyncadd.s32 $0xFFFFD800  }
0x62: {  	[spmem:s1] =	stream.indirect.scatter.add.f32 [tilespmem:s28], [sflag:$0x4], $0x80, s10, s25, $0xb8;
	[tilespmem:$0x1D000] =	vst v63  }
0x63: {  	_ =	swait.ge [sflag:s0], $0x2800  }
0x64: {  	[sflag:s0] =	ssyncset.done $0x0  }
0x65: {  	[sflag:s0] =	ssyncadd.s32 $0xFFFFD800  }
0x66: {  	_ =	swait.ge [sflag:s29], $0x2800  }
0x67: {  	[sflag:s29] =	ssyncset.done $0x0  }
0x68: {  	[sflag:s29] =	ssyncadd.s32 $0xFFFFD800  }
0x69: {  	[spmem:s1] =	stream.indirect.scatter.add.f32 [tilespmem:s26], [sflag:$0x5], $0x80, s6, s25, $0xb8;
	[tilespmem:$0x1D000] =	vst v63  }
0x6a: {  	_ =	swait.ge [sflag:s30], $0x2800  }
0x6b: {  	[sflag:s30] =	ssyncset.done $0x0  }
0x6c: {  	[sflag:s30] =	ssyncadd.s32 $0xFFFFD800  }
0x6d: {  	_ =	swait.ge [sflag:s22], $0xC80  }
0x6e: {  	[sflag:s22] =	ssyncset.done $0x0  }
0x6f: {  	[sflag:s22] =	ssyncadd.s32 $0xFFFFF380  }
0x70: {  	_ =	swait.ge [sflag:s22], $0xC80  }
0x71: {  	[sflag:s22] =	ssyncset.done $0x0  }
0x72: {  	s11 =	simm.s32 $0x0;
	s12 =	rddreg [dreg:$0x9];
	[sflag:s22] =	ssyncadd.s32 $0xFFFFF380  }
0x73: {  	[tilespmem:s11], [sflag:$0x3] =	stream.linear.gather [hbm4b:s12+s11], $0xC80, $0x38;
	[tilespmem:$0x1D000] =	vst v63  }
0x74: {  	s13 =	rddreg [dreg:$0xa]  }
0x75: {  	[tilespmem:s21], [sflag:$0x3] =	stream.linear.gather [hbm4b:s13+s11], $0xC80, $0x38;
	[tilespmem:$0x1D000] =	vst v63  }
0x76: {  	_ = 	snop  }
0x77: {  	[tilespmem:s26], [sflag:$0x1] =	stream.indirect.gather [hbm4b:s4+s25], $0x80, s23, s25, $0xb8;
	[tilespmem:$0x1D000] =	vst v63  }
0x78: {  	s10 =	simm.s32 $0x2080  }
0x79: {  	[tilespmem:s28], [sflag:$0x2] =	stream.indirect.gather [hbm4b:s4+s25], $0x80, s10, s25, $0xb8;
	[tilespmem:$0x1D000] =	vst v63  }
0x7a: {  	_ =	swait.ge [sflag:s29], $0x2800  }
0x7b: {  	[sflag:s29] =	ssyncset.done $0x0  }
0x7c: {  	s11 =	simm.s32 $0x3000;
	[sflag:s29] =	ssyncadd.s32 $0xFFFFD800  }
0x7d: {  	[spmem:s1] =	stream.indirect.scatter.add.f32 [tilespmem:s26], [sflag:$0x5], $0x80, s11, s25, $0xb8;
	[tilespmem:$0x1D000] =	vst v63  }
0x7e: {  	_ =	swait.ge [sflag:s30], $0x2800  }
0x7f: {  	[sflag:s30] =	ssyncset.done $0x0  }
0x80: {  	s12 =	simm.s32 $0x2100;
	[sflag:s30] =	ssyncadd.s32 $0xFFFFD800  }
0x81: {  	[tilespmem:s26], [sflag:$0x1] =	stream.indirect.gather [hbm4b:s4+s25], $0x80, s12, s25, $0xb8;
	[tilespmem:$0x1D000] =	vst v63  }
0x82: {  	_ =	swait.ge [sflag:s31], $0x2800  }
0x83: {  	[sflag:s31] =	ssyncset.done $0x0  }
0x84: {  	s13 =	simm.s32 $0x3080;
	[sflag:s31] =	ssyncadd.s32 $0xFFFFD800  }
0x85: {  	[spmem:s1] =	stream.indirect.scatter.add.f32 [tilespmem:s28], [sflag:$0x4], $0x80, s13, s25, $0xb8;
	[tilespmem:$0x1D000] =	vst v63  }
0x86: {  	_ =	swait.ge [sflag:s0], $0x2800  }
0x87: {  	s9 =	simm.s32 $0x100;
	s10 =	simm.s32 $0x800;
	[sflag:s0] =	ssyncset.done $0x0  }
.LBB2_4:
0x88: {  	s11 =	sadd.s32 $0x2080, s9  }
0x89: {  	[sflag:s0] =	ssyncadd.s32 $0xFFFFD800;
	s12 =	smov.u32 s10;
	s13 =	sadd.s32 $0x400, s10  }
0x8a: {  	[tilespmem:s28], [sflag:$0x2] =	stream.indirect.gather [hbm4b:s4+s25], $0x80, s11, s25, $0xb8;
	[tilespmem:$0x1D000] =	vst v63  }
0x8b: {  	p1 =	sne.s32 s10, $0x2C00;
	_ =	swait.ge [sflag:s29], $0x2800  }
0x8c: {  	[sflag:s29] =	ssyncset.done $0x0  }
0x8d: {  	s10 =	sadd.s32 $0x3000, s9;
	[sflag:s29] =	ssyncadd.s32 $0xFFFFD800  }
0x8e: {  	[spmem:s1] =	stream.indirect.scatter.add.f32 [tilespmem:s26], [sflag:$0x5], $0x80, s10, s25, $0xb8;
	[tilespmem:$0x1D000] =	vst v63  }
0x8f: {  	_ =	swait.ge [sflag:s30], $0x2800  }
0x90: {  	[sflag:s30] =	ssyncset.done $0x0  }
0x91: {  	s10 =	sadd.s32 $0x2100, s9;
	[sflag:s30] =	ssyncadd.s32 $0xFFFFD800  }
0x92: {  	[tilespmem:s26], [sflag:$0x1] =	stream.indirect.gather [hbm4b:s4+s25], $0x80, s10, s25, $0xb8;
	[tilespmem:$0x1D000] =	vst v63  }
0x93: {  	_ =	swait.ge [sflag:s31], $0x2800  }
.Ltmp1:
0x94: {  	[sflag:s31] =	ssyncset.done $0x0;
	(pc) =	sbr.rel @p1 .LBB2_4-.Ltmp1, $4  }
0x95: {  	s9 =	sadd.s32 $0x3080, s9;
	[sflag:s31] =	ssyncadd.s32 $0xFFFFD800  }
0x96: {  	[spmem:s1] =	stream.indirect.scatter.add.f32 [tilespmem:s28], [sflag:$0x4], $0x80, s9, s25, $0xb8;
	[tilespmem:$0x1D000] =	vst v63  }
0x97: {  	_ =	swait.ge [sflag:s0], $0x2800  }
0x98: {  	s10 =	smov.u32 s13;
	s9 =	sshra.s32 s12, $0x2;
	[sflag:s0] =	ssyncset.done $0x0  }
0x99: {  	s10 =	sadd.s32 $0x2080, s9;
	[sflag:s0] =	ssyncadd.s32 $0xFFFFD800  }
0x9a: {  	[tilespmem:s28], [sflag:$0x2] =	stream.indirect.gather [hbm4b:s4+s25], $0x80, s10, s25, $0xb8;
	[tilespmem:$0x1D000] =	vst v63  }
0x9b: {  	_ =	swait.ge [sflag:s29], $0x2800  }
0x9c: {  	[sflag:s29] =	ssyncset.done $0x0  }
0x9d: {  	s13 =	sadd.s32 $0x3000, s9;
	[sflag:s29] =	ssyncadd.s32 $0xFFFFD800  }
0x9e: {  	[spmem:s1] =	stream.indirect.scatter.add.f32 [tilespmem:s26], [sflag:$0x5], $0x80, s13, s25, $0xb8;
	[tilespmem:$0x1D000] =	vst v63  }
0x9f: {  	_ =	swait.ge [sflag:s30], $0x2800  }
0xa0: {  	[sflag:s30] =	ssyncset.done $0x0  }
0xa1: {  	s11 =	sadd.s32 $0x2100, s9;
	[sflag:s30] =	ssyncadd.s32 $0xFFFFD800  }
0xa2: {  	[tilespmem:s26], [sflag:$0x1] =	stream.indirect.gather [hbm4b:s4+s25], $0x80, s11, s25, $0xb8;
	[tilespmem:$0x1D000] =	vst v63  }
0xa3: {  	_ =	swait.ge [sflag:s31], $0x2800  }
0xa4: {  	[sflag:s31] =	ssyncset.done $0x0  }
0xa5: {  	s12 =	sadd.s32 $0x3080, s9;
	[sflag:s31] =	ssyncadd.s32 $0xFFFFD800  }
0xa6: {  	[spmem:s1] =	stream.indirect.scatter.add.f32 [tilespmem:s28], [sflag:$0x4], $0x80, s12, s25, $0xb8;
	[tilespmem:$0x1D000] =	vst v63  }
0xa7: {  	_ =	swait.ge [sflag:s0], $0x2800  }
0xa8: {  	[sflag:s0] =	ssyncset.done $0x0  }
0xa9: {  	[sflag:s0] =	ssyncadd.s32 $0xFFFFD800  }
0xaa: {  	_ =	swait.ge [sflag:s29], $0x2800  }
0xab: {  	[sflag:s29] =	ssyncset.done $0x0  }
0xac: {  	[sflag:s29] =	ssyncadd.s32 $0xFFFFD800  }
0xad: {  	[spmem:s1] =	stream.indirect.scatter.add.f32 [tilespmem:s26], [sflag:$0x5], $0x80, s7, s25, $0xb8;
	[tilespmem:$0x1D000] =	vst v63  }
0xae: {  	_ =	swait.ge [sflag:s30], $0x2800  }
0xaf: {  	[sflag:s30] =	ssyncset.done $0x0  }
0xb0: {  	[sflag:s30] =	ssyncadd.s32 $0xFFFFD800  }
0xb1: {  	_ =	swait.ge [sflag:s22], $0xC80  }
0xb2: {  	[sflag:s22] =	ssyncset.done $0x0  }
0xb3: {  	[sflag:s22] =	ssyncadd.s32 $0xFFFFF380  }
0xb4: {  	_ =	swait.ge [sflag:s22], $0xC80  }
0xb5: {  	[sflag:s22] =	ssyncset.done $0x0  }
0xb6: {  	s13 =	simm.s32 $0x0;
	[sflag:s22] =	ssyncadd.s32 $0xFFFFF380  }
0xb7: {  	[tilespmem:s23], [sflag:$0x3] =	stream.linear.gather [hbm4b:s14+s13], $0xC80, $0x38;
	[tilespmem:$0x1D000] =	vst v63  }
0xb8: {  	_ = 	snop  }
0xb9: {  	[tilespmem:s24], [sflag:$0x3] =	stream.linear.gather [hbm4b:s15+s13], $0xC80, $0x38;
	[tilespmem:$0x1D000] =	vst v63  }
0xba: {  	_ = 	snop  }
0xbb: {  	[tilespmem:s26], [sflag:$0x1] =	stream.indirect.gather [hbm4b:s4+s25], $0x80, s13, s25, $0xb8;
	[tilespmem:$0x1D000] =	vst v63  }
0xbc: {  	s10 =	simm.s32 $0x80  }
0xbd: {  	[tilespmem:s28], [sflag:$0x2] =	stream.indirect.gather [hbm4b:s4+s25], $0x80, s10, s25, $0xb8;
	[tilespmem:$0x1D000] =	vst v63  }
0xbe: {  	_ =	swait.ge [sflag:s29], $0x2800  }
0xbf: {  	[sflag:s29] =	ssyncset.done $0x0  }
0xc0: {  	s11 =	simm.s32 $0x1000;
	[sflag:s29] =	ssyncadd.s32 $0xFFFFD800  }
0xc1: {  	[spmem:s1] =	stream.indirect.scatter.add.f32 [tilespmem:s26], [sflag:$0x5], $0x80, s11, s25, $0xb8;
	[tilespmem:$0x1D000] =	vst v63  }
0xc2: {  	_ =	swait.ge [sflag:s30], $0x2800  }
0xc3: {  	[sflag:s30] =	ssyncset.done $0x0  }
0xc4: {  	s12 =	simm.s32 $0x100;
	[sflag:s30] =	ssyncadd.s32 $0xFFFFD800  }
0xc5: {  	[tilespmem:s26], [sflag:$0x1] =	stream.indirect.gather [hbm4b:s4+s25], $0x80, s12, s25, $0xb8;
	[tilespmem:$0x1D000] =	vst v63  }
0xc6: {  	_ =	swait.ge [sflag:s31], $0x2800  }
0xc7: {  	[sflag:s31] =	ssyncset.done $0x0  }
0xc8: {  	s13 =	simm.s32 $0x1080;
	[sflag:s31] =	ssyncadd.s32 $0xFFFFD800  }
0xc9: {  	[spmem:s1] =	stream.indirect.scatter.add.f32 [tilespmem:s28], [sflag:$0x4], $0x80, s13, s25, $0xb8;
	[tilespmem:$0x1D000] =	vst v63  }
0xca: {  	_ =	swait.ge [sflag:s0], $0x2800  }
0xcb: {  	s9 =	simm.s32 $0x100;
	s10 =	simm.s32 $0x800;
	[sflag:s0] =	ssyncset.done $0x0  }
.LBB2_6:
0xcc: {  	s11 =	sadd.s32 $0x80, s9  }
0xcd: {  	[sflag:s0] =	ssyncadd.s32 $0xFFFFD800;
	s12 =	smov.u32 s10;
	s13 =	sadd.s32 $0x400, s10  }
0xce: {  	[tilespmem:s28], [sflag:$0x2] =	stream.indirect.gather [hbm4b:s4+s25], $0x80, s11, s25, $0xb8;
	[tilespmem:$0x1D000] =	vst v63  }
0xcf: {  	p1 =	sne.s32 s10, $0x2C00;
	_ =	swait.ge [sflag:s29], $0x2800  }
0xd0: {  	[sflag:s29] =	ssyncset.done $0x0  }
0xd1: {  	s10 =	sadd.s32 $0x1000, s9;
	[sflag:s29] =	ssyncadd.s32 $0xFFFFD800  }
0xd2: {  	[spmem:s1] =	stream.indirect.scatter.add.f32 [tilespmem:s26], [sflag:$0x5], $0x80, s10, s25, $0xb8;
	[tilespmem:$0x1D000] =	vst v63  }
0xd3: {  	_ =	swait.ge [sflag:s30], $0x2800  }
0xd4: {  	[sflag:s30] =	ssyncset.done $0x0  }
0xd5: {  	s10 =	sadd.s32 $0x100, s9;
	[sflag:s30] =	ssyncadd.s32 $0xFFFFD800  }
0xd6: {  	[tilespmem:s26], [sflag:$0x1] =	stream.indirect.gather [hbm4b:s4+s25], $0x80, s10, s25, $0xb8;
	[tilespmem:$0x1D000] =	vst v63  }
0xd7: {  	_ =	swait.ge [sflag:s31], $0x2800  }
.Ltmp2:
0xd8: {  	[sflag:s31] =	ssyncset.done $0x0;
	(pc) =	sbr.rel @p1 .LBB2_6-.Ltmp2, $4  }
0xd9: {  	s9 =	sadd.s32 $0x1080, s9;
	[sflag:s31] =	ssyncadd.s32 $0xFFFFD800  }
0xda: {  	[spmem:s1] =	stream.indirect.scatter.add.f32 [tilespmem:s28], [sflag:$0x4], $0x80, s9, s25, $0xb8;
	[tilespmem:$0x1D000] =	vst v63  }
0xdb: {  	_ =	swait.ge [sflag:s0], $0x2800  }
0xdc: {  	s10 =	smov.u32 s13;
	s9 =	sshra.s32 s12, $0x2;
	[sflag:s0] =	ssyncset.done $0x0  }
0xdd: {  	s10 =	sadd.s32 $0x80, s9;
	[sflag:s0] =	ssyncadd.s32 $0xFFFFD800  }
0xde: {  	[tilespmem:s28], [sflag:$0x2] =	stream.indirect.gather [hbm4b:s4+s25], $0x80, s10, s25, $0xb8;
	[tilespmem:$0x1D000] =	vst v63  }
0xdf: {  	_ =	swait.ge [sflag:s29], $0x2800  }
0xe0: {  	[sflag:s29] =	ssyncset.done $0x0  }
0xe1: {  	s13 =	sadd.s32 $0x1000, s9;
	[sflag:s29] =	ssyncadd.s32 $0xFFFFD800  }
0xe2: {  	[spmem:s1] =	stream.indirect.scatter.add.f32 [tilespmem:s26], [sflag:$0x5], $0x80, s13, s25, $0xb8;
	[tilespmem:$0x1D000] =	vst v63  }
0xe3: {  	_ =	swait.ge [sflag:s30], $0x2800  }
0xe4: {  	[sflag:s30] =	ssyncset.done $0x0  }
0xe5: {  	s11 =	sadd.s32 $0x100, s9;
	[sflag:s30] =	ssyncadd.s32 $0xFFFFD800  }
0xe6: {  	[tilespmem:s26], [sflag:$0x1] =	stream.indirect.gather [hbm4b:s4+s25], $0x80, s11, s25, $0xb8;
	[tilespmem:$0x1D000] =	vst v63  }
0xe7: {  	_ =	swait.ge [sflag:s31], $0x2800  }
0xe8: {  	[sflag:s31] =	ssyncset.done $0x0  }
0xe9: {  	s12 =	sadd.s32 $0x1080, s9;
	[sflag:s31] =	ssyncadd.s32 $0xFFFFD800  }
0xea: {  	[spmem:s1] =	stream.indirect.scatter.add.f32 [tilespmem:s28], [sflag:$0x4], $0x80, s12, s25, $0xb8;
	[tilespmem:$0x1D000] =	vst v63  }
0xeb: {  	_ =	swait.ge [sflag:s0], $0x2800  }
0xec: {  	[sflag:s0] =	ssyncset.done $0x0  }
0xed: {  	[sflag:s0] =	ssyncadd.s32 $0xFFFFD800  }
0xee: {  	_ =	swait.ge [sflag:s29], $0x2800  }
0xef: {  	[sflag:s29] =	ssyncset.done $0x0  }
0xf0: {  	[sflag:s29] =	ssyncadd.s32 $0xFFFFD800  }
0xf1: {  	[spmem:s1] =	stream.indirect.scatter.add.f32 [tilespmem:s26], [sflag:$0x5], $0x80, s6, s25, $0xb8;
	[tilespmem:$0x1D000] =	vst v63  }
0xf2: {  	_ =	swait.ge [sflag:s30], $0x2800  }
0xf3: {  	[sflag:s30] =	ssyncset.done $0x0  }
0xf4: {  	[sflag:s30] =	ssyncadd.s32 $0xFFFFD800  }
0xf5: {  	_ =	swait.ge [sflag:s22], $0xC80  }
0xf6: {  	[sflag:s22] =	ssyncset.done $0x0  }
0xf7: {  	[sflag:s22] =	ssyncadd.s32 $0xFFFFF380  }
0xf8: {  	_ =	swait.ge [sflag:s22], $0xC80  }
0xf9: {  	[sflag:s22] =	ssyncset.done $0x0  }
0xfa: {  	s13 =	simm.s32 $0x0;
	[sflag:s22] =	ssyncadd.s32 $0xFFFFF380  }
0xfb: {  	[tilespmem:s13], [sflag:$0x3] =	stream.linear.gather [hbm4b:s16+s13], $0xC80, $0x38;
	[tilespmem:$0x1D000] =	vst v63  }
0xfc: {  	_ = 	snop  }
0xfd: {  	[tilespmem:s21], [sflag:$0x3] =	stream.linear.gather [hbm4b:s17+s13], $0xC80, $0x38;
	[tilespmem:$0x1D000] =	vst v63  }
0xfe: {  	_ = 	snop  }
0xff: {  	[tilespmem:s26], [sflag:$0x1] =	stream.indirect.gather [hbm4b:s4+s25], $0x80, s23, s25, $0xb8;
	[tilespmem:$0x1D000] =	vst v63  }
0x100: {  	s10 =	simm.s32 $0x2080  }
0x101: {  	[tilespmem:s28], [sflag:$0x2] =	stream.indirect.gather [hbm4b:s4+s25], $0x80, s10, s25, $0xb8;
	[tilespmem:$0x1D000] =	vst v63  }
0x102: {  	_ =	swait.ge [sflag:s29], $0x2800  }
0x103: {  	[sflag:s29] =	ssyncset.done $0x0  }
0x104: {  	s11 =	simm.s32 $0x3000;
	[sflag:s29] =	ssyncadd.s32 $0xFFFFD800  }
0x105: {  	[spmem:s1] =	stream.indirect.scatter.add.f32 [tilespmem:s26], [sflag:$0x5], $0x80, s11, s25, $0xb8;
	[tilespmem:$0x1D000] =	vst v63  }
0x106: {  	_ =	swait.ge [sflag:s30], $0x2800  }
0x107: {  	[sflag:s30] =	ssyncset.done $0x0  }
0x108: {  	s12 =	simm.s32 $0x2100;
	[sflag:s30] =	ssyncadd.s32 $0xFFFFD800  }
0x109: {  	[tilespmem:s26], [sflag:$0x1] =	stream.indirect.gather [hbm4b:s4+s25], $0x80, s12, s25, $0xb8;
	[tilespmem:$0x1D000] =	vst v63  }
0x10a: {  	_ =	swait.ge [sflag:s31], $0x2800  }
0x10b: {  	[sflag:s31] =	ssyncset.done $0x0  }
0x10c: {  	s13 =	simm.s32 $0x3080;
	[sflag:s31] =	ssyncadd.s32 $0xFFFFD800  }
0x10d: {  	[spmem:s1] =	stream.indirect.scatter.add.f32 [tilespmem:s28], [sflag:$0x4], $0x80, s13, s25, $0xb8;
	[tilespmem:$0x1D000] =	vst v63  }
0x10e: {  	_ =	swait.ge [sflag:s0], $0x2800  }
0x10f: {  	s9 =	simm.s32 $0x100;
	s10 =	simm.s32 $0x800;
	[sflag:s0] =	ssyncset.done $0x0  }
.LBB2_8:
0x110: {  	s11 =	sadd.s32 $0x2080, s9  }
0x111: {  	[sflag:s0] =	ssyncadd.s32 $0xFFFFD800;
	s12 =	smov.u32 s10;
	s13 =	sadd.s32 $0x400, s10  }
0x112: {  	[tilespmem:s28], [sflag:$0x2] =	stream.indirect.gather [hbm4b:s4+s25], $0x80, s11, s25, $0xb8;
	[tilespmem:$0x1D000] =	vst v63  }
0x113: {  	p1 =	sne.s32 s10, $0x2C00;
	_ =	swait.ge [sflag:s29], $0x2800  }
0x114: {  	[sflag:s29] =	ssyncset.done $0x0  }
0x115: {  	s10 =	sadd.s32 $0x3000, s9;
	[sflag:s29] =	ssyncadd.s32 $0xFFFFD800  }
0x116: {  	[spmem:s1] =	stream.indirect.scatter.add.f32 [tilespmem:s26], [sflag:$0x5], $0x80, s10, s25, $0xb8;
	[tilespmem:$0x1D000] =	vst v63  }
0x117: {  	_ =	swait.ge [sflag:s30], $0x2800  }
0x118: {  	[sflag:s30] =	ssyncset.done $0x0  }
0x119: {  	s10 =	sadd.s32 $0x2100, s9;
	[sflag:s30] =	ssyncadd.s32 $0xFFFFD800  }
0x11a: {  	[tilespmem:s26], [sflag:$0x1] =	stream.indirect.gather [hbm4b:s4+s25], $0x80, s10, s25, $0xb8;
	[tilespmem:$0x1D000] =	vst v63  }
0x11b: {  	_ =	swait.ge [sflag:s31], $0x2800  }
.Ltmp3:
0x11c: {  	[sflag:s31] =	ssyncset.done $0x0;
	(pc) =	sbr.rel @p1 .LBB2_8-.Ltmp3, $4  }
0x11d: {  	s9 =	sadd.s32 $0x3080, s9;
	[sflag:s31] =	ssyncadd.s32 $0xFFFFD800  }
0x11e: {  	[spmem:s1] =	stream.indirect.scatter.add.f32 [tilespmem:s28], [sflag:$0x4], $0x80, s9, s25, $0xb8;
	[tilespmem:$0x1D000] =	vst v63  }
0x11f: {  	_ =	swait.ge [sflag:s0], $0x2800  }
0x120: {  	s10 =	smov.u32 s13;
	s9 =	sshra.s32 s12, $0x2;
	[sflag:s0] =	ssyncset.done $0x0  }
0x121: {  	s10 =	sadd.s32 $0x2080, s9;
	[sflag:s0] =	ssyncadd.s32 $0xFFFFD800  }
0x122: {  	[tilespmem:s28], [sflag:$0x2] =	stream.indirect.gather [hbm4b:s4+s25], $0x80, s10, s25, $0xb8;
	[tilespmem:$0x1D000] =	vst v63  }
0x123: {  	_ =	swait.ge [sflag:s29], $0x2800  }
0x124: {  	[sflag:s29] =	ssyncset.done $0x0  }
0x125: {  	s13 =	sadd.s32 $0x3000, s9;
	[sflag:s29] =	ssyncadd.s32 $0xFFFFD800  }
0x126: {  	[spmem:s1] =	stream.indirect.scatter.add.f32 [tilespmem:s26], [sflag:$0x5], $0x80, s13, s25, $0xb8;
	[tilespmem:$0x1D000] =	vst v63  }
0x127: {  	_ =	swait.ge [sflag:s30], $0x2800  }
0x128: {  	[sflag:s30] =	ssyncset.done $0x0  }
0x129: {  	s11 =	sadd.s32 $0x2100, s9;
	[sflag:s30] =	ssyncadd.s32 $0xFFFFD800  }
0x12a: {  	[tilespmem:s26], [sflag:$0x1] =	stream.indirect.gather [hbm4b:s4+s25], $0x80, s11, s25, $0xb8;
	[tilespmem:$0x1D000] =	vst v63  }
0x12b: {  	_ =	swait.ge [sflag:s31], $0x2800  }
0x12c: {  	[sflag:s31] =	ssyncset.done $0x0  }
0x12d: {  	s12 =	sadd.s32 $0x3080, s9;
	[sflag:s31] =	ssyncadd.s32 $0xFFFFD800  }
0x12e: {  	[spmem:s1] =	stream.indirect.scatter.add.f32 [tilespmem:s28], [sflag:$0x4], $0x80, s12, s25, $0xb8;
	[tilespmem:$0x1D000] =	vst v63  }
0x12f: {  	_ =	swait.ge [sflag:s0], $0x2800  }
0x130: {  	[sflag:s0] =	ssyncset.done $0x0  }
0x131: {  	[sflag:s0] =	ssyncadd.s32 $0xFFFFD800  }
0x132: {  	_ =	swait.ge [sflag:s29], $0x2800  }
0x133: {  	[sflag:s29] =	ssyncset.done $0x0  }
0x134: {  	[sflag:s29] =	ssyncadd.s32 $0xFFFFD800  }
0x135: {  	[spmem:s1] =	stream.indirect.scatter.add.f32 [tilespmem:s26], [sflag:$0x5], $0x80, s7, s25, $0xb8;
	[tilespmem:$0x1D000] =	vst v63  }
0x136: {  	_ =	swait.ge [sflag:s30], $0x2800  }
0x137: {  	[sflag:s30] =	ssyncset.done $0x0  }
0x138: {  	[sflag:s30] =	ssyncadd.s32 $0xFFFFD800  }
0x139: {  	_ =	swait.ge [sflag:s22], $0xC80  }
0x13a: {  	[sflag:s22] =	ssyncset.done $0x0  }
0x13b: {  	[sflag:s22] =	ssyncadd.s32 $0xFFFFF380  }
0x13c: {  	_ =	swait.ge [sflag:s22], $0xC80  }
0x13d: {  	[sflag:s22] =	ssyncset.done $0x0  }
0x13e: {  	s13 =	simm.s32 $0x0;
	[sflag:s22] =	ssyncadd.s32 $0xFFFFF380  }
0x13f: {  	[tilespmem:s26], [sflag:$0x1] =	stream.indirect.gather [hbm4b:s4+s25], $0x80, s13, s25, $0xb8;
	[tilespmem:$0x1D000] =	vst v63  }
0x140: {  	s10 =	simm.s32 $0x80  }
0x141: {  	[tilespmem:s28], [sflag:$0x2] =	stream.indirect.gather [hbm4b:s4+s25], $0x80, s10, s25, $0xb8;
	[tilespmem:$0x1D000] =	vst v63  }
0x142: {  	_ =	swait.ge [sflag:s29], $0x2800  }
0x143: {  	[sflag:s29] =	ssyncset.done $0x0  }
0x144: {  	s11 =	simm.s32 $0x1000;
	[sflag:s29] =	ssyncadd.s32 $0xFFFFD800  }
0x145: {  	[spmem:s1] =	stream.indirect.scatter.add.f32 [tilespmem:s26], [sflag:$0x5], $0x80, s11, s25, $0xb8;
	[tilespmem:$0x1D000] =	vst v63  }
0x146: {  	_ =	swait.ge [sflag:s30], $0x2800  }
0x147: {  	[sflag:s30] =	ssyncset.done $0x0  }
0x148: {  	s12 =	simm.s32 $0x100;
	[sflag:s30] =	ssyncadd.s32 $0xFFFFD800  }
0x149: {  	[tilespmem:s26], [sflag:$0x1] =	stream.indirect.gather [hbm4b:s4+s25], $0x80, s12, s25, $0xb8;
	[tilespmem:$0x1D000] =	vst v63  }
0x14a: {  	_ =	swait.ge [sflag:s31], $0x2800  }
0x14b: {  	[sflag:s31] =	ssyncset.done $0x0  }
0x14c: {  	s13 =	simm.s32 $0x1080;
	[sflag:s31] =	ssyncadd.s32 $0xFFFFD800  }
0x14d: {  	[spmem:s1] =	stream.indirect.scatter.add.f32 [tilespmem:s28], [sflag:$0x4], $0x80, s13, s25, $0xb8;
	[tilespmem:$0x1D000] =	vst v63  }
0x14e: {  	_ =	swait.ge [sflag:s0], $0x2800  }
0x14f: {  	s9 =	simm.s32 $0x100;
	s10 =	simm.s32 $0x800;
	[sflag:s0] =	ssyncset.done $0x0  }
.LBB2_10:
0x150: {  	s11 =	sadd.s32 $0x80, s9  }
0x151: {  	[sflag:s0] =	ssyncadd.s32 $0xFFFFD800;
	s12 =	smov.u32 s10;
	s13 =	sadd.s32 $0x400, s10  }
0x152: {  	[tilespmem:s28], [sflag:$0x2] =	stream.indirect.gather [hbm4b:s4+s25], $0x80, s11, s25, $0xb8;
	[tilespmem:$0x1D000] =	vst v63  }
0x153: {  	p1 =	sne.s32 s10, $0x2C00;
	_ =	swait.ge [sflag:s29], $0x2800  }
0x154: {  	[sflag:s29] =	ssyncset.done $0x0  }
0x155: {  	s10 =	sadd.s32 $0x1000, s9;
	[sflag:s29] =	ssyncadd.s32 $0xFFFFD800  }
0x156: {  	[spmem:s1] =	stream.indirect.scatter.add.f32 [tilespmem:s26], [sflag:$0x5], $0x80, s10, s25, $0xb8;
	[tilespmem:$0x1D000] =	vst v63  }
0x157: {  	_ =	swait.ge [sflag:s30], $0x2800  }
0x158: {  	[sflag:s30] =	ssyncset.done $0x0  }
0x159: {  	s10 =	sadd.s32 $0x100, s9;
	[sflag:s30] =	ssyncadd.s32 $0xFFFFD800  }
0x15a: {  	[tilespmem:s26], [sflag:$0x1] =	stream.indirect.gather [hbm4b:s4+s25], $0x80, s10, s25, $0xb8;
	[tilespmem:$0x1D000] =	vst v63  }
0x15b: {  	_ =	swait.ge [sflag:s31], $0x2800  }
.Ltmp4:
0x15c: {  	[sflag:s31] =	ssyncset.done $0x0;
	(pc) =	sbr.rel @p1 .LBB2_10-.Ltmp4, $4  }
0x15d: {  	s9 =	sadd.s32 $0x1080, s9;
	[sflag:s31] =	ssyncadd.s32 $0xFFFFD800  }
0x15e: {  	[spmem:s1] =	stream.indirect.scatter.add.f32 [tilespmem:s28], [sflag:$0x4], $0x80, s9, s25, $0xb8;
	[tilespmem:$0x1D000] =	vst v63  }
0x15f: {  	_ =	swait.ge [sflag:s0], $0x2800  }
0x160: {  	s10 =	smov.u32 s13;
	s9 =	sshra.s32 s12, $0x2;
	[sflag:s0] =	ssyncset.done $0x0  }
0x161: {  	s10 =	sadd.s32 $0x80, s9;
	[sflag:s0] =	ssyncadd.s32 $0xFFFFD800  }
0x162: {  	[tilespmem:s28], [sflag:$0x2] =	stream.indirect.gather [hbm4b:s4+s25], $0x80, s10, s25, $0xb8;
	[tilespmem:$0x1D000] =	vst v63  }
0x163: {  	_ =	swait.ge [sflag:s29], $0x2800  }
0x164: {  	[sflag:s29] =	ssyncset.done $0x0  }
0x165: {  	s12 =	sadd.s32 $0x1000, s9;
	[sflag:s29] =	ssyncadd.s32 $0xFFFFD800  }
0x166: {  	[spmem:s1] =	stream.indirect.scatter.add.f32 [tilespmem:s26], [sflag:$0x5], $0x80, s12, s25, $0xb8;
	[tilespmem:$0x1D000] =	vst v63  }
0x167: {  	_ =	swait.ge [sflag:s30], $0x2800  }
0x168: {  	[sflag:s30] =	ssyncset.done $0x0  }
0x169: {  	s13 =	sadd.s32 $0x100, s9;
	[sflag:s30] =	ssyncadd.s32 $0xFFFFD800  }
0x16a: {  	[tilespmem:s26], [sflag:$0x1] =	stream.indirect.gather [hbm4b:s4+s25], $0x80, s13, s25, $0xb8;
	[tilespmem:$0x1D000] =	vst v63  }
0x16b: {  	_ =	swait.ge [sflag:s31], $0x2800  }
0x16c: {  	[sflag:s31] =	ssyncset.done $0x0  }
0x16d: {  	s11 =	sadd.s32 $0x1080, s9;
	[sflag:s31] =	ssyncadd.s32 $0xFFFFD800  }
0x16e: {  	[spmem:s1] =	stream.indirect.scatter.add.f32 [tilespmem:s28], [sflag:$0x4], $0x80, s11, s25, $0xb8;
	[tilespmem:$0x1D000] =	vst v63  }
0x16f: {  	_ =	swait.ge [sflag:s0], $0x2800  }
0x170: {  	[sflag:s0] =	ssyncset.done $0x0  }
0x171: {  	[sflag:s0] =	ssyncadd.s32 $0xFFFFD800  }
0x172: {  	_ =	swait.ge [sflag:s29], $0x2800  }
0x173: {  	[sflag:s29] =	ssyncset.done $0x0  }
0x174: {  	[sflag:s29] =	ssyncadd.s32 $0xFFFFD800  }
0x175: {  	[spmem:s1] =	stream.indirect.scatter.add.f32 [tilespmem:s26], [sflag:$0x5], $0x80, s6, s25, $0xb8;
	[tilespmem:$0x1D000] =	vst v63  }
0x176: {  	_ =	swait.ge [sflag:s30], $0x2800  }
0x177: {  	s8 =	sadd.s32 $0x1, s8;
	s12 =	sshll.u32 s2, $0x6;
	[sflag:s30] =	ssyncset.done $0x0  }
0x178: {  	p1 =	sne.s32 s8, s19;
	s9 =	sor.u32 $0x1C04, s12;
	[sflag:s30] =	ssyncadd.s32 $0xFFFFD800  }
.Ltmp5:
0x179: {  	s13 =	sshrl.u32 s5, $0x3;
	[bflag:$0x0] =	sbarrier.arrive $0xFFFF;
	(pc) =	sbr.rel @p1 .LBB2_1-.Ltmp5, $4  }
0x17a: {  	[hbm:s18], [sflag:s9] =	dma.local [spmem:s13], $0x2800  }
0x17b: {  	_ =	swait.ge [sflag:s0], $0x2800  }
0x17c: {  	[sflag:s0] =	ssyncset.done $0x0  }
0x17d: {  	[sflag:s0] =	ssyncadd.s32 $0xFFFFD800  }
0x17e: {  	_ =	sfence.sel $0x180000  }
0x17f: {  	[bflag:$0x0] =	sbarrier.arrive $0xFFFF  }
0x180: {  	_ =	strace $0x9000004A  }
0x181: {  	[bflag:$0x2] =	sbarrier.arrive $0xFFFF  }
0x182: {  	p0 =	sne.s32 s2, $0x0;
	s0 =	rddreg [dreg:$0x2]  }
0x183: {  	s0 =	sadd.s32 @!p0 $0x100000, s0  }
0x184: {  	[sflag:s0] =	ssyncadd.tile.s32 @!p0 $0x1;
	_ =	shalt  }
.Lfunc_end2:
_tile_overlayer_lowered:
.L_overlay_start_2:
0x185: {  	(tag) =	ssettag $0x2  }
0x186: {  	s0 =	rddreg [dreg:$0x0];
	s2 =	stileid.u32  }
0x187: {  	s1 =	rddreg [dreg:$0x1];
	p0 =	sne.s32 s2, $0x0  }
0x188: {  	s3 =	rddreg [dreg:$0x2];
	[bflag:$0x3] =	sbarrier.arrive $0xFFFF;
	s2 =	simm.s32 @!p0 $0x1C04  }
0x189: {  	[timem:s3], [sflag:s2] =	dma.local @!p0 [hbm:s0], s1  }
0x18a: {  	s0 =	simm.s32 @!p0 $0x4  }
0x18b: {  	_ =	swait.ge @!p0 [sflag:s0], s1  }
0x18c: {  	s1 =	ssub.s32 @!p0 $0x0, s1;
	[sflag:s0] =	ssyncset.done @!p0 $0x0  }
0x18d: {  	[sflag:s0] =	ssyncadd.s32 @!p0 s1  }
0x18e: {  	[bflag:$0x3] =	sbarrier.arrive $0xFFFF  }
0x18f: {  	_ =	shalt  }

// kernel: kernel.14.cloned.1.call-start
scs
__scs_entry_jumppad:
0x0: {  	(pc) =	sbr.rel $0x88, $3  }
0x1: {  	(tag) =	ssettag $0x0;
	lr =	simm.s32 $0x1  }
0x2: {  	[smem:$0x3F97] =	sst lr;
	_ =	strace $0xD0000000  }
0x3: {  	_ = 	snop  }
0x4: {  	_ = 	snop  }
0x5: {  	_ = 	snop  }
0x6: {  	_ = 	snop  }
0x7: {  	_ = 	snop  }
__scs_overlays_trampoline_lowered:
0x8: {  	[smem:$0x3FA6] =	sst s0  }
0x9: {  	[smem:$0x3FA7] =	sst s1  }
0xa: {  	[smem:$0x3FA8] =	sst s2  }
0xb: {  	[smem:$0x3FA9] =	sst s3  }
0xc: {  	[smem:$0x3FAA] =	sst s4  }
0xd: {  	[smem:$0x3FAB] =	sst s5  }
0xe: {  	[smem:$0x3FAC] =	sst s6  }
0xf: {  	[smem:$0x3FAD] =	sst s7  }
0x10: {  	[smem:$0x3FAE] =	sst s8  }
0x11: {  	[smem:$0x3FAF] =	sst s9;
	s0 =	simm.s32 @!p0 $0x0  }
0x12: {  	s1 =	sld [smem:$0x3F95];
	s0 =	simm.s32 @p0 $0x1  }
0x13: {  	[smem:$0x3FB0] =	sst s0;
	s0 =	simm.s32 @!p1 $0x0  }
0x14: {  	s2 =	sld [smem:$0x3F94];
	s0 =	simm.s32 @p1 $0x1  }
0x15: {  	[smem:$0x3FB1] =	sst s0;
	s0 =	simm.s32 @!p2 $0x0  }
0x16: {  	s3 =	sld [smem:$0x3FDB];
	s0 =	simm.s32 @p2 $0x1  }
0x17: {  	s4 =	simm.s32 $0x1BF5;
	[smem:$0x3FB3] =	sst s0  }
0x18: {  	s0 =	sld [smem:$0x3F96];
	_ =	swait.ge [sflag:s4], $0x0  }
0x19: {  	s7 =	sld [smem:$0x3F97]  }
0x1a: {  	s8 =	sadd.s32 $0xFFFFE003, lr  }
0x1b: {  	s9 =	sadd.s32 $0xFFFFFEF7, lr;
	s5 =	simm.s32 $0xFFFFFFFF;
	p2 =	slt.u32 s8, $0xFFFFF086  }
0x1c: {  	p1 =	slt.u32 s9, $0xF7A;
	s5 =	simm.s32 @!p2 $0x0  }
0x1d: {  	s5 =	simm.s32 @p1 $0x1;
	p0 =	seq.s32 s7, s2  }
0x1e: {  	s7 =	smul.u32 @!p0 $0xF7A, s2;
	p2 =	seq.s32 @!p0 s5, $0x0  }
0x1f: {  	s9 =	smul.u32 $0xF7A, s1;
	s8 =	simm.s32 @!p0 $0x1BF5;
	p2 =	por !p2, p0  }
0x20: {  	[sflag:s8] =	ssyncset.s32 @!p0 $0xFFFFF086;
	s6 =	sadd.s32 @!p0 s3, s7;
	s7 =	simm.s32 @!p0 $0x108  }
0x21: {  	s3 =	sadd.s32 s3, s9;
	s6 =	sadd.s32 @!p0 $0x88, s6;
	s7 =	simm.s32 @p2 $0x1082  }
0x22: {  	[simem:s7], [sflag:s8] =	dma.local @!p0 [hbm:s6], $0xF7A  }
0x23: {  	s9 =	sor.u32 $0xD0000000, s2;
	s6 =	simm.s32 $0x108;
	_ =	swait.ge @!p0 [sflag:s8], $0x0  }
0x24: {  	s3 =	sadd.s32 $0x88, s3;
	s6 =	simm.s32 @!p1 $0x1082;
	[sflag:s4] =	ssyncset.s32 $0xFFFFF086  }
0x25: {  	[simem:s6], [sflag:s4] =	dma.local [hbm:s3], $0xF7A  }
0x26: {  	[smem:$0x3F97] =	sst s1;
	(tag) =	ssettag s2;
	_ =	strace s9  }
0x27: {  	s1 =	sld [smem:$0x3FA7]  }
0x28: {  	s2 =	sld [smem:$0x3FA8]  }
0x29: {  	s4 =	sld [smem:$0x3FAA]  }
0x2a: {  	p0 =	seq.s32 s5, $0x0;
	s5 =	sld [smem:$0x3FAB]  }
0x2b: {  	s6 =	sld [smem:$0x3FAC]  }
0x2c: {  	s7 =	sld [smem:$0x3FAD]  }
0x2d: {  	s3 =	simm.s32 $0x108;
	s8 =	sld [smem:$0x3FAE]  }
0x2e: {  	s3 =	simm.s32 @!p0 $0x1082;
	s9 =	sld [smem:$0x3FAF]  }
0x2f: {  	lr =	sadd.s32 s0, s3;
	s0 =	sld [smem:$0x3FA6]  }
0x30: {  	s3 =	sld [smem:$0x3FA9]  }
0x31: {  	[smem:$0x3FB2] =	sst s10  }
0x32: {  	s10 =	sld [smem:$0x3FB0];
	_ =	sdelay $0x3  }
0x33: {  	p0 =	seq.s32 s10, $0x1;
	s10 =	sld [smem:$0x3FB2];
	_ =	sdelay $0x3  }
0x34: {  	[smem:$0x3FB2] =	sst s10  }
0x35: {  	s10 =	sld [smem:$0x3FB1];
	_ =	sdelay $0x3  }
0x36: {  	p1 =	seq.s32 s10, $0x1;
	s10 =	sld [smem:$0x3FB2];
	_ =	sdelay $0x3  }
0x37: {  	[smem:$0x3FB2] =	sst s10  }
0x38: {  	s10 =	sld [smem:$0x3FB3]  }
0x39: {  	_ = 	snop;
	(pc) =	sbr.ind lr, $3  }
0x3a: {  	_ = 	snop  }
0x3b: {  	_ = 	snop  }
0x3c: {  	p2 =	seq.s32 s10, $0x1;
	s10 =	sld [smem:$0x3FB2]  }
0x3d: {  	_ =	shalt  }
0x3e: {  	_ =	shalt  }
0x3f: {  	_ =	shalt  }
0x40: {  	_ =	shalt  }
0x41: {  	_ =	shalt  }
0x42: {  	_ =	shalt  }
0x43: {  	_ =	shalt  }
0x44: {  	_ =	shalt  }
0x45: {  	_ =	shalt  }
0x46: {  	_ =	shalt  }
0x47: {  	_ =	shalt  }
0x48: {  	_ =	shalt  }
0x49: {  	_ =	shalt  }
0x4a: {  	_ =	shalt  }
0x4b: {  	_ =	shalt  }
0x4c: {  	_ =	shalt  }
0x4d: {  	_ =	shalt  }
0x4e: {  	_ =	shalt  }
0x4f: {  	_ =	shalt  }
0x50: {  	_ =	shalt  }
0x51: {  	_ =	shalt  }
0x52: {  	_ =	shalt  }
0x53: {  	_ =	shalt  }
0x54: {  	_ =	shalt  }
0x55: {  	_ =	shalt  }
0x56: {  	_ =	shalt  }
0x57: {  	_ =	shalt  }
0x58: {  	_ =	shalt  }
0x59: {  	_ =	shalt  }
0x5a: {  	_ =	shalt  }
0x5b: {  	_ =	shalt  }
0x5c: {  	_ =	shalt  }
0x5d: {  	_ =	shalt  }
0x5e: {  	_ =	shalt  }
0x5f: {  	_ =	shalt  }
0x60: {  	_ =	shalt  }
0x61: {  	_ =	shalt  }
0x62: {  	_ =	shalt  }
0x63: {  	_ =	shalt  }
0x64: {  	_ =	shalt  }
0x65: {  	_ =	shalt  }
0x66: {  	_ =	shalt  }
0x67: {  	_ =	shalt  }
0x68: {  	_ =	shalt  }
0x69: {  	_ =	shalt  }
0x6a: {  	_ =	shalt  }
0x6b: {  	_ =	shalt  }
0x6c: {  	_ =	shalt  }
0x6d: {  	_ =	shalt  }
0x6e: {  	_ =	shalt  }
0x6f: {  	_ =	shalt  }
0x70: {  	_ =	shalt  }
0x71: {  	_ =	shalt  }
0x72: {  	_ =	shalt  }
0x73: {  	_ =	shalt  }
0x74: {  	_ =	shalt  }
0x75: {  	_ =	shalt  }
0x76: {  	_ =	shalt  }
0x77: {  	_ =	shalt  }
0x78: {  	_ =	shalt  }
0x79: {  	_ =	shalt  }
0x7a: {  	_ =	shalt  }
0x7b: {  	_ =	shalt  }
0x7c: {  	_ =	shalt  }
0x7d: {  	_ =	shalt  }
0x7e: {  	_ =	shalt  }
0x7f: {  	_ =	shalt  }
0x80: {  	_ =	shalt  }
0x81: {  	_ =	shalt  }
0x82: {  	_ =	shalt  }
0x83: {  	_ =	shalt  }
0x84: {  	_ =	shalt  }
0x85: {  	_ =	shalt  }
0x86: {  	_ =	shalt  }
0x87: {  	_ =	shalt  }
.Lfunc_end0:
.L_simem_size_0:
called_computation.2_lowered:
.L_overlay_start_0:
0x88: {  	s2 =	sld [smem:$0x3FD9]  }
0x89: {  	s3 =	sld [smem:$0x3FFE];
	_ =	sdelay $0x1  }
0x8a: {  	s1 =	srdreg.scid  }
0x8b: {  	s0 =	sand.u32 $0x1, s1  }
0x8c: {  	s16 =	sshll.u32 s0, $0xA;
	s2 =	sadd.s32 s3, s2  }
0x8d: {  	s2 =	sadd.s32 s2, s16  }
0x8e: {  	[smem:$0x3FBE] =	sst s2  }
0x8f: {  	_ = 	snop  }
0x90: {  	(tm) =	ssettm $0x1  }
0x91: {  	s17 =	sld [smem:$0x3FFB];
	_ =	sdelay $0x3  }
0x92: {  	_ =	strace s17  }
0x93: {  	s2 =	sld [smem:$0x3FFC];
	_ =	sdelay $0x3  }
0x94: {  	_ =	strace s2  }
0x95: {  	s2 =	sld [smem:$0x3FFD];
	_ =	sdelay $0x3  }
0x96: {  	_ =	strace s2  }
0x97: {  	_ =	strace $0x8FFFFFFF  }
0x98: {  	s18 =	sld [smem:$0x3FDB];
	_ =	sdelay $0x1  }
0x99: {  	s19 =	simm.s32 $_scs_section_size  }
0x9a: {  	s4 =	simm.s32 $_size__tile_overlayer_lowered;
	s5 =	simm.s32 $_tile_overlayer_lowered  }
0x9b: {  	s22 =	simm.s32 $0x1BFF;
	s21 =	sshll.u32 s5, $0x1;
	s2 =	sadd.s32 s19, s18  }
0x9c: {  	s6 =	simm.s32 $0x0;
	s20 =	sshll.u32 s4, $0x1;
	s4 =	sadd.s32 s21, s2  }
0x9d: {  	[timem:s6], [sflag:s22] =	dma.local [hbm:s4], s20  }
0x9e: {  	_ =	swait.ge [sflag:s22], s20  }
0x9f: {  	s3 =	ssub.s32 $0x0, s20;
	[sflag:s22] =	ssyncset.done $0x0  }
0xa0: {  	[sflag:s22] =	ssyncadd.s32 s3;
	_ =	sdelay $0x1  }
0xa1: {  	s23 =	simm.s32 $0x1B8B  }
0xa2: {  	_ =	swait.ge [sflag:s23], $0x1  }
0xa3: {  	[sflag:s23] =	ssyncset.done $0x0  }
0xa4: {  	s25 =	simm.s32 $0x1B8E;
	s24 =	sld [smem:$0x3FFE];
	[sflag:s23] =	ssyncadd.s32 $0xFFFFFFFF  }
0xa5: {  	s26 =	simm.s32 $execute0_lowered;
	[smem:$0x3FD2] =	sst s25  }
0xa6: {  	s4 =	sshll.u32 s26, $0x1;
	_ =	strace $0x8000004C;
	[dreg:$0x1] =	wrdreg $0xFFFFFFFF  }
0xa7: {  	s28 =	simm.s32 $_size_execute0_lowered;
	s2 =	sadd.s32 s2, s4;
	[dreg:$0x0] =	wrdreg $0x0  }
0xa8: {  	s4 =	sshll.u32 s28, $0x1;
	[dreg:$0x2] =	wrdreg s2  }
0xa9: {  	[dreg:$0x3] =	wrdreg s4  }
0xaa: {  	[dreg:$0x4] =	wrdreg $0xC0  }
0xab: {  	_ =	task [dreg:s6], $0x5FFFF  }
0xac: {  	[dreg:$0x1] =	wrdreg $0xFFFFFFFF  }
0xad: {  	[dreg:$0x0] =	wrdreg $0x60  }
0xae: {  	[dreg:$0x2] =	wrdreg s24  }
0xaf: {  	[dreg:$0x3] =	wrdreg $0x90000  }
0xb0: {  	[dreg:$0x4] =	wrdreg $0x9  }
0xb1: {  	_ =	task.clear_ibuf [dreg:s6], $0x5FFFF;
	_ =	strace $0x9000004C  }
0xb2: {  	s29 =	simm.s32 $0x9;
	_ =	strace $0x8000004E  }
0xb3: {  	_ =	swait.ge [sflag:s29], $0x1  }
0xb4: {  	[sflag:s29] =	ssyncadd.s32 $0xFFFFFFFF  }
0xb5: {  	_ =	strace $0x9000004E  }
0xb6: {  	_ =	sfence  }
0xb7: {  	s30 =	sld [smem:$0x0];
	_ =	sdelay $0x2  }
0xb8: {  	s31 =	sshll.u32 s1, $0xD;
	s1 =	sshrl.u32 s1, $0x2  }
0xb9: {  	s3 =	sand.u32 $0x4000, s31;
	s1 =	sadd.s32 s1, s30  }
0xba: {  	s0 =	sor.u32 s3, s0;
	s1 =	sshll.u32 s1, $0x11  }
0xbb: {  	s0 =	sor.u32 s1, s0  }
0xbc: {  	s0 =	sadd.s32 $0x8F2B, s0  }
0xbd: {  	[sflag:s0] =	ssyncadd.remote.s32 $0x1  }
0xbe: {  	_ =	sfence.sel $0xFFFF  }
0xbf: {  	[dreg:$0x0] =	wrdreg $0xFFFFFFFF;
	(pc) =	sbr.abs _section_cstart, $3  }
0xc0: {  	[dreg:$0x1] =	wrdreg $0xFFFFFFFF  }
0xc1: {  	_ =	task.clear_ibuf [dreg:s6], $0x2FFFF;
	_ =	strace $0x9FFFFFFF  }
0xc2: {  	(tm) =	ssettm $0x7FFFFFFF  }
0xc3: {  	_ =	shalt  }
tec
execute0_lowered:
.L_overlay_start_1:
0x0: {  	(tag) =	ssettag $0x1  }
0x1: {  	s0 =	rddreg [dreg:$0x0]  }
0x2: {  	s1 =	rddreg [dreg:$0x1];
	s2 =	srdreg.scid;
	s3 =	simm.s32 $0x0  }
0x3: {  	s28 =	simm.s32 $0x6800;
	s29 =	simm.s32 $0x1;
	s30 =	simm.s32 $0x5  }
0x4: {  	s31 =	simm.s32 $0x2;
	s5 =	sand.u32 $0x1, s2;
	s2 =	stileid.u32  }
0x5: {  	[smem:$0x7FF] =	sst s3;
	s4 =	sadd.s32 $0x3000, s0;
	s6 =	smul.u32 $0x140000, s5  }
0x6: {  	s8 =	sadd.s32 $0x77000, s0;
	s9 =	sadd.s32 $0x63000, s0;
	s7 =	smul.u32 $0x14000, s2  }
0x7: {  	_ =	strace $0x8000004D;
	s16 =	sshll.u32 s2, $0x1;
	s10 =	smul.u32 $0x50000, s2  }
0x8: {  	s11 =	ssub.s32 $0x2, s5;
	s17 =	smul.u32 $0x2800, s2;
	p0 =	seq.s32 s2, $0xF  }
0x9: {  	s5 =	sor.u32 s5, s16;
	s12 =	sshrl.u32 s11, $0x1;
	s6 =	sadd.s32 s7, s6  }
0xa: {  	s10 =	sshrl.u32 s10, $0x2;
	s13 =	smul.u32 $0x5000, s5;
	s19 =	ssub.s32 s11, s12  }
0xb: {  	s7 =	sadd.s32 s4, s17;
	s6 =	sshrl.u32 s6, $0x3;
	s5 =	sadd.s32 s10, s1  }
0xc: {  	[dreg:$0x3] =	wrdreg s7;
	s7 =	sadd.s32 $0x12C000, s1;
	s19 =	smax.u32 s19, $0x1  }
0xd: {  	s6 =	sadd.s32 s6, s0;
	s18 =	sshrl.u32 s13, $0x3;
	s0 =	sadd.s32 $0x28800, s0  }
0xe: {  	[dreg:$0x4] =	wrdreg s0;
	s20 =	sadd.s32 s8, s18;
	s21 =	sadd.s32 $0x200, s18  }
0xf: {  	s22 =	sadd.s32 s9, s18;
	s13 =	sadd.s32 $0x400, s18;
	s25 =	sadd.s32 $0x600, s18  }
0x10: {  	s10 =	sadd.s32 $0x800, s18;
	s18 =	sadd.s32 $0x8B000, s6;
	[dreg:$0x5] =	wrdreg s20  }
0x11: {  	s6 =	simm.s32 $0x1C00;
	[dreg:$0x6] =	wrdreg s22;
	s23 =	sadd.s32 s8, s21  }
0x12: {  	s0 =	sadd.s32 s9, s21;
	s24 =	sadd.s32 s8, s13;
	s26 =	sadd.s32 s9, s13  }
0x13: {  	s14 =	sadd.s32 s8, s25;
	s15 =	sadd.s32 s9, s25;
	s16 =	sadd.s32 s8, s10  }
0x14: {  	s17 =	sadd.s32 s9, s10;
	s20 =	sshrl.u32 @p0 s7, $0x3;
	[dreg:$0x7] =	wrdreg s23  }
0x15: {  	s21 =	simm.s32 $0x1000;
	s22 =	simm.s32 $0x3;
	[dreg:$0x8] =	wrdreg s0  }
0x16: {  	s25 =	simm.s32 $0x50;
	s7 =	simm.s32 $0x3C00;
	[dreg:$0x9] =	wrdreg s24  }
0x17: {  	s8 =	simm.s32 $0x0;
	[dreg:$0xa] =	wrdreg s26;
	s23 =	simm.s32 $0x2000  }
0x18: {  	s24 =	simm.s32 $0x3000;
	s26 =	simm.s32 $0x4000;
	s0 =	simm.s32 $0x4  }
.LBB2_1:
0x19: {  	s9 =	simm.s32 @p0 $0x1FC4;
	s10 =	rddreg [dreg:$0x4]  }
0x1a: {  	[spmem:s20], [sflag:s9] =	dma.local @p0 [hbm:s10], $0x1900  }
0x1b: {  	s9 =	simm.s32 @p0 $0x4  }
0x1c: {  	_ =	swait.ge @p0 [sflag:s9], $0x1900  }
0x1d: {  	s10 =	sshll.u32 @!p0 s2, $0x6;
	[sflag:s9] =	ssyncset.done @p0 $0x0;
	s11 =	rddreg [dreg:$0x3]  }
0x1e: {  	[sflag:s9] =	ssyncadd.s32 @p0 $0xFFFFE700;
	s9 =	sor.u32 @!p0 $0x1C04, s10;
	s10 =	sshrl.u32 @!p0 s5, $0x3  }
0x1f: {  	[spmem:s10], [sflag:s9] =	dma.local @!p0 [hbm:s11], $0x2800  }
0x20: {  	s9 =	simm.s32 @!p0 $0x4  }
0x21: {  	_ =	swait.ge @!p0 [sflag:s9], $0x2800  }
0x22: {  	[sflag:s9] =	ssyncset.done @!p0 $0x0  }
0x23: {  	[sflag:s9] =	ssyncadd.s32 @!p0 $0xFFFFD800  }
0x24: {  	[bflag:$0x0] =	sbarrier.arrive $0xFFFF  }
0x25: {  	s10 =	rddreg [dreg:$0x5]  }
0x26: {  	[tilespmem:s3], [sflag:$0x3] =	stream.linear.gather [hbm4b:s10+s3], $0xC80, $0x38;
	[tilespmem:$0x1D000] =	vst v63  }
0x27: {  	s11 =	rddreg [dreg:$0x6]  }
0x28: {  	[tilespmem:s21], [sflag:$0x3] =	stream.linear.gather [hbm4b:s11+s3], $0xC80, $0x38;
	[tilespmem:$0x1D000] =	vst v63  }
0x29: {  	_ =	swait.ge [sflag:s22], $0xC80  }
0x2a: {  	[sflag:s22] =	ssyncset.done $0x0  }
0x2b: {  	[sflag:s22] =	ssyncadd.s32 $0xFFFFF380  }
0x2c: {  	_ =	swait.ge [sflag:s22], $0xC80  }
0x2d: {  	[sflag:s22] =	ssyncset.done $0x0  }
0x2e: {  	s12 =	rddreg [dreg:$0x7];
	[sflag:s22] =	ssyncadd.s32 $0xFFFFF380  }
0x2f: {  	[tilespmem:s23], [sflag:$0x3] =	stream.linear.gather [hbm4b:s12+s3], $0xC80, $0x38;
	[tilespmem:$0x1D000] =	vst v63  }
0x30: {  	s13 =	rddreg [dreg:$0x8]  }
0x31: {  	[tilespmem:s24], [sflag:$0x3] =	stream.linear.gather [hbm4b:s13+s3], $0xC80, $0x38;
	[tilespmem:$0x1D000] =	vst v63  }
0x32: {  	_ = 	snop  }
0x33: {  	[tilespmem:s26], [sflag:$0x1] =	stream.indirect.gather [hbm4b:s4+s25], $0x80, s3, s25, $0xb8;
	[tilespmem:$0x1D000] =	vst v63  }
0x34: {  	s10 =	simm.s32 $0x80  }
0x35: {  	[tilespmem:s28], [sflag:$0x2] =	stream.indirect.gather [hbm4b:s4+s25], $0x80, s10, s25, $0xb8;
	[tilespmem:$0x1D000] =	vst v63  }
0x36: {  	_ =	swait.ge [sflag:s29], $0x2800  }
0x37: {  	[sflag:s29] =	ssyncset.done $0x0  }
0x38: {  	s11 =	simm.s32 $0x1000;
	[sflag:s29] =	ssyncadd.s32 $0xFFFFD800  }
0x39: {  	[spmem:s1] =	stream.indirect.scatter.add.f32 [tilespmem:s26], [sflag:$0x5], $0x80, s11, s25, $0xb8;
	[tilespmem:$0x1D000] =	vst v63  }
0x3a: {  	_ =	swait.ge [sflag:s30], $0x2800  }
0x3b: {  	[sflag:s30] =	ssyncset.done $0x0  }
0x3c: {  	s12 =	simm.s32 $0x100;
	[sflag:s30] =	ssyncadd.s32 $0xFFFFD800  }
0x3d: {  	[tilespmem:s26], [sflag:$0x1] =	stream.indirect.gather [hbm4b:s4+s25], $0x80, s12, s25, $0xb8;
	[tilespmem:$0x1D000] =	vst v63  }
0x3e: {  	_ =	swait.ge [sflag:s31], $0x2800  }
0x3f: {  	[sflag:s31] =	ssyncset.done $0x0  }
0x40: {  	s13 =	simm.s32 $0x1080;
	[sflag:s31] =	ssyncadd.s32 $0xFFFFD800  }
0x41: {  	[spmem:s1] =	stream.indirect.scatter.add.f32 [tilespmem:s28], [sflag:$0x4], $0x80, s13, s25, $0xb8;
	[tilespmem:$0x1D000] =	vst v63  }
0x42: {  	_ =	swait.ge [sflag:s0], $0x2800  }
0x43: {  	s9 =	simm.s32 $0x100;
	s10 =	simm.s32 $0x800;
	[sflag:s0] =	ssyncset.done $0x0  }
.LBB2_2:
0x44: {  	s11 =	sadd.s32 $0x80, s9  }
0x45: {  	[sflag:s0] =	ssyncadd.s32 $0xFFFFD800;
	s12 =	smov.u32 s10;
	s13 =	sadd.s32 $0x400, s10  }
0x46: {  	[tilespmem:s28], [sflag:$0x2] =	stream.indirect.gather [hbm4b:s4+s25], $0x80, s11, s25, $0xb8;
	[tilespmem:$0x1D000] =	vst v63  }
0x47: {  	p1 =	sne.s32 s10, $0x2C00;
	_ =	swait.ge [sflag:s29], $0x2800  }
0x48: {  	[sflag:s29] =	ssyncset.done $0x0  }
0x49: {  	s10 =	sadd.s32 $0x1000, s9;
	[sflag:s29] =	ssyncadd.s32 $0xFFFFD800  }
0x4a: {  	[spmem:s1] =	stream.indirect.scatter.add.f32 [tilespmem:s26], [sflag:$0x5], $0x80, s10, s25, $0xb8;
	[tilespmem:$0x1D000] =	vst v63  }
0x4b: {  	_ =	swait.ge [sflag:s30], $0x2800  }
0x4c: {  	[sflag:s30] =	ssyncset.done $0x0  }
0x4d: {  	s10 =	sadd.s32 $0x100, s9;
	[sflag:s30] =	ssyncadd.s32 $0xFFFFD800  }
0x4e: {  	[tilespmem:s26], [sflag:$0x1] =	stream.indirect.gather [hbm4b:s4+s25], $0x80, s10, s25, $0xb8;
	[tilespmem:$0x1D000] =	vst v63  }
0x4f: {  	_ =	swait.ge [sflag:s31], $0x2800  }
.Ltmp0:
0x50: {  	[sflag:s31] =	ssyncset.done $0x0;
	(pc) =	sbr.rel @p1 .LBB2_2-.Ltmp0, $4  }
0x51: {  	s9 =	sadd.s32 $0x1080, s9;
	[sflag:s31] =	ssyncadd.s32 $0xFFFFD800  }
0x52: {  	[spmem:s1] =	stream.indirect.scatter.add.f32 [tilespmem:s28], [sflag:$0x4], $0x80, s9, s25, $0xb8;
	[tilespmem:$0x1D000] =	vst v63  }
0x53: {  	_ =	swait.ge [sflag:s0], $0x2800  }
0x54: {  	s10 =	smov.u32 s13;
	s9 =	sshra.s32 s12, $0x2;
	[sflag:s0] =	ssyncset.done $0x0  }
0x55: {  	s10 =	sadd.s32 $0x80, s9;
	[sflag:s0] =	ssyncadd.s32 $0xFFFFD800  }
0x56: {  	[tilespmem:s28], [sflag:$0x2] =	stream.indirect.gather [hbm4b:s4+s25], $0x80, s10, s25, $0xb8;
	[tilespmem:$0x1D000] =	vst v63  }
0x57: {  	_ =	swait.ge [sflag:s29], $0x2800  }
0x58: {  	[sflag:s29] =	ssyncset.done $0x0  }
0x59: {  	s12 =	sadd.s32 $0x1000, s9;
	[sflag:s29] =	ssyncadd.s32 $0xFFFFD800  }
0x5a: {  	[spmem:s1] =	stream.indirect.scatter.add.f32 [tilespmem:s26], [sflag:$0x5], $0x80, s12, s25, $0xb8;
	[tilespmem:$0x1D000] =	vst v63  }
0x5b: {  	_ =	swait.ge [sflag:s30], $0x2800  }
0x5c: {  	[sflag:s30] =	ssyncset.done $0x0  }
0x5d: {  	s13 =	sadd.s32 $0x100, s9;
	[sflag:s30] =	ssyncadd.s32 $0xFFFFD800  }
0x5e: {  	[tilespmem:s26], [sflag:$0x1] =	stream.indirect.gather [hbm4b:s4+s25], $0x80, s13, s25, $0xb8;
	[tilespmem:$0x1D000] =	vst v63  }
0x5f: {  	_ =	swait.ge [sflag:s31], $0x2800  }
0x60: {  	[sflag:s31] =	ssyncset.done $0x0  }
0x61: {  	s10 =	sadd.s32 $0x1080, s9;
	[sflag:s31] =	ssyncadd.s32 $0xFFFFD800  }
0x62: {  	[spmem:s1] =	stream.indirect.scatter.add.f32 [tilespmem:s28], [sflag:$0x4], $0x80, s10, s25, $0xb8;
	[tilespmem:$0x1D000] =	vst v63  }
0x63: {  	_ =	swait.ge [sflag:s0], $0x2800  }
0x64: {  	[sflag:s0] =	ssyncset.done $0x0  }
0x65: {  	[sflag:s0] =	ssyncadd.s32 $0xFFFFD800  }
0x66: {  	_ =	swait.ge [sflag:s29], $0x2800  }
0x67: {  	[sflag:s29] =	ssyncset.done $0x0  }
0x68: {  	[sflag:s29] =	ssyncadd.s32 $0xFFFFD800  }
0x69: {  	[spmem:s1] =	stream.indirect.scatter.add.f32 [tilespmem:s26], [sflag:$0x5], $0x80, s6, s25, $0xb8;
	[tilespmem:$0x1D000] =	vst v63  }
0x6a: {  	_ =	swait.ge [sflag:s30], $0x2800  }
0x6b: {  	[sflag:s30] =	ssyncset.done $0x0  }
0x6c: {  	[sflag:s30] =	ssyncadd.s32 $0xFFFFD800  }
0x6d: {  	_ =	swait.ge [sflag:s22], $0xC80  }
0x6e: {  	[sflag:s22] =	ssyncset.done $0x0  }
0x6f: {  	[sflag:s22] =	ssyncadd.s32 $0xFFFFF380  }
0x70: {  	_ =	swait.ge [sflag:s22], $0xC80  }
0x71: {  	[sflag:s22] =	ssyncset.done $0x0  }
0x72: {  	s11 =	simm.s32 $0x0;
	s12 =	rddreg [dreg:$0x9];
	[sflag:s22] =	ssyncadd.s32 $0xFFFFF380  }
0x73: {  	[tilespmem:s11], [sflag:$0x3] =	stream.linear.gather [hbm4b:s12+s11], $0xC80, $0x38;
	[tilespmem:$0x1D000] =	vst v63  }
0x74: {  	s13 =	rddreg [dreg:$0xa]  }
0x75: {  	[tilespmem:s21], [sflag:$0x3] =	stream.linear.gather [hbm4b:s13+s11], $0xC80, $0x38;
	[tilespmem:$0x1D000] =	vst v63  }
0x76: {  	_ = 	snop  }
0x77: {  	[tilespmem:s26], [sflag:$0x1] =	stream.indirect.gather [hbm4b:s4+s25], $0x80, s23, s25, $0xb8;
	[tilespmem:$0x1D000] =	vst v63  }
0x78: {  	s10 =	simm.s32 $0x2080  }
0x79: {  	[tilespmem:s28], [sflag:$0x2] =	stream.indirect.gather [hbm4b:s4+s25], $0x80, s10, s25, $0xb8;
	[tilespmem:$0x1D000] =	vst v63  }
0x7a: {  	_ =	swait.ge [sflag:s29], $0x2800  }
0x7b: {  	[sflag:s29] =	ssyncset.done $0x0  }
0x7c: {  	s11 =	simm.s32 $0x3000;
	[sflag:s29] =	ssyncadd.s32 $0xFFFFD800  }
0x7d: {  	[spmem:s1] =	stream.indirect.scatter.add.f32 [tilespmem:s26], [sflag:$0x5], $0x80, s11, s25, $0xb8;
	[tilespmem:$0x1D000] =	vst v63  }
0x7e: {  	_ =	swait.ge [sflag:s30], $0x2800  }
0x7f: {  	[sflag:s30] =	ssyncset.done $0x0  }
0x80: {  	s12 =	simm.s32 $0x2100;
	[sflag:s30] =	ssyncadd.s32 $0xFFFFD800  }
0x81: {  	[tilespmem:s26], [sflag:$0x1] =	stream.indirect.gather [hbm4b:s4+s25], $0x80, s12, s25, $0xb8;
	[tilespmem:$0x1D000] =	vst v63  }
0x82: {  	_ =	swait.ge [sflag:s31], $0x2800  }
0x83: {  	[sflag:s31] =	ssyncset.done $0x0  }
0x84: {  	s13 =	simm.s32 $0x3080;
	[sflag:s31] =	ssyncadd.s32 $0xFFFFD800  }
0x85: {  	[spmem:s1] =	stream.indirect.scatter.add.f32 [tilespmem:s28], [sflag:$0x4], $0x80, s13, s25, $0xb8;
	[tilespmem:$0x1D000] =	vst v63  }
0x86: {  	_ =	swait.ge [sflag:s0], $0x2800  }
0x87: {  	s9 =	simm.s32 $0x100;
	s10 =	simm.s32 $0x800;
	[sflag:s0] =	ssyncset.done $0x0  }
.LBB2_4:
0x88: {  	s11 =	sadd.s32 $0x2080, s9  }
0x89: {  	[sflag:s0] =	ssyncadd.s32 $0xFFFFD800;
	s12 =	smov.u32 s10;
	s13 =	sadd.s32 $0x400, s10  }
0x8a: {  	[tilespmem:s28], [sflag:$0x2] =	stream.indirect.gather [hbm4b:s4+s25], $0x80, s11, s25, $0xb8;
	[tilespmem:$0x1D000] =	vst v63  }
0x8b: {  	p1 =	sne.s32 s10, $0x2C00;
	_ =	swait.ge [sflag:s29], $0x2800  }
0x8c: {  	[sflag:s29] =	ssyncset.done $0x0  }
0x8d: {  	s10 =	sadd.s32 $0x3000, s9;
	[sflag:s29] =	ssyncadd.s32 $0xFFFFD800  }
0x8e: {  	[spmem:s1] =	stream.indirect.scatter.add.f32 [tilespmem:s26], [sflag:$0x5], $0x80, s10, s25, $0xb8;
	[tilespmem:$0x1D000] =	vst v63  }
0x8f: {  	_ =	swait.ge [sflag:s30], $0x2800  }
0x90: {  	[sflag:s30] =	ssyncset.done $0x0  }
0x91: {  	s10 =	sadd.s32 $0x2100, s9;
	[sflag:s30] =	ssyncadd.s32 $0xFFFFD800  }
0x92: {  	[tilespmem:s26], [sflag:$0x1] =	stream.indirect.gather [hbm4b:s4+s25], $0x80, s10, s25, $0xb8;
	[tilespmem:$0x1D000] =	vst v63  }
0x93: {  	_ =	swait.ge [sflag:s31], $0x2800  }
.Ltmp1:
0x94: {  	[sflag:s31] =	ssyncset.done $0x0;
	(pc) =	sbr.rel @p1 .LBB2_4-.Ltmp1, $4  }
0x95: {  	s9 =	sadd.s32 $0x3080, s9;
	[sflag:s31] =	ssyncadd.s32 $0xFFFFD800  }
0x96: {  	[spmem:s1] =	stream.indirect.scatter.add.f32 [tilespmem:s28], [sflag:$0x4], $0x80, s9, s25, $0xb8;
	[tilespmem:$0x1D000] =	vst v63  }
0x97: {  	_ =	swait.ge [sflag:s0], $0x2800  }
0x98: {  	s10 =	smov.u32 s13;
	s9 =	sshra.s32 s12, $0x2;
	[sflag:s0] =	ssyncset.done $0x0  }
0x99: {  	s10 =	sadd.s32 $0x2080, s9;
	[sflag:s0] =	ssyncadd.s32 $0xFFFFD800  }
0x9a: {  	[tilespmem:s28], [sflag:$0x2] =	stream.indirect.gather [hbm4b:s4+s25], $0x80, s10, s25, $0xb8;
	[tilespmem:$0x1D000] =	vst v63  }
0x9b: {  	_ =	swait.ge [sflag:s29], $0x2800  }
0x9c: {  	[sflag:s29] =	ssyncset.done $0x0  }
0x9d: {  	s13 =	sadd.s32 $0x3000, s9;
	[sflag:s29] =	ssyncadd.s32 $0xFFFFD800  }
0x9e: {  	[spmem:s1] =	stream.indirect.scatter.add.f32 [tilespmem:s26], [sflag:$0x5], $0x80, s13, s25, $0xb8;
	[tilespmem:$0x1D000] =	vst v63  }
0x9f: {  	_ =	swait.ge [sflag:s30], $0x2800  }
0xa0: {  	[sflag:s30] =	ssyncset.done $0x0  }
0xa1: {  	s11 =	sadd.s32 $0x2100, s9;
	[sflag:s30] =	ssyncadd.s32 $0xFFFFD800  }
0xa2: {  	[tilespmem:s26], [sflag:$0x1] =	stream.indirect.gather [hbm4b:s4+s25], $0x80, s11, s25, $0xb8;
	[tilespmem:$0x1D000] =	vst v63  }
0xa3: {  	_ =	swait.ge [sflag:s31], $0x2800  }
0xa4: {  	[sflag:s31] =	ssyncset.done $0x0  }
0xa5: {  	s12 =	sadd.s32 $0x3080, s9;
	[sflag:s31] =	ssyncadd.s32 $0xFFFFD800  }
0xa6: {  	[spmem:s1] =	stream.indirect.scatter.add.f32 [tilespmem:s28], [sflag:$0x4], $0x80, s12, s25, $0xb8;
	[tilespmem:$0x1D000] =	vst v63  }
0xa7: {  	_ =	swait.ge [sflag:s0], $0x2800  }
0xa8: {  	[sflag:s0] =	ssyncset.done $0x0  }
0xa9: {  	[sflag:s0] =	ssyncadd.s32 $0xFFFFD800  }
0xaa: {  	_ =	swait.ge [sflag:s29], $0x2800  }
0xab: {  	[sflag:s29] =	ssyncset.done $0x0  }
0xac: {  	[sflag:s29] =	ssyncadd.s32 $0xFFFFD800  }
0xad: {  	[spmem:s1] =	stream.indirect.scatter.add.f32 [tilespmem:s26], [sflag:$0x5], $0x80, s7, s25, $0xb8;
	[tilespmem:$0x1D000] =	vst v63  }
0xae: {  	_ =	swait.ge [sflag:s30], $0x2800  }
0xaf: {  	[sflag:s30] =	ssyncset.done $0x0  }
0xb0: {  	[sflag:s30] =	ssyncadd.s32 $0xFFFFD800  }
0xb1: {  	_ =	swait.ge [sflag:s22], $0xC80  }
0xb2: {  	[sflag:s22] =	ssyncset.done $0x0  }
0xb3: {  	[sflag:s22] =	ssyncadd.s32 $0xFFFFF380  }
0xb4: {  	_ =	swait.ge [sflag:s22], $0xC80  }
0xb5: {  	[sflag:s22] =	ssyncset.done $0x0  }
0xb6: {  	s13 =	simm.s32 $0x0;
	[sflag:s22] =	ssyncadd.s32 $0xFFFFF380  }
0xb7: {  	[tilespmem:s23], [sflag:$0x3] =	stream.linear.gather [hbm4b:s14+s13], $0xC80, $0x38;
	[tilespmem:$0x1D000] =	vst v63  }
0xb8: {  	_ = 	snop  }
0xb9: {  	[tilespmem:s24], [sflag:$0x3] =	stream.linear.gather [hbm4b:s15+s13], $0xC80, $0x38;
	[tilespmem:$0x1D000] =	vst v63  }
0xba: {  	_ = 	snop  }
0xbb: {  	[tilespmem:s26], [sflag:$0x1] =	stream.indirect.gather [hbm4b:s4+s25], $0x80, s13, s25, $0xb8;
	[tilespmem:$0x1D000] =	vst v63  }
0xbc: {  	s10 =	simm.s32 $0x80  }
0xbd: {  	[tilespmem:s28], [sflag:$0x2] =	stream.indirect.gather [hbm4b:s4+s25], $0x80, s10, s25, $0xb8;
	[tilespmem:$0x1D000] =	vst v63  }
0xbe: {  	_ =	swait.ge [sflag:s29], $0x2800  }
0xbf: {  	[sflag:s29] =	ssyncset.done $0x0  }
0xc0: {  	s11 =	simm.s32 $0x1000;
	[sflag:s29] =	ssyncadd.s32 $0xFFFFD800  }
0xc1: {  	[spmem:s1] =	stream.indirect.scatter.add.f32 [tilespmem:s26], [sflag:$0x5], $0x80, s11, s25, $0xb8;
	[tilespmem:$0x1D000] =	vst v63  }
0xc2: {  	_ =	swait.ge [sflag:s30], $0x2800  }
0xc3: {  	[sflag:s30] =	ssyncset.done $0x0  }
0xc4: {  	s12 =	simm.s32 $0x100;
	[sflag:s30] =	ssyncadd.s32 $0xFFFFD800  }
0xc5: {  	[tilespmem:s26], [sflag:$0x1] =	stream.indirect.gather [hbm4b:s4+s25], $0x80, s12, s25, $0xb8;
	[tilespmem:$0x1D000] =	vst v63  }
0xc6: {  	_ =	swait.ge [sflag:s31], $0x2800  }
0xc7: {  	[sflag:s31] =	ssyncset.done $0x0  }
0xc8: {  	s13 =	simm.s32 $0x1080;
	[sflag:s31] =	ssyncadd.s32 $0xFFFFD800  }
0xc9: {  	[spmem:s1] =	stream.indirect.scatter.add.f32 [tilespmem:s28], [sflag:$0x4], $0x80, s13, s25, $0xb8;
	[tilespmem:$0x1D000] =	vst v63  }
0xca: {  	_ =	swait.ge [sflag:s0], $0x2800  }
0xcb: {  	s9 =	simm.s32 $0x100;
	s10 =	simm.s32 $0x800;
	[sflag:s0] =	ssyncset.done $0x0  }
.LBB2_6:
0xcc: {  	s11 =	sadd.s32 $0x80, s9  }
0xcd: {  	[sflag:s0] =	ssyncadd.s32 $0xFFFFD800;
	s12 =	smov.u32 s10;
	s13 =	sadd.s32 $0x400, s10  }
0xce: {  	[tilespmem:s28], [sflag:$0x2] =	stream.indirect.gather [hbm4b:s4+s25], $0x80, s11, s25, $0xb8;
	[tilespmem:$0x1D000] =	vst v63  }
0xcf: {  	p1 =	sne.s32 s10, $0x2C00;
	_ =	swait.ge [sflag:s29], $0x2800  }
0xd0: {  	[sflag:s29] =	ssyncset.done $0x0  }
0xd1: {  	s10 =	sadd.s32 $0x1000, s9;
	[sflag:s29] =	ssyncadd.s32 $0xFFFFD800  }
0xd2: {  	[spmem:s1] =	stream.indirect.scatter.add.f32 [tilespmem:s26], [sflag:$0x5], $0x80, s10, s25, $0xb8;
	[tilespmem:$0x1D000] =	vst v63  }
0xd3: {  	_ =	swait.ge [sflag:s30], $0x2800  }
0xd4: {  	[sflag:s30] =	ssyncset.done $0x0  }
0xd5: {  	s10 =	sadd.s32 $0x100, s9;
	[sflag:s30] =	ssyncadd.s32 $0xFFFFD800  }
0xd6: {  	[tilespmem:s26], [sflag:$0x1] =	stream.indirect.gather [hbm4b:s4+s25], $0x80, s10, s25, $0xb8;
	[tilespmem:$0x1D000] =	vst v63  }
0xd7: {  	_ =	swait.ge [sflag:s31], $0x2800  }
.Ltmp2:
0xd8: {  	[sflag:s31] =	ssyncset.done $0x0;
	(pc) =	sbr.rel @p1 .LBB2_6-.Ltmp2, $4  }
0xd9: {  	s9 =	sadd.s32 $0x1080, s9;
	[sflag:s31] =	ssyncadd.s32 $0xFFFFD800  }
0xda: {  	[spmem:s1] =	stream.indirect.scatter.add.f32 [tilespmem:s28], [sflag:$0x4], $0x80, s9, s25, $0xb8;
	[tilespmem:$0x1D000] =	vst v63  }
0xdb: {  	_ =	swait.ge [sflag:s0], $0x2800  }
0xdc: {  	s10 =	smov.u32 s13;
	s9 =	sshra.s32 s12, $0x2;
	[sflag:s0] =	ssyncset.done $0x0  }
0xdd: {  	s10 =	sadd.s32 $0x80, s9;
	[sflag:s0] =	ssyncadd.s32 $0xFFFFD800  }
0xde: {  	[tilespmem:s28], [sflag:$0x2] =	stream.indirect.gather [hbm4b:s4+s25], $0x80, s10, s25, $0xb8;
	[tilespmem:$0x1D000] =	vst v63  }
0xdf: {  	_ =	swait.ge [sflag:s29], $0x2800  }
0xe0: {  	[sflag:s29] =	ssyncset.done $0x0  }
0xe1: {  	s13 =	sadd.s32 $0x1000, s9;
	[sflag:s29] =	ssyncadd.s32 $0xFFFFD800  }
0xe2: {  	[spmem:s1] =	stream.indirect.scatter.add.f32 [tilespmem:s26], [sflag:$0x5], $0x80, s13, s25, $0xb8;
	[tilespmem:$0x1D000] =	vst v63  }
0xe3: {  	_ =	swait.ge [sflag:s30], $0x2800  }
0xe4: {  	[sflag:s30] =	ssyncset.done $0x0  }
0xe5: {  	s11 =	sadd.s32 $0x100, s9;
	[sflag:s30] =	ssyncadd.s32 $0xFFFFD800  }
0xe6: {  	[tilespmem:s26], [sflag:$0x1] =	stream.indirect.gather [hbm4b:s4+s25], $0x80, s11, s25, $0xb8;
	[tilespmem:$0x1D000] =	vst v63  }
0xe7: {  	_ =	swait.ge [sflag:s31], $0x2800  }
0xe8: {  	[sflag:s31] =	ssyncset.done $0x0  }
0xe9: {  	s12 =	sadd.s32 $0x1080, s9;
	[sflag:s31] =	ssyncadd.s32 $0xFFFFD800  }
0xea: {  	[spmem:s1] =	stream.indirect.scatter.add.f32 [tilespmem:s28], [sflag:$0x4], $0x80, s12, s25, $0xb8;
	[tilespmem:$0x1D000] =	vst v63  }
0xeb: {  	_ =	swait.ge [sflag:s0], $0x2800  }
0xec: {  	[sflag:s0] =	ssyncset.done $0x0  }
0xed: {  	[sflag:s0] =	ssyncadd.s32 $0xFFFFD800  }
0xee: {  	_ =	swait.ge [sflag:s29], $0x2800  }
0xef: {  	[sflag:s29] =	ssyncset.done $0x0  }
0xf0: {  	[sflag:s29] =	ssyncadd.s32 $0xFFFFD800  }
0xf1: {  	[spmem:s1] =	stream.indirect.scatter.add.f32 [tilespmem:s26], [sflag:$0x5], $0x80, s6, s25, $0xb8;
	[tilespmem:$0x1D000] =	vst v63  }
0xf2: {  	_ =	swait.ge [sflag:s30], $0x2800  }
0xf3: {  	[sflag:s30] =	ssyncset.done $0x0  }
0xf4: {  	[sflag:s30] =	ssyncadd.s32 $0xFFFFD800  }
0xf5: {  	_ =	swait.ge [sflag:s22], $0xC80  }
0xf6: {  	[sflag:s22] =	ssyncset.done $0x0  }
0xf7: {  	[sflag:s22] =	ssyncadd.s32 $0xFFFFF380  }
0xf8: {  	_ =	swait.ge [sflag:s22], $0xC80  }
0xf9: {  	[sflag:s22] =	ssyncset.done $0x0  }
0xfa: {  	s13 =	simm.s32 $0x0;
	[sflag:s22] =	ssyncadd.s32 $0xFFFFF380  }
0xfb: {  	[tilespmem:s13], [sflag:$0x3] =	stream.linear.gather [hbm4b:s16+s13], $0xC80, $0x38;
	[tilespmem:$0x1D000] =	vst v63  }
0xfc: {  	_ = 	snop  }
0xfd: {  	[tilespmem:s21], [sflag:$0x3] =	stream.linear.gather [hbm4b:s17+s13], $0xC80, $0x38;
	[tilespmem:$0x1D000] =	vst v63  }
0xfe: {  	_ = 	snop  }
0xff: {  	[tilespmem:s26], [sflag:$0x1] =	stream.indirect.gather [hbm4b:s4+s25], $0x80, s23, s25, $0xb8;
	[tilespmem:$0x1D000] =	vst v63  }
0x100: {  	s10 =	simm.s32 $0x2080  }
0x101: {  	[tilespmem:s28], [sflag:$0x2] =	stream.indirect.gather [hbm4b:s4+s25], $0x80, s10, s25, $0xb8;
	[tilespmem:$0x1D000] =	vst v63  }
0x102: {  	_ =	swait.ge [sflag:s29], $0x2800  }
0x103: {  	[sflag:s29] =	ssyncset.done $0x0  }
0x104: {  	s11 =	simm.s32 $0x3000;
	[sflag:s29] =	ssyncadd.s32 $0xFFFFD800  }
0x105: {  	[spmem:s1] =	stream.indirect.scatter.add.f32 [tilespmem:s26], [sflag:$0x5], $0x80, s11, s25, $0xb8;
	[tilespmem:$0x1D000] =	vst v63  }
0x106: {  	_ =	swait.ge [sflag:s30], $0x2800  }
0x107: {  	[sflag:s30] =	ssyncset.done $0x0  }
0x108: {  	s12 =	simm.s32 $0x2100;
	[sflag:s30] =	ssyncadd.s32 $0xFFFFD800  }
0x109: {  	[tilespmem:s26], [sflag:$0x1] =	stream.indirect.gather [hbm4b:s4+s25], $0x80, s12, s25, $0xb8;
	[tilespmem:$0x1D000] =	vst v63  }
0x10a: {  	_ =	swait.ge [sflag:s31], $0x2800  }
0x10b: {  	[sflag:s31] =	ssyncset.done $0x0  }
0x10c: {  	s13 =	simm.s32 $0x3080;
	[sflag:s31] =	ssyncadd.s32 $0xFFFFD800  }
0x10d: {  	[spmem:s1] =	stream.indirect.scatter.add.f32 [tilespmem:s28], [sflag:$0x4], $0x80, s13, s25, $0xb8;
	[tilespmem:$0x1D000] =	vst v63  }
0x10e: {  	_ =	swait.ge [sflag:s0], $0x2800  }
0x10f: {  	s9 =	simm.s32 $0x100;
	s10 =	simm.s32 $0x800;
	[sflag:s0] =	ssyncset.done $0x0  }
.LBB2_8:
0x110: {  	s11 =	sadd.s32 $0x2080, s9  }
0x111: {  	[sflag:s0] =	ssyncadd.s32 $0xFFFFD800;
	s12 =	smov.u32 s10;
	s13 =	sadd.s32 $0x400, s10  }
0x112: {  	[tilespmem:s28], [sflag:$0x2] =	stream.indirect.gather [hbm4b:s4+s25], $0x80, s11, s25, $0xb8;
	[tilespmem:$0x1D000] =	vst v63  }
0x113: {  	p1 =	sne.s32 s10, $0x2C00;
	_ =	swait.ge [sflag:s29], $0x2800  }
0x114: {  	[sflag:s29] =	ssyncset.done $0x0  }
0x115: {  	s10 =	sadd.s32 $0x3000, s9;
	[sflag:s29] =	ssyncadd.s32 $0xFFFFD800  }
0x116: {  	[spmem:s1] =	stream.indirect.scatter.add.f32 [tilespmem:s26], [sflag:$0x5], $0x80, s10, s25, $0xb8;
	[tilespmem:$0x1D000] =	vst v63  }
0x117: {  	_ =	swait.ge [sflag:s30], $0x2800  }
0x118: {  	[sflag:s30] =	ssyncset.done $0x0  }
0x119: {  	s10 =	sadd.s32 $0x2100, s9;
	[sflag:s30] =	ssyncadd.s32 $0xFFFFD800  }
0x11a: {  	[tilespmem:s26], [sflag:$0x1] =	stream.indirect.gather [hbm4b:s4+s25], $0x80, s10, s25, $0xb8;
	[tilespmem:$0x1D000] =	vst v63  }
0x11b: {  	_ =	swait.ge [sflag:s31], $0x2800  }
.Ltmp3:
0x11c: {  	[sflag:s31] =	ssyncset.done $0x0;
	(pc) =	sbr.rel @p1 .LBB2_8-.Ltmp3, $4  }
0x11d: {  	s9 =	sadd.s32 $0x3080, s9;
	[sflag:s31] =	ssyncadd.s32 $0xFFFFD800  }
0x11e: {  	[spmem:s1] =	stream.indirect.scatter.add.f32 [tilespmem:s28], [sflag:$0x4], $0x80, s9, s25, $0xb8;
	[tilespmem:$0x1D000] =	vst v63  }
0x11f: {  	_ =	swait.ge [sflag:s0], $0x2800  }
0x120: {  	s10 =	smov.u32 s13;
	s9 =	sshra.s32 s12, $0x2;
	[sflag:s0] =	ssyncset.done $0x0  }
0x121: {  	s10 =	sadd.s32 $0x2080, s9;
	[sflag:s0] =	ssyncadd.s32 $0xFFFFD800  }
0x122: {  	[tilespmem:s28], [sflag:$0x2] =	stream.indirect.gather [hbm4b:s4+s25], $0x80, s10, s25, $0xb8;
	[tilespmem:$0x1D000] =	vst v63  }
0x123: {  	_ =	swait.ge [sflag:s29], $0x2800  }
0x124: {  	[sflag:s29] =	ssyncset.done $0x0  }
0x125: {  	s13 =	sadd.s32 $0x3000, s9;
	[sflag:s29] =	ssyncadd.s32 $0xFFFFD800  }
0x126: {  	[spmem:s1] =	stream.indirect.scatter.add.f32 [tilespmem:s26], [sflag:$0x5], $0x80, s13, s25, $0xb8;
	[tilespmem:$0x1D000] =	vst v63  }
0x127: {  	_ =	swait.ge [sflag:s30], $0x2800  }
0x128: {  	[sflag:s30] =	ssyncset.done $0x0  }
0x129: {  	s11 =	sadd.s32 $0x2100, s9;
	[sflag:s30] =	ssyncadd.s32 $0xFFFFD800  }
0x12a: {  	[tilespmem:s26], [sflag:$0x1] =	stream.indirect.gather [hbm4b:s4+s25], $0x80, s11, s25, $0xb8;
	[tilespmem:$0x1D000] =	vst v63  }
0x12b: {  	_ =	swait.ge [sflag:s31], $0x2800  }
0x12c: {  	[sflag:s31] =	ssyncset.done $0x0  }
0x12d: {  	s12 =	sadd.s32 $0x3080, s9;
	[sflag:s31] =	ssyncadd.s32 $0xFFFFD800  }
0x12e: {  	[spmem:s1] =	stream.indirect.scatter.add.f32 [tilespmem:s28], [sflag:$0x4], $0x80, s12, s25, $0xb8;
	[tilespmem:$0x1D000] =	vst v63  }
0x12f: {  	_ =	swait.ge [sflag:s0], $0x2800  }
0x130: {  	[sflag:s0] =	ssyncset.done $0x0  }
0x131: {  	[sflag:s0] =	ssyncadd.s32 $0xFFFFD800  }
0x132: {  	_ =	swait.ge [sflag:s29], $0x2800  }
0x133: {  	[sflag:s29] =	ssyncset.done $0x0  }
0x134: {  	[sflag:s29] =	ssyncadd.s32 $0xFFFFD800  }
0x135: {  	[spmem:s1] =	stream.indirect.scatter.add.f32 [tilespmem:s26], [sflag:$0x5], $0x80, s7, s25, $0xb8;
	[tilespmem:$0x1D000] =	vst v63  }
0x136: {  	_ =	swait.ge [sflag:s30], $0x2800  }
0x137: {  	[sflag:s30] =	ssyncset.done $0x0  }
0x138: {  	[sflag:s30] =	ssyncadd.s32 $0xFFFFD800  }
0x139: {  	_ =	swait.ge [sflag:s22], $0xC80  }
0x13a: {  	[sflag:s22] =	ssyncset.done $0x0  }
0x13b: {  	[sflag:s22] =	ssyncadd.s32 $0xFFFFF380  }
0x13c: {  	_ =	swait.ge [sflag:s22], $0xC80  }
0x13d: {  	[sflag:s22] =	ssyncset.done $0x0  }
0x13e: {  	s13 =	simm.s32 $0x0;
	[sflag:s22] =	ssyncadd.s32 $0xFFFFF380  }
0x13f: {  	[tilespmem:s26], [sflag:$0x1] =	stream.indirect.gather [hbm4b:s4+s25], $0x80, s13, s25, $0xb8;
	[tilespmem:$0x1D000] =	vst v63  }
0x140: {  	s10 =	simm.s32 $0x80  }
0x141: {  	[tilespmem:s28], [sflag:$0x2] =	stream.indirect.gather [hbm4b:s4+s25], $0x80, s10, s25, $0xb8;
	[tilespmem:$0x1D000] =	vst v63  }
0x142: {  	_ =	swait.ge [sflag:s29], $0x2800  }
0x143: {  	[sflag:s29] =	ssyncset.done $0x0  }
0x144: {  	s11 =	simm.s32 $0x1000;
	[sflag:s29] =	ssyncadd.s32 $0xFFFFD800  }
0x145: {  	[spmem:s1] =	stream.indirect.scatter.add.f32 [tilespmem:s26], [sflag:$0x5], $0x80, s11, s25, $0xb8;
	[tilespmem:$0x1D000] =	vst v63  }
0x146: {  	_ =	swait.ge [sflag:s30], $0x2800  }
0x147: {  	[sflag:s30] =	ssyncset.done $0x0  }
0x148: {  	s12 =	simm.s32 $0x100;
	[sflag:s30] =	ssyncadd.s32 $0xFFFFD800  }
0x149: {  	[tilespmem:s26], [sflag:$0x1] =	stream.indirect.gather [hbm4b:s4+s25], $0x80, s12, s25, $0xb8;
	[tilespmem:$0x1D000] =	vst v63  }
0x14a: {  	_ =	swait.ge [sflag:s31], $0x2800  }
0x14b: {  	[sflag:s31] =	ssyncset.done $0x0  }
0x14c: {  	s13 =	simm.s32 $0x1080;
	[sflag:s31] =	ssyncadd.s32 $0xFFFFD800  }
0x14d: {  	[spmem:s1] =	stream.indirect.scatter.add.f32 [tilespmem:s28], [sflag:$0x4], $0x80, s13, s25, $0xb8;
	[tilespmem:$0x1D000] =	vst v63  }
0x14e: {  	_ =	swait.ge [sflag:s0], $0x2800  }
0x14f: {  	s9 =	simm.s32 $0x100;
	s10 =	simm.s32 $0x800;
	[sflag:s0] =	ssyncset.done $0x0  }
.LBB2_10:
0x150: {  	s11 =	sadd.s32 $0x80, s9  }
0x151: {  	[sflag:s0] =	ssyncadd.s32 $0xFFFFD800;
	s12 =	smov.u32 s10;
	s13 =	sadd.s32 $0x400, s10  }
0x152: {  	[tilespmem:s28], [sflag:$0x2] =	stream.indirect.gather [hbm4b:s4+s25], $0x80, s11, s25, $0xb8;
	[tilespmem:$0x1D000] =	vst v63  }
0x153: {  	p1 =	sne.s32 s10, $0x2C00;
	_ =	swait.ge [sflag:s29], $0x2800  }
0x154: {  	[sflag:s29] =	ssyncset.done $0x0  }
0x155: {  	s10 =	sadd.s32 $0x1000, s9;
	[sflag:s29] =	ssyncadd.s32 $0xFFFFD800  }
0x156: {  	[spmem:s1] =	stream.indirect.scatter.add.f32 [tilespmem:s26], [sflag:$0x5], $0x80, s10, s25, $0xb8;
	[tilespmem:$0x1D000] =	vst v63  }
0x157: {  	_ =	swait.ge [sflag:s30], $0x2800  }
0x158: {  	[sflag:s30] =	ssyncset.done $0x0  }
0x159: {  	s10 =	sadd.s32 $0x100, s9;
	[sflag:s30] =	ssyncadd.s32 $0xFFFFD800  }
0x15a: {  	[tilespmem:s26], [sflag:$0x1] =	stream.indirect.gather [hbm4b:s4+s25], $0x80, s10, s25, $0xb8;
	[tilespmem:$0x1D000] =	vst v63  }
0x15b: {  	_ =	swait.ge [sflag:s31], $0x2800  }
.Ltmp4:
0x15c: {  	[sflag:s31] =	ssyncset.done $0x0;
	(pc) =	sbr.rel @p1 .LBB2_10-.Ltmp4, $4  }
0x15d: {  	s9 =	sadd.s32 $0x1080, s9;
	[sflag:s31] =	ssyncadd.s32 $0xFFFFD800  }
0x15e: {  	[spmem:s1] =	stream.indirect.scatter.add.f32 [tilespmem:s28], [sflag:$0x4], $0x80, s9, s25, $0xb8;
	[tilespmem:$0x1D000] =	vst v63  }
0x15f: {  	_ =	swait.ge [sflag:s0], $0x2800  }
0x160: {  	s10 =	smov.u32 s13;
	s9 =	sshra.s32 s12, $0x2;
	[sflag:s0] =	ssyncset.done $0x0  }
0x161: {  	s10 =	sadd.s32 $0x80, s9;
	[sflag:s0] =	ssyncadd.s32 $0xFFFFD800  }
0x162: {  	[tilespmem:s28], [sflag:$0x2] =	stream.indirect.gather [hbm4b:s4+s25], $0x80, s10, s25, $0xb8;
	[tilespmem:$0x1D000] =	vst v63  }
0x163: {  	_ =	swait.ge [sflag:s29], $0x2800  }
0x164: {  	[sflag:s29] =	ssyncset.done $0x0  }
0x165: {  	s12 =	sadd.s32 $0x1000, s9;
	[sflag:s29] =	ssyncadd.s32 $0xFFFFD800  }
0x166: {  	[spmem:s1] =	stream.indirect.scatter.add.f32 [tilespmem:s26], [sflag:$0x5], $0x80, s12, s25, $0xb8;
	[tilespmem:$0x1D000] =	vst v63  }
0x167: {  	_ =	swait.ge [sflag:s30], $0x2800  }
0x168: {  	[sflag:s30] =	ssyncset.done $0x0  }
0x169: {  	s13 =	sadd.s32 $0x100, s9;
	[sflag:s30] =	ssyncadd.s32 $0xFFFFD800  }
0x16a: {  	[tilespmem:s26], [sflag:$0x1] =	stream.indirect.gather [hbm4b:s4+s25], $0x80, s13, s25, $0xb8;
	[tilespmem:$0x1D000] =	vst v63  }
0x16b: {  	_ =	swait.ge [sflag:s31], $0x2800  }
0x16c: {  	[sflag:s31] =	ssyncset.done $0x0  }
0x16d: {  	s11 =	sadd.s32 $0x1080, s9;
	[sflag:s31] =	ssyncadd.s32 $0xFFFFD800  }
0x16e: {  	[spmem:s1] =	stream.indirect.scatter.add.f32 [tilespmem:s28], [sflag:$0x4], $0x80, s11, s25, $0xb8;
	[tilespmem:$0x1D000] =	vst v63  }
0x16f: {  	_ =	swait.ge [sflag:s0], $0x2800  }
0x170: {  	[sflag:s0] =	ssyncset.done $0x0  }
0x171: {  	[sflag:s0] =	ssyncadd.s32 $0xFFFFD800  }
0x172: {  	_ =	swait.ge [sflag:s29], $0x2800  }
0x173: {  	[sflag:s29] =	ssyncset.done $0x0  }
0x174: {  	[sflag:s29] =	ssyncadd.s32 $0xFFFFD800  }
0x175: {  	[spmem:s1] =	stream.indirect.scatter.add.f32 [tilespmem:s26], [sflag:$0x5], $0x80, s6, s25, $0xb8;
	[tilespmem:$0x1D000] =	vst v63  }
0x176: {  	_ =	swait.ge [sflag:s30], $0x2800  }
0x177: {  	s8 =	sadd.s32 $0x1, s8;
	s12 =	sshll.u32 s2, $0x6;
	[sflag:s30] =	ssyncset.done $0x0  }
0x178: {  	p1 =	sne.s32 s8, s19;
	s9 =	sor.u32 $0x1C04, s12;
	[sflag:s30] =	ssyncadd.s32 $0xFFFFD800  }
.Ltmp5:
0x179: {  	s13 =	sshrl.u32 s5, $0x3;
	[bflag:$0x0] =	sbarrier.arrive $0xFFFF;
	(pc) =	sbr.rel @p1 .LBB2_1-.Ltmp5, $4  }
0x17a: {  	[hbm:s18], [sflag:s9] =	dma.local [spmem:s13], $0x2800  }
0x17b: {  	_ =	swait.ge [sflag:s0], $0x2800  }
0x17c: {  	[sflag:s0] =	ssyncset.done $0x0  }
0x17d: {  	[sflag:s0] =	ssyncadd.s32 $0xFFFFD800  }
0x17e: {  	_ =	sfence.sel $0x180000  }
0x17f: {  	[bflag:$0x0] =	sbarrier.arrive $0xFFFF  }
0x180: {  	_ =	strace $0x9000004D  }
0x181: {  	[bflag:$0x2] =	sbarrier.arrive $0xFFFF  }
0x182: {  	p0 =	sne.s32 s2, $0x0;
	s0 =	rddreg [dreg:$0x2]  }
0x183: {  	s0 =	sadd.s32 @!p0 $0x100000, s0  }
0x184: {  	[sflag:s0] =	ssyncadd.tile.s32 @!p0 $0x1;
	_ =	shalt  }
.Lfunc_end2:
_tile_overlayer_lowered:
.L_overlay_start_2:
0x185: {  	(tag) =	ssettag $0x2  }
0x186: {  	s0 =	rddreg [dreg:$0x0];
	s2 =	stileid.u32  }
0x187: {  	s1 =	rddreg [dreg:$0x1];
	p0 =	sne.s32 s2, $0x0  }
0x188: {  	s3 =	rddreg [dreg:$0x2];
	[bflag:$0x3] =	sbarrier.arrive $0xFFFF;
	s2 =	simm.s32 @!p0 $0x1C04  }
0x189: {  	[timem:s3], [sflag:s2] =	dma.local @!p0 [hbm:s0], s1  }
0x18a: {  	s0 =	simm.s32 @!p0 $0x4  }
0x18b: {  	_ =	swait.ge @!p0 [sflag:s0], s1  }
0x18c: {  	s1 =	ssub.s32 @!p0 $0x0, s1;
	[sflag:s0] =	ssyncset.done @!p0 $0x0  }
0x18d: {  	[sflag:s0] =	ssyncadd.s32 @!p0 s1  }
0x18e: {  	[bflag:$0x3] =	sbarrier.arrive $0xFFFF  }
0x18f: {  	_ =	shalt  }

// kernel: kernel.8.cloned.1.call-start
scs
__scs_entry_jumppad:
0x0: {  	(pc) =	sbr.rel $0x88, $3  }
0x1: {  	(tag) =	ssettag $0x0;
	lr =	simm.s32 $0x1  }
0x2: {  	[smem:$0x3F97] =	sst lr;
	_ =	strace $0xD0000000  }
0x3: {  	_ = 	snop  }
0x4: {  	_ = 	snop  }
0x5: {  	_ = 	snop  }
0x6: {  	_ = 	snop  }
0x7: {  	_ = 	snop  }
__scs_overlays_trampoline_lowered:
0x8: {  	[smem:$0x3FA6] =	sst s0  }
0x9: {  	[smem:$0x3FA7] =	sst s1  }
0xa: {  	[smem:$0x3FA8] =	sst s2  }
0xb: {  	[smem:$0x3FA9] =	sst s3  }
0xc: {  	[smem:$0x3FAA] =	sst s4  }
0xd: {  	[smem:$0x3FAB] =	sst s5  }
0xe: {  	[smem:$0x3FAC] =	sst s6  }
0xf: {  	[smem:$0x3FAD] =	sst s7  }
0x10: {  	[smem:$0x3FAE] =	sst s8  }
0x11: {  	[smem:$0x3FAF] =	sst s9;
	s0 =	simm.s32 @!p0 $0x0  }
0x12: {  	s1 =	sld [smem:$0x3F95];
	s0 =	simm.s32 @p0 $0x1  }
0x13: {  	[smem:$0x3FB0] =	sst s0;
	s0 =	simm.s32 @!p1 $0x0  }
0x14: {  	s2 =	sld [smem:$0x3F94];
	s0 =	simm.s32 @p1 $0x1  }
0x15: {  	[smem:$0x3FB1] =	sst s0;
	s0 =	simm.s32 @!p2 $0x0  }
0x16: {  	s3 =	sld [smem:$0x3FDB];
	s0 =	simm.s32 @p2 $0x1  }
0x17: {  	s4 =	simm.s32 $0x1BF5;
	[smem:$0x3FB3] =	sst s0  }
0x18: {  	s0 =	sld [smem:$0x3F96];
	_ =	swait.ge [sflag:s4], $0x0  }
0x19: {  	s7 =	sld [smem:$0x3F97]  }
0x1a: {  	s8 =	sadd.s32 $0xFFFFE003, lr  }
0x1b: {  	s9 =	sadd.s32 $0xFFFFFEF7, lr;
	s5 =	simm.s32 $0xFFFFFFFF;
	p2 =	slt.u32 s8, $0xFFFFF086  }
0x1c: {  	p1 =	slt.u32 s9, $0xF7A;
	s5 =	simm.s32 @!p2 $0x0  }
0x1d: {  	s5 =	simm.s32 @p1 $0x1;
	p0 =	seq.s32 s7, s2  }
0x1e: {  	s7 =	smul.u32 @!p0 $0xF7A, s2;
	p2 =	seq.s32 @!p0 s5, $0x0  }
0x1f: {  	s9 =	smul.u32 $0xF7A, s1;
	s8 =	simm.s32 @!p0 $0x1BF5;
	p2 =	por !p2, p0  }
0x20: {  	[sflag:s8] =	ssyncset.s32 @!p0 $0xFFFFF086;
	s6 =	sadd.s32 @!p0 s3, s7;
	s7 =	simm.s32 @!p0 $0x108  }
0x21: {  	s3 =	sadd.s32 s3, s9;
	s6 =	sadd.s32 @!p0 $0x88, s6;
	s7 =	simm.s32 @p2 $0x1082  }
0x22: {  	[simem:s7], [sflag:s8] =	dma.local @!p0 [hbm:s6], $0xF7A  }
0x23: {  	s9 =	sor.u32 $0xD0000000, s2;
	s6 =	simm.s32 $0x108;
	_ =	swait.ge @!p0 [sflag:s8], $0x0  }
0x24: {  	s3 =	sadd.s32 $0x88, s3;
	s6 =	simm.s32 @!p1 $0x1082;
	[sflag:s4] =	ssyncset.s32 $0xFFFFF086  }
0x25: {  	[simem:s6], [sflag:s4] =	dma.local [hbm:s3], $0xF7A  }
0x26: {  	[smem:$0x3F97] =	sst s1;
	(tag) =	ssettag s2;
	_ =	strace s9  }
0x27: {  	s1 =	sld [smem:$0x3FA7]  }
0x28: {  	s2 =	sld [smem:$0x3FA8]  }
0x29: {  	s4 =	sld [smem:$0x3FAA]  }
0x2a: {  	p0 =	seq.s32 s5, $0x0;
	s5 =	sld [smem:$0x3FAB]  }
0x2b: {  	s6 =	sld [smem:$0x3FAC]  }
0x2c: {  	s7 =	sld [smem:$0x3FAD]  }
0x2d: {  	s3 =	simm.s32 $0x108;
	s8 =	sld [smem:$0x3FAE]  }
0x2e: {  	s3 =	simm.s32 @!p0 $0x1082;
	s9 =	sld [smem:$0x3FAF]  }
0x2f: {  	lr =	sadd.s32 s0, s3;
	s0 =	sld [smem:$0x3FA6]  }
0x30: {  	s3 =	sld [smem:$0x3FA9]  }
0x31: {  	[smem:$0x3FB2] =	sst s10  }
0x32: {  	s10 =	sld [smem:$0x3FB0];
	_ =	sdelay $0x3  }
0x33: {  	p0 =	seq.s32 s10, $0x1;
	s10 =	sld [smem:$0x3FB2];
	_ =	sdelay $0x3  }
0x34: {  	[smem:$0x3FB2] =	sst s10  }
0x35: {  	s10 =	sld [smem:$0x3FB1];
	_ =	sdelay $0x3  }
0x36: {  	p1 =	seq.s32 s10, $0x1;
	s10 =	sld [smem:$0x3FB2];
	_ =	sdelay $0x3  }
0x37: {  	[smem:$0x3FB2] =	sst s10  }
0x38: {  	s10 =	sld [smem:$0x3FB3]  }
0x39: {  	_ = 	snop;
	(pc) =	sbr.ind lr, $3  }
0x3a: {  	_ = 	snop  }
0x3b: {  	_ = 	snop  }
0x3c: {  	p2 =	seq.s32 s10, $0x1;
	s10 =	sld [smem:$0x3FB2]  }
0x3d: {  	_ =	shalt  }
0x3e: {  	_ =	shalt  }
0x3f: {  	_ =	shalt  }
0x40: {  	_ =	shalt  }
0x41: {  	_ =	shalt  }
0x42: {  	_ =	shalt  }
0x43: {  	_ =	shalt  }
0x44: {  	_ =	shalt  }
0x45: {  	_ =	shalt  }
0x46: {  	_ =	shalt  }
0x47: {  	_ =	shalt  }
0x48: {  	_ =	shalt  }
0x49: {  	_ =	shalt  }
0x4a: {  	_ =	shalt  }
0x4b: {  	_ =	shalt  }
0x4c: {  	_ =	shalt  }
0x4d: {  	_ =	shalt  }
0x4e: {  	_ =	shalt  }
0x4f: {  	_ =	shalt  }
0x50: {  	_ =	shalt  }
0x51: {  	_ =	shalt  }
0x52: {  	_ =	shalt  }
0x53: {  	_ =	shalt  }
0x54: {  	_ =	shalt  }
0x55: {  	_ =	shalt  }
0x56: {  	_ =	shalt  }
0x57: {  	_ =	shalt  }
0x58: {  	_ =	shalt  }
0x59: {  	_ =	shalt  }
0x5a: {  	_ =	shalt  }
0x5b: {  	_ =	shalt  }
0x5c: {  	_ =	shalt  }
0x5d: {  	_ =	shalt  }
0x5e: {  	_ =	shalt  }
0x5f: {  	_ =	shalt  }
0x60: {  	_ =	shalt  }
0x61: {  	_ =	shalt  }
0x62: {  	_ =	shalt  }
0x63: {  	_ =	shalt  }
0x64: {  	_ =	shalt  }
0x65: {  	_ =	shalt  }
0x66: {  	_ =	shalt  }
0x67: {  	_ =	shalt  }
0x68: {  	_ =	shalt  }
0x69: {  	_ =	shalt  }
0x6a: {  	_ =	shalt  }
0x6b: {  	_ =	shalt  }
0x6c: {  	_ =	shalt  }
0x6d: {  	_ =	shalt  }
0x6e: {  	_ =	shalt  }
0x6f: {  	_ =	shalt  }
0x70: {  	_ =	shalt  }
0x71: {  	_ =	shalt  }
0x72: {  	_ =	shalt  }
0x73: {  	_ =	shalt  }
0x74: {  	_ =	shalt  }
0x75: {  	_ =	shalt  }
0x76: {  	_ =	shalt  }
0x77: {  	_ =	shalt  }
0x78: {  	_ =	shalt  }
0x79: {  	_ =	shalt  }
0x7a: {  	_ =	shalt  }
0x7b: {  	_ =	shalt  }
0x7c: {  	_ =	shalt  }
0x7d: {  	_ =	shalt  }
0x7e: {  	_ =	shalt  }
0x7f: {  	_ =	shalt  }
0x80: {  	_ =	shalt  }
0x81: {  	_ =	shalt  }
0x82: {  	_ =	shalt  }
0x83: {  	_ =	shalt  }
0x84: {  	_ =	shalt  }
0x85: {  	_ =	shalt  }
0x86: {  	_ =	shalt  }
0x87: {  	_ =	shalt  }
.Lfunc_end0:
.L_simem_size_0:
called_computation_lowered:
.L_overlay_start_0:
0x88: {  	s2 =	sld [smem:$0x3FD9]  }
0x89: {  	s3 =	sld [smem:$0x3FFE];
	_ =	sdelay $0x1  }
0x8a: {  	s1 =	srdreg.scid  }
0x8b: {  	s0 =	sand.u32 $0x1, s1  }
0x8c: {  	s16 =	sshll.u32 s0, $0xA;
	s2 =	sadd.s32 s3, s2  }
0x8d: {  	s2 =	sadd.s32 s2, s16  }
0x8e: {  	[smem:$0x3FBE] =	sst s2  }
0x8f: {  	_ = 	snop  }
0x90: {  	(tm) =	ssettm $0x1  }
0x91: {  	s17 =	sld [smem:$0x3FFB];
	_ =	sdelay $0x3  }
0x92: {  	_ =	strace s17  }
0x93: {  	s2 =	sld [smem:$0x3FFC];
	_ =	sdelay $0x3  }
0x94: {  	_ =	strace s2  }
0x95: {  	s2 =	sld [smem:$0x3FFD];
	_ =	sdelay $0x3  }
0x96: {  	_ =	strace s2  }
0x97: {  	_ =	strace $0x8FFFFFFF  }
0x98: {  	s18 =	sld [smem:$0x3FDB];
	_ =	sdelay $0x1  }
0x99: {  	s19 =	simm.s32 $_scs_section_size  }
0x9a: {  	s4 =	simm.s32 $_size__tile_overlayer_lowered;
	s5 =	simm.s32 $_tile_overlayer_lowered  }
0x9b: {  	s22 =	simm.s32 $0x1BFF;
	s21 =	sshll.u32 s5, $0x1;
	s2 =	sadd.s32 s19, s18  }
0x9c: {  	s6 =	simm.s32 $0x0;
	s20 =	sshll.u32 s4, $0x1;
	s4 =	sadd.s32 s21, s2  }
0x9d: {  	[timem:s6], [sflag:s22] =	dma.local [hbm:s4], s20  }
0x9e: {  	_ =	swait.ge [sflag:s22], s20  }
0x9f: {  	s3 =	ssub.s32 $0x0, s20;
	[sflag:s22] =	ssyncset.done $0x0  }
0xa0: {  	[sflag:s22] =	ssyncadd.s32 s3;
	_ =	sdelay $0x1  }
0xa1: {  	s23 =	simm.s32 $0x1B8B  }
0xa2: {  	_ =	swait.ge [sflag:s23], $0x1  }
0xa3: {  	[sflag:s23] =	ssyncset.done $0x0  }
0xa4: {  	s25 =	simm.s32 $0x1B8E;
	s24 =	sld [smem:$0x3FFE];
	[sflag:s23] =	ssyncadd.s32 $0xFFFFFFFF  }
0xa5: {  	s26 =	simm.s32 $execute0_lowered;
	[smem:$0x3FD2] =	sst s25  }
0xa6: {  	s4 =	sshll.u32 s26, $0x1;
	_ =	strace $0x80000046;
	[dreg:$0x1] =	wrdreg $0xFFFFFFFF  }
0xa7: {  	s28 =	simm.s32 $_size_execute0_lowered;
	s2 =	sadd.s32 s2, s4;
	[dreg:$0x0] =	wrdreg $0x0  }
0xa8: {  	s4 =	sshll.u32 s28, $0x1;
	[dreg:$0x2] =	wrdreg s2  }
0xa9: {  	[dreg:$0x3] =	wrdreg s4  }
0xaa: {  	[dreg:$0x4] =	wrdreg $0xC0  }
0xab: {  	_ =	task [dreg:s6], $0x5FFFF  }
0xac: {  	[dreg:$0x1] =	wrdreg $0xFFFFFFFF  }
0xad: {  	[dreg:$0x0] =	wrdreg $0x60  }
0xae: {  	[dreg:$0x2] =	wrdreg s24  }
0xaf: {  	[dreg:$0x3] =	wrdreg $0x90000  }
0xb0: {  	[dreg:$0x4] =	wrdreg $0x9  }
0xb1: {  	_ =	task.clear_ibuf [dreg:s6], $0x5FFFF;
	_ =	strace $0x90000046  }
0xb2: {  	s29 =	simm.s32 $0x9;
	_ =	strace $0x80000048  }
0xb3: {  	_ =	swait.ge [sflag:s29], $0x1  }
0xb4: {  	[sflag:s29] =	ssyncadd.s32 $0xFFFFFFFF  }
0xb5: {  	_ =	strace $0x90000048  }
0xb6: {  	_ =	sfence  }
0xb7: {  	s30 =	sld [smem:$0x0];
	_ =	sdelay $0x2  }
0xb8: {  	s31 =	sshll.u32 s1, $0xD;
	s1 =	sshrl.u32 s1, $0x2  }
0xb9: {  	s3 =	sand.u32 $0x4000, s31;
	s1 =	sadd.s32 s1, s30  }
0xba: {  	s0 =	sor.u32 s3, s0;
	s1 =	sshll.u32 s1, $0x11  }
0xbb: {  	s0 =	sor.u32 s1, s0  }
0xbc: {  	s0 =	sadd.s32 $0x8F2B, s0  }
0xbd: {  	[sflag:s0] =	ssyncadd.remote.s32 $0x1  }
0xbe: {  	_ =	sfence.sel $0xFFFF  }
0xbf: {  	[dreg:$0x0] =	wrdreg $0xFFFFFFFF;
	(pc) =	sbr.abs _section_cstart, $3  }
0xc0: {  	[dreg:$0x1] =	wrdreg $0xFFFFFFFF  }
0xc1: {  	_ =	task.clear_ibuf [dreg:s6], $0x2FFFF;
	_ =	strace $0x9FFFFFFF  }
0xc2: {  	(tm) =	ssettm $0x7FFFFFFF  }
0xc3: {  	_ =	shalt  }
tec
execute0_lowered:
.L_overlay_start_1:
0x0: {  	(tag) =	ssettag $0x1  }
0x1: {  	s4 =	rddreg [dreg:$0x0]  }
0x2: {  	s0 =	srdreg.scid;
	s2 =	rddreg [dreg:$0x1]  }
0x3: {  	s1 =	stileid.u32;
	s3 =	simm.s32 $0x0;
	s15 =	simm.s32 $0x4000  }
0x4: {  	s16 =	simm.s32 $0x1;
	s17 =	simm.s32 $0x50;
	s18 =	simm.s32 $0x6800  }
0x5: {  	s5 =	sand.u32 $0x1, s0;
	s0 =	rddreg [dreg:$0x2];
	s7 =	smul.u32 $0x14000, s1  }
0x6: {  	s21 =	simm.s32 $0x0;
	[smem:$0x7FF] =	sst s3;
	s9 =	smul.u32 $0x50000, s1  }
0x7: {  	s12 =	sshll.u32 s1, $0xC;
	s19 =	sshll.u32 s1, $0x6;
	s6 =	smul.u32 $0x140000, s5  }
0x8: {  	s8 =	sshll.u32 s5, $0xB;
	_ =	strace $0x80000047;
	s5 =	ssub.s32 $0x2, s5  }
0x9: {  	s19 =	sor.u32 $0x1C01, s19;
	s11 =	sadd.s32 s8, s4;
	s30 =	sshrl.u32 s9, $0x2  }
0xa: {  	s31 =	sshrl.u32 s5, $0x1;
	s6 =	sadd.s32 s7, s6;
	s12 =	sadd.s32 s12, s11  }
0xb: {  	s14 =	ssub.s32 s5, s31;
	s6 =	sshrl.u32 s6, $0x3;
	s12 =	sadd.s32 $0x3000, s12  }
0xc: {  	s14 =	smax.u32 s14, $0x1;
	s13 =	sadd.s32 s6, s4;
	s4 =	sadd.s32 s30, s2  }
0xd: {  	s5 =	sadd.s32 $0x2800, s4;
	s6 =	sadd.s32 $0x5000, s4;
	s7 =	sadd.s32 $0x7800, s4  }
0xe: {  	s8 =	sadd.s32 $0xA000, s4;
	s9 =	sadd.s32 $0xC800, s4;
	s10 =	sadd.s32 $0xF000, s4  }
0xf: {  	v0 =	vimm.f32 $0.0e+00;
	v1 =	vimm.f32 $1.000000000e+00;
	s11 =	sadd.s32 $0x11800, s4;
	s13 =	sadd.s32 $0x13000, s13;
	s20 =	sshrl.u32 s4, $0x3  }
.LBB2_1:
0x10: {  	[tilespmem:$0x4000] =	vst v0  }
0x11: {  	[tilespmem:$0x6800] =	vst v1  }
0x12: {  	[tilespmem:$0x4080] =	vst v0  }
0x13: {  	[tilespmem:$0x6880] =	vst v1  }
0x14: {  	[tilespmem:$0x4100] =	vst v0  }
0x15: {  	[tilespmem:$0x6900] =	vst v1  }
0x16: {  	[tilespmem:$0x4180] =	vst v0  }
0x17: {  	[tilespmem:$0x6980] =	vst v1  }
0x18: {  	[tilespmem:$0x4200] =	vst v0  }
0x19: {  	[tilespmem:$0x6A00] =	vst v1  }
0x1a: {  	[tilespmem:$0x4280] =	vst v0  }
0x1b: {  	[tilespmem:$0x6A80] =	vst v1  }
0x1c: {  	[tilespmem:$0x4300] =	vst v0  }
0x1d: {  	[tilespmem:$0x6B00] =	vst v1  }
0x1e: {  	[tilespmem:$0x4380] =	vst v0  }
0x1f: {  	[tilespmem:$0x6B80] =	vst v1  }
0x20: {  	[tilespmem:$0x4400] =	vst v0  }
0x21: {  	[tilespmem:$0x6C00] =	vst v1  }
0x22: {  	[tilespmem:$0x4480] =	vst v0  }
0x23: {  	[tilespmem:$0x6C80] =	vst v1  }
0x24: {  	[tilespmem:$0x4500] =	vst v0  }
0x25: {  	[tilespmem:$0x6D00] =	vst v1  }
0x26: {  	[tilespmem:$0x4580] =	vst v0  }
0x27: {  	[tilespmem:$0x6D80] =	vst v1  }
0x28: {  	[tilespmem:$0x4600] =	vst v0  }
0x29: {  	[tilespmem:$0x6E00] =	vst v1  }
0x2a: {  	[tilespmem:$0x4680] =	vst v0  }
0x2b: {  	[tilespmem:$0x6E80] =	vst v1  }
0x2c: {  	[tilespmem:$0x4700] =	vst v0  }
0x2d: {  	[tilespmem:$0x6F00] =	vst v1  }
0x2e: {  	[tilespmem:$0x4780] =	vst v0  }
0x2f: {  	[tilespmem:$0x6F80] =	vst v1  }
0x30: {  	[tilespmem:$0x4800] =	vst v0  }
0x31: {  	[tilespmem:$0x7000] =	vst v1  }
0x32: {  	[tilespmem:$0x4880] =	vst v0  }
0x33: {  	[tilespmem:$0x7080] =	vst v1  }
0x34: {  	[tilespmem:$0x4900] =	vst v0  }
0x35: {  	[tilespmem:$0x7100] =	vst v1  }
0x36: {  	[tilespmem:$0x4980] =	vst v0  }
0x37: {  	[tilespmem:$0x7180] =	vst v1  }
0x38: {  	[tilespmem:$0x4A00] =	vst v0  }
0x39: {  	[tilespmem:$0x7200] =	vst v1  }
0x3a: {  	[tilespmem:$0x4A80] =	vst v0  }
0x3b: {  	[tilespmem:$0x7280] =	vst v1  }
0x3c: {  	[tilespmem:$0x4B00] =	vst v0  }
0x3d: {  	[tilespmem:$0x7300] =	vst v1  }
0x3e: {  	[tilespmem:$0x4B80] =	vst v0  }
0x3f: {  	[tilespmem:$0x7380] =	vst v1  }
0x40: {  	[tilespmem:$0x4C00] =	vst v0  }
0x41: {  	[tilespmem:$0x7400] =	vst v1  }
0x42: {  	[tilespmem:$0x4C80] =	vst v0  }
0x43: {  	[tilespmem:$0x7480] =	vst v1  }
0x44: {  	[tilespmem:$0x4D00] =	vst v0  }
0x45: {  	[tilespmem:$0x7500] =	vst v1  }
0x46: {  	[tilespmem:$0x4D80] =	vst v0  }
0x47: {  	[tilespmem:$0x7580] =	vst v1  }
0x48: {  	[tilespmem:$0x4E00] =	vst v0  }
0x49: {  	[tilespmem:$0x7600] =	vst v1  }
0x4a: {  	[tilespmem:$0x4E80] =	vst v0  }
0x4b: {  	[tilespmem:$0x7680] =	vst v1  }
0x4c: {  	[tilespmem:$0x4F00] =	vst v0  }
0x4d: {  	[tilespmem:$0x7700] =	vst v1  }
0x4e: {  	[tilespmem:$0x4F80] =	vst v0  }
0x4f: {  	[tilespmem:$0x7780] =	vst v1  }
0x50: {  	[tilespmem:$0x5000] =	vst v0  }
0x51: {  	[tilespmem:$0x7800] =	vst v1  }
0x52: {  	[tilespmem:$0x5080] =	vst v0  }
0x53: {  	[tilespmem:$0x7880] =	vst v1  }
0x54: {  	[tilespmem:$0x5100] =	vst v0  }
0x55: {  	[tilespmem:$0x7900] =	vst v1  }
0x56: {  	[tilespmem:$0x5180] =	vst v0  }
0x57: {  	[tilespmem:$0x7980] =	vst v1  }
0x58: {  	[tilespmem:$0x5200] =	vst v0  }
0x59: {  	[tilespmem:$0x7A00] =	vst v1  }
0x5a: {  	[tilespmem:$0x5280] =	vst v0  }
0x5b: {  	[tilespmem:$0x7A80] =	vst v1  }
0x5c: {  	[tilespmem:$0x5300] =	vst v0  }
0x5d: {  	[tilespmem:$0x7B00] =	vst v1  }
0x5e: {  	[tilespmem:$0x5380] =	vst v0  }
0x5f: {  	[tilespmem:$0x7B80] =	vst v1  }
0x60: {  	[tilespmem:$0x5400] =	vst v0  }
0x61: {  	[tilespmem:$0x7C00] =	vst v1  }
0x62: {  	[tilespmem:$0x5480] =	vst v0  }
0x63: {  	[tilespmem:$0x7C80] =	vst v1  }
0x64: {  	[tilespmem:$0x5500] =	vst v0  }
0x65: {  	[tilespmem:$0x7D00] =	vst v1  }
0x66: {  	[tilespmem:$0x5580] =	vst v0  }
0x67: {  	[tilespmem:$0x7D80] =	vst v1  }
0x68: {  	[tilespmem:$0x5600] =	vst v0  }
0x69: {  	[tilespmem:$0x7E00] =	vst v1  }
0x6a: {  	[tilespmem:$0x5680] =	vst v0  }
0x6b: {  	[tilespmem:$0x7E80] =	vst v1  }
0x6c: {  	[tilespmem:$0x5700] =	vst v0  }
0x6d: {  	[tilespmem:$0x7F00] =	vst v1  }
0x6e: {  	[tilespmem:$0x5780] =	vst v0  }
0x6f: {  	[tilespmem:$0x7F80] =	vst v1  }
0x70: {  	[tilespmem:$0x5800] =	vst v0  }
0x71: {  	[tilespmem:$0x8000] =	vst v1  }
0x72: {  	[tilespmem:$0x5880] =	vst v0  }
0x73: {  	[tilespmem:$0x8080] =	vst v1  }
0x74: {  	[tilespmem:$0x5900] =	vst v0  }
0x75: {  	[tilespmem:$0x8100] =	vst v1  }
0x76: {  	[tilespmem:$0x5980] =	vst v0  }
0x77: {  	[tilespmem:$0x8180] =	vst v1  }
0x78: {  	[tilespmem:$0x5A00] =	vst v0  }
0x79: {  	[tilespmem:$0x8200] =	vst v1  }
0x7a: {  	[tilespmem:$0x5A80] =	vst v0  }
0x7b: {  	[tilespmem:$0x8280] =	vst v1  }
0x7c: {  	[tilespmem:$0x5B00] =	vst v0  }
0x7d: {  	[tilespmem:$0x8300] =	vst v1  }
0x7e: {  	[tilespmem:$0x5B80] =	vst v0  }
0x7f: {  	[tilespmem:$0x8380] =	vst v1  }
0x80: {  	[tilespmem:$0x5C00] =	vst v0  }
0x81: {  	[tilespmem:$0x8400] =	vst v1  }
0x82: {  	[tilespmem:$0x5C80] =	vst v0  }
0x83: {  	[tilespmem:$0x8480] =	vst v1  }
0x84: {  	[tilespmem:$0x5D00] =	vst v0  }
0x85: {  	[tilespmem:$0x8500] =	vst v1  }
0x86: {  	[tilespmem:$0x5D80] =	vst v0  }
0x87: {  	[tilespmem:$0x8580] =	vst v1  }
0x88: {  	[tilespmem:$0x5E00] =	vst v0  }
0x89: {  	[tilespmem:$0x8600] =	vst v1  }
0x8a: {  	[tilespmem:$0x5E80] =	vst v0  }
0x8b: {  	[tilespmem:$0x8680] =	vst v1  }
0x8c: {  	[tilespmem:$0x5F00] =	vst v0  }
0x8d: {  	[tilespmem:$0x8700] =	vst v1  }
0x8e: {  	[tilespmem:$0x5F80] =	vst v0  }
0x8f: {  	[tilespmem:$0x8780] =	vst v1  }
0x90: {  	[tilespmem:$0x6000] =	vst v0  }
0x91: {  	[tilespmem:$0x8800] =	vst v1  }
0x92: {  	[tilespmem:$0x6080] =	vst v0  }
0x93: {  	[tilespmem:$0x8880] =	vst v1  }
0x94: {  	[tilespmem:$0x6100] =	vst v0  }
0x95: {  	[tilespmem:$0x8900] =	vst v1  }
0x96: {  	[tilespmem:$0x6180] =	vst v0  }
0x97: {  	[tilespmem:$0x8980] =	vst v1  }
0x98: {  	[tilespmem:$0x6200] =	vst v0  }
0x99: {  	[tilespmem:$0x8A00] =	vst v1  }
0x9a: {  	[tilespmem:$0x6280] =	vst v0  }
0x9b: {  	[tilespmem:$0x8A80] =	vst v1  }
0x9c: {  	[tilespmem:$0x6300] =	vst v0  }
0x9d: {  	[tilespmem:$0x8B00] =	vst v1  }
0x9e: {  	[tilespmem:$0x6380] =	vst v0  }
0x9f: {  	[tilespmem:$0x8B80] =	vst v1  }
0xa0: {  	[tilespmem:$0x6400] =	vst v0  }
0xa1: {  	[tilespmem:$0x8C00] =	vst v1  }
0xa2: {  	[tilespmem:$0x6480] =	vst v0  }
0xa3: {  	[tilespmem:$0x8C80] =	vst v1  }
0xa4: {  	[tilespmem:$0x6500] =	vst v0  }
0xa5: {  	[tilespmem:$0x8D00] =	vst v1  }
0xa6: {  	[tilespmem:$0x6580] =	vst v0  }
0xa7: {  	[tilespmem:$0x8D80] =	vst v1  }
0xa8: {  	[tilespmem:$0x6600] =	vst v0  }
0xa9: {  	[tilespmem:$0x8E00] =	vst v1  }
0xaa: {  	[tilespmem:$0x6680] =	vst v0  }
0xab: {  	[tilespmem:$0x8E80] =	vst v1  }
0xac: {  	[tilespmem:$0x6700] =	vst v0  }
0xad: {  	[tilespmem:$0x8F00] =	vst v1  }
0xae: {  	[tilespmem:$0x6780] =	vst v0  }
0xaf: {  	[tilespmem:$0x8F80] =	vst v1  }
0xb0: {  	[spmem:s4] =	stream.linear.scatter [tilespmem:s15], [sflag:$0x1], $0x2800, $0x38;
	[tilespmem:$0xB800] =	vst v63  }
0xb1: {  	_ =	swait.ge [sflag:s16], $0x2800  }
0xb2: {  	[sflag:s16] =	ssyncset.done $0x0  }
0xb3: {  	[sflag:s16] =	ssyncadd.s32 $0xFFFFD800  }
0xb4: {  	[spmem:s5] =	stream.linear.scatter [tilespmem:s15], [sflag:$0x1], $0x2800, $0x38;
	[tilespmem:$0xB800] =	vst v63  }
0xb5: {  	_ =	swait.ge [sflag:s16], $0x2800  }
0xb6: {  	[sflag:s16] =	ssyncset.done $0x0  }
0xb7: {  	[sflag:s16] =	ssyncadd.s32 $0xFFFFD800  }
0xb8: {  	[spmem:s6] =	stream.linear.scatter [tilespmem:s15], [sflag:$0x1], $0x2800, $0x38;
	[tilespmem:$0xB800] =	vst v63  }
0xb9: {  	_ =	swait.ge [sflag:s16], $0x2800  }
0xba: {  	[sflag:s16] =	ssyncset.done $0x0  }
0xbb: {  	[sflag:s16] =	ssyncadd.s32 $0xFFFFD800  }
0xbc: {  	[spmem:s7] =	stream.linear.scatter [tilespmem:s15], [sflag:$0x1], $0x2800, $0x38;
	[tilespmem:$0xB800] =	vst v63  }
0xbd: {  	_ =	swait.ge [sflag:s16], $0x2800  }
0xbe: {  	[sflag:s16] =	ssyncset.done $0x0  }
0xbf: {  	[sflag:s16] =	ssyncadd.s32 $0xFFFFD800  }
0xc0: {  	[spmem:s8] =	stream.linear.scatter [tilespmem:s15], [sflag:$0x1], $0x2800, $0x38;
	[tilespmem:$0xB800] =	vst v63  }
0xc1: {  	_ =	swait.ge [sflag:s16], $0x2800  }
0xc2: {  	[sflag:s16] =	ssyncset.done $0x0  }
0xc3: {  	[sflag:s16] =	ssyncadd.s32 $0xFFFFD800  }
0xc4: {  	[spmem:s9] =	stream.linear.scatter [tilespmem:s15], [sflag:$0x1], $0x2800, $0x38;
	[tilespmem:$0xB800] =	vst v63  }
0xc5: {  	_ =	swait.ge [sflag:s16], $0x2800  }
0xc6: {  	[sflag:s16] =	ssyncset.done $0x0  }
0xc7: {  	[sflag:s16] =	ssyncadd.s32 $0xFFFFD800  }
0xc8: {  	[spmem:s10] =	stream.linear.scatter [tilespmem:s15], [sflag:$0x1], $0x2800, $0x38;
	[tilespmem:$0xB800] =	vst v63  }
0xc9: {  	_ =	swait.ge [sflag:s16], $0x2800  }
0xca: {  	[sflag:s16] =	ssyncset.done $0x0  }
0xcb: {  	[sflag:s16] =	ssyncadd.s32 $0xFFFFD800  }
0xcc: {  	[spmem:s11] =	stream.linear.scatter [tilespmem:s15], [sflag:$0x1], $0x2800, $0x38;
	[tilespmem:$0xB800] =	vst v63  }
0xcd: {  	_ =	swait.ge [sflag:s16], $0x2800  }
0xce: {  	[sflag:s16] =	ssyncset.done $0x0  }
0xcf: {  	[sflag:s16] =	ssyncadd.s32 $0xFFFFD800  }
0xd0: {  	[tilespmem:s3], [sflag:$0x1] =	stream.linear.gather [hbm4b:s12+s3], $0x3E80, $0x38;
	[tilespmem:$0xB800] =	vst v63  }
0xd1: {  	_ =	swait.ge [sflag:s16], $0x3E80  }
0xd2: {  	[sflag:s16] =	ssyncset.done $0x0  }
0xd3: {  	[sflag:s16] =	ssyncadd.s32 $0xFFFFC180  }
0xd4: {  	s22 =	simm.s32 $0x0;
	[bflag:$0x0] =	sbarrier.arrive $0xFFFF  }
0xd5: {  	[spmem:s2] =	stream.indirect.scatter.add.f32 [tilespmem:s18], [sflag:$0x1], $0x10, s22, s17, $0xb8;
	[tilespmem:$0xB800] =	vst v63  }
0xd6: {  	_ =	swait.ge [sflag:s16], $0x500  }
0xd7: {  	s22 =	simm.s32 $0x200;
	[sflag:s16] =	ssyncset.done $0x0  }
.LBB2_2:
0xd8: {  	s23 =	sshra.s32 s22, $0x2;
	[sflag:s16] =	ssyncadd.s32 $0xFFFFFB00;
	p0 =	sne.s32 s22, $0xF800  }
0xd9: {  	[spmem:s2] =	stream.indirect.scatter.add.f32 [tilespmem:s18], [sflag:$0x1], $0x10, s23, s17, $0xb8;
	[tilespmem:$0xB800] =	vst v63  }
.Ltmp0:
0xda: {  	_ = 	snop;
	(pc) =	sbr.rel @p0 .LBB2_2-.Ltmp0, $4  }
0xdb: {  	_ = 	snop  }
0xdc: {  	s22 =	sadd.s32 $0x200, s22  }
0xdd: {  	_ =	swait.ge [sflag:s16], $0x500  }
0xde: {  	[sflag:s16] =	ssyncset.done $0x0  }
0xdf: {  	s21 =	sadd.s32 $0x1, s21  }
0xe0: {  	[sflag:s16] =	ssyncadd.s32 $0xFFFFFB00;
	p0 =	sne.s32 s21, s14  }
.Ltmp1:
0xe1: {  	[bflag:$0x0] =	sbarrier.arrive $0xFFFF;
	(pc) =	sbr.rel @p0 .LBB2_1-.Ltmp1, $4  }
0xe2: {  	[hbm:s13], [sflag:s19] =	dma.local [spmem:s20], $0x2800  }
0xe3: {  	_ =	swait.ge [sflag:s16], $0x2800  }
0xe4: {  	[sflag:s16] =	ssyncset.done $0x0  }
0xe5: {  	[sflag:s16] =	ssyncadd.s32 $0xFFFFD800  }
0xe6: {  	_ =	sfence.sel $0x180000  }
0xe7: {  	[bflag:$0x0] =	sbarrier.arrive $0xFFFF  }
0xe8: {  	p0 =	sne.s32 s1, $0x0;
	_ =	strace $0x90000047  }
0xe9: {  	s0 =	sadd.s32 @!p0 $0x100000, s0;
	[bflag:$0x2] =	sbarrier.arrive $0xFFFF  }
0xea: {  	[sflag:s0] =	ssyncadd.tile.s32 @!p0 $0x1;
	_ =	shalt  }
.Lfunc_end2:
_tile_overlayer_lowered:
.L_overlay_start_2:
0xeb: {  	(tag) =	ssettag $0x2  }
0xec: {  	s0 =	rddreg [dreg:$0x0];
	s2 =	stileid.u32  }
0xed: {  	s1 =	rddreg [dreg:$0x1];
	p0 =	sne.s32 s2, $0x0  }
0xee: {  	s3 =	rddreg [dreg:$0x2];
	[bflag:$0x3] =	sbarrier.arrive $0xFFFF;
	s2 =	simm.s32 @!p0 $0x1C01  }
0xef: {  	[timem:s3], [sflag:s2] =	dma.local @!p0 [hbm:s0], s1  }
0xf0: {  	s0 =	simm.s32 @!p0 $0x1  }
0xf1: {  	_ =	swait.ge @!p0 [sflag:s0], s1  }
0xf2: {  	s1 =	ssub.s32 @!p0 $0x0, s1;
	[sflag:s0] =	ssyncset.done @!p0 $0x0  }
0xf3: {  	[sflag:s0] =	ssyncadd.s32 @!p0 s1  }
0xf4: {  	[bflag:$0x3] =	sbarrier.arrive $0xFFFF  }
0xf5: {  	_ =	shalt  }

</sc_bundles>
